<compile_context>
chip_gen: v7x
topology: tpu7x:2x2x1
jax: 0.10.2.dev20260603
libtpu: 0.0.44.dev20260713+nightly
codegen_flags: <defaults>
</compile_context>

<pallas_src>
import functools

import jax
import jax.numpy as jnp
from jax import lax
from jax.experimental import pallas as pl
from jax.experimental.pallas import tpu as pltpu
from jax.experimental.pallas import tpu_sc as plsc

NUM_CORES = 2
NUM_SUBCORES = 16
NUM_WORKERS = NUM_CORES * NUM_SUBCORES

DIM = 64
PAIR = 2 * DIM
CHUNK = 128
NBUF = 4


def _embed_kernel(seq, n_chunks, n_items, table_hbm, xt_hbm, out_hbm,
                  idx_v, rows_v, t_v, isems, gsems, osems):
  wid = lax.axis_index("s") * NUM_CORES + lax.axis_index("c")
  item0 = wid * n_items
  iota = lax.iota(jnp.int32, 16)

  def sb(i):
    t = item0 + i
    return t // n_chunks, (t % n_chunks) * CHUNK

  def fire_idx(b, i):
    s, b0 = sb(i)
    pltpu.async_copy(xt_hbm.at[s, pl.ds(b0, CHUNK)], idx_v.at[b], isems[b])

  def wait_idx(b, i):
    s, b0 = sb(i)
    pltpu.make_async_copy(
        xt_hbm.at[s, pl.ds(b0, CHUNK)], idx_v.at[b], isems[b]).wait()

  def fire_g(b):
    pltpu.async_copy(table_hbm.at[idx_v.at[b]], rows_v.at[b], gsems[b])

  def wait_g(b):
    pltpu.make_async_copy(
        table_hbm.at[idx_v.at[b]], rows_v.at[b], gsems[b]).wait()

  def transpose(b):
    @pl.loop(0, CHUNK // 16)
    def _grp(j):
      row_idx = j * 16 + iota
      base = lax.shift_left(row_idx, 7)

      zeros = jnp.full((16,), 0, jnp.int32)

      @plsc.parallel_loop(0, DIM, unroll=16, carry=base)
      def _t(d, fidx):
        vec = plsc.load_gather(rows_v.at[b], [zeros, fidx])
        t_v[b, d, pl.ds(j * 16, 16)] = vec
        return fidx + 1

  def fire_out(b, i):
    s, b0 = sb(i)
    pltpu.async_copy(t_v.at[b], out_hbm.at[s, :, pl.ds(b0, CHUNK)], osems[b])

  def wait_out(b, i):
    s, b0 = sb(i)
    pltpu.make_async_copy(
        t_v.at[b], out_hbm.at[s, :, pl.ds(b0, CHUNK)], osems[b]).wait()

  def prep_and_fire(b, i):
    wait_idx(b, i)
    fire_g(b)

  fire_idx(0, 0)
  fire_idx(1, 1)
  prep_and_fire(0, 0)
  fire_idx(2, 2)
  prep_and_fire(1, 1)
  fire_idx(3, 3)
  for b in range(NBUF):
    i = b
    wait_g(b)
    transpose(b)
    fire_out(b, i)
    fire_idx(b, i + NBUF)
    prep_and_fire((b + 2) % NBUF, i + 2)

  @pl.loop(NBUF, n_items - NBUF, step=NBUF)
  def _steady(g0):
    for b in range(NBUF):
      i = g0 + b
      wait_g(b)
      wait_out(b, i - NBUF)
      transpose(b)
      fire_out(b, i)
      fire_idx(b, i + NBUF)
      prep_and_fire((b + 2) % NBUF, i + 2)

  for b in range(NBUF):
    i = n_items - NBUF + b
    wait_g(b)
    wait_out(b, i - NBUF)
    transpose(b)
    fire_out(b, i)
    if b < 2:
      prep_and_fire((b + 2) % NBUF, i + 2)
  for b in range(NBUF):
    wait_out(b, n_items - NBUF + b)


def kernel(x, table):
  batch, seq = x.shape
  vocab = table.shape[0]
  n_chunks = batch // CHUNK
  total_items = seq * n_chunks
  assert total_items % NUM_WORKERS == 0
  n_items = total_items // NUM_WORKERS
  assert n_items % NBUF == 0 and n_items >= 3 * NBUF

  xt = jnp.transpose(x.astype(jnp.int32))
  tpad = jnp.pad(table, ((0, 0), (0, DIM)))

  mesh = plsc.VectorSubcoreMesh(core_axis_name="c", subcore_axis_name="s")
  run = pl.kernel(
      functools.partial(_embed_kernel, seq, n_chunks, n_items),
      out_type=jax.ShapeDtypeStruct((seq, DIM, batch), jnp.float32),
      mesh=mesh,
      scratch_types=[
          pltpu.VMEM((NBUF, CHUNK), jnp.int32),
          pltpu.VMEM((NBUF, CHUNK, PAIR), jnp.float32),
          pltpu.VMEM((NBUF, DIM, CHUNK), jnp.float32),
          [pltpu.SemaphoreType.DMA] * NBUF,
          [pltpu.SemaphoreType.DMA] * NBUF,
          [pltpu.SemaphoreType.DMA] * NBUF,
      ],
      compiler_params=pltpu.CompilerParams(
          use_tc_tiling_on_sc=True, needs_layout_passes=False),
  )
  out = run(tpad, xt)
  return jnp.transpose(out, (2, 0, 1))

# --- scband reference (transcript-rebuilt; emitter-appended) ---
"""Pipeline reference for scband-token-embedding-71863392797569 (READ-ONLY COPY).

The authoritative reference and input builder live on the scoring server;
editing this copy changes nothing except your own understanding.
"""

import jax, jax.numpy as jnp
import numpy as np

VOCAB_SIZE = 1000000
HIDDEN_DIM = 64
PAD_TOKEN_ID = 0
BATCH = 4096
SEQ = 200


def setup_inputs(seed: int = 0) -> dict:
    key = jax.random.key(seed)
    k_idx, k_tab = jax.random.split(key)
    x = jax.random.randint(k_idx, (BATCH, SEQ), 0, VOCAB_SIZE, dtype=jnp.int64 if jax.config.jax_enable_x64 else jnp.int32)
    table = jax.random.normal(k_tab, (VOCAB_SIZE, HIDDEN_DIM), dtype=jnp.float32)
    # nn.Embedding with padding_idx zeros that row at init
    table = table.at[PAD_TOKEN_ID].set(0.0)
    return {"x": x, "table": table}


def reference(x, table):
    # TokenEmbedding.forward: output = self.emb_layer(x)
    output = jnp.take(table, x, axis=0)
    return output

if __name__ == "__main__":
    import jax
    _d = setup_inputs()
    print(jax.jit(kernel)(*tuple(_d.values())))

</pallas_src>

<mosaic_0001>
#map = affine_map<(d0, d1) -> (0, 0)>
#map1 = affine_map<(d0, d1) -> (0, 0, 0)>
module attributes {stable_mosaic.version = 14 : i64} {
  func.func @_embed_kernel(%arg0: i32, %arg1: i32, %arg2: memref<1000000x128xf32, #tpu.memory_space<hbm>>, %arg3: memref<200x4096xi32, #tpu.memory_space<hbm>>, %arg4: memref<200x64x4096xf32, #tpu.memory_space<hbm>>, %arg5: memref<4x128xi32, #tpu.memory_space<vmem>>, %arg6: memref<4x128x128xf32, #tpu.memory_space<vmem>>, %arg7: memref<4x64x128xf32, #tpu.memory_space<vmem>>, %arg8: memref<!tpu.dma_semaphore, #tpu.memory_space<semaphore_mem>>, %arg9: memref<!tpu.dma_semaphore, #tpu.memory_space<semaphore_mem>>, %arg10: memref<!tpu.dma_semaphore, #tpu.memory_space<semaphore_mem>>, %arg11: memref<!tpu.dma_semaphore, #tpu.memory_space<semaphore_mem>>, %arg12: memref<!tpu.dma_semaphore, #tpu.memory_space<semaphore_mem>>, %arg13: memref<!tpu.dma_semaphore, #tpu.memory_space<semaphore_mem>>, %arg14: memref<!tpu.dma_semaphore, #tpu.memory_space<semaphore_mem>>, %arg15: memref<!tpu.dma_semaphore, #tpu.memory_space<semaphore_mem>>, %arg16: memref<!tpu.dma_semaphore, #tpu.memory_space<semaphore_mem>>, %arg17: memref<!tpu.dma_semaphore, #tpu.memory_space<semaphore_mem>>, %arg18: memref<!tpu.dma_semaphore, #tpu.memory_space<semaphore_mem>>, %arg19: memref<!tpu.dma_semaphore, #tpu.memory_space<semaphore_mem>>) attributes {dimension_semantics = [#tpu.dimension_semantics<core_parallel>, #tpu.dimension_semantics<subcore_parallel>], iteration_bounds = array<i64: 2, 16>, scalar_prefetch = 0 : i64, scratch_operands = 15 : i64, tpu.core_type = #tpu.core_type<sc_vector_subcore>, window_params = [{transform_indices = #map}, {transform_indices = #map}, {transform_indices = #map1}]} {
    %mul3A = arith.constant 2 : i32
    %mul3A_0 = arith.muli %arg1, %mul3A : i32
    %add3A = arith.addi %mul3A_0, %arg0 : i32
    %mul3A_1 = arith.constant 200 : i32
    %mul3A_2 = arith.muli %add3A, %mul3A_1 : i32
    %iota3A = tpu.iota {dimensions = array<i32: 0>} : vector<16xi32>
    %add3A_3 = arith.constant 0 : i32
    %add3A_4 = arith.addi %mul3A_2, %add3A_3 : i32
    %jit3A = arith.constant 32 : i32
    %div3A = arith.divsi %add3A_4, %jit3A : i32
    %sign3A = arith.constant 0 : i32
    %sign3A_5 = arith.cmpi sgt, %add3A_4, %sign3A : i32
    %sign3A_6 = arith.extui %sign3A_5 : i1 to i32
    %sign3A_7 = arith.constant 0 : i32
    %sign3A_8 = arith.cmpi slt, %add3A_4, %sign3A_7 : i32
    %sign3A_9 = arith.extui %sign3A_8 : i1 to i32
    %sign3A_10 = arith.subi %sign3A_6, %sign3A_9 : i32
    %sign3A_11 = arith.constant 0 : i32
    %sign3A_12 = arith.cmpi sgt, %jit3A, %sign3A_11 : i32
    %sign3A_13 = arith.extui %sign3A_12 : i1 to i32
    %sign3A_14 = arith.constant 0 : i32
    %sign3A_15 = arith.cmpi slt, %jit3A, %sign3A_14 : i32
    %sign3A_16 = arith.extui %sign3A_15 : i1 to i32
    %sign3A_17 = arith.subi %sign3A_13, %sign3A_16 : i32
    %ne3A = arith.cmpi ne, %sign3A_10, %sign3A_17 : i32
    %rem3A = arith.remsi %add3A_4, %jit3A : i32
    %ne3A_18 = arith.constant 0 : i32
    %ne3A_19 = arith.cmpi ne, %rem3A, %ne3A_18 : i32
    %and3A = arith.andi %ne3A, %ne3A_19 : i1
    %sub3A = arith.constant 1 : i32
    %sub3A_20 = arith.subi %div3A, %sub3A : i32
    %select_n3A = arith.select %and3A, %sub3A_20, %div3A : i32
    %jit3A_21 = arith.constant 32 : i32
    %eq3A = arith.constant 0 : i32
    %eq3A_22 = arith.cmpi eq, %jit3A_21, %eq3A : i32
    %jit3A_23 = arith.constant 1 : i32
    %select_n3A_24 = arith.select %eq3A_22, %jit3A_23, %jit3A_21 : i32
    %rem3A_25 = arith.remsi %add3A_4, %select_n3A_24 : i32
    %ne3A_26 = arith.constant 0 : i32
    %ne3A_27 = arith.cmpi ne, %rem3A_25, %ne3A_26 : i32
    %lt3A = arith.constant 0 : i32
    %lt3A_28 = arith.cmpi slt, %rem3A_25, %lt3A : i32
    %lt3A_29 = arith.constant 0 : i32
    %lt3A_30 = arith.cmpi slt, %select_n3A_24, %lt3A_29 : i32
    %ne3A_31 = arith.xori %lt3A_28, %lt3A_30 : i1
    %and3A_32 = arith.andi %ne3A_31, %ne3A_27 : i1
    %add3A_33 = arith.addi %rem3A_25, %select_n3A_24 : i32
    %select_n3A_34 = arith.select %and3A_32, %add3A_33, %rem3A_25 : i32
    %mul3A_35 = arith.constant 128 : i32
    %mul3A_36 = arith.muli %select_n3A_34, %mul3A_35 : i32
    %dma_start3A = arith.constant 0 : i32
    %dma_start3A_37 = arith.constant 0 : i32
    %dma_start3A_38 = tpu.memref_slice %arg5[%dma_start3A, %dma_start3A_37] : memref<4x128xi32, #tpu.memory_space<vmem>> -> memref<1x128xi32, #tpu.memory_space<vmem>>
    %dma_start3A_39 = tpu.memref_squeeze %dma_start3A_38 : memref<1x128xi32, #tpu.memory_space<vmem>> -> memref<128xi32, #tpu.memory_space<vmem>>
    %dma_start3A_40 = tpu.memref_slice %arg3[%select_n3A, %mul3A_36] : memref<200x4096xi32, #tpu.memory_space<hbm>> -> memref<1x128xi32, #tpu.memory_space<hbm>>
    %dma_start3A_41 = tpu.memref_squeeze %dma_start3A_40 : memref<1x128xi32, #tpu.memory_space<hbm>> -> memref<128xi32, #tpu.memory_space<hbm>>
    %dma_start3A_42 = arith.constant 0 : i32
    %dma_start3A_43 = tpu.memref_slice %arg5[%dma_start3A, %dma_start3A_42] : memref<4x128xi32, #tpu.memory_space<vmem>> -> memref<1x128xi32, #tpu.memory_space<vmem>>
    %dma_start3A_44 = tpu.memref_squeeze %dma_start3A_43 : memref<1x128xi32, #tpu.memory_space<vmem>> -> memref<128xi32, #tpu.memory_space<vmem>>
    %dma_start3A_45 = tpu.memref_slice %arg3[%select_n3A, %mul3A_36] : memref<200x4096xi32, #tpu.memory_space<hbm>> -> memref<1x128xi32, #tpu.memory_space<hbm>>
    %dma_start3A_46 = tpu.memref_squeeze %dma_start3A_45 : memref<1x128xi32, #tpu.memory_space<hbm>> -> memref<128xi32, #tpu.memory_space<hbm>>
    tpu.enqueue_dma source(%dma_start3A_46 : memref<128xi32, #tpu.memory_space<hbm>>) target(%dma_start3A_44 : memref<128xi32, #tpu.memory_space<vmem>>) target_semaphore(%arg8 : memref<!tpu.dma_semaphore, #tpu.memory_space<semaphore_mem>>)
    %add3A_47 = arith.constant 1 : i32
    %add3A_48 = arith.addi %mul3A_2, %add3A_47 : i32
    %jit3A_49 = arith.constant 32 : i32
    %div3A_50 = arith.divsi %add3A_48, %jit3A_49 : i32
    %sign3A_51 = arith.constant 0 : i32
    %sign3A_52 = arith.cmpi sgt, %add3A_48, %sign3A_51 : i32
    %sign3A_53 = arith.extui %sign3A_52 : i1 to i32
    %sign3A_54 = arith.constant 0 : i32
    %sign3A_55 = arith.cmpi slt, %add3A_48, %sign3A_54 : i32
    %sign3A_56 = arith.extui %sign3A_55 : i1 to i32
    %sign3A_57 = arith.subi %sign3A_53, %sign3A_56 : i32
    %sign3A_58 = arith.constant 0 : i32
    %sign3A_59 = arith.cmpi sgt, %jit3A_49, %sign3A_58 : i32
    %sign3A_60 = arith.extui %sign3A_59 : i1 to i32
    %sign3A_61 = arith.constant 0 : i32
    %sign3A_62 = arith.cmpi slt, %jit3A_49, %sign3A_61 : i32
    %sign3A_63 = arith.extui %sign3A_62 : i1 to i32
    %sign3A_64 = arith.subi %sign3A_60, %sign3A_63 : i32
    %ne3A_65 = arith.cmpi ne, %sign3A_57, %sign3A_64 : i32
    %rem3A_66 = arith.remsi %add3A_48, %jit3A_49 : i32
    %ne3A_67 = arith.constant 0 : i32
    %ne3A_68 = arith.cmpi ne, %rem3A_66, %ne3A_67 : i32
    %and3A_69 = arith.andi %ne3A_65, %ne3A_68 : i1
    %sub3A_70 = arith.constant 1 : i32
    %sub3A_71 = arith.subi %div3A_50, %sub3A_70 : i32
    %select_n3A_72 = arith.select %and3A_69, %sub3A_71, %div3A_50 : i32
    %jit3A_73 = arith.constant 32 : i32
    %eq3A_74 = arith.constant 0 : i32
    %eq3A_75 = arith.cmpi eq, %jit3A_73, %eq3A_74 : i32
    %jit3A_76 = arith.constant 1 : i32
    %select_n3A_77 = arith.select %eq3A_75, %jit3A_76, %jit3A_73 : i32
    %rem3A_78 = arith.remsi %add3A_48, %select_n3A_77 : i32
    %ne3A_79 = arith.constant 0 : i32
    %ne3A_80 = arith.cmpi ne, %rem3A_78, %ne3A_79 : i32
    %lt3A_81 = arith.constant 0 : i32
    %lt3A_82 = arith.cmpi slt, %rem3A_78, %lt3A_81 : i32
    %lt3A_83 = arith.constant 0 : i32
    %lt3A_84 = arith.cmpi slt, %select_n3A_77, %lt3A_83 : i32
    %ne3A_85 = arith.xori %lt3A_82, %lt3A_84 : i1
    %and3A_86 = arith.andi %ne3A_85, %ne3A_80 : i1
    %add3A_87 = arith.addi %rem3A_78, %select_n3A_77 : i32
    %select_n3A_88 = arith.select %and3A_86, %add3A_87, %rem3A_78 : i32
    %mul3A_89 = arith.constant 128 : i32
    %mul3A_90 = arith.muli %select_n3A_88, %mul3A_89 : i32
    %dma_start3A_91 = arith.constant 1 : i32
    %dma_start3A_92 = arith.constant 0 : i32
    %dma_start3A_93 = tpu.memref_slice %arg5[%dma_start3A_91, %dma_start3A_92] : memref<4x128xi32, #tpu.memory_space<vmem>> -> memref<1x128xi32, #tpu.memory_space<vmem>>
    %dma_start3A_94 = tpu.memref_squeeze %dma_start3A_93 : memref<1x128xi32, #tpu.memory_space<vmem>> -> memref<128xi32, #tpu.memory_space<vmem>>
    %dma_start3A_95 = tpu.memref_slice %arg3[%select_n3A_72, %mul3A_90] : memref<200x4096xi32, #tpu.memory_space<hbm>> -> memref<1x128xi32, #tpu.memory_space<hbm>>
    %dma_start3A_96 = tpu.memref_squeeze %dma_start3A_95 : memref<1x128xi32, #tpu.memory_space<hbm>> -> memref<128xi32, #tpu.memory_space<hbm>>
    %dma_start3A_97 = arith.constant 0 : i32
    %dma_start3A_98 = tpu.memref_slice %arg5[%dma_start3A_91, %dma_start3A_97] : memref<4x128xi32, #tpu.memory_space<vmem>> -> memref<1x128xi32, #tpu.memory_space<vmem>>
    %dma_start3A_99 = tpu.memref_squeeze %dma_start3A_98 : memref<1x128xi32, #tpu.memory_space<vmem>> -> memref<128xi32, #tpu.memory_space<vmem>>
    %dma_start3A_100 = tpu.memref_slice %arg3[%select_n3A_72, %mul3A_90] : memref<200x4096xi32, #tpu.memory_space<hbm>> -> memref<1x128xi32, #tpu.memory_space<hbm>>
    %dma_start3A_101 = tpu.memref_squeeze %dma_start3A_100 : memref<1x128xi32, #tpu.memory_space<hbm>> -> memref<128xi32, #tpu.memory_space<hbm>>
    tpu.enqueue_dma source(%dma_start3A_101 : memref<128xi32, #tpu.memory_space<hbm>>) target(%dma_start3A_99 : memref<128xi32, #tpu.memory_space<vmem>>) target_semaphore(%arg9 : memref<!tpu.dma_semaphore, #tpu.memory_space<semaphore_mem>>)
    %add3A_102 = arith.constant 0 : i32
    %add3A_103 = arith.addi %mul3A_2, %add3A_102 : i32
    %jit3A_104 = arith.constant 32 : i32
    %div3A_105 = arith.divsi %add3A_103, %jit3A_104 : i32
    %sign3A_106 = arith.constant 0 : i32
    %sign3A_107 = arith.cmpi sgt, %add3A_103, %sign3A_106 : i32
    %sign3A_108 = arith.extui %sign3A_107 : i1 to i32
    %sign3A_109 = arith.constant 0 : i32
    %sign3A_110 = arith.cmpi slt, %add3A_103, %sign3A_109 : i32
    %sign3A_111 = arith.extui %sign3A_110 : i1 to i32
    %sign3A_112 = arith.subi %sign3A_108, %sign3A_111 : i32
    %sign3A_113 = arith.constant 0 : i32
    %sign3A_114 = arith.cmpi sgt, %jit3A_104, %sign3A_113 : i32
    %sign3A_115 = arith.extui %sign3A_114 : i1 to i32
    %sign3A_116 = arith.constant 0 : i32
    %sign3A_117 = arith.cmpi slt, %jit3A_104, %sign3A_116 : i32
    %sign3A_118 = arith.extui %sign3A_117 : i1 to i32
    %sign3A_119 = arith.subi %sign3A_115, %sign3A_118 : i32
    %ne3A_120 = arith.cmpi ne, %sign3A_112, %sign3A_119 : i32
    %rem3A_121 = arith.remsi %add3A_103, %jit3A_104 : i32
    %ne3A_122 = arith.constant 0 : i32
    %ne3A_123 = arith.cmpi ne, %rem3A_121, %ne3A_122 : i32
    %and3A_124 = arith.andi %ne3A_120, %ne3A_123 : i1
    %sub3A_125 = arith.constant 1 : i32
    %sub3A_126 = arith.subi %div3A_105, %sub3A_125 : i32
    %select_n3A_127 = arith.select %and3A_124, %sub3A_126, %div3A_105 : i32
    %jit3A_128 = arith.constant 32 : i32
    %eq3A_129 = arith.constant 0 : i32
    %eq3A_130 = arith.cmpi eq, %jit3A_128, %eq3A_129 : i32
    %jit3A_131 = arith.constant 1 : i32
    %select_n3A_132 = arith.select %eq3A_130, %jit3A_131, %jit3A_128 : i32
    %rem3A_133 = arith.remsi %add3A_103, %select_n3A_132 : i32
    %ne3A_134 = arith.constant 0 : i32
    %ne3A_135 = arith.cmpi ne, %rem3A_133, %ne3A_134 : i32
    %lt3A_136 = arith.constant 0 : i32
    %lt3A_137 = arith.cmpi slt, %rem3A_133, %lt3A_136 : i32
    %lt3A_138 = arith.constant 0 : i32
    %lt3A_139 = arith.cmpi slt, %select_n3A_132, %lt3A_138 : i32
    %ne3A_140 = arith.xori %lt3A_137, %lt3A_139 : i1
    %and3A_141 = arith.andi %ne3A_140, %ne3A_135 : i1
    %add3A_142 = arith.addi %rem3A_133, %select_n3A_132 : i32
    %select_n3A_143 = arith.select %and3A_141, %add3A_142, %rem3A_133 : i32
    %mul3A_144 = arith.constant 128 : i32
    %mul3A_145 = arith.muli %select_n3A_143, %mul3A_144 : i32
    %dma_wait3A = arith.constant 0 : i32
    %dma_wait3A_146 = arith.constant 0 : i32
    %dma_wait3A_147 = tpu.memref_slice %arg5[%dma_wait3A, %dma_wait3A_146] : memref<4x128xi32, #tpu.memory_space<vmem>> -> memref<1x128xi32, #tpu.memory_space<vmem>>
    %dma_wait3A_148 = tpu.memref_squeeze %dma_wait3A_147 : memref<1x128xi32, #tpu.memory_space<vmem>> -> memref<128xi32, #tpu.memory_space<vmem>>
    %dma_wait3A_149 = tpu.memref_slice %arg3[%select_n3A_127, %mul3A_145] : memref<200x4096xi32, #tpu.memory_space<hbm>> -> memref<1x128xi32, #tpu.memory_space<hbm>>
    %dma_wait3A_150 = tpu.memref_squeeze %dma_wait3A_149 : memref<1x128xi32, #tpu.memory_space<hbm>> -> memref<128xi32, #tpu.memory_space<hbm>>
    %dma_wait3A_151 = arith.constant 0 : i32
    %dma_wait3A_152 = tpu.memref_slice %arg5[%dma_wait3A, %dma_wait3A_151] : memref<4x128xi32, #tpu.memory_space<vmem>> -> memref<1x128xi32, #tpu.memory_space<vmem>>
    %dma_wait3A_153 = tpu.memref_squeeze %dma_wait3A_152 : memref<1x128xi32, #tpu.memory_space<vmem>> -> memref<128xi32, #tpu.memory_space<vmem>>
    %dma_wait3A_154 = tpu.memref_slice %arg3[%select_n3A_127, %mul3A_145] : memref<200x4096xi32, #tpu.memory_space<hbm>> -> memref<1x128xi32, #tpu.memory_space<hbm>>
    %dma_wait3A_155 = tpu.memref_squeeze %dma_wait3A_154 : memref<1x128xi32, #tpu.memory_space<hbm>> -> memref<128xi32, #tpu.memory_space<hbm>>
    tpu.wait_dma2 semaphore(%arg8 : memref<!tpu.dma_semaphore, #tpu.memory_space<semaphore_mem>>) src(%dma_wait3A_155 : memref<128xi32, #tpu.memory_space<hbm>>) dst(%dma_wait3A_153 : memref<128xi32, #tpu.memory_space<vmem>>)
    %dma_start3A_156 = arith.constant 0 : i32
    %dma_start3A_157 = arith.constant 0 : i32
    %dma_start3A_158 = arith.constant 0 : i32
    %dma_start3A_159 = arith.constant 0 : i32
    %dma_start3A_160 = tpu.memref_slice %arg6[%dma_start3A_157, %dma_start3A_158, %dma_start3A_159] : memref<4x128x128xf32, #tpu.memory_space<vmem>> -> memref<1x128x128xf32, #tpu.memory_space<vmem>>
    %dma_start3A_161 = tpu.memref_squeeze %dma_start3A_160 : memref<1x128x128xf32, #tpu.memory_space<vmem>> -> memref<128x128xf32, #tpu.memory_space<vmem>>
    %dma_start3A_162 = arith.constant 0 : i32
    %dma_start3A_163 = tpu.memref_slice %arg5[%dma_start3A_156, %dma_start3A_162] : memref<4x128xi32, #tpu.memory_space<vmem>> -> memref<1x128xi32, #tpu.memory_space<vmem>>
    %dma_start3A_164 = tpu.memref_squeeze %dma_start3A_163 : memref<1x128xi32, #tpu.memory_space<vmem>> -> memref<128xi32, #tpu.memory_space<vmem>>
    %dma_start3A_165 = arith.constant 0 : i32
    %dma_start3A_166 = arith.constant 0 : i32
    %dma_start3A_167 = tpu.memref_slice %arg2[%dma_start3A_165, %dma_start3A_166] : memref<1000000x128xf32, #tpu.memory_space<hbm>> -> memref<1000000x128xf32, #tpu.memory_space<hbm>>
    tpu.enqueue_indirect_dma source(%dma_start3A_167 : memref<1000000x128xf32, #tpu.memory_space<hbm>>) target(%dma_start3A_161 : memref<128x128xf32, #tpu.memory_space<vmem>>) offsets(%dma_start3A_164 : memref<128xi32, #tpu.memory_space<vmem>>) semaphore(%arg12 : memref<!tpu.dma_semaphore, #tpu.memory_space<semaphore_mem>>)
    %add3A_168 = arith.constant 2 : i32
    %add3A_169 = arith.addi %mul3A_2, %add3A_168 : i32
    %jit3A_170 = arith.constant 32 : i32
    %div3A_171 = arith.divsi %add3A_169, %jit3A_170 : i32
    %sign3A_172 = arith.constant 0 : i32
    %sign3A_173 = arith.cmpi sgt, %add3A_169, %sign3A_172 : i32
    %sign3A_174 = arith.extui %sign3A_173 : i1 to i32
    %sign3A_175 = arith.constant 0 : i32
    %sign3A_176 = arith.cmpi slt, %add3A_169, %sign3A_175 : i32
    %sign3A_177 = arith.extui %sign3A_176 : i1 to i32
    %sign3A_178 = arith.subi %sign3A_174, %sign3A_177 : i32
    %sign3A_179 = arith.constant 0 : i32
    %sign3A_180 = arith.cmpi sgt, %jit3A_170, %sign3A_179 : i32
    %sign3A_181 = arith.extui %sign3A_180 : i1 to i32
    %sign3A_182 = arith.constant 0 : i32
    %sign3A_183 = arith.cmpi slt, %jit3A_170, %sign3A_182 : i32
    %sign3A_184 = arith.extui %sign3A_183 : i1 to i32
    %sign3A_185 = arith.subi %sign3A_181, %sign3A_184 : i32
    %ne3A_186 = arith.cmpi ne, %sign3A_178, %sign3A_185 : i32
    %rem3A_187 = arith.remsi %add3A_169, %jit3A_170 : i32
    %ne3A_188 = arith.constant 0 : i32
    %ne3A_189 = arith.cmpi ne, %rem3A_187, %ne3A_188 : i32
    %and3A_190 = arith.andi %ne3A_186, %ne3A_189 : i1
    %sub3A_191 = arith.constant 1 : i32
    %sub3A_192 = arith.subi %div3A_171, %sub3A_191 : i32
    %select_n3A_193 = arith.select %and3A_190, %sub3A_192, %div3A_171 : i32
    %jit3A_194 = arith.constant 32 : i32
    %eq3A_195 = arith.constant 0 : i32
    %eq3A_196 = arith.cmpi eq, %jit3A_194, %eq3A_195 : i32
    %jit3A_197 = arith.constant 1 : i32
    %select_n3A_198 = arith.select %eq3A_196, %jit3A_197, %jit3A_194 : i32
    %rem3A_199 = arith.remsi %add3A_169, %select_n3A_198 : i32
    %ne3A_200 = arith.constant 0 : i32
    %ne3A_201 = arith.cmpi ne, %rem3A_199, %ne3A_200 : i32
    %lt3A_202 = arith.constant 0 : i32
    %lt3A_203 = arith.cmpi slt, %rem3A_199, %lt3A_202 : i32
    %lt3A_204 = arith.constant 0 : i32
    %lt3A_205 = arith.cmpi slt, %select_n3A_198, %lt3A_204 : i32
    %ne3A_206 = arith.xori %lt3A_203, %lt3A_205 : i1
    %and3A_207 = arith.andi %ne3A_206, %ne3A_201 : i1
    %add3A_208 = arith.addi %rem3A_199, %select_n3A_198 : i32
    %select_n3A_209 = arith.select %and3A_207, %add3A_208, %rem3A_199 : i32
    %mul3A_210 = arith.constant 128 : i32
    %mul3A_211 = arith.muli %select_n3A_209, %mul3A_210 : i32
    %dma_start3A_212 = arith.constant 2 : i32
    %dma_start3A_213 = arith.constant 0 : i32
    %dma_start3A_214 = tpu.memref_slice %arg5[%dma_start3A_212, %dma_start3A_213] : memref<4x128xi32, #tpu.memory_space<vmem>> -> memref<1x128xi32, #tpu.memory_space<vmem>>
    %dma_start3A_215 = tpu.memref_squeeze %dma_start3A_214 : memref<1x128xi32, #tpu.memory_space<vmem>> -> memref<128xi32, #tpu.memory_space<vmem>>
    %dma_start3A_216 = tpu.memref_slice %arg3[%select_n3A_193, %mul3A_211] : memref<200x4096xi32, #tpu.memory_space<hbm>> -> memref<1x128xi32, #tpu.memory_space<hbm>>
    %dma_start3A_217 = tpu.memref_squeeze %dma_start3A_216 : memref<1x128xi32, #tpu.memory_space<hbm>> -> memref<128xi32, #tpu.memory_space<hbm>>
    %dma_start3A_218 = arith.constant 0 : i32
    %dma_start3A_219 = tpu.memref_slice %arg5[%dma_start3A_212, %dma_start3A_218] : memref<4x128xi32, #tpu.memory_space<vmem>> -> memref<1x128xi32, #tpu.memory_space<vmem>>
    %dma_start3A_220 = tpu.memref_squeeze %dma_start3A_219 : memref<1x128xi32, #tpu.memory_space<vmem>> -> memref<128xi32, #tpu.memory_space<vmem>>
    %dma_start3A_221 = tpu.memref_slice %arg3[%select_n3A_193, %mul3A_211] : memref<200x4096xi32, #tpu.memory_space<hbm>> -> memref<1x128xi32, #tpu.memory_space<hbm>>
    %dma_start3A_222 = tpu.memref_squeeze %dma_start3A_221 : memref<1x128xi32, #tpu.memory_space<hbm>> -> memref<128xi32, #tpu.memory_space<hbm>>
    tpu.enqueue_dma source(%dma_start3A_222 : memref<128xi32, #tpu.memory_space<hbm>>) target(%dma_start3A_220 : memref<128xi32, #tpu.memory_space<vmem>>) target_semaphore(%arg10 : memref<!tpu.dma_semaphore, #tpu.memory_space<semaphore_mem>>)
    %add3A_223 = arith.constant 1 : i32
    %add3A_224 = arith.addi %mul3A_2, %add3A_223 : i32
    %jit3A_225 = arith.constant 32 : i32
    %div3A_226 = arith.divsi %add3A_224, %jit3A_225 : i32
    %sign3A_227 = arith.constant 0 : i32
    %sign3A_228 = arith.cmpi sgt, %add3A_224, %sign3A_227 : i32
    %sign3A_229 = arith.extui %sign3A_228 : i1 to i32
    %sign3A_230 = arith.constant 0 : i32
    %sign3A_231 = arith.cmpi slt, %add3A_224, %sign3A_230 : i32
    %sign3A_232 = arith.extui %sign3A_231 : i1 to i32
    %sign3A_233 = arith.subi %sign3A_229, %sign3A_232 : i32
    %sign3A_234 = arith.constant 0 : i32
    %sign3A_235 = arith.cmpi sgt, %jit3A_225, %sign3A_234 : i32
    %sign3A_236 = arith.extui %sign3A_235 : i1 to i32
    %sign3A_237 = arith.constant 0 : i32
    %sign3A_238 = arith.cmpi slt, %jit3A_225, %sign3A_237 : i32
    %sign3A_239 = arith.extui %sign3A_238 : i1 to i32
    %sign3A_240 = arith.subi %sign3A_236, %sign3A_239 : i32
    %ne3A_241 = arith.cmpi ne, %sign3A_233, %sign3A_240 : i32
    %rem3A_242 = arith.remsi %add3A_224, %jit3A_225 : i32
    %ne3A_243 = arith.constant 0 : i32
    %ne3A_244 = arith.cmpi ne, %rem3A_242, %ne3A_243 : i32
    %and3A_245 = arith.andi %ne3A_241, %ne3A_244 : i1
    %sub3A_246 = arith.constant 1 : i32
    %sub3A_247 = arith.subi %div3A_226, %sub3A_246 : i32
    %select_n3A_248 = arith.select %and3A_245, %sub3A_247, %div3A_226 : i32
    %jit3A_249 = arith.constant 32 : i32
    %eq3A_250 = arith.constant 0 : i32
    %eq3A_251 = arith.cmpi eq, %jit3A_249, %eq3A_250 : i32
    %jit3A_252 = arith.constant 1 : i32
    %select_n3A_253 = arith.select %eq3A_251, %jit3A_252, %jit3A_249 : i32
    %rem3A_254 = arith.remsi %add3A_224, %select_n3A_253 : i32
    %ne3A_255 = arith.constant 0 : i32
    %ne3A_256 = arith.cmpi ne, %rem3A_254, %ne3A_255 : i32
    %lt3A_257 = arith.constant 0 : i32
    %lt3A_258 = arith.cmpi slt, %rem3A_254, %lt3A_257 : i32
    %lt3A_259 = arith.constant 0 : i32
    %lt3A_260 = arith.cmpi slt, %select_n3A_253, %lt3A_259 : i32
    %ne3A_261 = arith.xori %lt3A_258, %lt3A_260 : i1
    %and3A_262 = arith.andi %ne3A_261, %ne3A_256 : i1
    %add3A_263 = arith.addi %rem3A_254, %select_n3A_253 : i32
    %select_n3A_264 = arith.select %and3A_262, %add3A_263, %rem3A_254 : i32
    %mul3A_265 = arith.constant 128 : i32
    %mul3A_266 = arith.muli %select_n3A_264, %mul3A_265 : i32
    %dma_wait3A_267 = arith.constant 1 : i32
    %dma_wait3A_268 = arith.constant 0 : i32
    %dma_wait3A_269 = tpu.memref_slice %arg5[%dma_wait3A_267, %dma_wait3A_268] : memref<4x128xi32, #tpu.memory_space<vmem>> -> memref<1x128xi32, #tpu.memory_space<vmem>>
    %dma_wait3A_270 = tpu.memref_squeeze %dma_wait3A_269 : memref<1x128xi32, #tpu.memory_space<vmem>> -> memref<128xi32, #tpu.memory_space<vmem>>
    %dma_wait3A_271 = tpu.memref_slice %arg3[%select_n3A_248, %mul3A_266] : memref<200x4096xi32, #tpu.memory_space<hbm>> -> memref<1x128xi32, #tpu.memory_space<hbm>>
    %dma_wait3A_272 = tpu.memref_squeeze %dma_wait3A_271 : memref<1x128xi32, #tpu.memory_space<hbm>> -> memref<128xi32, #tpu.memory_space<hbm>>
    %dma_wait3A_273 = arith.constant 0 : i32
    %dma_wait3A_274 = tpu.memref_slice %arg5[%dma_wait3A_267, %dma_wait3A_273] : memref<4x128xi32, #tpu.memory_space<vmem>> -> memref<1x128xi32, #tpu.memory_space<vmem>>
    %dma_wait3A_275 = tpu.memref_squeeze %dma_wait3A_274 : memref<1x128xi32, #tpu.memory_space<vmem>> -> memref<128xi32, #tpu.memory_space<vmem>>
    %dma_wait3A_276 = tpu.memref_slice %arg3[%select_n3A_248, %mul3A_266] : memref<200x4096xi32, #tpu.memory_space<hbm>> -> memref<1x128xi32, #tpu.memory_space<hbm>>
    %dma_wait3A_277 = tpu.memref_squeeze %dma_wait3A_276 : memref<1x128xi32, #tpu.memory_space<hbm>> -> memref<128xi32, #tpu.memory_space<hbm>>
    tpu.wait_dma2 semaphore(%arg9 : memref<!tpu.dma_semaphore, #tpu.memory_space<semaphore_mem>>) src(%dma_wait3A_277 : memref<128xi32, #tpu.memory_space<hbm>>) dst(%dma_wait3A_275 : memref<128xi32, #tpu.memory_space<vmem>>)
    %dma_start3A_278 = arith.constant 1 : i32
    %dma_start3A_279 = arith.constant 1 : i32
    %dma_start3A_280 = arith.constant 0 : i32
    %dma_start3A_281 = arith.constant 0 : i32
    %dma_start3A_282 = tpu.memref_slice %arg6[%dma_start3A_279, %dma_start3A_280, %dma_start3A_281] : memref<4x128x128xf32, #tpu.memory_space<vmem>> -> memref<1x128x128xf32, #tpu.memory_space<vmem>>
    %dma_start3A_283 = tpu.memref_squeeze %dma_start3A_282 : memref<1x128x128xf32, #tpu.memory_space<vmem>> -> memref<128x128xf32, #tpu.memory_space<vmem>>
    %dma_start3A_284 = arith.constant 0 : i32
    %dma_start3A_285 = tpu.memref_slice %arg5[%dma_start3A_278, %dma_start3A_284] : memref<4x128xi32, #tpu.memory_space<vmem>> -> memref<1x128xi32, #tpu.memory_space<vmem>>
    %dma_start3A_286 = tpu.memref_squeeze %dma_start3A_285 : memref<1x128xi32, #tpu.memory_space<vmem>> -> memref<128xi32, #tpu.memory_space<vmem>>
    %dma_start3A_287 = arith.constant 0 : i32
    %dma_start3A_288 = arith.constant 0 : i32
    %dma_start3A_289 = tpu.memref_slice %arg2[%dma_start3A_287, %dma_start3A_288] : memref<1000000x128xf32, #tpu.memory_space<hbm>> -> memref<1000000x128xf32, #tpu.memory_space<hbm>>
    tpu.enqueue_indirect_dma source(%dma_start3A_289 : memref<1000000x128xf32, #tpu.memory_space<hbm>>) target(%dma_start3A_283 : memref<128x128xf32, #tpu.memory_space<vmem>>) offsets(%dma_start3A_286 : memref<128xi32, #tpu.memory_space<vmem>>) semaphore(%arg13 : memref<!tpu.dma_semaphore, #tpu.memory_space<semaphore_mem>>)
    %add3A_290 = arith.constant 3 : i32
    %add3A_291 = arith.addi %mul3A_2, %add3A_290 : i32
    %jit3A_292 = arith.constant 32 : i32
    %div3A_293 = arith.divsi %add3A_291, %jit3A_292 : i32
    %sign3A_294 = arith.constant 0 : i32
    %sign3A_295 = arith.cmpi sgt, %add3A_291, %sign3A_294 : i32
    %sign3A_296 = arith.extui %sign3A_295 : i1 to i32
    %sign3A_297 = arith.constant 0 : i32
    %sign3A_298 = arith.cmpi slt, %add3A_291, %sign3A_297 : i32
    %sign3A_299 = arith.extui %sign3A_298 : i1 to i32
    %sign3A_300 = arith.subi %sign3A_296, %sign3A_299 : i32
    %sign3A_301 = arith.constant 0 : i32
    %sign3A_302 = arith.cmpi sgt, %jit3A_292, %sign3A_301 : i32
    %sign3A_303 = arith.extui %sign3A_302 : i1 to i32
    %sign3A_304 = arith.constant 0 : i32
    %sign3A_305 = arith.cmpi slt, %jit3A_292, %sign3A_304 : i32
    %sign3A_306 = arith.extui %sign3A_305 : i1 to i32
    %sign3A_307 = arith.subi %sign3A_303, %sign3A_306 : i32
    %ne3A_308 = arith.cmpi ne, %sign3A_300, %sign3A_307 : i32
    %rem3A_309 = arith.remsi %add3A_291, %jit3A_292 : i32
    %ne3A_310 = arith.constant 0 : i32
    %ne3A_311 = arith.cmpi ne, %rem3A_309, %ne3A_310 : i32
    %and3A_312 = arith.andi %ne3A_308, %ne3A_311 : i1
    %sub3A_313 = arith.constant 1 : i32
    %sub3A_314 = arith.subi %div3A_293, %sub3A_313 : i32
    %select_n3A_315 = arith.select %and3A_312, %sub3A_314, %div3A_293 : i32
    %jit3A_316 = arith.constant 32 : i32
    %eq3A_317 = arith.constant 0 : i32
    %eq3A_318 = arith.cmpi eq, %jit3A_316, %eq3A_317 : i32
    %jit3A_319 = arith.constant 1 : i32
    %select_n3A_320 = arith.select %eq3A_318, %jit3A_319, %jit3A_316 : i32
    %rem3A_321 = arith.remsi %add3A_291, %select_n3A_320 : i32
    %ne3A_322 = arith.constant 0 : i32
    %ne3A_323 = arith.cmpi ne, %rem3A_321, %ne3A_322 : i32
    %lt3A_324 = arith.constant 0 : i32
    %lt3A_325 = arith.cmpi slt, %rem3A_321, %lt3A_324 : i32
    %lt3A_326 = arith.constant 0 : i32
    %lt3A_327 = arith.cmpi slt, %select_n3A_320, %lt3A_326 : i32
    %ne3A_328 = arith.xori %lt3A_325, %lt3A_327 : i1
    %and3A_329 = arith.andi %ne3A_328, %ne3A_323 : i1
    %add3A_330 = arith.addi %rem3A_321, %select_n3A_320 : i32
    %select_n3A_331 = arith.select %and3A_329, %add3A_330, %rem3A_321 : i32
    %mul3A_332 = arith.constant 128 : i32
    %mul3A_333 = arith.muli %select_n3A_331, %mul3A_332 : i32
    %dma_start3A_334 = arith.constant 3 : i32
    %dma_start3A_335 = arith.constant 0 : i32
    %dma_start3A_336 = tpu.memref_slice %arg5[%dma_start3A_334, %dma_start3A_335] : memref<4x128xi32, #tpu.memory_space<vmem>> -> memref<1x128xi32, #tpu.memory_space<vmem>>
    %dma_start3A_337 = tpu.memref_squeeze %dma_start3A_336 : memref<1x128xi32, #tpu.memory_space<vmem>> -> memref<128xi32, #tpu.memory_space<vmem>>
    %dma_start3A_338 = tpu.memref_slice %arg3[%select_n3A_315, %mul3A_333] : memref<200x4096xi32, #tpu.memory_space<hbm>> -> memref<1x128xi32, #tpu.memory_space<hbm>>
    %dma_start3A_339 = tpu.memref_squeeze %dma_start3A_338 : memref<1x128xi32, #tpu.memory_space<hbm>> -> memref<128xi32, #tpu.memory_space<hbm>>
    %dma_start3A_340 = arith.constant 0 : i32
    %dma_start3A_341 = tpu.memref_slice %arg5[%dma_start3A_334, %dma_start3A_340] : memref<4x128xi32, #tpu.memory_space<vmem>> -> memref<1x128xi32, #tpu.memory_space<vmem>>
    %dma_start3A_342 = tpu.memref_squeeze %dma_start3A_341 : memref<1x128xi32, #tpu.memory_space<vmem>> -> memref<128xi32, #tpu.memory_space<vmem>>
    %dma_start3A_343 = tpu.memref_slice %arg3[%select_n3A_315, %mul3A_333] : memref<200x4096xi32, #tpu.memory_space<hbm>> -> memref<1x128xi32, #tpu.memory_space<hbm>>
    %dma_start3A_344 = tpu.memref_squeeze %dma_start3A_343 : memref<1x128xi32, #tpu.memory_space<hbm>> -> memref<128xi32, #tpu.memory_space<hbm>>
    tpu.enqueue_dma source(%dma_start3A_344 : memref<128xi32, #tpu.memory_space<hbm>>) target(%dma_start3A_342 : memref<128xi32, #tpu.memory_space<vmem>>) target_semaphore(%arg11 : memref<!tpu.dma_semaphore, #tpu.memory_space<semaphore_mem>>)
    %dma_wait3A_345 = arith.constant 0 : i32
    %dma_wait3A_346 = arith.constant 0 : i32
    %dma_wait3A_347 = arith.constant 0 : i32
    %dma_wait3A_348 = arith.constant 0 : i32
    %dma_wait3A_349 = tpu.memref_slice %arg6[%dma_wait3A_346, %dma_wait3A_347, %dma_wait3A_348] : memref<4x128x128xf32, #tpu.memory_space<vmem>> -> memref<1x128x128xf32, #tpu.memory_space<vmem>>
    %dma_wait3A_350 = tpu.memref_squeeze %dma_wait3A_349 : memref<1x128x128xf32, #tpu.memory_space<vmem>> -> memref<128x128xf32, #tpu.memory_space<vmem>>
    %dma_wait3A_351 = arith.constant 0 : i32
    %dma_wait3A_352 = tpu.memref_slice %arg5[%dma_wait3A_345, %dma_wait3A_351] : memref<4x128xi32, #tpu.memory_space<vmem>> -> memref<1x128xi32, #tpu.memory_space<vmem>>
    %dma_wait3A_353 = tpu.memref_squeeze %dma_wait3A_352 : memref<1x128xi32, #tpu.memory_space<vmem>> -> memref<128xi32, #tpu.memory_space<vmem>>
    %dma_wait3A_354 = arith.constant 0 : i32
    %dma_wait3A_355 = arith.constant 0 : i32
    %dma_wait3A_356 = tpu.memref_slice %arg2[%dma_wait3A_354, %dma_wait3A_355] : memref<1000000x128xf32, #tpu.memory_space<hbm>> -> memref<1000000x128xf32, #tpu.memory_space<hbm>>
    tpu.wait_indirect_dma semaphore(%arg12 : memref<!tpu.dma_semaphore, #tpu.memory_space<semaphore_mem>>) src(%dma_wait3A_356 : memref<1000000x128xf32, #tpu.memory_space<hbm>>) dst(%dma_wait3A_350 : memref<128x128xf32, #tpu.memory_space<vmem>>)
    %scan3A = arith.constant 0 : i32
    %scan3A_357 = arith.constant 8 : i32
    %scan3A_358 = arith.addi %scan3A, %scan3A_357 : i32
    %scan3A_359 = arith.constant 1 : i32
    scf.for %scan3A_2051 = %scan3A to %scan3A_358 step %scan3A_359  : i32 {
      %mul3A_2052 = arith.constant 1 : i32
      %mul3A_2053 = arith.muli %scan3A_2051, %mul3A_2052 : i32
      %add3A_2054 = arith.constant 0 : i32
      %add3A_2055 = arith.addi %add3A_2054, %mul3A_2053 : i32
      %mul3A_2056 = arith.constant 16 : i32
      %mul3A_2057 = arith.muli %add3A_2055, %mul3A_2056 : i32
      %add3A_2058 = vector.broadcast %mul3A_2057 : i32 to vector<16xi32>
      %add3A_2059 = arith.addi %add3A_2058, %iota3A : vector<16xi32>
      %shift_left3A = arith.constant 7 : i32
      %shift_left3A_2060 = vector.broadcast %shift_left3A : i32 to vector<16xi32>
      %shift_left3A_2061 = arith.shli %add3A_2059, %shift_left3A_2060 : vector<16xi32>
      %broadcast_in_dim3A = arith.constant 0 : i32
      %broadcast_in_dim3A_2062 = vector.broadcast %broadcast_in_dim3A : i32 to vector<16xi32>
      %parallel_loop3A = arith.constant 0 : i32
      %parallel_loop3A_2063 = arith.constant 64 : i32
      %parallel_loop3A_2064 = arith.constant 1 : i32
      %parallel_loop3A_2065 = scf.for %parallel_loop3A_2066 = %parallel_loop3A to %parallel_loop3A_2063 step %parallel_loop3A_2064 iter_args(%parallel_loop3A_2067 = %shift_left3A_2061) -> (vector<16xi32>)  : i32 {
        %parallel_loop3A_2068 = arith.constant 0 : i32
        %parallel_loop3A_2069 = arith.constant 0 : i32
        %parallel_loop3A_2070 = arith.constant 0 : i32
        %parallel_loop3A_2071 = tpu.memref_slice %arg6[%parallel_loop3A_2068, %parallel_loop3A_2069, %parallel_loop3A_2070] : memref<4x128x128xf32, #tpu.memory_space<vmem>> -> memref<1x128x128xf32, #tpu.memory_space<vmem>>
        %parallel_loop3A_2072 = tpu.memref_squeeze %parallel_loop3A_2071 : memref<1x128x128xf32, #tpu.memory_space<vmem>> -> memref<128x128xf32, #tpu.memory_space<vmem>>
        %parallel_loop3A_2073 = tpu.vector_load_idx %parallel_loop3A_2072[%broadcast_in_dim3A_2062, %parallel_loop3A_2067] : memref<128x128xf32, #tpu.memory_space<vmem>>[vector<16xi32>, vector<16xi32>], vector<16xf32>,
        %parallel_loop3A_2074 = arith.constant 16 : i32
        %parallel_loop3A_2075 = arith.muli %add3A_2055, %parallel_loop3A_2074 : i32
        %parallel_loop3A_2076 = arith.constant 0 : i32
        %parallel_loop3A_2077 = arith.index_cast %parallel_loop3A_2076 : i32 to index
        %parallel_loop3A_2078 = arith.index_cast %parallel_loop3A_2066 : i32 to index
        %parallel_loop3A_2079 = arith.index_cast %parallel_loop3A_2075 : i32 to index
        %parallel_loop3A_2080 = tpu.vector_load %arg7[%parallel_loop3A_2077, %parallel_loop3A_2078, %parallel_loop3A_2079] {strides = array<i32>} : memref<4x64x128xf32, #tpu.memory_space<vmem>>, vector<16xf32>,
        tpu.vector_store %arg7[%parallel_loop3A_2077, %parallel_loop3A_2078, %parallel_loop3A_2079], %parallel_loop3A_2073 {strides = array<i32>} : memref<4x64x128xf32, #tpu.memory_space<vmem>>, vector<16xf32>,
        %parallel_loop3A_2081 = arith.constant 1 : i32
        %parallel_loop3A_2082 = vector.broadcast %parallel_loop3A_2081 : i32 to vector<16xi32>
        %parallel_loop3A_2083 = arith.addi %parallel_loop3A_2067, %parallel_loop3A_2082 : vector<16xi32>
        scf.yield %parallel_loop3A_2083 : vector<16xi32>
      } {sc.loop_unroll_factor = 16 : i64, sc.parallel_access}
    }
    %scan3A_360 = arith.constant 8 : i32
    %add3A_361 = arith.constant 0 : i32
    %add3A_362 = arith.addi %mul3A_2, %add3A_361 : i32
    %jit3A_363 = arith.constant 32 : i32
    %div3A_364 = arith.divsi %add3A_362, %jit3A_363 : i32
    %sign3A_365 = arith.constant 0 : i32
    %sign3A_366 = arith.cmpi sgt, %add3A_362, %sign3A_365 : i32
    %sign3A_367 = arith.extui %sign3A_366 : i1 to i32
    %sign3A_368 = arith.constant 0 : i32
    %sign3A_369 = arith.cmpi slt, %add3A_362, %sign3A_368 : i32
    %sign3A_370 = arith.extui %sign3A_369 : i1 to i32
    %sign3A_371 = arith.subi %sign3A_367, %sign3A_370 : i32
    %sign3A_372 = arith.constant 0 : i32
    %sign3A_373 = arith.cmpi sgt, %jit3A_363, %sign3A_372 : i32
    %sign3A_374 = arith.extui %sign3A_373 : i1 to i32
    %sign3A_375 = arith.constant 0 : i32
    %sign3A_376 = arith.cmpi slt, %jit3A_363, %sign3A_375 : i32
    %sign3A_377 = arith.extui %sign3A_376 : i1 to i32
    %sign3A_378 = arith.subi %sign3A_374, %sign3A_377 : i32
    %ne3A_379 = arith.cmpi ne, %sign3A_371, %sign3A_378 : i32
    %rem3A_380 = arith.remsi %add3A_362, %jit3A_363 : i32
    %ne3A_381 = arith.constant 0 : i32
    %ne3A_382 = arith.cmpi ne, %rem3A_380, %ne3A_381 : i32
    %and3A_383 = arith.andi %ne3A_379, %ne3A_382 : i1
    %sub3A_384 = arith.constant 1 : i32
    %sub3A_385 = arith.subi %div3A_364, %sub3A_384 : i32
    %select_n3A_386 = arith.select %and3A_383, %sub3A_385, %div3A_364 : i32
    %jit3A_387 = arith.constant 32 : i32
    %eq3A_388 = arith.constant 0 : i32
    %eq3A_389 = arith.cmpi eq, %jit3A_387, %eq3A_388 : i32
    %jit3A_390 = arith.constant 1 : i32
    %select_n3A_391 = arith.select %eq3A_389, %jit3A_390, %jit3A_387 : i32
    %rem3A_392 = arith.remsi %add3A_362, %select_n3A_391 : i32
    %ne3A_393 = arith.constant 0 : i32
    %ne3A_394 = arith.cmpi ne, %rem3A_392, %ne3A_393 : i32
    %lt3A_395 = arith.constant 0 : i32
    %lt3A_396 = arith.cmpi slt, %rem3A_392, %lt3A_395 : i32
    %lt3A_397 = arith.constant 0 : i32
    %lt3A_398 = arith.cmpi slt, %select_n3A_391, %lt3A_397 : i32
    %ne3A_399 = arith.xori %lt3A_396, %lt3A_398 : i1
    %and3A_400 = arith.andi %ne3A_399, %ne3A_394 : i1
    %add3A_401 = arith.addi %rem3A_392, %select_n3A_391 : i32
    %select_n3A_402 = arith.select %and3A_400, %add3A_401, %rem3A_392 : i32
    %mul3A_403 = arith.constant 128 : i32
    %mul3A_404 = arith.muli %select_n3A_402, %mul3A_403 : i32
    %dma_start3A_405 = arith.constant 0 : i32
    %dma_start3A_406 = arith.constant 0 : i32
    %dma_start3A_407 = arith.constant 0 : i32
    %dma_start3A_408 = tpu.memref_slice %arg7[%dma_start3A_405, %dma_start3A_406, %dma_start3A_407] : memref<4x64x128xf32, #tpu.memory_space<vmem>> -> memref<1x64x128xf32, #tpu.memory_space<vmem>>
    %dma_start3A_409 = tpu.memref_squeeze %dma_start3A_408 : memref<1x64x128xf32, #tpu.memory_space<vmem>> -> memref<64x128xf32, #tpu.memory_space<vmem>>
    %dma_start3A_410 = arith.constant 0 : i32
    %dma_start3A_411 = tpu.memref_slice %arg4[%select_n3A_386, %dma_start3A_410, %mul3A_404] : memref<200x64x4096xf32, #tpu.memory_space<hbm>> -> memref<1x64x128xf32, #tpu.memory_space<hbm>>
    %dma_start3A_412 = tpu.memref_squeeze %dma_start3A_411 : memref<1x64x128xf32, #tpu.memory_space<hbm>> -> memref<64x128xf32, #tpu.memory_space<hbm>>
    %dma_start3A_413 = arith.constant 0 : i32
    %dma_start3A_414 = tpu.memref_slice %arg4[%select_n3A_386, %dma_start3A_413, %mul3A_404] : memref<200x64x4096xf32, #tpu.memory_space<hbm>> -> memref<1x64x128xf32, #tpu.memory_space<hbm>>
    %dma_start3A_415 = tpu.memref_squeeze %dma_start3A_414 : memref<1x64x128xf32, #tpu.memory_space<hbm>> -> memref<64x128xf32, #tpu.memory_space<hbm>>
    %dma_start3A_416 = arith.constant 0 : i32
    %dma_start3A_417 = arith.constant 0 : i32
    %dma_start3A_418 = tpu.memref_slice %arg7[%dma_start3A_405, %dma_start3A_416, %dma_start3A_417] : memref<4x64x128xf32, #tpu.memory_space<vmem>> -> memref<1x64x128xf32, #tpu.memory_space<vmem>>
    %dma_start3A_419 = tpu.memref_squeeze %dma_start3A_418 : memref<1x64x128xf32, #tpu.memory_space<vmem>> -> memref<64x128xf32, #tpu.memory_space<vmem>>
    tpu.enqueue_dma source(%dma_start3A_419 : memref<64x128xf32, #tpu.memory_space<vmem>>) target(%dma_start3A_415 : memref<64x128xf32, #tpu.memory_space<hbm>>) target_semaphore(%arg16 : memref<!tpu.dma_semaphore, #tpu.memory_space<semaphore_mem>>)
    %add3A_420 = arith.constant 4 : i32
    %add3A_421 = arith.addi %mul3A_2, %add3A_420 : i32
    %jit3A_422 = arith.constant 32 : i32
    %div3A_423 = arith.divsi %add3A_421, %jit3A_422 : i32
    %sign3A_424 = arith.constant 0 : i32
    %sign3A_425 = arith.cmpi sgt, %add3A_421, %sign3A_424 : i32
    %sign3A_426 = arith.extui %sign3A_425 : i1 to i32
    %sign3A_427 = arith.constant 0 : i32
    %sign3A_428 = arith.cmpi slt, %add3A_421, %sign3A_427 : i32
    %sign3A_429 = arith.extui %sign3A_428 : i1 to i32
    %sign3A_430 = arith.subi %sign3A_426, %sign3A_429 : i32
    %sign3A_431 = arith.constant 0 : i32
    %sign3A_432 = arith.cmpi sgt, %jit3A_422, %sign3A_431 : i32
    %sign3A_433 = arith.extui %sign3A_432 : i1 to i32
    %sign3A_434 = arith.constant 0 : i32
    %sign3A_435 = arith.cmpi slt, %jit3A_422, %sign3A_434 : i32
    %sign3A_436 = arith.extui %sign3A_435 : i1 to i32
    %sign3A_437 = arith.subi %sign3A_433, %sign3A_436 : i32
    %ne3A_438 = arith.cmpi ne, %sign3A_430, %sign3A_437 : i32
    %rem3A_439 = arith.remsi %add3A_421, %jit3A_422 : i32
    %ne3A_440 = arith.constant 0 : i32
    %ne3A_441 = arith.cmpi ne, %rem3A_439, %ne3A_440 : i32
    %and3A_442 = arith.andi %ne3A_438, %ne3A_441 : i1
    %sub3A_443 = arith.constant 1 : i32
    %sub3A_444 = arith.subi %div3A_423, %sub3A_443 : i32
    %select_n3A_445 = arith.select %and3A_442, %sub3A_444, %div3A_423 : i32
    %jit3A_446 = arith.constant 32 : i32
    %eq3A_447 = arith.constant 0 : i32
    %eq3A_448 = arith.cmpi eq, %jit3A_446, %eq3A_447 : i32
    %jit3A_449 = arith.constant 1 : i32
    %select_n3A_450 = arith.select %eq3A_448, %jit3A_449, %jit3A_446 : i32
    %rem3A_451 = arith.remsi %add3A_421, %select_n3A_450 : i32
    %ne3A_452 = arith.constant 0 : i32
    %ne3A_453 = arith.cmpi ne, %rem3A_451, %ne3A_452 : i32
    %lt3A_454 = arith.constant 0 : i32
    %lt3A_455 = arith.cmpi slt, %rem3A_451, %lt3A_454 : i32
    %lt3A_456 = arith.constant 0 : i32
    %lt3A_457 = arith.cmpi slt, %select_n3A_450, %lt3A_456 : i32
    %ne3A_458 = arith.xori %lt3A_455, %lt3A_457 : i1
    %and3A_459 = arith.andi %ne3A_458, %ne3A_453 : i1
    %add3A_460 = arith.addi %rem3A_451, %select_n3A_450 : i32
    %select_n3A_461 = arith.select %and3A_459, %add3A_460, %rem3A_451 : i32
    %mul3A_462 = arith.constant 128 : i32
    %mul3A_463 = arith.muli %select_n3A_461, %mul3A_462 : i32
    %dma_start3A_464 = arith.constant 0 : i32
    %dma_start3A_465 = arith.constant 0 : i32
    %dma_start3A_466 = tpu.memref_slice %arg5[%dma_start3A_464, %dma_start3A_465] : memref<4x128xi32, #tpu.memory_space<vmem>> -> memref<1x128xi32, #tpu.memory_space<vmem>>
    %dma_start3A_467 = tpu.memref_squeeze %dma_start3A_466 : memref<1x128xi32, #tpu.memory_space<vmem>> -> memref<128xi32, #tpu.memory_space<vmem>>
    %dma_start3A_468 = tpu.memref_slice %arg3[%select_n3A_445, %mul3A_463] : memref<200x4096xi32, #tpu.memory_space<hbm>> -> memref<1x128xi32, #tpu.memory_space<hbm>>
    %dma_start3A_469 = tpu.memref_squeeze %dma_start3A_468 : memref<1x128xi32, #tpu.memory_space<hbm>> -> memref<128xi32, #tpu.memory_space<hbm>>
    %dma_start3A_470 = arith.constant 0 : i32
    %dma_start3A_471 = tpu.memref_slice %arg5[%dma_start3A_464, %dma_start3A_470] : memref<4x128xi32, #tpu.memory_space<vmem>> -> memref<1x128xi32, #tpu.memory_space<vmem>>
    %dma_start3A_472 = tpu.memref_squeeze %dma_start3A_471 : memref<1x128xi32, #tpu.memory_space<vmem>> -> memref<128xi32, #tpu.memory_space<vmem>>
    %dma_start3A_473 = tpu.memref_slice %arg3[%select_n3A_445, %mul3A_463] : memref<200x4096xi32, #tpu.memory_space<hbm>> -> memref<1x128xi32, #tpu.memory_space<hbm>>
    %dma_start3A_474 = tpu.memref_squeeze %dma_start3A_473 : memref<1x128xi32, #tpu.memory_space<hbm>> -> memref<128xi32, #tpu.memory_space<hbm>>
    tpu.enqueue_dma source(%dma_start3A_474 : memref<128xi32, #tpu.memory_space<hbm>>) target(%dma_start3A_472 : memref<128xi32, #tpu.memory_space<vmem>>) target_semaphore(%arg8 : memref<!tpu.dma_semaphore, #tpu.memory_space<semaphore_mem>>)
    %add3A_475 = arith.constant 2 : i32
    %add3A_476 = arith.addi %mul3A_2, %add3A_475 : i32
    %jit3A_477 = arith.constant 32 : i32
    %div3A_478 = arith.divsi %add3A_476, %jit3A_477 : i32
    %sign3A_479 = arith.constant 0 : i32
    %sign3A_480 = arith.cmpi sgt, %add3A_476, %sign3A_479 : i32
    %sign3A_481 = arith.extui %sign3A_480 : i1 to i32
    %sign3A_482 = arith.constant 0 : i32
    %sign3A_483 = arith.cmpi slt, %add3A_476, %sign3A_482 : i32
    %sign3A_484 = arith.extui %sign3A_483 : i1 to i32
    %sign3A_485 = arith.subi %sign3A_481, %sign3A_484 : i32
    %sign3A_486 = arith.constant 0 : i32
    %sign3A_487 = arith.cmpi sgt, %jit3A_477, %sign3A_486 : i32
    %sign3A_488 = arith.extui %sign3A_487 : i1 to i32
    %sign3A_489 = arith.constant 0 : i32
    %sign3A_490 = arith.cmpi slt, %jit3A_477, %sign3A_489 : i32
    %sign3A_491 = arith.extui %sign3A_490 : i1 to i32
    %sign3A_492 = arith.subi %sign3A_488, %sign3A_491 : i32
    %ne3A_493 = arith.cmpi ne, %sign3A_485, %sign3A_492 : i32
    %rem3A_494 = arith.remsi %add3A_476, %jit3A_477 : i32
    %ne3A_495 = arith.constant 0 : i32
    %ne3A_496 = arith.cmpi ne, %rem3A_494, %ne3A_495 : i32
    %and3A_497 = arith.andi %ne3A_493, %ne3A_496 : i1
    %sub3A_498 = arith.constant 1 : i32
    %sub3A_499 = arith.subi %div3A_478, %sub3A_498 : i32
    %select_n3A_500 = arith.select %and3A_497, %sub3A_499, %div3A_478 : i32
    %jit3A_501 = arith.constant 32 : i32
    %eq3A_502 = arith.constant 0 : i32
    %eq3A_503 = arith.cmpi eq, %jit3A_501, %eq3A_502 : i32
    %jit3A_504 = arith.constant 1 : i32
    %select_n3A_505 = arith.select %eq3A_503, %jit3A_504, %jit3A_501 : i32
    %rem3A_506 = arith.remsi %add3A_476, %select_n3A_505 : i32
    %ne3A_507 = arith.constant 0 : i32
    %ne3A_508 = arith.cmpi ne, %rem3A_506, %ne3A_507 : i32
    %lt3A_509 = arith.constant 0 : i32
    %lt3A_510 = arith.cmpi slt, %rem3A_506, %lt3A_509 : i32
    %lt3A_511 = arith.constant 0 : i32
    %lt3A_512 = arith.cmpi slt, %select_n3A_505, %lt3A_511 : i32
    %ne3A_513 = arith.xori %lt3A_510, %lt3A_512 : i1
    %and3A_514 = arith.andi %ne3A_513, %ne3A_508 : i1
    %add3A_515 = arith.addi %rem3A_506, %select_n3A_505 : i32
    %select_n3A_516 = arith.select %and3A_514, %add3A_515, %rem3A_506 : i32
    %mul3A_517 = arith.constant 128 : i32
    %mul3A_518 = arith.muli %select_n3A_516, %mul3A_517 : i32
    %dma_wait3A_519 = arith.constant 2 : i32
    %dma_wait3A_520 = arith.constant 0 : i32
    %dma_wait3A_521 = tpu.memref_slice %arg5[%dma_wait3A_519, %dma_wait3A_520] : memref<4x128xi32, #tpu.memory_space<vmem>> -> memref<1x128xi32, #tpu.memory_space<vmem>>
    %dma_wait3A_522 = tpu.memref_squeeze %dma_wait3A_521 : memref<1x128xi32, #tpu.memory_space<vmem>> -> memref<128xi32, #tpu.memory_space<vmem>>
    %dma_wait3A_523 = tpu.memref_slice %arg3[%select_n3A_500, %mul3A_518] : memref<200x4096xi32, #tpu.memory_space<hbm>> -> memref<1x128xi32, #tpu.memory_space<hbm>>
    %dma_wait3A_524 = tpu.memref_squeeze %dma_wait3A_523 : memref<1x128xi32, #tpu.memory_space<hbm>> -> memref<128xi32, #tpu.memory_space<hbm>>
    %dma_wait3A_525 = arith.constant 0 : i32
    %dma_wait3A_526 = tpu.memref_slice %arg5[%dma_wait3A_519, %dma_wait3A_525] : memref<4x128xi32, #tpu.memory_space<vmem>> -> memref<1x128xi32, #tpu.memory_space<vmem>>
    %dma_wait3A_527 = tpu.memref_squeeze %dma_wait3A_526 : memref<1x128xi32, #tpu.memory_space<vmem>> -> memref<128xi32, #tpu.memory_space<vmem>>
    %dma_wait3A_528 = tpu.memref_slice %arg3[%select_n3A_500, %mul3A_518] : memref<200x4096xi32, #tpu.memory_space<hbm>> -> memref<1x128xi32, #tpu.memory_space<hbm>>
    %dma_wait3A_529 = tpu.memref_squeeze %dma_wait3A_528 : memref<1x128xi32, #tpu.memory_space<hbm>> -> memref<128xi32, #tpu.memory_space<hbm>>
    tpu.wait_dma2 semaphore(%arg10 : memref<!tpu.dma_semaphore, #tpu.memory_space<semaphore_mem>>) src(%dma_wait3A_529 : memref<128xi32, #tpu.memory_space<hbm>>) dst(%dma_wait3A_527 : memref<128xi32, #tpu.memory_space<vmem>>)
    %dma_start3A_530 = arith.constant 2 : i32
    %dma_start3A_531 = arith.constant 2 : i32
    %dma_start3A_532 = arith.constant 0 : i32
    %dma_start3A_533 = arith.constant 0 : i32
    %dma_start3A_534 = tpu.memref_slice %arg6[%dma_start3A_531, %dma_start3A_532, %dma_start3A_533] : memref<4x128x128xf32, #tpu.memory_space<vmem>> -> memref<1x128x128xf32, #tpu.memory_space<vmem>>
    %dma_start3A_535 = tpu.memref_squeeze %dma_start3A_534 : memref<1x128x128xf32, #tpu.memory_space<vmem>> -> memref<128x128xf32, #tpu.memory_space<vmem>>
    %dma_start3A_536 = arith.constant 0 : i32
    %dma_start3A_537 = tpu.memref_slice %arg5[%dma_start3A_530, %dma_start3A_536] : memref<4x128xi32, #tpu.memory_space<vmem>> -> memref<1x128xi32, #tpu.memory_space<vmem>>
    %dma_start3A_538 = tpu.memref_squeeze %dma_start3A_537 : memref<1x128xi32, #tpu.memory_space<vmem>> -> memref<128xi32, #tpu.memory_space<vmem>>
    %dma_start3A_539 = arith.constant 0 : i32
    %dma_start3A_540 = arith.constant 0 : i32
    %dma_start3A_541 = tpu.memref_slice %arg2[%dma_start3A_539, %dma_start3A_540] : memref<1000000x128xf32, #tpu.memory_space<hbm>> -> memref<1000000x128xf32, #tpu.memory_space<hbm>>
    tpu.enqueue_indirect_dma source(%dma_start3A_541 : memref<1000000x128xf32, #tpu.memory_space<hbm>>) target(%dma_start3A_535 : memref<128x128xf32, #tpu.memory_space<vmem>>) offsets(%dma_start3A_538 : memref<128xi32, #tpu.memory_space<vmem>>) semaphore(%arg14 : memref<!tpu.dma_semaphore, #tpu.memory_space<semaphore_mem>>)
    %dma_wait3A_542 = arith.constant 1 : i32
    %dma_wait3A_543 = arith.constant 1 : i32
    %dma_wait3A_544 = arith.constant 0 : i32
    %dma_wait3A_545 = arith.constant 0 : i32
    %dma_wait3A_546 = tpu.memref_slice %arg6[%dma_wait3A_543, %dma_wait3A_544, %dma_wait3A_545] : memref<4x128x128xf32, #tpu.memory_space<vmem>> -> memref<1x128x128xf32, #tpu.memory_space<vmem>>
    %dma_wait3A_547 = tpu.memref_squeeze %dma_wait3A_546 : memref<1x128x128xf32, #tpu.memory_space<vmem>> -> memref<128x128xf32, #tpu.memory_space<vmem>>
    %dma_wait3A_548 = arith.constant 0 : i32
    %dma_wait3A_549 = tpu.memref_slice %arg5[%dma_wait3A_542, %dma_wait3A_548] : memref<4x128xi32, #tpu.memory_space<vmem>> -> memref<1x128xi32, #tpu.memory_space<vmem>>
    %dma_wait3A_550 = tpu.memref_squeeze %dma_wait3A_549 : memref<1x128xi32, #tpu.memory_space<vmem>> -> memref<128xi32, #tpu.memory_space<vmem>>
    %dma_wait3A_551 = arith.constant 0 : i32
    %dma_wait3A_552 = arith.constant 0 : i32
    %dma_wait3A_553 = tpu.memref_slice %arg2[%dma_wait3A_551, %dma_wait3A_552] : memref<1000000x128xf32, #tpu.memory_space<hbm>> -> memref<1000000x128xf32, #tpu.memory_space<hbm>>
    tpu.wait_indirect_dma semaphore(%arg13 : memref<!tpu.dma_semaphore, #tpu.memory_space<semaphore_mem>>) src(%dma_wait3A_553 : memref<1000000x128xf32, #tpu.memory_space<hbm>>) dst(%dma_wait3A_547 : memref<128x128xf32, #tpu.memory_space<vmem>>)
    %scan3A_554 = arith.constant 0 : i32
    %scan3A_555 = arith.constant 8 : i32
    %scan3A_556 = arith.addi %scan3A_554, %scan3A_555 : i32
    %scan3A_557 = arith.constant 1 : i32
    scf.for %scan3A_2051 = %scan3A_554 to %scan3A_556 step %scan3A_557  : i32 {
      %mul3A_2052 = arith.constant 1 : i32
      %mul3A_2053 = arith.muli %scan3A_2051, %mul3A_2052 : i32
      %add3A_2054 = arith.constant 0 : i32
      %add3A_2055 = arith.addi %add3A_2054, %mul3A_2053 : i32
      %mul3A_2056 = arith.constant 16 : i32
      %mul3A_2057 = arith.muli %add3A_2055, %mul3A_2056 : i32
      %add3A_2058 = vector.broadcast %mul3A_2057 : i32 to vector<16xi32>
      %add3A_2059 = arith.addi %add3A_2058, %iota3A : vector<16xi32>
      %shift_left3A = arith.constant 7 : i32
      %shift_left3A_2060 = vector.broadcast %shift_left3A : i32 to vector<16xi32>
      %shift_left3A_2061 = arith.shli %add3A_2059, %shift_left3A_2060 : vector<16xi32>
      %broadcast_in_dim3A = arith.constant 0 : i32
      %broadcast_in_dim3A_2062 = vector.broadcast %broadcast_in_dim3A : i32 to vector<16xi32>
      %parallel_loop3A = arith.constant 0 : i32
      %parallel_loop3A_2063 = arith.constant 64 : i32
      %parallel_loop3A_2064 = arith.constant 1 : i32
      %parallel_loop3A_2065 = scf.for %parallel_loop3A_2066 = %parallel_loop3A to %parallel_loop3A_2063 step %parallel_loop3A_2064 iter_args(%parallel_loop3A_2067 = %shift_left3A_2061) -> (vector<16xi32>)  : i32 {
        %parallel_loop3A_2068 = arith.constant 1 : i32
        %parallel_loop3A_2069 = arith.constant 0 : i32
        %parallel_loop3A_2070 = arith.constant 0 : i32
        %parallel_loop3A_2071 = tpu.memref_slice %arg6[%parallel_loop3A_2068, %parallel_loop3A_2069, %parallel_loop3A_2070] : memref<4x128x128xf32, #tpu.memory_space<vmem>> -> memref<1x128x128xf32, #tpu.memory_space<vmem>>
        %parallel_loop3A_2072 = tpu.memref_squeeze %parallel_loop3A_2071 : memref<1x128x128xf32, #tpu.memory_space<vmem>> -> memref<128x128xf32, #tpu.memory_space<vmem>>
        %parallel_loop3A_2073 = tpu.vector_load_idx %parallel_loop3A_2072[%broadcast_in_dim3A_2062, %parallel_loop3A_2067] : memref<128x128xf32, #tpu.memory_space<vmem>>[vector<16xi32>, vector<16xi32>], vector<16xf32>,
        %parallel_loop3A_2074 = arith.constant 16 : i32
        %parallel_loop3A_2075 = arith.muli %add3A_2055, %parallel_loop3A_2074 : i32
        %parallel_loop3A_2076 = arith.constant 1 : i32
        %parallel_loop3A_2077 = arith.index_cast %parallel_loop3A_2076 : i32 to index
        %parallel_loop3A_2078 = arith.index_cast %parallel_loop3A_2066 : i32 to index
        %parallel_loop3A_2079 = arith.index_cast %parallel_loop3A_2075 : i32 to index
        %parallel_loop3A_2080 = tpu.vector_load %arg7[%parallel_loop3A_2077, %parallel_loop3A_2078, %parallel_loop3A_2079] {strides = array<i32>} : memref<4x64x128xf32, #tpu.memory_space<vmem>>, vector<16xf32>,
        tpu.vector_store %arg7[%parallel_loop3A_2077, %parallel_loop3A_2078, %parallel_loop3A_2079], %parallel_loop3A_2073 {strides = array<i32>} : memref<4x64x128xf32, #tpu.memory_space<vmem>>, vector<16xf32>,
        %parallel_loop3A_2081 = arith.constant 1 : i32
        %parallel_loop3A_2082 = vector.broadcast %parallel_loop3A_2081 : i32 to vector<16xi32>
        %parallel_loop3A_2083 = arith.addi %parallel_loop3A_2067, %parallel_loop3A_2082 : vector<16xi32>
        scf.yield %parallel_loop3A_2083 : vector<16xi32>
      } {sc.loop_unroll_factor = 16 : i64, sc.parallel_access}
    }
    %scan3A_558 = arith.constant 8 : i32
    %add3A_559 = arith.constant 1 : i32
    %add3A_560 = arith.addi %mul3A_2, %add3A_559 : i32
    %jit3A_561 = arith.constant 32 : i32
    %div3A_562 = arith.divsi %add3A_560, %jit3A_561 : i32
    %sign3A_563 = arith.constant 0 : i32
    %sign3A_564 = arith.cmpi sgt, %add3A_560, %sign3A_563 : i32
    %sign3A_565 = arith.extui %sign3A_564 : i1 to i32
    %sign3A_566 = arith.constant 0 : i32
    %sign3A_567 = arith.cmpi slt, %add3A_560, %sign3A_566 : i32
    %sign3A_568 = arith.extui %sign3A_567 : i1 to i32
    %sign3A_569 = arith.subi %sign3A_565, %sign3A_568 : i32
    %sign3A_570 = arith.constant 0 : i32
    %sign3A_571 = arith.cmpi sgt, %jit3A_561, %sign3A_570 : i32
    %sign3A_572 = arith.extui %sign3A_571 : i1 to i32
    %sign3A_573 = arith.constant 0 : i32
    %sign3A_574 = arith.cmpi slt, %jit3A_561, %sign3A_573 : i32
    %sign3A_575 = arith.extui %sign3A_574 : i1 to i32
    %sign3A_576 = arith.subi %sign3A_572, %sign3A_575 : i32
    %ne3A_577 = arith.cmpi ne, %sign3A_569, %sign3A_576 : i32
    %rem3A_578 = arith.remsi %add3A_560, %jit3A_561 : i32
    %ne3A_579 = arith.constant 0 : i32
    %ne3A_580 = arith.cmpi ne, %rem3A_578, %ne3A_579 : i32
    %and3A_581 = arith.andi %ne3A_577, %ne3A_580 : i1
    %sub3A_582 = arith.constant 1 : i32
    %sub3A_583 = arith.subi %div3A_562, %sub3A_582 : i32
    %select_n3A_584 = arith.select %and3A_581, %sub3A_583, %div3A_562 : i32
    %jit3A_585 = arith.constant 32 : i32
    %eq3A_586 = arith.constant 0 : i32
    %eq3A_587 = arith.cmpi eq, %jit3A_585, %eq3A_586 : i32
    %jit3A_588 = arith.constant 1 : i32
    %select_n3A_589 = arith.select %eq3A_587, %jit3A_588, %jit3A_585 : i32
    %rem3A_590 = arith.remsi %add3A_560, %select_n3A_589 : i32
    %ne3A_591 = arith.constant 0 : i32
    %ne3A_592 = arith.cmpi ne, %rem3A_590, %ne3A_591 : i32
    %lt3A_593 = arith.constant 0 : i32
    %lt3A_594 = arith.cmpi slt, %rem3A_590, %lt3A_593 : i32
    %lt3A_595 = arith.constant 0 : i32
    %lt3A_596 = arith.cmpi slt, %select_n3A_589, %lt3A_595 : i32
    %ne3A_597 = arith.xori %lt3A_594, %lt3A_596 : i1
    %and3A_598 = arith.andi %ne3A_597, %ne3A_592 : i1
    %add3A_599 = arith.addi %rem3A_590, %select_n3A_589 : i32
    %select_n3A_600 = arith.select %and3A_598, %add3A_599, %rem3A_590 : i32
    %mul3A_601 = arith.constant 128 : i32
    %mul3A_602 = arith.muli %select_n3A_600, %mul3A_601 : i32
    %dma_start3A_603 = arith.constant 1 : i32
    %dma_start3A_604 = arith.constant 0 : i32
    %dma_start3A_605 = arith.constant 0 : i32
    %dma_start3A_606 = tpu.memref_slice %arg7[%dma_start3A_603, %dma_start3A_604, %dma_start3A_605] : memref<4x64x128xf32, #tpu.memory_space<vmem>> -> memref<1x64x128xf32, #tpu.memory_space<vmem>>
    %dma_start3A_607 = tpu.memref_squeeze %dma_start3A_606 : memref<1x64x128xf32, #tpu.memory_space<vmem>> -> memref<64x128xf32, #tpu.memory_space<vmem>>
    %dma_start3A_608 = arith.constant 0 : i32
    %dma_start3A_609 = tpu.memref_slice %arg4[%select_n3A_584, %dma_start3A_608, %mul3A_602] : memref<200x64x4096xf32, #tpu.memory_space<hbm>> -> memref<1x64x128xf32, #tpu.memory_space<hbm>>
    %dma_start3A_610 = tpu.memref_squeeze %dma_start3A_609 : memref<1x64x128xf32, #tpu.memory_space<hbm>> -> memref<64x128xf32, #tpu.memory_space<hbm>>
    %dma_start3A_611 = arith.constant 0 : i32
    %dma_start3A_612 = tpu.memref_slice %arg4[%select_n3A_584, %dma_start3A_611, %mul3A_602] : memref<200x64x4096xf32, #tpu.memory_space<hbm>> -> memref<1x64x128xf32, #tpu.memory_space<hbm>>
    %dma_start3A_613 = tpu.memref_squeeze %dma_start3A_612 : memref<1x64x128xf32, #tpu.memory_space<hbm>> -> memref<64x128xf32, #tpu.memory_space<hbm>>
    %dma_start3A_614 = arith.constant 0 : i32
    %dma_start3A_615 = arith.constant 0 : i32
    %dma_start3A_616 = tpu.memref_slice %arg7[%dma_start3A_603, %dma_start3A_614, %dma_start3A_615] : memref<4x64x128xf32, #tpu.memory_space<vmem>> -> memref<1x64x128xf32, #tpu.memory_space<vmem>>
    %dma_start3A_617 = tpu.memref_squeeze %dma_start3A_616 : memref<1x64x128xf32, #tpu.memory_space<vmem>> -> memref<64x128xf32, #tpu.memory_space<vmem>>
    tpu.enqueue_dma source(%dma_start3A_617 : memref<64x128xf32, #tpu.memory_space<vmem>>) target(%dma_start3A_613 : memref<64x128xf32, #tpu.memory_space<hbm>>) target_semaphore(%arg17 : memref<!tpu.dma_semaphore, #tpu.memory_space<semaphore_mem>>)
    %add3A_618 = arith.constant 5 : i32
    %add3A_619 = arith.addi %mul3A_2, %add3A_618 : i32
    %jit3A_620 = arith.constant 32 : i32
    %div3A_621 = arith.divsi %add3A_619, %jit3A_620 : i32
    %sign3A_622 = arith.constant 0 : i32
    %sign3A_623 = arith.cmpi sgt, %add3A_619, %sign3A_622 : i32
    %sign3A_624 = arith.extui %sign3A_623 : i1 to i32
    %sign3A_625 = arith.constant 0 : i32
    %sign3A_626 = arith.cmpi slt, %add3A_619, %sign3A_625 : i32
    %sign3A_627 = arith.extui %sign3A_626 : i1 to i32
    %sign3A_628 = arith.subi %sign3A_624, %sign3A_627 : i32
    %sign3A_629 = arith.constant 0 : i32
    %sign3A_630 = arith.cmpi sgt, %jit3A_620, %sign3A_629 : i32
    %sign3A_631 = arith.extui %sign3A_630 : i1 to i32
    %sign3A_632 = arith.constant 0 : i32
    %sign3A_633 = arith.cmpi slt, %jit3A_620, %sign3A_632 : i32
    %sign3A_634 = arith.extui %sign3A_633 : i1 to i32
    %sign3A_635 = arith.subi %sign3A_631, %sign3A_634 : i32
    %ne3A_636 = arith.cmpi ne, %sign3A_628, %sign3A_635 : i32
    %rem3A_637 = arith.remsi %add3A_619, %jit3A_620 : i32
    %ne3A_638 = arith.constant 0 : i32
    %ne3A_639 = arith.cmpi ne, %rem3A_637, %ne3A_638 : i32
    %and3A_640 = arith.andi %ne3A_636, %ne3A_639 : i1
    %sub3A_641 = arith.constant 1 : i32
    %sub3A_642 = arith.subi %div3A_621, %sub3A_641 : i32
    %select_n3A_643 = arith.select %and3A_640, %sub3A_642, %div3A_621 : i32
    %jit3A_644 = arith.constant 32 : i32
    %eq3A_645 = arith.constant 0 : i32
    %eq3A_646 = arith.cmpi eq, %jit3A_644, %eq3A_645 : i32
    %jit3A_647 = arith.constant 1 : i32
    %select_n3A_648 = arith.select %eq3A_646, %jit3A_647, %jit3A_644 : i32
    %rem3A_649 = arith.remsi %add3A_619, %select_n3A_648 : i32
    %ne3A_650 = arith.constant 0 : i32
    %ne3A_651 = arith.cmpi ne, %rem3A_649, %ne3A_650 : i32
    %lt3A_652 = arith.constant 0 : i32
    %lt3A_653 = arith.cmpi slt, %rem3A_649, %lt3A_652 : i32
    %lt3A_654 = arith.constant 0 : i32
    %lt3A_655 = arith.cmpi slt, %select_n3A_648, %lt3A_654 : i32
    %ne3A_656 = arith.xori %lt3A_653, %lt3A_655 : i1
    %and3A_657 = arith.andi %ne3A_656, %ne3A_651 : i1
    %add3A_658 = arith.addi %rem3A_649, %select_n3A_648 : i32
    %select_n3A_659 = arith.select %and3A_657, %add3A_658, %rem3A_649 : i32
    %mul3A_660 = arith.constant 128 : i32
    %mul3A_661 = arith.muli %select_n3A_659, %mul3A_660 : i32
    %dma_start3A_662 = arith.constant 1 : i32
    %dma_start3A_663 = arith.constant 0 : i32
    %dma_start3A_664 = tpu.memref_slice %arg5[%dma_start3A_662, %dma_start3A_663] : memref<4x128xi32, #tpu.memory_space<vmem>> -> memref<1x128xi32, #tpu.memory_space<vmem>>
    %dma_start3A_665 = tpu.memref_squeeze %dma_start3A_664 : memref<1x128xi32, #tpu.memory_space<vmem>> -> memref<128xi32, #tpu.memory_space<vmem>>
    %dma_start3A_666 = tpu.memref_slice %arg3[%select_n3A_643, %mul3A_661] : memref<200x4096xi32, #tpu.memory_space<hbm>> -> memref<1x128xi32, #tpu.memory_space<hbm>>
    %dma_start3A_667 = tpu.memref_squeeze %dma_start3A_666 : memref<1x128xi32, #tpu.memory_space<hbm>> -> memref<128xi32, #tpu.memory_space<hbm>>
    %dma_start3A_668 = arith.constant 0 : i32
    %dma_start3A_669 = tpu.memref_slice %arg5[%dma_start3A_662, %dma_start3A_668] : memref<4x128xi32, #tpu.memory_space<vmem>> -> memref<1x128xi32, #tpu.memory_space<vmem>>
    %dma_start3A_670 = tpu.memref_squeeze %dma_start3A_669 : memref<1x128xi32, #tpu.memory_space<vmem>> -> memref<128xi32, #tpu.memory_space<vmem>>
    %dma_start3A_671 = tpu.memref_slice %arg3[%select_n3A_643, %mul3A_661] : memref<200x4096xi32, #tpu.memory_space<hbm>> -> memref<1x128xi32, #tpu.memory_space<hbm>>
    %dma_start3A_672 = tpu.memref_squeeze %dma_start3A_671 : memref<1x128xi32, #tpu.memory_space<hbm>> -> memref<128xi32, #tpu.memory_space<hbm>>
    tpu.enqueue_dma source(%dma_start3A_672 : memref<128xi32, #tpu.memory_space<hbm>>) target(%dma_start3A_670 : memref<128xi32, #tpu.memory_space<vmem>>) target_semaphore(%arg9 : memref<!tpu.dma_semaphore, #tpu.memory_space<semaphore_mem>>)
    %add3A_673 = arith.constant 3 : i32
    %add3A_674 = arith.addi %mul3A_2, %add3A_673 : i32
    %jit3A_675 = arith.constant 32 : i32
    %div3A_676 = arith.divsi %add3A_674, %jit3A_675 : i32
    %sign3A_677 = arith.constant 0 : i32
    %sign3A_678 = arith.cmpi sgt, %add3A_674, %sign3A_677 : i32
    %sign3A_679 = arith.extui %sign3A_678 : i1 to i32
    %sign3A_680 = arith.constant 0 : i32
    %sign3A_681 = arith.cmpi slt, %add3A_674, %sign3A_680 : i32
    %sign3A_682 = arith.extui %sign3A_681 : i1 to i32
    %sign3A_683 = arith.subi %sign3A_679, %sign3A_682 : i32
    %sign3A_684 = arith.constant 0 : i32
    %sign3A_685 = arith.cmpi sgt, %jit3A_675, %sign3A_684 : i32
    %sign3A_686 = arith.extui %sign3A_685 : i1 to i32
    %sign3A_687 = arith.constant 0 : i32
    %sign3A_688 = arith.cmpi slt, %jit3A_675, %sign3A_687 : i32
    %sign3A_689 = arith.extui %sign3A_688 : i1 to i32
    %sign3A_690 = arith.subi %sign3A_686, %sign3A_689 : i32
    %ne3A_691 = arith.cmpi ne, %sign3A_683, %sign3A_690 : i32
    %rem3A_692 = arith.remsi %add3A_674, %jit3A_675 : i32
    %ne3A_693 = arith.constant 0 : i32
    %ne3A_694 = arith.cmpi ne, %rem3A_692, %ne3A_693 : i32
    %and3A_695 = arith.andi %ne3A_691, %ne3A_694 : i1
    %sub3A_696 = arith.constant 1 : i32
    %sub3A_697 = arith.subi %div3A_676, %sub3A_696 : i32
    %select_n3A_698 = arith.select %and3A_695, %sub3A_697, %div3A_676 : i32
    %jit3A_699 = arith.constant 32 : i32
    %eq3A_700 = arith.constant 0 : i32
    %eq3A_701 = arith.cmpi eq, %jit3A_699, %eq3A_700 : i32
    %jit3A_702 = arith.constant 1 : i32
    %select_n3A_703 = arith.select %eq3A_701, %jit3A_702, %jit3A_699 : i32
    %rem3A_704 = arith.remsi %add3A_674, %select_n3A_703 : i32
    %ne3A_705 = arith.constant 0 : i32
    %ne3A_706 = arith.cmpi ne, %rem3A_704, %ne3A_705 : i32
    %lt3A_707 = arith.constant 0 : i32
    %lt3A_708 = arith.cmpi slt, %rem3A_704, %lt3A_707 : i32
    %lt3A_709 = arith.constant 0 : i32
    %lt3A_710 = arith.cmpi slt, %select_n3A_703, %lt3A_709 : i32
    %ne3A_711 = arith.xori %lt3A_708, %lt3A_710 : i1
    %and3A_712 = arith.andi %ne3A_711, %ne3A_706 : i1
    %add3A_713 = arith.addi %rem3A_704, %select_n3A_703 : i32
    %select_n3A_714 = arith.select %and3A_712, %add3A_713, %rem3A_704 : i32
    %mul3A_715 = arith.constant 128 : i32
    %mul3A_716 = arith.muli %select_n3A_714, %mul3A_715 : i32
    %dma_wait3A_717 = arith.constant 3 : i32
    %dma_wait3A_718 = arith.constant 0 : i32
    %dma_wait3A_719 = tpu.memref_slice %arg5[%dma_wait3A_717, %dma_wait3A_718] : memref<4x128xi32, #tpu.memory_space<vmem>> -> memref<1x128xi32, #tpu.memory_space<vmem>>
    %dma_wait3A_720 = tpu.memref_squeeze %dma_wait3A_719 : memref<1x128xi32, #tpu.memory_space<vmem>> -> memref<128xi32, #tpu.memory_space<vmem>>
    %dma_wait3A_721 = tpu.memref_slice %arg3[%select_n3A_698, %mul3A_716] : memref<200x4096xi32, #tpu.memory_space<hbm>> -> memref<1x128xi32, #tpu.memory_space<hbm>>
    %dma_wait3A_722 = tpu.memref_squeeze %dma_wait3A_721 : memref<1x128xi32, #tpu.memory_space<hbm>> -> memref<128xi32, #tpu.memory_space<hbm>>
    %dma_wait3A_723 = arith.constant 0 : i32
    %dma_wait3A_724 = tpu.memref_slice %arg5[%dma_wait3A_717, %dma_wait3A_723] : memref<4x128xi32, #tpu.memory_space<vmem>> -> memref<1x128xi32, #tpu.memory_space<vmem>>
    %dma_wait3A_725 = tpu.memref_squeeze %dma_wait3A_724 : memref<1x128xi32, #tpu.memory_space<vmem>> -> memref<128xi32, #tpu.memory_space<vmem>>
    %dma_wait3A_726 = tpu.memref_slice %arg3[%select_n3A_698, %mul3A_716] : memref<200x4096xi32, #tpu.memory_space<hbm>> -> memref<1x128xi32, #tpu.memory_space<hbm>>
    %dma_wait3A_727 = tpu.memref_squeeze %dma_wait3A_726 : memref<1x128xi32, #tpu.memory_space<hbm>> -> memref<128xi32, #tpu.memory_space<hbm>>
    tpu.wait_dma2 semaphore(%arg11 : memref<!tpu.dma_semaphore, #tpu.memory_space<semaphore_mem>>) src(%dma_wait3A_727 : memref<128xi32, #tpu.memory_space<hbm>>) dst(%dma_wait3A_725 : memref<128xi32, #tpu.memory_space<vmem>>)
    %dma_start3A_728 = arith.constant 3 : i32
    %dma_start3A_729 = arith.constant 3 : i32
    %dma_start3A_730 = arith.constant 0 : i32
    %dma_start3A_731 = arith.constant 0 : i32
    %dma_start3A_732 = tpu.memref_slice %arg6[%dma_start3A_729, %dma_start3A_730, %dma_start3A_731] : memref<4x128x128xf32, #tpu.memory_space<vmem>> -> memref<1x128x128xf32, #tpu.memory_space<vmem>>
    %dma_start3A_733 = tpu.memref_squeeze %dma_start3A_732 : memref<1x128x128xf32, #tpu.memory_space<vmem>> -> memref<128x128xf32, #tpu.memory_space<vmem>>
    %dma_start3A_734 = arith.constant 0 : i32
    %dma_start3A_735 = tpu.memref_slice %arg5[%dma_start3A_728, %dma_start3A_734] : memref<4x128xi32, #tpu.memory_space<vmem>> -> memref<1x128xi32, #tpu.memory_space<vmem>>
    %dma_start3A_736 = tpu.memref_squeeze %dma_start3A_735 : memref<1x128xi32, #tpu.memory_space<vmem>> -> memref<128xi32, #tpu.memory_space<vmem>>
    %dma_start3A_737 = arith.constant 0 : i32
    %dma_start3A_738 = arith.constant 0 : i32
    %dma_start3A_739 = tpu.memref_slice %arg2[%dma_start3A_737, %dma_start3A_738] : memref<1000000x128xf32, #tpu.memory_space<hbm>> -> memref<1000000x128xf32, #tpu.memory_space<hbm>>
    tpu.enqueue_indirect_dma source(%dma_start3A_739 : memref<1000000x128xf32, #tpu.memory_space<hbm>>) target(%dma_start3A_733 : memref<128x128xf32, #tpu.memory_space<vmem>>) offsets(%dma_start3A_736 : memref<128xi32, #tpu.memory_space<vmem>>) semaphore(%arg15 : memref<!tpu.dma_semaphore, #tpu.memory_space<semaphore_mem>>)
    %dma_wait3A_740 = arith.constant 2 : i32
    %dma_wait3A_741 = arith.constant 2 : i32
    %dma_wait3A_742 = arith.constant 0 : i32
    %dma_wait3A_743 = arith.constant 0 : i32
    %dma_wait3A_744 = tpu.memref_slice %arg6[%dma_wait3A_741, %dma_wait3A_742, %dma_wait3A_743] : memref<4x128x128xf32, #tpu.memory_space<vmem>> -> memref<1x128x128xf32, #tpu.memory_space<vmem>>
    %dma_wait3A_745 = tpu.memref_squeeze %dma_wait3A_744 : memref<1x128x128xf32, #tpu.memory_space<vmem>> -> memref<128x128xf32, #tpu.memory_space<vmem>>
    %dma_wait3A_746 = arith.constant 0 : i32
    %dma_wait3A_747 = tpu.memref_slice %arg5[%dma_wait3A_740, %dma_wait3A_746] : memref<4x128xi32, #tpu.memory_space<vmem>> -> memref<1x128xi32, #tpu.memory_space<vmem>>
    %dma_wait3A_748 = tpu.memref_squeeze %dma_wait3A_747 : memref<1x128xi32, #tpu.memory_space<vmem>> -> memref<128xi32, #tpu.memory_space<vmem>>
    %dma_wait3A_749 = arith.constant 0 : i32
    %dma_wait3A_750 = arith.constant 0 : i32
    %dma_wait3A_751 = tpu.memref_slice %arg2[%dma_wait3A_749, %dma_wait3A_750] : memref<1000000x128xf32, #tpu.memory_space<hbm>> -> memref<1000000x128xf32, #tpu.memory_space<hbm>>
    tpu.wait_indirect_dma semaphore(%arg14 : memref<!tpu.dma_semaphore, #tpu.memory_space<semaphore_mem>>) src(%dma_wait3A_751 : memref<1000000x128xf32, #tpu.memory_space<hbm>>) dst(%dma_wait3A_745 : memref<128x128xf32, #tpu.memory_space<vmem>>)
    %scan3A_752 = arith.constant 0 : i32
    %scan3A_753 = arith.constant 8 : i32
    %scan3A_754 = arith.addi %scan3A_752, %scan3A_753 : i32
    %scan3A_755 = arith.constant 1 : i32
    scf.for %scan3A_2051 = %scan3A_752 to %scan3A_754 step %scan3A_755  : i32 {
      %mul3A_2052 = arith.constant 1 : i32
      %mul3A_2053 = arith.muli %scan3A_2051, %mul3A_2052 : i32
      %add3A_2054 = arith.constant 0 : i32
      %add3A_2055 = arith.addi %add3A_2054, %mul3A_2053 : i32
      %mul3A_2056 = arith.constant 16 : i32
      %mul3A_2057 = arith.muli %add3A_2055, %mul3A_2056 : i32
      %add3A_2058 = vector.broadcast %mul3A_2057 : i32 to vector<16xi32>
      %add3A_2059 = arith.addi %add3A_2058, %iota3A : vector<16xi32>
      %shift_left3A = arith.constant 7 : i32
      %shift_left3A_2060 = vector.broadcast %shift_left3A : i32 to vector<16xi32>
      %shift_left3A_2061 = arith.shli %add3A_2059, %shift_left3A_2060 : vector<16xi32>
      %broadcast_in_dim3A = arith.constant 0 : i32
      %broadcast_in_dim3A_2062 = vector.broadcast %broadcast_in_dim3A : i32 to vector<16xi32>
      %parallel_loop3A = arith.constant 0 : i32
      %parallel_loop3A_2063 = arith.constant 64 : i32
      %parallel_loop3A_2064 = arith.constant 1 : i32
      %parallel_loop3A_2065 = scf.for %parallel_loop3A_2066 = %parallel_loop3A to %parallel_loop3A_2063 step %parallel_loop3A_2064 iter_args(%parallel_loop3A_2067 = %shift_left3A_2061) -> (vector<16xi32>)  : i32 {
        %parallel_loop3A_2068 = arith.constant 2 : i32
        %parallel_loop3A_2069 = arith.constant 0 : i32
        %parallel_loop3A_2070 = arith.constant 0 : i32
        %parallel_loop3A_2071 = tpu.memref_slice %arg6[%parallel_loop3A_2068, %parallel_loop3A_2069, %parallel_loop3A_2070] : memref<4x128x128xf32, #tpu.memory_space<vmem>> -> memref<1x128x128xf32, #tpu.memory_space<vmem>>
        %parallel_loop3A_2072 = tpu.memref_squeeze %parallel_loop3A_2071 : memref<1x128x128xf32, #tpu.memory_space<vmem>> -> memref<128x128xf32, #tpu.memory_space<vmem>>
        %parallel_loop3A_2073 = tpu.vector_load_idx %parallel_loop3A_2072[%broadcast_in_dim3A_2062, %parallel_loop3A_2067] : memref<128x128xf32, #tpu.memory_space<vmem>>[vector<16xi32>, vector<16xi32>], vector<16xf32>,
        %parallel_loop3A_2074 = arith.constant 16 : i32
        %parallel_loop3A_2075 = arith.muli %add3A_2055, %parallel_loop3A_2074 : i32
        %parallel_loop3A_2076 = arith.constant 2 : i32
        %parallel_loop3A_2077 = arith.index_cast %parallel_loop3A_2076 : i32 to index
        %parallel_loop3A_2078 = arith.index_cast %parallel_loop3A_2066 : i32 to index
        %parallel_loop3A_2079 = arith.index_cast %parallel_loop3A_2075 : i32 to index
        %parallel_loop3A_2080 = tpu.vector_load %arg7[%parallel_loop3A_2077, %parallel_loop3A_2078, %parallel_loop3A_2079] {strides = array<i32>} : memref<4x64x128xf32, #tpu.memory_space<vmem>>, vector<16xf32>,
        tpu.vector_store %arg7[%parallel_loop3A_2077, %parallel_loop3A_2078, %parallel_loop3A_2079], %parallel_loop3A_2073 {strides = array<i32>} : memref<4x64x128xf32, #tpu.memory_space<vmem>>, vector<16xf32>,
        %parallel_loop3A_2081 = arith.constant 1 : i32
        %parallel_loop3A_2082 = vector.broadcast %parallel_loop3A_2081 : i32 to vector<16xi32>
        %parallel_loop3A_2083 = arith.addi %parallel_loop3A_2067, %parallel_loop3A_2082 : vector<16xi32>
        scf.yield %parallel_loop3A_2083 : vector<16xi32>
      } {sc.loop_unroll_factor = 16 : i64, sc.parallel_access}
    }
    %scan3A_756 = arith.constant 8 : i32
    %add3A_757 = arith.constant 2 : i32
    %add3A_758 = arith.addi %mul3A_2, %add3A_757 : i32
    %jit3A_759 = arith.constant 32 : i32
    %div3A_760 = arith.divsi %add3A_758, %jit3A_759 : i32
    %sign3A_761 = arith.constant 0 : i32
    %sign3A_762 = arith.cmpi sgt, %add3A_758, %sign3A_761 : i32
    %sign3A_763 = arith.extui %sign3A_762 : i1 to i32
    %sign3A_764 = arith.constant 0 : i32
    %sign3A_765 = arith.cmpi slt, %add3A_758, %sign3A_764 : i32
    %sign3A_766 = arith.extui %sign3A_765 : i1 to i32
    %sign3A_767 = arith.subi %sign3A_763, %sign3A_766 : i32
    %sign3A_768 = arith.constant 0 : i32
    %sign3A_769 = arith.cmpi sgt, %jit3A_759, %sign3A_768 : i32
    %sign3A_770 = arith.extui %sign3A_769 : i1 to i32
    %sign3A_771 = arith.constant 0 : i32
    %sign3A_772 = arith.cmpi slt, %jit3A_759, %sign3A_771 : i32
    %sign3A_773 = arith.extui %sign3A_772 : i1 to i32
    %sign3A_774 = arith.subi %sign3A_770, %sign3A_773 : i32
    %ne3A_775 = arith.cmpi ne, %sign3A_767, %sign3A_774 : i32
    %rem3A_776 = arith.remsi %add3A_758, %jit3A_759 : i32
    %ne3A_777 = arith.constant 0 : i32
    %ne3A_778 = arith.cmpi ne, %rem3A_776, %ne3A_777 : i32
    %and3A_779 = arith.andi %ne3A_775, %ne3A_778 : i1
    %sub3A_780 = arith.constant 1 : i32
    %sub3A_781 = arith.subi %div3A_760, %sub3A_780 : i32
    %select_n3A_782 = arith.select %and3A_779, %sub3A_781, %div3A_760 : i32
    %jit3A_783 = arith.constant 32 : i32
    %eq3A_784 = arith.constant 0 : i32
    %eq3A_785 = arith.cmpi eq, %jit3A_783, %eq3A_784 : i32
    %jit3A_786 = arith.constant 1 : i32
    %select_n3A_787 = arith.select %eq3A_785, %jit3A_786, %jit3A_783 : i32
    %rem3A_788 = arith.remsi %add3A_758, %select_n3A_787 : i32
    %ne3A_789 = arith.constant 0 : i32
    %ne3A_790 = arith.cmpi ne, %rem3A_788, %ne3A_789 : i32
    %lt3A_791 = arith.constant 0 : i32
    %lt3A_792 = arith.cmpi slt, %rem3A_788, %lt3A_791 : i32
    %lt3A_793 = arith.constant 0 : i32
    %lt3A_794 = arith.cmpi slt, %select_n3A_787, %lt3A_793 : i32
    %ne3A_795 = arith.xori %lt3A_792, %lt3A_794 : i1
    %and3A_796 = arith.andi %ne3A_795, %ne3A_790 : i1
    %add3A_797 = arith.addi %rem3A_788, %select_n3A_787 : i32
    %select_n3A_798 = arith.select %and3A_796, %add3A_797, %rem3A_788 : i32
    %mul3A_799 = arith.constant 128 : i32
    %mul3A_800 = arith.muli %select_n3A_798, %mul3A_799 : i32
    %dma_start3A_801 = arith.constant 2 : i32
    %dma_start3A_802 = arith.constant 0 : i32
    %dma_start3A_803 = arith.constant 0 : i32
    %dma_start3A_804 = tpu.memref_slice %arg7[%dma_start3A_801, %dma_start3A_802, %dma_start3A_803] : memref<4x64x128xf32, #tpu.memory_space<vmem>> -> memref<1x64x128xf32, #tpu.memory_space<vmem>>
    %dma_start3A_805 = tpu.memref_squeeze %dma_start3A_804 : memref<1x64x128xf32, #tpu.memory_space<vmem>> -> memref<64x128xf32, #tpu.memory_space<vmem>>
    %dma_start3A_806 = arith.constant 0 : i32
    %dma_start3A_807 = tpu.memref_slice %arg4[%select_n3A_782, %dma_start3A_806, %mul3A_800] : memref<200x64x4096xf32, #tpu.memory_space<hbm>> -> memref<1x64x128xf32, #tpu.memory_space<hbm>>
    %dma_start3A_808 = tpu.memref_squeeze %dma_start3A_807 : memref<1x64x128xf32, #tpu.memory_space<hbm>> -> memref<64x128xf32, #tpu.memory_space<hbm>>
    %dma_start3A_809 = arith.constant 0 : i32
    %dma_start3A_810 = tpu.memref_slice %arg4[%select_n3A_782, %dma_start3A_809, %mul3A_800] : memref<200x64x4096xf32, #tpu.memory_space<hbm>> -> memref<1x64x128xf32, #tpu.memory_space<hbm>>
    %dma_start3A_811 = tpu.memref_squeeze %dma_start3A_810 : memref<1x64x128xf32, #tpu.memory_space<hbm>> -> memref<64x128xf32, #tpu.memory_space<hbm>>
    %dma_start3A_812 = arith.constant 0 : i32
    %dma_start3A_813 = arith.constant 0 : i32
    %dma_start3A_814 = tpu.memref_slice %arg7[%dma_start3A_801, %dma_start3A_812, %dma_start3A_813] : memref<4x64x128xf32, #tpu.memory_space<vmem>> -> memref<1x64x128xf32, #tpu.memory_space<vmem>>
    %dma_start3A_815 = tpu.memref_squeeze %dma_start3A_814 : memref<1x64x128xf32, #tpu.memory_space<vmem>> -> memref<64x128xf32, #tpu.memory_space<vmem>>
    tpu.enqueue_dma source(%dma_start3A_815 : memref<64x128xf32, #tpu.memory_space<vmem>>) target(%dma_start3A_811 : memref<64x128xf32, #tpu.memory_space<hbm>>) target_semaphore(%arg18 : memref<!tpu.dma_semaphore, #tpu.memory_space<semaphore_mem>>)
    %add3A_816 = arith.constant 6 : i32
    %add3A_817 = arith.addi %mul3A_2, %add3A_816 : i32
    %jit3A_818 = arith.constant 32 : i32
    %div3A_819 = arith.divsi %add3A_817, %jit3A_818 : i32
    %sign3A_820 = arith.constant 0 : i32
    %sign3A_821 = arith.cmpi sgt, %add3A_817, %sign3A_820 : i32
    %sign3A_822 = arith.extui %sign3A_821 : i1 to i32
    %sign3A_823 = arith.constant 0 : i32
    %sign3A_824 = arith.cmpi slt, %add3A_817, %sign3A_823 : i32
    %sign3A_825 = arith.extui %sign3A_824 : i1 to i32
    %sign3A_826 = arith.subi %sign3A_822, %sign3A_825 : i32
    %sign3A_827 = arith.constant 0 : i32
    %sign3A_828 = arith.cmpi sgt, %jit3A_818, %sign3A_827 : i32
    %sign3A_829 = arith.extui %sign3A_828 : i1 to i32
    %sign3A_830 = arith.constant 0 : i32
    %sign3A_831 = arith.cmpi slt, %jit3A_818, %sign3A_830 : i32
    %sign3A_832 = arith.extui %sign3A_831 : i1 to i32
    %sign3A_833 = arith.subi %sign3A_829, %sign3A_832 : i32
    %ne3A_834 = arith.cmpi ne, %sign3A_826, %sign3A_833 : i32
    %rem3A_835 = arith.remsi %add3A_817, %jit3A_818 : i32
    %ne3A_836 = arith.constant 0 : i32
    %ne3A_837 = arith.cmpi ne, %rem3A_835, %ne3A_836 : i32
    %and3A_838 = arith.andi %ne3A_834, %ne3A_837 : i1
    %sub3A_839 = arith.constant 1 : i32
    %sub3A_840 = arith.subi %div3A_819, %sub3A_839 : i32
    %select_n3A_841 = arith.select %and3A_838, %sub3A_840, %div3A_819 : i32
    %jit3A_842 = arith.constant 32 : i32
    %eq3A_843 = arith.constant 0 : i32
    %eq3A_844 = arith.cmpi eq, %jit3A_842, %eq3A_843 : i32
    %jit3A_845 = arith.constant 1 : i32
    %select_n3A_846 = arith.select %eq3A_844, %jit3A_845, %jit3A_842 : i32
    %rem3A_847 = arith.remsi %add3A_817, %select_n3A_846 : i32
    %ne3A_848 = arith.constant 0 : i32
    %ne3A_849 = arith.cmpi ne, %rem3A_847, %ne3A_848 : i32
    %lt3A_850 = arith.constant 0 : i32
    %lt3A_851 = arith.cmpi slt, %rem3A_847, %lt3A_850 : i32
    %lt3A_852 = arith.constant 0 : i32
    %lt3A_853 = arith.cmpi slt, %select_n3A_846, %lt3A_852 : i32
    %ne3A_854 = arith.xori %lt3A_851, %lt3A_853 : i1
    %and3A_855 = arith.andi %ne3A_854, %ne3A_849 : i1
    %add3A_856 = arith.addi %rem3A_847, %select_n3A_846 : i32
    %select_n3A_857 = arith.select %and3A_855, %add3A_856, %rem3A_847 : i32
    %mul3A_858 = arith.constant 128 : i32
    %mul3A_859 = arith.muli %select_n3A_857, %mul3A_858 : i32
    %dma_start3A_860 = arith.constant 2 : i32
    %dma_start3A_861 = arith.constant 0 : i32
    %dma_start3A_862 = tpu.memref_slice %arg5[%dma_start3A_860, %dma_start3A_861] : memref<4x128xi32, #tpu.memory_space<vmem>> -> memref<1x128xi32, #tpu.memory_space<vmem>>
    %dma_start3A_863 = tpu.memref_squeeze %dma_start3A_862 : memref<1x128xi32, #tpu.memory_space<vmem>> -> memref<128xi32, #tpu.memory_space<vmem>>
    %dma_start3A_864 = tpu.memref_slice %arg3[%select_n3A_841, %mul3A_859] : memref<200x4096xi32, #tpu.memory_space<hbm>> -> memref<1x128xi32, #tpu.memory_space<hbm>>
    %dma_start3A_865 = tpu.memref_squeeze %dma_start3A_864 : memref<1x128xi32, #tpu.memory_space<hbm>> -> memref<128xi32, #tpu.memory_space<hbm>>
    %dma_start3A_866 = arith.constant 0 : i32
    %dma_start3A_867 = tpu.memref_slice %arg5[%dma_start3A_860, %dma_start3A_866] : memref<4x128xi32, #tpu.memory_space<vmem>> -> memref<1x128xi32, #tpu.memory_space<vmem>>
    %dma_start3A_868 = tpu.memref_squeeze %dma_start3A_867 : memref<1x128xi32, #tpu.memory_space<vmem>> -> memref<128xi32, #tpu.memory_space<vmem>>
    %dma_start3A_869 = tpu.memref_slice %arg3[%select_n3A_841, %mul3A_859] : memref<200x4096xi32, #tpu.memory_space<hbm>> -> memref<1x128xi32, #tpu.memory_space<hbm>>
    %dma_start3A_870 = tpu.memref_squeeze %dma_start3A_869 : memref<1x128xi32, #tpu.memory_space<hbm>> -> memref<128xi32, #tpu.memory_space<hbm>>
    tpu.enqueue_dma source(%dma_start3A_870 : memref<128xi32, #tpu.memory_space<hbm>>) target(%dma_start3A_868 : memref<128xi32, #tpu.memory_space<vmem>>) target_semaphore(%arg10 : memref<!tpu.dma_semaphore, #tpu.memory_space<semaphore_mem>>)
    %add3A_871 = arith.constant 4 : i32
    %add3A_872 = arith.addi %mul3A_2, %add3A_871 : i32
    %jit3A_873 = arith.constant 32 : i32
    %div3A_874 = arith.divsi %add3A_872, %jit3A_873 : i32
    %sign3A_875 = arith.constant 0 : i32
    %sign3A_876 = arith.cmpi sgt, %add3A_872, %sign3A_875 : i32
    %sign3A_877 = arith.extui %sign3A_876 : i1 to i32
    %sign3A_878 = arith.constant 0 : i32
    %sign3A_879 = arith.cmpi slt, %add3A_872, %sign3A_878 : i32
    %sign3A_880 = arith.extui %sign3A_879 : i1 to i32
    %sign3A_881 = arith.subi %sign3A_877, %sign3A_880 : i32
    %sign3A_882 = arith.constant 0 : i32
    %sign3A_883 = arith.cmpi sgt, %jit3A_873, %sign3A_882 : i32
    %sign3A_884 = arith.extui %sign3A_883 : i1 to i32
    %sign3A_885 = arith.constant 0 : i32
    %sign3A_886 = arith.cmpi slt, %jit3A_873, %sign3A_885 : i32
    %sign3A_887 = arith.extui %sign3A_886 : i1 to i32
    %sign3A_888 = arith.subi %sign3A_884, %sign3A_887 : i32
    %ne3A_889 = arith.cmpi ne, %sign3A_881, %sign3A_888 : i32
    %rem3A_890 = arith.remsi %add3A_872, %jit3A_873 : i32
    %ne3A_891 = arith.constant 0 : i32
    %ne3A_892 = arith.cmpi ne, %rem3A_890, %ne3A_891 : i32
    %and3A_893 = arith.andi %ne3A_889, %ne3A_892 : i1
    %sub3A_894 = arith.constant 1 : i32
    %sub3A_895 = arith.subi %div3A_874, %sub3A_894 : i32
    %select_n3A_896 = arith.select %and3A_893, %sub3A_895, %div3A_874 : i32
    %jit3A_897 = arith.constant 32 : i32
    %eq3A_898 = arith.constant 0 : i32
    %eq3A_899 = arith.cmpi eq, %jit3A_897, %eq3A_898 : i32
    %jit3A_900 = arith.constant 1 : i32
    %select_n3A_901 = arith.select %eq3A_899, %jit3A_900, %jit3A_897 : i32
    %rem3A_902 = arith.remsi %add3A_872, %select_n3A_901 : i32
    %ne3A_903 = arith.constant 0 : i32
    %ne3A_904 = arith.cmpi ne, %rem3A_902, %ne3A_903 : i32
    %lt3A_905 = arith.constant 0 : i32
    %lt3A_906 = arith.cmpi slt, %rem3A_902, %lt3A_905 : i32
    %lt3A_907 = arith.constant 0 : i32
    %lt3A_908 = arith.cmpi slt, %select_n3A_901, %lt3A_907 : i32
    %ne3A_909 = arith.xori %lt3A_906, %lt3A_908 : i1
    %and3A_910 = arith.andi %ne3A_909, %ne3A_904 : i1
    %add3A_911 = arith.addi %rem3A_902, %select_n3A_901 : i32
    %select_n3A_912 = arith.select %and3A_910, %add3A_911, %rem3A_902 : i32
    %mul3A_913 = arith.constant 128 : i32
    %mul3A_914 = arith.muli %select_n3A_912, %mul3A_913 : i32
    %dma_wait3A_915 = arith.constant 0 : i32
    %dma_wait3A_916 = arith.constant 0 : i32
    %dma_wait3A_917 = tpu.memref_slice %arg5[%dma_wait3A_915, %dma_wait3A_916] : memref<4x128xi32, #tpu.memory_space<vmem>> -> memref<1x128xi32, #tpu.memory_space<vmem>>
    %dma_wait3A_918 = tpu.memref_squeeze %dma_wait3A_917 : memref<1x128xi32, #tpu.memory_space<vmem>> -> memref<128xi32, #tpu.memory_space<vmem>>
    %dma_wait3A_919 = tpu.memref_slice %arg3[%select_n3A_896, %mul3A_914] : memref<200x4096xi32, #tpu.memory_space<hbm>> -> memref<1x128xi32, #tpu.memory_space<hbm>>
    %dma_wait3A_920 = tpu.memref_squeeze %dma_wait3A_919 : memref<1x128xi32, #tpu.memory_space<hbm>> -> memref<128xi32, #tpu.memory_space<hbm>>
    %dma_wait3A_921 = arith.constant 0 : i32
    %dma_wait3A_922 = tpu.memref_slice %arg5[%dma_wait3A_915, %dma_wait3A_921] : memref<4x128xi32, #tpu.memory_space<vmem>> -> memref<1x128xi32, #tpu.memory_space<vmem>>
    %dma_wait3A_923 = tpu.memref_squeeze %dma_wait3A_922 : memref<1x128xi32, #tpu.memory_space<vmem>> -> memref<128xi32, #tpu.memory_space<vmem>>
    %dma_wait3A_924 = tpu.memref_slice %arg3[%select_n3A_896, %mul3A_914] : memref<200x4096xi32, #tpu.memory_space<hbm>> -> memref<1x128xi32, #tpu.memory_space<hbm>>
    %dma_wait3A_925 = tpu.memref_squeeze %dma_wait3A_924 : memref<1x128xi32, #tpu.memory_space<hbm>> -> memref<128xi32, #tpu.memory_space<hbm>>
    tpu.wait_dma2 semaphore(%arg8 : memref<!tpu.dma_semaphore, #tpu.memory_space<semaphore_mem>>) src(%dma_wait3A_925 : memref<128xi32, #tpu.memory_space<hbm>>) dst(%dma_wait3A_923 : memref<128xi32, #tpu.memory_space<vmem>>)
    %dma_start3A_926 = arith.constant 0 : i32
    %dma_start3A_927 = arith.constant 0 : i32
    %dma_start3A_928 = arith.constant 0 : i32
    %dma_start3A_929 = arith.constant 0 : i32
    %dma_start3A_930 = tpu.memref_slice %arg6[%dma_start3A_927, %dma_start3A_928, %dma_start3A_929] : memref<4x128x128xf32, #tpu.memory_space<vmem>> -> memref<1x128x128xf32, #tpu.memory_space<vmem>>
    %dma_start3A_931 = tpu.memref_squeeze %dma_start3A_930 : memref<1x128x128xf32, #tpu.memory_space<vmem>> -> memref<128x128xf32, #tpu.memory_space<vmem>>
    %dma_start3A_932 = arith.constant 0 : i32
    %dma_start3A_933 = tpu.memref_slice %arg5[%dma_start3A_926, %dma_start3A_932] : memref<4x128xi32, #tpu.memory_space<vmem>> -> memref<1x128xi32, #tpu.memory_space<vmem>>
    %dma_start3A_934 = tpu.memref_squeeze %dma_start3A_933 : memref<1x128xi32, #tpu.memory_space<vmem>> -> memref<128xi32, #tpu.memory_space<vmem>>
    %dma_start3A_935 = arith.constant 0 : i32
    %dma_start3A_936 = arith.constant 0 : i32
    %dma_start3A_937 = tpu.memref_slice %arg2[%dma_start3A_935, %dma_start3A_936] : memref<1000000x128xf32, #tpu.memory_space<hbm>> -> memref<1000000x128xf32, #tpu.memory_space<hbm>>
    tpu.enqueue_indirect_dma source(%dma_start3A_937 : memref<1000000x128xf32, #tpu.memory_space<hbm>>) target(%dma_start3A_931 : memref<128x128xf32, #tpu.memory_space<vmem>>) offsets(%dma_start3A_934 : memref<128xi32, #tpu.memory_space<vmem>>) semaphore(%arg12 : memref<!tpu.dma_semaphore, #tpu.memory_space<semaphore_mem>>)
    %dma_wait3A_938 = arith.constant 3 : i32
    %dma_wait3A_939 = arith.constant 3 : i32
    %dma_wait3A_940 = arith.constant 0 : i32
    %dma_wait3A_941 = arith.constant 0 : i32
    %dma_wait3A_942 = tpu.memref_slice %arg6[%dma_wait3A_939, %dma_wait3A_940, %dma_wait3A_941] : memref<4x128x128xf32, #tpu.memory_space<vmem>> -> memref<1x128x128xf32, #tpu.memory_space<vmem>>
    %dma_wait3A_943 = tpu.memref_squeeze %dma_wait3A_942 : memref<1x128x128xf32, #tpu.memory_space<vmem>> -> memref<128x128xf32, #tpu.memory_space<vmem>>
    %dma_wait3A_944 = arith.constant 0 : i32
    %dma_wait3A_945 = tpu.memref_slice %arg5[%dma_wait3A_938, %dma_wait3A_944] : memref<4x128xi32, #tpu.memory_space<vmem>> -> memref<1x128xi32, #tpu.memory_space<vmem>>
    %dma_wait3A_946 = tpu.memref_squeeze %dma_wait3A_945 : memref<1x128xi32, #tpu.memory_space<vmem>> -> memref<128xi32, #tpu.memory_space<vmem>>
    %dma_wait3A_947 = arith.constant 0 : i32
    %dma_wait3A_948 = arith.constant 0 : i32
    %dma_wait3A_949 = tpu.memref_slice %arg2[%dma_wait3A_947, %dma_wait3A_948] : memref<1000000x128xf32, #tpu.memory_space<hbm>> -> memref<1000000x128xf32, #tpu.memory_space<hbm>>
    tpu.wait_indirect_dma semaphore(%arg15 : memref<!tpu.dma_semaphore, #tpu.memory_space<semaphore_mem>>) src(%dma_wait3A_949 : memref<1000000x128xf32, #tpu.memory_space<hbm>>) dst(%dma_wait3A_943 : memref<128x128xf32, #tpu.memory_space<vmem>>)
    %scan3A_950 = arith.constant 0 : i32
    %scan3A_951 = arith.constant 8 : i32
    %scan3A_952 = arith.addi %scan3A_950, %scan3A_951 : i32
    %scan3A_953 = arith.constant 1 : i32
    scf.for %scan3A_2051 = %scan3A_950 to %scan3A_952 step %scan3A_953  : i32 {
      %mul3A_2052 = arith.constant 1 : i32
      %mul3A_2053 = arith.muli %scan3A_2051, %mul3A_2052 : i32
      %add3A_2054 = arith.constant 0 : i32
      %add3A_2055 = arith.addi %add3A_2054, %mul3A_2053 : i32
      %mul3A_2056 = arith.constant 16 : i32
      %mul3A_2057 = arith.muli %add3A_2055, %mul3A_2056 : i32
      %add3A_2058 = vector.broadcast %mul3A_2057 : i32 to vector<16xi32>
      %add3A_2059 = arith.addi %add3A_2058, %iota3A : vector<16xi32>
      %shift_left3A = arith.constant 7 : i32
      %shift_left3A_2060 = vector.broadcast %shift_left3A : i32 to vector<16xi32>
      %shift_left3A_2061 = arith.shli %add3A_2059, %shift_left3A_2060 : vector<16xi32>
      %broadcast_in_dim3A = arith.constant 0 : i32
      %broadcast_in_dim3A_2062 = vector.broadcast %broadcast_in_dim3A : i32 to vector<16xi32>
      %parallel_loop3A = arith.constant 0 : i32
      %parallel_loop3A_2063 = arith.constant 64 : i32
      %parallel_loop3A_2064 = arith.constant 1 : i32
      %parallel_loop3A_2065 = scf.for %parallel_loop3A_2066 = %parallel_loop3A to %parallel_loop3A_2063 step %parallel_loop3A_2064 iter_args(%parallel_loop3A_2067 = %shift_left3A_2061) -> (vector<16xi32>)  : i32 {
        %parallel_loop3A_2068 = arith.constant 3 : i32
        %parallel_loop3A_2069 = arith.constant 0 : i32
        %parallel_loop3A_2070 = arith.constant 0 : i32
        %parallel_loop3A_2071 = tpu.memref_slice %arg6[%parallel_loop3A_2068, %parallel_loop3A_2069, %parallel_loop3A_2070] : memref<4x128x128xf32, #tpu.memory_space<vmem>> -> memref<1x128x128xf32, #tpu.memory_space<vmem>>
        %parallel_loop3A_2072 = tpu.memref_squeeze %parallel_loop3A_2071 : memref<1x128x128xf32, #tpu.memory_space<vmem>> -> memref<128x128xf32, #tpu.memory_space<vmem>>
        %parallel_loop3A_2073 = tpu.vector_load_idx %parallel_loop3A_2072[%broadcast_in_dim3A_2062, %parallel_loop3A_2067] : memref<128x128xf32, #tpu.memory_space<vmem>>[vector<16xi32>, vector<16xi32>], vector<16xf32>,
        %parallel_loop3A_2074 = arith.constant 16 : i32
        %parallel_loop3A_2075 = arith.muli %add3A_2055, %parallel_loop3A_2074 : i32
        %parallel_loop3A_2076 = arith.constant 3 : i32
        %parallel_loop3A_2077 = arith.index_cast %parallel_loop3A_2076 : i32 to index
        %parallel_loop3A_2078 = arith.index_cast %parallel_loop3A_2066 : i32 to index
        %parallel_loop3A_2079 = arith.index_cast %parallel_loop3A_2075 : i32 to index
        %parallel_loop3A_2080 = tpu.vector_load %arg7[%parallel_loop3A_2077, %parallel_loop3A_2078, %parallel_loop3A_2079] {strides = array<i32>} : memref<4x64x128xf32, #tpu.memory_space<vmem>>, vector<16xf32>,
        tpu.vector_store %arg7[%parallel_loop3A_2077, %parallel_loop3A_2078, %parallel_loop3A_2079], %parallel_loop3A_2073 {strides = array<i32>} : memref<4x64x128xf32, #tpu.memory_space<vmem>>, vector<16xf32>,
        %parallel_loop3A_2081 = arith.constant 1 : i32
        %parallel_loop3A_2082 = vector.broadcast %parallel_loop3A_2081 : i32 to vector<16xi32>
        %parallel_loop3A_2083 = arith.addi %parallel_loop3A_2067, %parallel_loop3A_2082 : vector<16xi32>
        scf.yield %parallel_loop3A_2083 : vector<16xi32>
      } {sc.loop_unroll_factor = 16 : i64, sc.parallel_access}
    }
    %scan3A_954 = arith.constant 8 : i32
    %add3A_955 = arith.constant 3 : i32
    %add3A_956 = arith.addi %mul3A_2, %add3A_955 : i32
    %jit3A_957 = arith.constant 32 : i32
    %div3A_958 = arith.divsi %add3A_956, %jit3A_957 : i32
    %sign3A_959 = arith.constant 0 : i32
    %sign3A_960 = arith.cmpi sgt, %add3A_956, %sign3A_959 : i32
    %sign3A_961 = arith.extui %sign3A_960 : i1 to i32
    %sign3A_962 = arith.constant 0 : i32
    %sign3A_963 = arith.cmpi slt, %add3A_956, %sign3A_962 : i32
    %sign3A_964 = arith.extui %sign3A_963 : i1 to i32
    %sign3A_965 = arith.subi %sign3A_961, %sign3A_964 : i32
    %sign3A_966 = arith.constant 0 : i32
    %sign3A_967 = arith.cmpi sgt, %jit3A_957, %sign3A_966 : i32
    %sign3A_968 = arith.extui %sign3A_967 : i1 to i32
    %sign3A_969 = arith.constant 0 : i32
    %sign3A_970 = arith.cmpi slt, %jit3A_957, %sign3A_969 : i32
    %sign3A_971 = arith.extui %sign3A_970 : i1 to i32
    %sign3A_972 = arith.subi %sign3A_968, %sign3A_971 : i32
    %ne3A_973 = arith.cmpi ne, %sign3A_965, %sign3A_972 : i32
    %rem3A_974 = arith.remsi %add3A_956, %jit3A_957 : i32
    %ne3A_975 = arith.constant 0 : i32
    %ne3A_976 = arith.cmpi ne, %rem3A_974, %ne3A_975 : i32
    %and3A_977 = arith.andi %ne3A_973, %ne3A_976 : i1
    %sub3A_978 = arith.constant 1 : i32
    %sub3A_979 = arith.subi %div3A_958, %sub3A_978 : i32
    %select_n3A_980 = arith.select %and3A_977, %sub3A_979, %div3A_958 : i32
    %jit3A_981 = arith.constant 32 : i32
    %eq3A_982 = arith.constant 0 : i32
    %eq3A_983 = arith.cmpi eq, %jit3A_981, %eq3A_982 : i32
    %jit3A_984 = arith.constant 1 : i32
    %select_n3A_985 = arith.select %eq3A_983, %jit3A_984, %jit3A_981 : i32
    %rem3A_986 = arith.remsi %add3A_956, %select_n3A_985 : i32
    %ne3A_987 = arith.constant 0 : i32
    %ne3A_988 = arith.cmpi ne, %rem3A_986, %ne3A_987 : i32
    %lt3A_989 = arith.constant 0 : i32
    %lt3A_990 = arith.cmpi slt, %rem3A_986, %lt3A_989 : i32
    %lt3A_991 = arith.constant 0 : i32
    %lt3A_992 = arith.cmpi slt, %select_n3A_985, %lt3A_991 : i32
    %ne3A_993 = arith.xori %lt3A_990, %lt3A_992 : i1
    %and3A_994 = arith.andi %ne3A_993, %ne3A_988 : i1
    %add3A_995 = arith.addi %rem3A_986, %select_n3A_985 : i32
    %select_n3A_996 = arith.select %and3A_994, %add3A_995, %rem3A_986 : i32
    %mul3A_997 = arith.constant 128 : i32
    %mul3A_998 = arith.muli %select_n3A_996, %mul3A_997 : i32
    %dma_start3A_999 = arith.constant 3 : i32
    %dma_start3A_1000 = arith.constant 0 : i32
    %dma_start3A_1001 = arith.constant 0 : i32
    %dma_start3A_1002 = tpu.memref_slice %arg7[%dma_start3A_999, %dma_start3A_1000, %dma_start3A_1001] : memref<4x64x128xf32, #tpu.memory_space<vmem>> -> memref<1x64x128xf32, #tpu.memory_space<vmem>>
    %dma_start3A_1003 = tpu.memref_squeeze %dma_start3A_1002 : memref<1x64x128xf32, #tpu.memory_space<vmem>> -> memref<64x128xf32, #tpu.memory_space<vmem>>
    %dma_start3A_1004 = arith.constant 0 : i32
    %dma_start3A_1005 = tpu.memref_slice %arg4[%select_n3A_980, %dma_start3A_1004, %mul3A_998] : memref<200x64x4096xf32, #tpu.memory_space<hbm>> -> memref<1x64x128xf32, #tpu.memory_space<hbm>>
    %dma_start3A_1006 = tpu.memref_squeeze %dma_start3A_1005 : memref<1x64x128xf32, #tpu.memory_space<hbm>> -> memref<64x128xf32, #tpu.memory_space<hbm>>
    %dma_start3A_1007 = arith.constant 0 : i32
    %dma_start3A_1008 = tpu.memref_slice %arg4[%select_n3A_980, %dma_start3A_1007, %mul3A_998] : memref<200x64x4096xf32, #tpu.memory_space<hbm>> -> memref<1x64x128xf32, #tpu.memory_space<hbm>>
    %dma_start3A_1009 = tpu.memref_squeeze %dma_start3A_1008 : memref<1x64x128xf32, #tpu.memory_space<hbm>> -> memref<64x128xf32, #tpu.memory_space<hbm>>
    %dma_start3A_1010 = arith.constant 0 : i32
    %dma_start3A_1011 = arith.constant 0 : i32
    %dma_start3A_1012 = tpu.memref_slice %arg7[%dma_start3A_999, %dma_start3A_1010, %dma_start3A_1011] : memref<4x64x128xf32, #tpu.memory_space<vmem>> -> memref<1x64x128xf32, #tpu.memory_space<vmem>>
    %dma_start3A_1013 = tpu.memref_squeeze %dma_start3A_1012 : memref<1x64x128xf32, #tpu.memory_space<vmem>> -> memref<64x128xf32, #tpu.memory_space<vmem>>
    tpu.enqueue_dma source(%dma_start3A_1013 : memref<64x128xf32, #tpu.memory_space<vmem>>) target(%dma_start3A_1009 : memref<64x128xf32, #tpu.memory_space<hbm>>) target_semaphore(%arg19 : memref<!tpu.dma_semaphore, #tpu.memory_space<semaphore_mem>>)
    %add3A_1014 = arith.constant 7 : i32
    %add3A_1015 = arith.addi %mul3A_2, %add3A_1014 : i32
    %jit3A_1016 = arith.constant 32 : i32
    %div3A_1017 = arith.divsi %add3A_1015, %jit3A_1016 : i32
    %sign3A_1018 = arith.constant 0 : i32
    %sign3A_1019 = arith.cmpi sgt, %add3A_1015, %sign3A_1018 : i32
    %sign3A_1020 = arith.extui %sign3A_1019 : i1 to i32
    %sign3A_1021 = arith.constant 0 : i32
    %sign3A_1022 = arith.cmpi slt, %add3A_1015, %sign3A_1021 : i32
    %sign3A_1023 = arith.extui %sign3A_1022 : i1 to i32
    %sign3A_1024 = arith.subi %sign3A_1020, %sign3A_1023 : i32
    %sign3A_1025 = arith.constant 0 : i32
    %sign3A_1026 = arith.cmpi sgt, %jit3A_1016, %sign3A_1025 : i32
    %sign3A_1027 = arith.extui %sign3A_1026 : i1 to i32
    %sign3A_1028 = arith.constant 0 : i32
    %sign3A_1029 = arith.cmpi slt, %jit3A_1016, %sign3A_1028 : i32
    %sign3A_1030 = arith.extui %sign3A_1029 : i1 to i32
    %sign3A_1031 = arith.subi %sign3A_1027, %sign3A_1030 : i32
    %ne3A_1032 = arith.cmpi ne, %sign3A_1024, %sign3A_1031 : i32
    %rem3A_1033 = arith.remsi %add3A_1015, %jit3A_1016 : i32
    %ne3A_1034 = arith.constant 0 : i32
    %ne3A_1035 = arith.cmpi ne, %rem3A_1033, %ne3A_1034 : i32
    %and3A_1036 = arith.andi %ne3A_1032, %ne3A_1035 : i1
    %sub3A_1037 = arith.constant 1 : i32
    %sub3A_1038 = arith.subi %div3A_1017, %sub3A_1037 : i32
    %select_n3A_1039 = arith.select %and3A_1036, %sub3A_1038, %div3A_1017 : i32
    %jit3A_1040 = arith.constant 32 : i32
    %eq3A_1041 = arith.constant 0 : i32
    %eq3A_1042 = arith.cmpi eq, %jit3A_1040, %eq3A_1041 : i32
    %jit3A_1043 = arith.constant 1 : i32
    %select_n3A_1044 = arith.select %eq3A_1042, %jit3A_1043, %jit3A_1040 : i32
    %rem3A_1045 = arith.remsi %add3A_1015, %select_n3A_1044 : i32
    %ne3A_1046 = arith.constant 0 : i32
    %ne3A_1047 = arith.cmpi ne, %rem3A_1045, %ne3A_1046 : i32
    %lt3A_1048 = arith.constant 0 : i32
    %lt3A_1049 = arith.cmpi slt, %rem3A_1045, %lt3A_1048 : i32
    %lt3A_1050 = arith.constant 0 : i32
    %lt3A_1051 = arith.cmpi slt, %select_n3A_1044, %lt3A_1050 : i32
    %ne3A_1052 = arith.xori %lt3A_1049, %lt3A_1051 : i1
    %and3A_1053 = arith.andi %ne3A_1052, %ne3A_1047 : i1
    %add3A_1054 = arith.addi %rem3A_1045, %select_n3A_1044 : i32
    %select_n3A_1055 = arith.select %and3A_1053, %add3A_1054, %rem3A_1045 : i32
    %mul3A_1056 = arith.constant 128 : i32
    %mul3A_1057 = arith.muli %select_n3A_1055, %mul3A_1056 : i32
    %dma_start3A_1058 = arith.constant 3 : i32
    %dma_start3A_1059 = arith.constant 0 : i32
    %dma_start3A_1060 = tpu.memref_slice %arg5[%dma_start3A_1058, %dma_start3A_1059] : memref<4x128xi32, #tpu.memory_space<vmem>> -> memref<1x128xi32, #tpu.memory_space<vmem>>
    %dma_start3A_1061 = tpu.memref_squeeze %dma_start3A_1060 : memref<1x128xi32, #tpu.memory_space<vmem>> -> memref<128xi32, #tpu.memory_space<vmem>>
    %dma_start3A_1062 = tpu.memref_slice %arg3[%select_n3A_1039, %mul3A_1057] : memref<200x4096xi32, #tpu.memory_space<hbm>> -> memref<1x128xi32, #tpu.memory_space<hbm>>
    %dma_start3A_1063 = tpu.memref_squeeze %dma_start3A_1062 : memref<1x128xi32, #tpu.memory_space<hbm>> -> memref<128xi32, #tpu.memory_space<hbm>>
    %dma_start3A_1064 = arith.constant 0 : i32
    %dma_start3A_1065 = tpu.memref_slice %arg5[%dma_start3A_1058, %dma_start3A_1064] : memref<4x128xi32, #tpu.memory_space<vmem>> -> memref<1x128xi32, #tpu.memory_space<vmem>>
    %dma_start3A_1066 = tpu.memref_squeeze %dma_start3A_1065 : memref<1x128xi32, #tpu.memory_space<vmem>> -> memref<128xi32, #tpu.memory_space<vmem>>
    %dma_start3A_1067 = tpu.memref_slice %arg3[%select_n3A_1039, %mul3A_1057] : memref<200x4096xi32, #tpu.memory_space<hbm>> -> memref<1x128xi32, #tpu.memory_space<hbm>>
    %dma_start3A_1068 = tpu.memref_squeeze %dma_start3A_1067 : memref<1x128xi32, #tpu.memory_space<hbm>> -> memref<128xi32, #tpu.memory_space<hbm>>
    tpu.enqueue_dma source(%dma_start3A_1068 : memref<128xi32, #tpu.memory_space<hbm>>) target(%dma_start3A_1066 : memref<128xi32, #tpu.memory_space<vmem>>) target_semaphore(%arg11 : memref<!tpu.dma_semaphore, #tpu.memory_space<semaphore_mem>>)
    %add3A_1069 = arith.constant 5 : i32
    %add3A_1070 = arith.addi %mul3A_2, %add3A_1069 : i32
    %jit3A_1071 = arith.constant 32 : i32
    %div3A_1072 = arith.divsi %add3A_1070, %jit3A_1071 : i32
    %sign3A_1073 = arith.constant 0 : i32
    %sign3A_1074 = arith.cmpi sgt, %add3A_1070, %sign3A_1073 : i32
    %sign3A_1075 = arith.extui %sign3A_1074 : i1 to i32
    %sign3A_1076 = arith.constant 0 : i32
    %sign3A_1077 = arith.cmpi slt, %add3A_1070, %sign3A_1076 : i32
    %sign3A_1078 = arith.extui %sign3A_1077 : i1 to i32
    %sign3A_1079 = arith.subi %sign3A_1075, %sign3A_1078 : i32
    %sign3A_1080 = arith.constant 0 : i32
    %sign3A_1081 = arith.cmpi sgt, %jit3A_1071, %sign3A_1080 : i32
    %sign3A_1082 = arith.extui %sign3A_1081 : i1 to i32
    %sign3A_1083 = arith.constant 0 : i32
    %sign3A_1084 = arith.cmpi slt, %jit3A_1071, %sign3A_1083 : i32
    %sign3A_1085 = arith.extui %sign3A_1084 : i1 to i32
    %sign3A_1086 = arith.subi %sign3A_1082, %sign3A_1085 : i32
    %ne3A_1087 = arith.cmpi ne, %sign3A_1079, %sign3A_1086 : i32
    %rem3A_1088 = arith.remsi %add3A_1070, %jit3A_1071 : i32
    %ne3A_1089 = arith.constant 0 : i32
    %ne3A_1090 = arith.cmpi ne, %rem3A_1088, %ne3A_1089 : i32
    %and3A_1091 = arith.andi %ne3A_1087, %ne3A_1090 : i1
    %sub3A_1092 = arith.constant 1 : i32
    %sub3A_1093 = arith.subi %div3A_1072, %sub3A_1092 : i32
    %select_n3A_1094 = arith.select %and3A_1091, %sub3A_1093, %div3A_1072 : i32
    %jit3A_1095 = arith.constant 32 : i32
    %eq3A_1096 = arith.constant 0 : i32
    %eq3A_1097 = arith.cmpi eq, %jit3A_1095, %eq3A_1096 : i32
    %jit3A_1098 = arith.constant 1 : i32
    %select_n3A_1099 = arith.select %eq3A_1097, %jit3A_1098, %jit3A_1095 : i32
    %rem3A_1100 = arith.remsi %add3A_1070, %select_n3A_1099 : i32
    %ne3A_1101 = arith.constant 0 : i32
    %ne3A_1102 = arith.cmpi ne, %rem3A_1100, %ne3A_1101 : i32
    %lt3A_1103 = arith.constant 0 : i32
    %lt3A_1104 = arith.cmpi slt, %rem3A_1100, %lt3A_1103 : i32
    %lt3A_1105 = arith.constant 0 : i32
    %lt3A_1106 = arith.cmpi slt, %select_n3A_1099, %lt3A_1105 : i32
    %ne3A_1107 = arith.xori %lt3A_1104, %lt3A_1106 : i1
    %and3A_1108 = arith.andi %ne3A_1107, %ne3A_1102 : i1
    %add3A_1109 = arith.addi %rem3A_1100, %select_n3A_1099 : i32
    %select_n3A_1110 = arith.select %and3A_1108, %add3A_1109, %rem3A_1100 : i32
    %mul3A_1111 = arith.constant 128 : i32
    %mul3A_1112 = arith.muli %select_n3A_1110, %mul3A_1111 : i32
    %dma_wait3A_1113 = arith.constant 1 : i32
    %dma_wait3A_1114 = arith.constant 0 : i32
    %dma_wait3A_1115 = tpu.memref_slice %arg5[%dma_wait3A_1113, %dma_wait3A_1114] : memref<4x128xi32, #tpu.memory_space<vmem>> -> memref<1x128xi32, #tpu.memory_space<vmem>>
    %dma_wait3A_1116 = tpu.memref_squeeze %dma_wait3A_1115 : memref<1x128xi32, #tpu.memory_space<vmem>> -> memref<128xi32, #tpu.memory_space<vmem>>
    %dma_wait3A_1117 = tpu.memref_slice %arg3[%select_n3A_1094, %mul3A_1112] : memref<200x4096xi32, #tpu.memory_space<hbm>> -> memref<1x128xi32, #tpu.memory_space<hbm>>
    %dma_wait3A_1118 = tpu.memref_squeeze %dma_wait3A_1117 : memref<1x128xi32, #tpu.memory_space<hbm>> -> memref<128xi32, #tpu.memory_space<hbm>>
    %dma_wait3A_1119 = arith.constant 0 : i32
    %dma_wait3A_1120 = tpu.memref_slice %arg5[%dma_wait3A_1113, %dma_wait3A_1119] : memref<4x128xi32, #tpu.memory_space<vmem>> -> memref<1x128xi32, #tpu.memory_space<vmem>>
    %dma_wait3A_1121 = tpu.memref_squeeze %dma_wait3A_1120 : memref<1x128xi32, #tpu.memory_space<vmem>> -> memref<128xi32, #tpu.memory_space<vmem>>
    %dma_wait3A_1122 = tpu.memref_slice %arg3[%select_n3A_1094, %mul3A_1112] : memref<200x4096xi32, #tpu.memory_space<hbm>> -> memref<1x128xi32, #tpu.memory_space<hbm>>
    %dma_wait3A_1123 = tpu.memref_squeeze %dma_wait3A_1122 : memref<1x128xi32, #tpu.memory_space<hbm>> -> memref<128xi32, #tpu.memory_space<hbm>>
    tpu.wait_dma2 semaphore(%arg9 : memref<!tpu.dma_semaphore, #tpu.memory_space<semaphore_mem>>) src(%dma_wait3A_1123 : memref<128xi32, #tpu.memory_space<hbm>>) dst(%dma_wait3A_1121 : memref<128xi32, #tpu.memory_space<vmem>>)
    %dma_start3A_1124 = arith.constant 1 : i32
    %dma_start3A_1125 = arith.constant 1 : i32
    %dma_start3A_1126 = arith.constant 0 : i32
    %dma_start3A_1127 = arith.constant 0 : i32
    %dma_start3A_1128 = tpu.memref_slice %arg6[%dma_start3A_1125, %dma_start3A_1126, %dma_start3A_1127] : memref<4x128x128xf32, #tpu.memory_space<vmem>> -> memref<1x128x128xf32, #tpu.memory_space<vmem>>
    %dma_start3A_1129 = tpu.memref_squeeze %dma_start3A_1128 : memref<1x128x128xf32, #tpu.memory_space<vmem>> -> memref<128x128xf32, #tpu.memory_space<vmem>>
    %dma_start3A_1130 = arith.constant 0 : i32
    %dma_start3A_1131 = tpu.memref_slice %arg5[%dma_start3A_1124, %dma_start3A_1130] : memref<4x128xi32, #tpu.memory_space<vmem>> -> memref<1x128xi32, #tpu.memory_space<vmem>>
    %dma_start3A_1132 = tpu.memref_squeeze %dma_start3A_1131 : memref<1x128xi32, #tpu.memory_space<vmem>> -> memref<128xi32, #tpu.memory_space<vmem>>
    %dma_start3A_1133 = arith.constant 0 : i32
    %dma_start3A_1134 = arith.constant 0 : i32
    %dma_start3A_1135 = tpu.memref_slice %arg2[%dma_start3A_1133, %dma_start3A_1134] : memref<1000000x128xf32, #tpu.memory_space<hbm>> -> memref<1000000x128xf32, #tpu.memory_space<hbm>>
    tpu.enqueue_indirect_dma source(%dma_start3A_1135 : memref<1000000x128xf32, #tpu.memory_space<hbm>>) target(%dma_start3A_1129 : memref<128x128xf32, #tpu.memory_space<vmem>>) offsets(%dma_start3A_1132 : memref<128xi32, #tpu.memory_space<vmem>>) semaphore(%arg13 : memref<!tpu.dma_semaphore, #tpu.memory_space<semaphore_mem>>)
    %scan3A_1136 = arith.constant 0 : i32
    %scan3A_1137 = arith.constant 48 : i32
    %scan3A_1138 = arith.addi %scan3A_1136, %scan3A_1137 : i32
    %scan3A_1139 = arith.constant 1 : i32
    scf.for %scan3A_2051 = %scan3A_1136 to %scan3A_1138 step %scan3A_1139  : i32 {
      %mul3A_2052 = arith.constant 4 : i32
      %mul3A_2053 = arith.muli %scan3A_2051, %mul3A_2052 : i32
      %add3A_2054 = arith.constant 4 : i32
      %add3A_2055 = arith.addi %add3A_2054, %mul3A_2053 : i32
      %add3A_2056 = arith.constant 0 : i32
      %add3A_2057 = arith.addi %add3A_2055, %add3A_2056 : i32
      %dma_wait3A_2058 = arith.constant 0 : i32
      %dma_wait3A_2059 = arith.constant 0 : i32
      %dma_wait3A_2060 = arith.constant 0 : i32
      %dma_wait3A_2061 = arith.constant 0 : i32
      %dma_wait3A_2062 = tpu.memref_slice %arg6[%dma_wait3A_2059, %dma_wait3A_2060, %dma_wait3A_2061] : memref<4x128x128xf32, #tpu.memory_space<vmem>> -> memref<1x128x128xf32, #tpu.memory_space<vmem>>
      %dma_wait3A_2063 = tpu.memref_squeeze %dma_wait3A_2062 : memref<1x128x128xf32, #tpu.memory_space<vmem>> -> memref<128x128xf32, #tpu.memory_space<vmem>>
      %dma_wait3A_2064 = arith.constant 0 : i32
      %dma_wait3A_2065 = tpu.memref_slice %arg5[%dma_wait3A_2058, %dma_wait3A_2064] : memref<4x128xi32, #tpu.memory_space<vmem>> -> memref<1x128xi32, #tpu.memory_space<vmem>>
      %dma_wait3A_2066 = tpu.memref_squeeze %dma_wait3A_2065 : memref<1x128xi32, #tpu.memory_space<vmem>> -> memref<128xi32, #tpu.memory_space<vmem>>
      %dma_wait3A_2067 = arith.constant 0 : i32
      %dma_wait3A_2068 = arith.constant 0 : i32
      %dma_wait3A_2069 = tpu.memref_slice %arg2[%dma_wait3A_2067, %dma_wait3A_2068] : memref<1000000x128xf32, #tpu.memory_space<hbm>> -> memref<1000000x128xf32, #tpu.memory_space<hbm>>
      tpu.wait_indirect_dma semaphore(%arg12 : memref<!tpu.dma_semaphore, #tpu.memory_space<semaphore_mem>>) src(%dma_wait3A_2069 : memref<1000000x128xf32, #tpu.memory_space<hbm>>) dst(%dma_wait3A_2063 : memref<128x128xf32, #tpu.memory_space<vmem>>)
      %sub3A_2070 = arith.constant 4 : i32
      %sub3A_2071 = arith.subi %add3A_2057, %sub3A_2070 : i32
      %add3A_2072 = arith.addi %mul3A_2, %sub3A_2071 : i32
      %jit3A_2073 = arith.constant 32 : i32
      %div3A_2074 = arith.divsi %add3A_2072, %jit3A_2073 : i32
      %sign3A_2075 = arith.constant 0 : i32
      %sign3A_2076 = arith.cmpi sgt, %add3A_2072, %sign3A_2075 : i32
      %sign3A_2077 = arith.extui %sign3A_2076 : i1 to i32
      %sign3A_2078 = arith.constant 0 : i32
      %sign3A_2079 = arith.cmpi slt, %add3A_2072, %sign3A_2078 : i32
      %sign3A_2080 = arith.extui %sign3A_2079 : i1 to i32
      %sign3A_2081 = arith.subi %sign3A_2077, %sign3A_2080 : i32
      %sign3A_2082 = arith.constant 0 : i32
      %sign3A_2083 = arith.cmpi sgt, %jit3A_2073, %sign3A_2082 : i32
      %sign3A_2084 = arith.extui %sign3A_2083 : i1 to i32
      %sign3A_2085 = arith.constant 0 : i32
      %sign3A_2086 = arith.cmpi slt, %jit3A_2073, %sign3A_2085 : i32
      %sign3A_2087 = arith.extui %sign3A_2086 : i1 to i32
      %sign3A_2088 = arith.subi %sign3A_2084, %sign3A_2087 : i32
      %ne3A_2089 = arith.cmpi ne, %sign3A_2081, %sign3A_2088 : i32
      %rem3A_2090 = arith.remsi %add3A_2072, %jit3A_2073 : i32
      %ne3A_2091 = arith.constant 0 : i32
      %ne3A_2092 = arith.cmpi ne, %rem3A_2090, %ne3A_2091 : i32
      %and3A_2093 = arith.andi %ne3A_2089, %ne3A_2092 : i1
      %sub3A_2094 = arith.constant 1 : i32
      %sub3A_2095 = arith.subi %div3A_2074, %sub3A_2094 : i32
      %select_n3A_2096 = arith.select %and3A_2093, %sub3A_2095, %div3A_2074 : i32
      %jit3A_2097 = arith.constant 32 : i32
      %eq3A_2098 = arith.constant 0 : i32
      %eq3A_2099 = arith.cmpi eq, %jit3A_2097, %eq3A_2098 : i32
      %jit3A_2100 = arith.constant 1 : i32
      %select_n3A_2101 = arith.select %eq3A_2099, %jit3A_2100, %jit3A_2097 : i32
      %rem3A_2102 = arith.remsi %add3A_2072, %select_n3A_2101 : i32
      %ne3A_2103 = arith.constant 0 : i32
      %ne3A_2104 = arith.cmpi ne, %rem3A_2102, %ne3A_2103 : i32
      %lt3A_2105 = arith.constant 0 : i32
      %lt3A_2106 = arith.cmpi slt, %rem3A_2102, %lt3A_2105 : i32
      %lt3A_2107 = arith.constant 0 : i32
      %lt3A_2108 = arith.cmpi slt, %select_n3A_2101, %lt3A_2107 : i32
      %ne3A_2109 = arith.xori %lt3A_2106, %lt3A_2108 : i1
      %and3A_2110 = arith.andi %ne3A_2109, %ne3A_2104 : i1
      %add3A_2111 = arith.addi %rem3A_2102, %select_n3A_2101 : i32
      %select_n3A_2112 = arith.select %and3A_2110, %add3A_2111, %rem3A_2102 : i32
      %mul3A_2113 = arith.constant 128 : i32
      %mul3A_2114 = arith.muli %select_n3A_2112, %mul3A_2113 : i32
      %dma_wait3A_2115 = arith.constant 0 : i32
      %dma_wait3A_2116 = arith.constant 0 : i32
      %dma_wait3A_2117 = arith.constant 0 : i32
      %dma_wait3A_2118 = tpu.memref_slice %arg7[%dma_wait3A_2115, %dma_wait3A_2116, %dma_wait3A_2117] : memref<4x64x128xf32, #tpu.memory_space<vmem>> -> memref<1x64x128xf32, #tpu.memory_space<vmem>>
      %dma_wait3A_2119 = tpu.memref_squeeze %dma_wait3A_2118 : memref<1x64x128xf32, #tpu.memory_space<vmem>> -> memref<64x128xf32, #tpu.memory_space<vmem>>
      %dma_wait3A_2120 = arith.constant 0 : i32
      %dma_wait3A_2121 = tpu.memref_slice %arg4[%select_n3A_2096, %dma_wait3A_2120, %mul3A_2114] : memref<200x64x4096xf32, #tpu.memory_space<hbm>> -> memref<1x64x128xf32, #tpu.memory_space<hbm>>
      %dma_wait3A_2122 = tpu.memref_squeeze %dma_wait3A_2121 : memref<1x64x128xf32, #tpu.memory_space<hbm>> -> memref<64x128xf32, #tpu.memory_space<hbm>>
      %dma_wait3A_2123 = arith.constant 0 : i32
      %dma_wait3A_2124 = tpu.memref_slice %arg4[%select_n3A_2096, %dma_wait3A_2123, %mul3A_2114] : memref<200x64x4096xf32, #tpu.memory_space<hbm>> -> memref<1x64x128xf32, #tpu.memory_space<hbm>>
      %dma_wait3A_2125 = tpu.memref_squeeze %dma_wait3A_2124 : memref<1x64x128xf32, #tpu.memory_space<hbm>> -> memref<64x128xf32, #tpu.memory_space<hbm>>
      %dma_wait3A_2126 = arith.constant 0 : i32
      %dma_wait3A_2127 = arith.constant 0 : i32
      %dma_wait3A_2128 = tpu.memref_slice %arg7[%dma_wait3A_2115, %dma_wait3A_2126, %dma_wait3A_2127] : memref<4x64x128xf32, #tpu.memory_space<vmem>> -> memref<1x64x128xf32, #tpu.memory_space<vmem>>
      %dma_wait3A_2129 = tpu.memref_squeeze %dma_wait3A_2128 : memref<1x64x128xf32, #tpu.memory_space<vmem>> -> memref<64x128xf32, #tpu.memory_space<vmem>>
      tpu.wait_dma2 semaphore(%arg16 : memref<!tpu.dma_semaphore, #tpu.memory_space<semaphore_mem>>) src(%dma_wait3A_2129 : memref<64x128xf32, #tpu.memory_space<vmem>>) dst(%dma_wait3A_2125 : memref<64x128xf32, #tpu.memory_space<hbm>>)
      %scan3A_2130 = arith.constant 0 : i32
      %scan3A_2131 = arith.constant 8 : i32
      %scan3A_2132 = arith.addi %scan3A_2130, %scan3A_2131 : i32
      %scan3A_2133 = arith.constant 1 : i32
      scf.for %scan3A_3100 = %scan3A_2130 to %scan3A_2132 step %scan3A_2133  : i32 {
        %mul3A_3101 = arith.constant 1 : i32
        %mul3A_3102 = arith.muli %scan3A_3100, %mul3A_3101 : i32
        %add3A_3103 = arith.constant 0 : i32
        %add3A_3104 = arith.addi %add3A_3103, %mul3A_3102 : i32
        %mul3A_3105 = arith.constant 16 : i32
        %mul3A_3106 = arith.muli %add3A_3104, %mul3A_3105 : i32
        %add3A_3107 = vector.broadcast %mul3A_3106 : i32 to vector<16xi32>
        %add3A_3108 = arith.addi %add3A_3107, %iota3A : vector<16xi32>
        %shift_left3A = arith.constant 7 : i32
        %shift_left3A_3109 = vector.broadcast %shift_left3A : i32 to vector<16xi32>
        %shift_left3A_3110 = arith.shli %add3A_3108, %shift_left3A_3109 : vector<16xi32>
        %broadcast_in_dim3A = arith.constant 0 : i32
        %broadcast_in_dim3A_3111 = vector.broadcast %broadcast_in_dim3A : i32 to vector<16xi32>
        %parallel_loop3A = arith.constant 0 : i32
        %parallel_loop3A_3112 = arith.constant 64 : i32
        %parallel_loop3A_3113 = arith.constant 1 : i32
        %parallel_loop3A_3114 = scf.for %parallel_loop3A_3115 = %parallel_loop3A to %parallel_loop3A_3112 step %parallel_loop3A_3113 iter_args(%parallel_loop3A_3116 = %shift_left3A_3110) -> (vector<16xi32>)  : i32 {
          %parallel_loop3A_3117 = arith.constant 0 : i32
          %parallel_loop3A_3118 = arith.constant 0 : i32
          %parallel_loop3A_3119 = arith.constant 0 : i32
          %parallel_loop3A_3120 = tpu.memref_slice %arg6[%parallel_loop3A_3117, %parallel_loop3A_3118, %parallel_loop3A_3119] : memref<4x128x128xf32, #tpu.memory_space<vmem>> -> memref<1x128x128xf32, #tpu.memory_space<vmem>>
          %parallel_loop3A_3121 = tpu.memref_squeeze %parallel_loop3A_3120 : memref<1x128x128xf32, #tpu.memory_space<vmem>> -> memref<128x128xf32, #tpu.memory_space<vmem>>
          %parallel_loop3A_3122 = tpu.vector_load_idx %parallel_loop3A_3121[%broadcast_in_dim3A_3111, %parallel_loop3A_3116] : memref<128x128xf32, #tpu.memory_space<vmem>>[vector<16xi32>, vector<16xi32>], vector<16xf32>,
          %parallel_loop3A_3123 = arith.constant 16 : i32
          %parallel_loop3A_3124 = arith.muli %add3A_3104, %parallel_loop3A_3123 : i32
          %parallel_loop3A_3125 = arith.constant 0 : i32
          %parallel_loop3A_3126 = arith.index_cast %parallel_loop3A_3125 : i32 to index
          %parallel_loop3A_3127 = arith.index_cast %parallel_loop3A_3115 : i32 to index
          %parallel_loop3A_3128 = arith.index_cast %parallel_loop3A_3124 : i32 to index
          %parallel_loop3A_3129 = tpu.vector_load %arg7[%parallel_loop3A_3126, %parallel_loop3A_3127, %parallel_loop3A_3128] {strides = array<i32>} : memref<4x64x128xf32, #tpu.memory_space<vmem>>, vector<16xf32>,
          tpu.vector_store %arg7[%parallel_loop3A_3126, %parallel_loop3A_3127, %parallel_loop3A_3128], %parallel_loop3A_3122 {strides = array<i32>} : memref<4x64x128xf32, #tpu.memory_space<vmem>>, vector<16xf32>,
          %parallel_loop3A_3130 = arith.constant 1 : i32
          %parallel_loop3A_3131 = vector.broadcast %parallel_loop3A_3130 : i32 to vector<16xi32>
          %parallel_loop3A_3132 = arith.addi %parallel_loop3A_3116, %parallel_loop3A_3131 : vector<16xi32>
          scf.yield %parallel_loop3A_3132 : vector<16xi32>
        } {sc.loop_unroll_factor = 16 : i64, sc.parallel_access}
      }
      %scan3A_2134 = arith.constant 8 : i32
      %add3A_2135 = arith.addi %mul3A_2, %add3A_2057 : i32
      %jit3A_2136 = arith.constant 32 : i32
      %div3A_2137 = arith.divsi %add3A_2135, %jit3A_2136 : i32
      %sign3A_2138 = arith.constant 0 : i32
      %sign3A_2139 = arith.cmpi sgt, %add3A_2135, %sign3A_2138 : i32
      %sign3A_2140 = arith.extui %sign3A_2139 : i1 to i32
      %sign3A_2141 = arith.constant 0 : i32
      %sign3A_2142 = arith.cmpi slt, %add3A_2135, %sign3A_2141 : i32
      %sign3A_2143 = arith.extui %sign3A_2142 : i1 to i32
      %sign3A_2144 = arith.subi %sign3A_2140, %sign3A_2143 : i32
      %sign3A_2145 = arith.constant 0 : i32
      %sign3A_2146 = arith.cmpi sgt, %jit3A_2136, %sign3A_2145 : i32
      %sign3A_2147 = arith.extui %sign3A_2146 : i1 to i32
      %sign3A_2148 = arith.constant 0 : i32
      %sign3A_2149 = arith.cmpi slt, %jit3A_2136, %sign3A_2148 : i32
      %sign3A_2150 = arith.extui %sign3A_2149 : i1 to i32
      %sign3A_2151 = arith.subi %sign3A_2147, %sign3A_2150 : i32
      %ne3A_2152 = arith.cmpi ne, %sign3A_2144, %sign3A_2151 : i32
      %rem3A_2153 = arith.remsi %add3A_2135, %jit3A_2136 : i32
      %ne3A_2154 = arith.constant 0 : i32
      %ne3A_2155 = arith.cmpi ne, %rem3A_2153, %ne3A_2154 : i32
      %and3A_2156 = arith.andi %ne3A_2152, %ne3A_2155 : i1
      %sub3A_2157 = arith.constant 1 : i32
      %sub3A_2158 = arith.subi %div3A_2137, %sub3A_2157 : i32
      %select_n3A_2159 = arith.select %and3A_2156, %sub3A_2158, %div3A_2137 : i32
      %jit3A_2160 = arith.constant 32 : i32
      %eq3A_2161 = arith.constant 0 : i32
      %eq3A_2162 = arith.cmpi eq, %jit3A_2160, %eq3A_2161 : i32
      %jit3A_2163 = arith.constant 1 : i32
      %select_n3A_2164 = arith.select %eq3A_2162, %jit3A_2163, %jit3A_2160 : i32
      %rem3A_2165 = arith.remsi %add3A_2135, %select_n3A_2164 : i32
      %ne3A_2166 = arith.constant 0 : i32
      %ne3A_2167 = arith.cmpi ne, %rem3A_2165, %ne3A_2166 : i32
      %lt3A_2168 = arith.constant 0 : i32
      %lt3A_2169 = arith.cmpi slt, %rem3A_2165, %lt3A_2168 : i32
      %lt3A_2170 = arith.constant 0 : i32
      %lt3A_2171 = arith.cmpi slt, %select_n3A_2164, %lt3A_2170 : i32
      %ne3A_2172 = arith.xori %lt3A_2169, %lt3A_2171 : i1
      %and3A_2173 = arith.andi %ne3A_2172, %ne3A_2167 : i1
      %add3A_2174 = arith.addi %rem3A_2165, %select_n3A_2164 : i32
      %select_n3A_2175 = arith.select %and3A_2173, %add3A_2174, %rem3A_2165 : i32
      %mul3A_2176 = arith.constant 128 : i32
      %mul3A_2177 = arith.muli %select_n3A_2175, %mul3A_2176 : i32
      %dma_start3A_2178 = arith.constant 0 : i32
      %dma_start3A_2179 = arith.constant 0 : i32
      %dma_start3A_2180 = arith.constant 0 : i32
      %dma_start3A_2181 = tpu.memref_slice %arg7[%dma_start3A_2178, %dma_start3A_2179, %dma_start3A_2180] : memref<4x64x128xf32, #tpu.memory_space<vmem>> -> memref<1x64x128xf32, #tpu.memory_space<vmem>>
      %dma_start3A_2182 = tpu.memref_squeeze %dma_start3A_2181 : memref<1x64x128xf32, #tpu.memory_space<vmem>> -> memref<64x128xf32, #tpu.memory_space<vmem>>
      %dma_start3A_2183 = arith.constant 0 : i32
      %dma_start3A_2184 = tpu.memref_slice %arg4[%select_n3A_2159, %dma_start3A_2183, %mul3A_2177] : memref<200x64x4096xf32, #tpu.memory_space<hbm>> -> memref<1x64x128xf32, #tpu.memory_space<hbm>>
      %dma_start3A_2185 = tpu.memref_squeeze %dma_start3A_2184 : memref<1x64x128xf32, #tpu.memory_space<hbm>> -> memref<64x128xf32, #tpu.memory_space<hbm>>
      %dma_start3A_2186 = arith.constant 0 : i32
      %dma_start3A_2187 = tpu.memref_slice %arg4[%select_n3A_2159, %dma_start3A_2186, %mul3A_2177] : memref<200x64x4096xf32, #tpu.memory_space<hbm>> -> memref<1x64x128xf32, #tpu.memory_space<hbm>>
      %dma_start3A_2188 = tpu.memref_squeeze %dma_start3A_2187 : memref<1x64x128xf32, #tpu.memory_space<hbm>> -> memref<64x128xf32, #tpu.memory_space<hbm>>
      %dma_start3A_2189 = arith.constant 0 : i32
      %dma_start3A_2190 = arith.constant 0 : i32
      %dma_start3A_2191 = tpu.memref_slice %arg7[%dma_start3A_2178, %dma_start3A_2189, %dma_start3A_2190] : memref<4x64x128xf32, #tpu.memory_space<vmem>> -> memref<1x64x128xf32, #tpu.memory_space<vmem>>
      %dma_start3A_2192 = tpu.memref_squeeze %dma_start3A_2191 : memref<1x64x128xf32, #tpu.memory_space<vmem>> -> memref<64x128xf32, #tpu.memory_space<vmem>>
      tpu.enqueue_dma source(%dma_start3A_2192 : memref<64x128xf32, #tpu.memory_space<vmem>>) target(%dma_start3A_2188 : memref<64x128xf32, #tpu.memory_space<hbm>>) target_semaphore(%arg16 : memref<!tpu.dma_semaphore, #tpu.memory_space<semaphore_mem>>)
      %add3A_2193 = arith.constant 4 : i32
      %add3A_2194 = arith.addi %add3A_2057, %add3A_2193 : i32
      %add3A_2195 = arith.addi %mul3A_2, %add3A_2194 : i32
      %jit3A_2196 = arith.constant 32 : i32
      %div3A_2197 = arith.divsi %add3A_2195, %jit3A_2196 : i32
      %sign3A_2198 = arith.constant 0 : i32
      %sign3A_2199 = arith.cmpi sgt, %add3A_2195, %sign3A_2198 : i32
      %sign3A_2200 = arith.extui %sign3A_2199 : i1 to i32
      %sign3A_2201 = arith.constant 0 : i32
      %sign3A_2202 = arith.cmpi slt, %add3A_2195, %sign3A_2201 : i32
      %sign3A_2203 = arith.extui %sign3A_2202 : i1 to i32
      %sign3A_2204 = arith.subi %sign3A_2200, %sign3A_2203 : i32
      %sign3A_2205 = arith.constant 0 : i32
      %sign3A_2206 = arith.cmpi sgt, %jit3A_2196, %sign3A_2205 : i32
      %sign3A_2207 = arith.extui %sign3A_2206 : i1 to i32
      %sign3A_2208 = arith.constant 0 : i32
      %sign3A_2209 = arith.cmpi slt, %jit3A_2196, %sign3A_2208 : i32
      %sign3A_2210 = arith.extui %sign3A_2209 : i1 to i32
      %sign3A_2211 = arith.subi %sign3A_2207, %sign3A_2210 : i32
      %ne3A_2212 = arith.cmpi ne, %sign3A_2204, %sign3A_2211 : i32
      %rem3A_2213 = arith.remsi %add3A_2195, %jit3A_2196 : i32
      %ne3A_2214 = arith.constant 0 : i32
      %ne3A_2215 = arith.cmpi ne, %rem3A_2213, %ne3A_2214 : i32
      %and3A_2216 = arith.andi %ne3A_2212, %ne3A_2215 : i1
      %sub3A_2217 = arith.constant 1 : i32
      %sub3A_2218 = arith.subi %div3A_2197, %sub3A_2217 : i32
      %select_n3A_2219 = arith.select %and3A_2216, %sub3A_2218, %div3A_2197 : i32
      %jit3A_2220 = arith.constant 32 : i32
      %eq3A_2221 = arith.constant 0 : i32
      %eq3A_2222 = arith.cmpi eq, %jit3A_2220, %eq3A_2221 : i32
      %jit3A_2223 = arith.constant 1 : i32
      %select_n3A_2224 = arith.select %eq3A_2222, %jit3A_2223, %jit3A_2220 : i32
      %rem3A_2225 = arith.remsi %add3A_2195, %select_n3A_2224 : i32
      %ne3A_2226 = arith.constant 0 : i32
      %ne3A_2227 = arith.cmpi ne, %rem3A_2225, %ne3A_2226 : i32
      %lt3A_2228 = arith.constant 0 : i32
      %lt3A_2229 = arith.cmpi slt, %rem3A_2225, %lt3A_2228 : i32
      %lt3A_2230 = arith.constant 0 : i32
      %lt3A_2231 = arith.cmpi slt, %select_n3A_2224, %lt3A_2230 : i32
      %ne3A_2232 = arith.xori %lt3A_2229, %lt3A_2231 : i1
      %and3A_2233 = arith.andi %ne3A_2232, %ne3A_2227 : i1
      %add3A_2234 = arith.addi %rem3A_2225, %select_n3A_2224 : i32
      %select_n3A_2235 = arith.select %and3A_2233, %add3A_2234, %rem3A_2225 : i32
      %mul3A_2236 = arith.constant 128 : i32
      %mul3A_2237 = arith.muli %select_n3A_2235, %mul3A_2236 : i32
      %dma_start3A_2238 = arith.constant 0 : i32
      %dma_start3A_2239 = arith.constant 0 : i32
      %dma_start3A_2240 = tpu.memref_slice %arg5[%dma_start3A_2238, %dma_start3A_2239] : memref<4x128xi32, #tpu.memory_space<vmem>> -> memref<1x128xi32, #tpu.memory_space<vmem>>
      %dma_start3A_2241 = tpu.memref_squeeze %dma_start3A_2240 : memref<1x128xi32, #tpu.memory_space<vmem>> -> memref<128xi32, #tpu.memory_space<vmem>>
      %dma_start3A_2242 = tpu.memref_slice %arg3[%select_n3A_2219, %mul3A_2237] : memref<200x4096xi32, #tpu.memory_space<hbm>> -> memref<1x128xi32, #tpu.memory_space<hbm>>
      %dma_start3A_2243 = tpu.memref_squeeze %dma_start3A_2242 : memref<1x128xi32, #tpu.memory_space<hbm>> -> memref<128xi32, #tpu.memory_space<hbm>>
      %dma_start3A_2244 = arith.constant 0 : i32
      %dma_start3A_2245 = tpu.memref_slice %arg5[%dma_start3A_2238, %dma_start3A_2244] : memref<4x128xi32, #tpu.memory_space<vmem>> -> memref<1x128xi32, #tpu.memory_space<vmem>>
      %dma_start3A_2246 = tpu.memref_squeeze %dma_start3A_2245 : memref<1x128xi32, #tpu.memory_space<vmem>> -> memref<128xi32, #tpu.memory_space<vmem>>
      %dma_start3A_2247 = tpu.memref_slice %arg3[%select_n3A_2219, %mul3A_2237] : memref<200x4096xi32, #tpu.memory_space<hbm>> -> memref<1x128xi32, #tpu.memory_space<hbm>>
      %dma_start3A_2248 = tpu.memref_squeeze %dma_start3A_2247 : memref<1x128xi32, #tpu.memory_space<hbm>> -> memref<128xi32, #tpu.memory_space<hbm>>
      tpu.enqueue_dma source(%dma_start3A_2248 : memref<128xi32, #tpu.memory_space<hbm>>) target(%dma_start3A_2246 : memref<128xi32, #tpu.memory_space<vmem>>) target_semaphore(%arg8 : memref<!tpu.dma_semaphore, #tpu.memory_space<semaphore_mem>>)
      %add3A_2249 = arith.constant 2 : i32
      %add3A_2250 = arith.addi %add3A_2057, %add3A_2249 : i32
      %add3A_2251 = arith.addi %mul3A_2, %add3A_2250 : i32
      %jit3A_2252 = arith.constant 32 : i32
      %div3A_2253 = arith.divsi %add3A_2251, %jit3A_2252 : i32
      %sign3A_2254 = arith.constant 0 : i32
      %sign3A_2255 = arith.cmpi sgt, %add3A_2251, %sign3A_2254 : i32
      %sign3A_2256 = arith.extui %sign3A_2255 : i1 to i32
      %sign3A_2257 = arith.constant 0 : i32
      %sign3A_2258 = arith.cmpi slt, %add3A_2251, %sign3A_2257 : i32
      %sign3A_2259 = arith.extui %sign3A_2258 : i1 to i32
      %sign3A_2260 = arith.subi %sign3A_2256, %sign3A_2259 : i32
      %sign3A_2261 = arith.constant 0 : i32
      %sign3A_2262 = arith.cmpi sgt, %jit3A_2252, %sign3A_2261 : i32
      %sign3A_2263 = arith.extui %sign3A_2262 : i1 to i32
      %sign3A_2264 = arith.constant 0 : i32
      %sign3A_2265 = arith.cmpi slt, %jit3A_2252, %sign3A_2264 : i32
      %sign3A_2266 = arith.extui %sign3A_2265 : i1 to i32
      %sign3A_2267 = arith.subi %sign3A_2263, %sign3A_2266 : i32
      %ne3A_2268 = arith.cmpi ne, %sign3A_2260, %sign3A_2267 : i32
      %rem3A_2269 = arith.remsi %add3A_2251, %jit3A_2252 : i32
      %ne3A_2270 = arith.constant 0 : i32
      %ne3A_2271 = arith.cmpi ne, %rem3A_2269, %ne3A_2270 : i32
      %and3A_2272 = arith.andi %ne3A_2268, %ne3A_2271 : i1
      %sub3A_2273 = arith.constant 1 : i32
      %sub3A_2274 = arith.subi %div3A_2253, %sub3A_2273 : i32
      %select_n3A_2275 = arith.select %and3A_2272, %sub3A_2274, %div3A_2253 : i32
      %jit3A_2276 = arith.constant 32 : i32
      %eq3A_2277 = arith.constant 0 : i32
      %eq3A_2278 = arith.cmpi eq, %jit3A_2276, %eq3A_2277 : i32
      %jit3A_2279 = arith.constant 1 : i32
      %select_n3A_2280 = arith.select %eq3A_2278, %jit3A_2279, %jit3A_2276 : i32
      %rem3A_2281 = arith.remsi %add3A_2251, %select_n3A_2280 : i32
      %ne3A_2282 = arith.constant 0 : i32
      %ne3A_2283 = arith.cmpi ne, %rem3A_2281, %ne3A_2282 : i32
      %lt3A_2284 = arith.constant 0 : i32
      %lt3A_2285 = arith.cmpi slt, %rem3A_2281, %lt3A_2284 : i32
      %lt3A_2286 = arith.constant 0 : i32
      %lt3A_2287 = arith.cmpi slt, %select_n3A_2280, %lt3A_2286 : i32
      %ne3A_2288 = arith.xori %lt3A_2285, %lt3A_2287 : i1
      %and3A_2289 = arith.andi %ne3A_2288, %ne3A_2283 : i1
      %add3A_2290 = arith.addi %rem3A_2281, %select_n3A_2280 : i32
      %select_n3A_2291 = arith.select %and3A_2289, %add3A_2290, %rem3A_2281 : i32
      %mul3A_2292 = arith.constant 128 : i32
      %mul3A_2293 = arith.muli %select_n3A_2291, %mul3A_2292 : i32
      %dma_wait3A_2294 = arith.constant 2 : i32
      %dma_wait3A_2295 = arith.constant 0 : i32
      %dma_wait3A_2296 = tpu.memref_slice %arg5[%dma_wait3A_2294, %dma_wait3A_2295] : memref<4x128xi32, #tpu.memory_space<vmem>> -> memref<1x128xi32, #tpu.memory_space<vmem>>
      %dma_wait3A_2297 = tpu.memref_squeeze %dma_wait3A_2296 : memref<1x128xi32, #tpu.memory_space<vmem>> -> memref<128xi32, #tpu.memory_space<vmem>>
      %dma_wait3A_2298 = tpu.memref_slice %arg3[%select_n3A_2275, %mul3A_2293] : memref<200x4096xi32, #tpu.memory_space<hbm>> -> memref<1x128xi32, #tpu.memory_space<hbm>>
      %dma_wait3A_2299 = tpu.memref_squeeze %dma_wait3A_2298 : memref<1x128xi32, #tpu.memory_space<hbm>> -> memref<128xi32, #tpu.memory_space<hbm>>
      %dma_wait3A_2300 = arith.constant 0 : i32
      %dma_wait3A_2301 = tpu.memref_slice %arg5[%dma_wait3A_2294, %dma_wait3A_2300] : memref<4x128xi32, #tpu.memory_space<vmem>> -> memref<1x128xi32, #tpu.memory_space<vmem>>
      %dma_wait3A_2302 = tpu.memref_squeeze %dma_wait3A_2301 : memref<1x128xi32, #tpu.memory_space<vmem>> -> memref<128xi32, #tpu.memory_space<vmem>>
      %dma_wait3A_2303 = tpu.memref_slice %arg3[%select_n3A_2275, %mul3A_2293] : memref<200x4096xi32, #tpu.memory_space<hbm>> -> memref<1x128xi32, #tpu.memory_space<hbm>>
      %dma_wait3A_2304 = tpu.memref_squeeze %dma_wait3A_2303 : memref<1x128xi32, #tpu.memory_space<hbm>> -> memref<128xi32, #tpu.memory_space<hbm>>
      tpu.wait_dma2 semaphore(%arg10 : memref<!tpu.dma_semaphore, #tpu.memory_space<semaphore_mem>>) src(%dma_wait3A_2304 : memref<128xi32, #tpu.memory_space<hbm>>) dst(%dma_wait3A_2302 : memref<128xi32, #tpu.memory_space<vmem>>)
      %dma_start3A_2305 = arith.constant 2 : i32
      %dma_start3A_2306 = arith.constant 2 : i32
      %dma_start3A_2307 = arith.constant 0 : i32
      %dma_start3A_2308 = arith.constant 0 : i32
      %dma_start3A_2309 = tpu.memref_slice %arg6[%dma_start3A_2306, %dma_start3A_2307, %dma_start3A_2308] : memref<4x128x128xf32, #tpu.memory_space<vmem>> -> memref<1x128x128xf32, #tpu.memory_space<vmem>>
      %dma_start3A_2310 = tpu.memref_squeeze %dma_start3A_2309 : memref<1x128x128xf32, #tpu.memory_space<vmem>> -> memref<128x128xf32, #tpu.memory_space<vmem>>
      %dma_start3A_2311 = arith.constant 0 : i32
      %dma_start3A_2312 = tpu.memref_slice %arg5[%dma_start3A_2305, %dma_start3A_2311] : memref<4x128xi32, #tpu.memory_space<vmem>> -> memref<1x128xi32, #tpu.memory_space<vmem>>
      %dma_start3A_2313 = tpu.memref_squeeze %dma_start3A_2312 : memref<1x128xi32, #tpu.memory_space<vmem>> -> memref<128xi32, #tpu.memory_space<vmem>>
      %dma_start3A_2314 = arith.constant 0 : i32
      %dma_start3A_2315 = arith.constant 0 : i32
      %dma_start3A_2316 = tpu.memref_slice %arg2[%dma_start3A_2314, %dma_start3A_2315] : memref<1000000x128xf32, #tpu.memory_space<hbm>> -> memref<1000000x128xf32, #tpu.memory_space<hbm>>
      tpu.enqueue_indirect_dma source(%dma_start3A_2316 : memref<1000000x128xf32, #tpu.memory_space<hbm>>) target(%dma_start3A_2310 : memref<128x128xf32, #tpu.memory_space<vmem>>) offsets(%dma_start3A_2313 : memref<128xi32, #tpu.memory_space<vmem>>) semaphore(%arg14 : memref<!tpu.dma_semaphore, #tpu.memory_space<semaphore_mem>>)
      %add3A_2317 = arith.constant 1 : i32
      %add3A_2318 = arith.addi %add3A_2055, %add3A_2317 : i32
      %dma_wait3A_2319 = arith.constant 1 : i32
      %dma_wait3A_2320 = arith.constant 1 : i32
      %dma_wait3A_2321 = arith.constant 0 : i32
      %dma_wait3A_2322 = arith.constant 0 : i32
      %dma_wait3A_2323 = tpu.memref_slice %arg6[%dma_wait3A_2320, %dma_wait3A_2321, %dma_wait3A_2322] : memref<4x128x128xf32, #tpu.memory_space<vmem>> -> memref<1x128x128xf32, #tpu.memory_space<vmem>>
      %dma_wait3A_2324 = tpu.memref_squeeze %dma_wait3A_2323 : memref<1x128x128xf32, #tpu.memory_space<vmem>> -> memref<128x128xf32, #tpu.memory_space<vmem>>
      %dma_wait3A_2325 = arith.constant 0 : i32
      %dma_wait3A_2326 = tpu.memref_slice %arg5[%dma_wait3A_2319, %dma_wait3A_2325] : memref<4x128xi32, #tpu.memory_space<vmem>> -> memref<1x128xi32, #tpu.memory_space<vmem>>
      %dma_wait3A_2327 = tpu.memref_squeeze %dma_wait3A_2326 : memref<1x128xi32, #tpu.memory_space<vmem>> -> memref<128xi32, #tpu.memory_space<vmem>>
      %dma_wait3A_2328 = arith.constant 0 : i32
      %dma_wait3A_2329 = arith.constant 0 : i32
      %dma_wait3A_2330 = tpu.memref_slice %arg2[%dma_wait3A_2328, %dma_wait3A_2329] : memref<1000000x128xf32, #tpu.memory_space<hbm>> -> memref<1000000x128xf32, #tpu.memory_space<hbm>>
      tpu.wait_indirect_dma semaphore(%arg13 : memref<!tpu.dma_semaphore, #tpu.memory_space<semaphore_mem>>) src(%dma_wait3A_2330 : memref<1000000x128xf32, #tpu.memory_space<hbm>>) dst(%dma_wait3A_2324 : memref<128x128xf32, #tpu.memory_space<vmem>>)
      %sub3A_2331 = arith.constant 4 : i32
      %sub3A_2332 = arith.subi %add3A_2318, %sub3A_2331 : i32
      %add3A_2333 = arith.addi %mul3A_2, %sub3A_2332 : i32
      %jit3A_2334 = arith.constant 32 : i32
      %div3A_2335 = arith.divsi %add3A_2333, %jit3A_2334 : i32
      %sign3A_2336 = arith.constant 0 : i32
      %sign3A_2337 = arith.cmpi sgt, %add3A_2333, %sign3A_2336 : i32
      %sign3A_2338 = arith.extui %sign3A_2337 : i1 to i32
      %sign3A_2339 = arith.constant 0 : i32
      %sign3A_2340 = arith.cmpi slt, %add3A_2333, %sign3A_2339 : i32
      %sign3A_2341 = arith.extui %sign3A_2340 : i1 to i32
      %sign3A_2342 = arith.subi %sign3A_2338, %sign3A_2341 : i32
      %sign3A_2343 = arith.constant 0 : i32
      %sign3A_2344 = arith.cmpi sgt, %jit3A_2334, %sign3A_2343 : i32
      %sign3A_2345 = arith.extui %sign3A_2344 : i1 to i32
      %sign3A_2346 = arith.constant 0 : i32
      %sign3A_2347 = arith.cmpi slt, %jit3A_2334, %sign3A_2346 : i32
      %sign3A_2348 = arith.extui %sign3A_2347 : i1 to i32
      %sign3A_2349 = arith.subi %sign3A_2345, %sign3A_2348 : i32
      %ne3A_2350 = arith.cmpi ne, %sign3A_2342, %sign3A_2349 : i32
      %rem3A_2351 = arith.remsi %add3A_2333, %jit3A_2334 : i32
      %ne3A_2352 = arith.constant 0 : i32
      %ne3A_2353 = arith.cmpi ne, %rem3A_2351, %ne3A_2352 : i32
      %and3A_2354 = arith.andi %ne3A_2350, %ne3A_2353 : i1
      %sub3A_2355 = arith.constant 1 : i32
      %sub3A_2356 = arith.subi %div3A_2335, %sub3A_2355 : i32
      %select_n3A_2357 = arith.select %and3A_2354, %sub3A_2356, %div3A_2335 : i32
      %jit3A_2358 = arith.constant 32 : i32
      %eq3A_2359 = arith.constant 0 : i32
      %eq3A_2360 = arith.cmpi eq, %jit3A_2358, %eq3A_2359 : i32
      %jit3A_2361 = arith.constant 1 : i32
      %select_n3A_2362 = arith.select %eq3A_2360, %jit3A_2361, %jit3A_2358 : i32
      %rem3A_2363 = arith.remsi %add3A_2333, %select_n3A_2362 : i32
      %ne3A_2364 = arith.constant 0 : i32
      %ne3A_2365 = arith.cmpi ne, %rem3A_2363, %ne3A_2364 : i32
      %lt3A_2366 = arith.constant 0 : i32
      %lt3A_2367 = arith.cmpi slt, %rem3A_2363, %lt3A_2366 : i32
      %lt3A_2368 = arith.constant 0 : i32
      %lt3A_2369 = arith.cmpi slt, %select_n3A_2362, %lt3A_2368 : i32
      %ne3A_2370 = arith.xori %lt3A_2367, %lt3A_2369 : i1
      %and3A_2371 = arith.andi %ne3A_2370, %ne3A_2365 : i1
      %add3A_2372 = arith.addi %rem3A_2363, %select_n3A_2362 : i32
      %select_n3A_2373 = arith.select %and3A_2371, %add3A_2372, %rem3A_2363 : i32
      %mul3A_2374 = arith.constant 128 : i32
      %mul3A_2375 = arith.muli %select_n3A_2373, %mul3A_2374 : i32
      %dma_wait3A_2376 = arith.constant 1 : i32
      %dma_wait3A_2377 = arith.constant 0 : i32
      %dma_wait3A_2378 = arith.constant 0 : i32
      %dma_wait3A_2379 = tpu.memref_slice %arg7[%dma_wait3A_2376, %dma_wait3A_2377, %dma_wait3A_2378] : memref<4x64x128xf32, #tpu.memory_space<vmem>> -> memref<1x64x128xf32, #tpu.memory_space<vmem>>
      %dma_wait3A_2380 = tpu.memref_squeeze %dma_wait3A_2379 : memref<1x64x128xf32, #tpu.memory_space<vmem>> -> memref<64x128xf32, #tpu.memory_space<vmem>>
      %dma_wait3A_2381 = arith.constant 0 : i32
      %dma_wait3A_2382 = tpu.memref_slice %arg4[%select_n3A_2357, %dma_wait3A_2381, %mul3A_2375] : memref<200x64x4096xf32, #tpu.memory_space<hbm>> -> memref<1x64x128xf32, #tpu.memory_space<hbm>>
      %dma_wait3A_2383 = tpu.memref_squeeze %dma_wait3A_2382 : memref<1x64x128xf32, #tpu.memory_space<hbm>> -> memref<64x128xf32, #tpu.memory_space<hbm>>
      %dma_wait3A_2384 = arith.constant 0 : i32
      %dma_wait3A_2385 = tpu.memref_slice %arg4[%select_n3A_2357, %dma_wait3A_2384, %mul3A_2375] : memref<200x64x4096xf32, #tpu.memory_space<hbm>> -> memref<1x64x128xf32, #tpu.memory_space<hbm>>
      %dma_wait3A_2386 = tpu.memref_squeeze %dma_wait3A_2385 : memref<1x64x128xf32, #tpu.memory_space<hbm>> -> memref<64x128xf32, #tpu.memory_space<hbm>>
      %dma_wait3A_2387 = arith.constant 0 : i32
      %dma_wait3A_2388 = arith.constant 0 : i32
      %dma_wait3A_2389 = tpu.memref_slice %arg7[%dma_wait3A_2376, %dma_wait3A_2387, %dma_wait3A_2388] : memref<4x64x128xf32, #tpu.memory_space<vmem>> -> memref<1x64x128xf32, #tpu.memory_space<vmem>>
      %dma_wait3A_2390 = tpu.memref_squeeze %dma_wait3A_2389 : memref<1x64x128xf32, #tpu.memory_space<vmem>> -> memref<64x128xf32, #tpu.memory_space<vmem>>
      tpu.wait_dma2 semaphore(%arg17 : memref<!tpu.dma_semaphore, #tpu.memory_space<semaphore_mem>>) src(%dma_wait3A_2390 : memref<64x128xf32, #tpu.memory_space<vmem>>) dst(%dma_wait3A_2386 : memref<64x128xf32, #tpu.memory_space<hbm>>)
      %scan3A_2391 = arith.constant 0 : i32
      %scan3A_2392 = arith.constant 8 : i32
      %scan3A_2393 = arith.addi %scan3A_2391, %scan3A_2392 : i32
      %scan3A_2394 = arith.constant 1 : i32
      scf.for %scan3A_3100 = %scan3A_2391 to %scan3A_2393 step %scan3A_2394  : i32 {
        %mul3A_3101 = arith.constant 1 : i32
        %mul3A_3102 = arith.muli %scan3A_3100, %mul3A_3101 : i32
        %add3A_3103 = arith.constant 0 : i32
        %add3A_3104 = arith.addi %add3A_3103, %mul3A_3102 : i32
        %mul3A_3105 = arith.constant 16 : i32
        %mul3A_3106 = arith.muli %add3A_3104, %mul3A_3105 : i32
        %add3A_3107 = vector.broadcast %mul3A_3106 : i32 to vector<16xi32>
        %add3A_3108 = arith.addi %add3A_3107, %iota3A : vector<16xi32>
        %shift_left3A = arith.constant 7 : i32
        %shift_left3A_3109 = vector.broadcast %shift_left3A : i32 to vector<16xi32>
        %shift_left3A_3110 = arith.shli %add3A_3108, %shift_left3A_3109 : vector<16xi32>
        %broadcast_in_dim3A = arith.constant 0 : i32
        %broadcast_in_dim3A_3111 = vector.broadcast %broadcast_in_dim3A : i32 to vector<16xi32>
        %parallel_loop3A = arith.constant 0 : i32
        %parallel_loop3A_3112 = arith.constant 64 : i32
        %parallel_loop3A_3113 = arith.constant 1 : i32
        %parallel_loop3A_3114 = scf.for %parallel_loop3A_3115 = %parallel_loop3A to %parallel_loop3A_3112 step %parallel_loop3A_3113 iter_args(%parallel_loop3A_3116 = %shift_left3A_3110) -> (vector<16xi32>)  : i32 {
          %parallel_loop3A_3117 = arith.constant 1 : i32
          %parallel_loop3A_3118 = arith.constant 0 : i32
          %parallel_loop3A_3119 = arith.constant 0 : i32
          %parallel_loop3A_3120 = tpu.memref_slice %arg6[%parallel_loop3A_3117, %parallel_loop3A_3118, %parallel_loop3A_3119] : memref<4x128x128xf32, #tpu.memory_space<vmem>> -> memref<1x128x128xf32, #tpu.memory_space<vmem>>
          %parallel_loop3A_3121 = tpu.memref_squeeze %parallel_loop3A_3120 : memref<1x128x128xf32, #tpu.memory_space<vmem>> -> memref<128x128xf32, #tpu.memory_space<vmem>>
          %parallel_loop3A_3122 = tpu.vector_load_idx %parallel_loop3A_3121[%broadcast_in_dim3A_3111, %parallel_loop3A_3116] : memref<128x128xf32, #tpu.memory_space<vmem>>[vector<16xi32>, vector<16xi32>], vector<16xf32>,
          %parallel_loop3A_3123 = arith.constant 16 : i32
          %parallel_loop3A_3124 = arith.muli %add3A_3104, %parallel_loop3A_3123 : i32
          %parallel_loop3A_3125 = arith.constant 1 : i32
          %parallel_loop3A_3126 = arith.index_cast %parallel_loop3A_3125 : i32 to index
          %parallel_loop3A_3127 = arith.index_cast %parallel_loop3A_3115 : i32 to index
          %parallel_loop3A_3128 = arith.index_cast %parallel_loop3A_3124 : i32 to index
          %parallel_loop3A_3129 = tpu.vector_load %arg7[%parallel_loop3A_3126, %parallel_loop3A_3127, %parallel_loop3A_3128] {strides = array<i32>} : memref<4x64x128xf32, #tpu.memory_space<vmem>>, vector<16xf32>,
          tpu.vector_store %arg7[%parallel_loop3A_3126, %parallel_loop3A_3127, %parallel_loop3A_3128], %parallel_loop3A_3122 {strides = array<i32>} : memref<4x64x128xf32, #tpu.memory_space<vmem>>, vector<16xf32>,
          %parallel_loop3A_3130 = arith.constant 1 : i32
          %parallel_loop3A_3131 = vector.broadcast %parallel_loop3A_3130 : i32 to vector<16xi32>
          %parallel_loop3A_3132 = arith.addi %parallel_loop3A_3116, %parallel_loop3A_3131 : vector<16xi32>
          scf.yield %parallel_loop3A_3132 : vector<16xi32>
        } {sc.loop_unroll_factor = 16 : i64, sc.parallel_access}
      }
      %scan3A_2395 = arith.constant 8 : i32
      %add3A_2396 = arith.addi %mul3A_2, %add3A_2318 : i32
      %jit3A_2397 = arith.constant 32 : i32
      %div3A_2398 = arith.divsi %add3A_2396, %jit3A_2397 : i32
      %sign3A_2399 = arith.constant 0 : i32
      %sign3A_2400 = arith.cmpi sgt, %add3A_2396, %sign3A_2399 : i32
      %sign3A_2401 = arith.extui %sign3A_2400 : i1 to i32
      %sign3A_2402 = arith.constant 0 : i32
      %sign3A_2403 = arith.cmpi slt, %add3A_2396, %sign3A_2402 : i32
      %sign3A_2404 = arith.extui %sign3A_2403 : i1 to i32
      %sign3A_2405 = arith.subi %sign3A_2401, %sign3A_2404 : i32
      %sign3A_2406 = arith.constant 0 : i32
      %sign3A_2407 = arith.cmpi sgt, %jit3A_2397, %sign3A_2406 : i32
      %sign3A_2408 = arith.extui %sign3A_2407 : i1 to i32
      %sign3A_2409 = arith.constant 0 : i32
      %sign3A_2410 = arith.cmpi slt, %jit3A_2397, %sign3A_2409 : i32
      %sign3A_2411 = arith.extui %sign3A_2410 : i1 to i32
      %sign3A_2412 = arith.subi %sign3A_2408, %sign3A_2411 : i32
      %ne3A_2413 = arith.cmpi ne, %sign3A_2405, %sign3A_2412 : i32
      %rem3A_2414 = arith.remsi %add3A_2396, %jit3A_2397 : i32
      %ne3A_2415 = arith.constant 0 : i32
      %ne3A_2416 = arith.cmpi ne, %rem3A_2414, %ne3A_2415 : i32
      %and3A_2417 = arith.andi %ne3A_2413, %ne3A_2416 : i1
      %sub3A_2418 = arith.constant 1 : i32
      %sub3A_2419 = arith.subi %div3A_2398, %sub3A_2418 : i32
      %select_n3A_2420 = arith.select %and3A_2417, %sub3A_2419, %div3A_2398 : i32
      %jit3A_2421 = arith.constant 32 : i32
      %eq3A_2422 = arith.constant 0 : i32
      %eq3A_2423 = arith.cmpi eq, %jit3A_2421, %eq3A_2422 : i32
      %jit3A_2424 = arith.constant 1 : i32
      %select_n3A_2425 = arith.select %eq3A_2423, %jit3A_2424, %jit3A_2421 : i32
      %rem3A_2426 = arith.remsi %add3A_2396, %select_n3A_2425 : i32
      %ne3A_2427 = arith.constant 0 : i32
      %ne3A_2428 = arith.cmpi ne, %rem3A_2426, %ne3A_2427 : i32
      %lt3A_2429 = arith.constant 0 : i32
      %lt3A_2430 = arith.cmpi slt, %rem3A_2426, %lt3A_2429 : i32
      %lt3A_2431 = arith.constant 0 : i32
      %lt3A_2432 = arith.cmpi slt, %select_n3A_2425, %lt3A_2431 : i32
      %ne3A_2433 = arith.xori %lt3A_2430, %lt3A_2432 : i1
      %and3A_2434 = arith.andi %ne3A_2433, %ne3A_2428 : i1
      %add3A_2435 = arith.addi %rem3A_2426, %select_n3A_2425 : i32
      %select_n3A_2436 = arith.select %and3A_2434, %add3A_2435, %rem3A_2426 : i32
      %mul3A_2437 = arith.constant 128 : i32
      %mul3A_2438 = arith.muli %select_n3A_2436, %mul3A_2437 : i32
      %dma_start3A_2439 = arith.constant 1 : i32
      %dma_start3A_2440 = arith.constant 0 : i32
      %dma_start3A_2441 = arith.constant 0 : i32
      %dma_start3A_2442 = tpu.memref_slice %arg7[%dma_start3A_2439, %dma_start3A_2440, %dma_start3A_2441] : memref<4x64x128xf32, #tpu.memory_space<vmem>> -> memref<1x64x128xf32, #tpu.memory_space<vmem>>
      %dma_start3A_2443 = tpu.memref_squeeze %dma_start3A_2442 : memref<1x64x128xf32, #tpu.memory_space<vmem>> -> memref<64x128xf32, #tpu.memory_space<vmem>>
      %dma_start3A_2444 = arith.constant 0 : i32
      %dma_start3A_2445 = tpu.memref_slice %arg4[%select_n3A_2420, %dma_start3A_2444, %mul3A_2438] : memref<200x64x4096xf32, #tpu.memory_space<hbm>> -> memref<1x64x128xf32, #tpu.memory_space<hbm>>
      %dma_start3A_2446 = tpu.memref_squeeze %dma_start3A_2445 : memref<1x64x128xf32, #tpu.memory_space<hbm>> -> memref<64x128xf32, #tpu.memory_space<hbm>>
      %dma_start3A_2447 = arith.constant 0 : i32
      %dma_start3A_2448 = tpu.memref_slice %arg4[%select_n3A_2420, %dma_start3A_2447, %mul3A_2438] : memref<200x64x4096xf32, #tpu.memory_space<hbm>> -> memref<1x64x128xf32, #tpu.memory_space<hbm>>
      %dma_start3A_2449 = tpu.memref_squeeze %dma_start3A_2448 : memref<1x64x128xf32, #tpu.memory_space<hbm>> -> memref<64x128xf32, #tpu.memory_space<hbm>>
      %dma_start3A_2450 = arith.constant 0 : i32
      %dma_start3A_2451 = arith.constant 0 : i32
      %dma_start3A_2452 = tpu.memref_slice %arg7[%dma_start3A_2439, %dma_start3A_2450, %dma_start3A_2451] : memref<4x64x128xf32, #tpu.memory_space<vmem>> -> memref<1x64x128xf32, #tpu.memory_space<vmem>>
      %dma_start3A_2453 = tpu.memref_squeeze %dma_start3A_2452 : memref<1x64x128xf32, #tpu.memory_space<vmem>> -> memref<64x128xf32, #tpu.memory_space<vmem>>
      tpu.enqueue_dma source(%dma_start3A_2453 : memref<64x128xf32, #tpu.memory_space<vmem>>) target(%dma_start3A_2449 : memref<64x128xf32, #tpu.memory_space<hbm>>) target_semaphore(%arg17 : memref<!tpu.dma_semaphore, #tpu.memory_space<semaphore_mem>>)
      %add3A_2454 = arith.constant 4 : i32
      %add3A_2455 = arith.addi %add3A_2318, %add3A_2454 : i32
      %add3A_2456 = arith.addi %mul3A_2, %add3A_2455 : i32
      %jit3A_2457 = arith.constant 32 : i32
      %div3A_2458 = arith.divsi %add3A_2456, %jit3A_2457 : i32
      %sign3A_2459 = arith.constant 0 : i32
      %sign3A_2460 = arith.cmpi sgt, %add3A_2456, %sign3A_2459 : i32
      %sign3A_2461 = arith.extui %sign3A_2460 : i1 to i32
      %sign3A_2462 = arith.constant 0 : i32
      %sign3A_2463 = arith.cmpi slt, %add3A_2456, %sign3A_2462 : i32
      %sign3A_2464 = arith.extui %sign3A_2463 : i1 to i32
      %sign3A_2465 = arith.subi %sign3A_2461, %sign3A_2464 : i32
      %sign3A_2466 = arith.constant 0 : i32
      %sign3A_2467 = arith.cmpi sgt, %jit3A_2457, %sign3A_2466 : i32
      %sign3A_2468 = arith.extui %sign3A_2467 : i1 to i32
      %sign3A_2469 = arith.constant 0 : i32
      %sign3A_2470 = arith.cmpi slt, %jit3A_2457, %sign3A_2469 : i32
      %sign3A_2471 = arith.extui %sign3A_2470 : i1 to i32
      %sign3A_2472 = arith.subi %sign3A_2468, %sign3A_2471 : i32
      %ne3A_2473 = arith.cmpi ne, %sign3A_2465, %sign3A_2472 : i32
      %rem3A_2474 = arith.remsi %add3A_2456, %jit3A_2457 : i32
      %ne3A_2475 = arith.constant 0 : i32
      %ne3A_2476 = arith.cmpi ne, %rem3A_2474, %ne3A_2475 : i32
      %and3A_2477 = arith.andi %ne3A_2473, %ne3A_2476 : i1
      %sub3A_2478 = arith.constant 1 : i32
      %sub3A_2479 = arith.subi %div3A_2458, %sub3A_2478 : i32
      %select_n3A_2480 = arith.select %and3A_2477, %sub3A_2479, %div3A_2458 : i32
      %jit3A_2481 = arith.constant 32 : i32
      %eq3A_2482 = arith.constant 0 : i32
      %eq3A_2483 = arith.cmpi eq, %jit3A_2481, %eq3A_2482 : i32
      %jit3A_2484 = arith.constant 1 : i32
      %select_n3A_2485 = arith.select %eq3A_2483, %jit3A_2484, %jit3A_2481 : i32
      %rem3A_2486 = arith.remsi %add3A_2456, %select_n3A_2485 : i32
      %ne3A_2487 = arith.constant 0 : i32
      %ne3A_2488 = arith.cmpi ne, %rem3A_2486, %ne3A_2487 : i32
      %lt3A_2489 = arith.constant 0 : i32
      %lt3A_2490 = arith.cmpi slt, %rem3A_2486, %lt3A_2489 : i32
      %lt3A_2491 = arith.constant 0 : i32
      %lt3A_2492 = arith.cmpi slt, %select_n3A_2485, %lt3A_2491 : i32
      %ne3A_2493 = arith.xori %lt3A_2490, %lt3A_2492 : i1
      %and3A_2494 = arith.andi %ne3A_2493, %ne3A_2488 : i1
      %add3A_2495 = arith.addi %rem3A_2486, %select_n3A_2485 : i32
      %select_n3A_2496 = arith.select %and3A_2494, %add3A_2495, %rem3A_2486 : i32
      %mul3A_2497 = arith.constant 128 : i32
      %mul3A_2498 = arith.muli %select_n3A_2496, %mul3A_2497 : i32
      %dma_start3A_2499 = arith.constant 1 : i32
      %dma_start3A_2500 = arith.constant 0 : i32
      %dma_start3A_2501 = tpu.memref_slice %arg5[%dma_start3A_2499, %dma_start3A_2500] : memref<4x128xi32, #tpu.memory_space<vmem>> -> memref<1x128xi32, #tpu.memory_space<vmem>>
      %dma_start3A_2502 = tpu.memref_squeeze %dma_start3A_2501 : memref<1x128xi32, #tpu.memory_space<vmem>> -> memref<128xi32, #tpu.memory_space<vmem>>
      %dma_start3A_2503 = tpu.memref_slice %arg3[%select_n3A_2480, %mul3A_2498] : memref<200x4096xi32, #tpu.memory_space<hbm>> -> memref<1x128xi32, #tpu.memory_space<hbm>>
      %dma_start3A_2504 = tpu.memref_squeeze %dma_start3A_2503 : memref<1x128xi32, #tpu.memory_space<hbm>> -> memref<128xi32, #tpu.memory_space<hbm>>
      %dma_start3A_2505 = arith.constant 0 : i32
      %dma_start3A_2506 = tpu.memref_slice %arg5[%dma_start3A_2499, %dma_start3A_2505] : memref<4x128xi32, #tpu.memory_space<vmem>> -> memref<1x128xi32, #tpu.memory_space<vmem>>
      %dma_start3A_2507 = tpu.memref_squeeze %dma_start3A_2506 : memref<1x128xi32, #tpu.memory_space<vmem>> -> memref<128xi32, #tpu.memory_space<vmem>>
      %dma_start3A_2508 = tpu.memref_slice %arg3[%select_n3A_2480, %mul3A_2498] : memref<200x4096xi32, #tpu.memory_space<hbm>> -> memref<1x128xi32, #tpu.memory_space<hbm>>
      %dma_start3A_2509 = tpu.memref_squeeze %dma_start3A_2508 : memref<1x128xi32, #tpu.memory_space<hbm>> -> memref<128xi32, #tpu.memory_space<hbm>>
      tpu.enqueue_dma source(%dma_start3A_2509 : memref<128xi32, #tpu.memory_space<hbm>>) target(%dma_start3A_2507 : memref<128xi32, #tpu.memory_space<vmem>>) target_semaphore(%arg9 : memref<!tpu.dma_semaphore, #tpu.memory_space<semaphore_mem>>)
      %add3A_2510 = arith.constant 2 : i32
      %add3A_2511 = arith.addi %add3A_2318, %add3A_2510 : i32
      %add3A_2512 = arith.addi %mul3A_2, %add3A_2511 : i32
      %jit3A_2513 = arith.constant 32 : i32
      %div3A_2514 = arith.divsi %add3A_2512, %jit3A_2513 : i32
      %sign3A_2515 = arith.constant 0 : i32
      %sign3A_2516 = arith.cmpi sgt, %add3A_2512, %sign3A_2515 : i32
      %sign3A_2517 = arith.extui %sign3A_2516 : i1 to i32
      %sign3A_2518 = arith.constant 0 : i32
      %sign3A_2519 = arith.cmpi slt, %add3A_2512, %sign3A_2518 : i32
      %sign3A_2520 = arith.extui %sign3A_2519 : i1 to i32
      %sign3A_2521 = arith.subi %sign3A_2517, %sign3A_2520 : i32
      %sign3A_2522 = arith.constant 0 : i32
      %sign3A_2523 = arith.cmpi sgt, %jit3A_2513, %sign3A_2522 : i32
      %sign3A_2524 = arith.extui %sign3A_2523 : i1 to i32
      %sign3A_2525 = arith.constant 0 : i32
      %sign3A_2526 = arith.cmpi slt, %jit3A_2513, %sign3A_2525 : i32
      %sign3A_2527 = arith.extui %sign3A_2526 : i1 to i32
      %sign3A_2528 = arith.subi %sign3A_2524, %sign3A_2527 : i32
      %ne3A_2529 = arith.cmpi ne, %sign3A_2521, %sign3A_2528 : i32
      %rem3A_2530 = arith.remsi %add3A_2512, %jit3A_2513 : i32
      %ne3A_2531 = arith.constant 0 : i32
      %ne3A_2532 = arith.cmpi ne, %rem3A_2530, %ne3A_2531 : i32
      %and3A_2533 = arith.andi %ne3A_2529, %ne3A_2532 : i1
      %sub3A_2534 = arith.constant 1 : i32
      %sub3A_2535 = arith.subi %div3A_2514, %sub3A_2534 : i32
      %select_n3A_2536 = arith.select %and3A_2533, %sub3A_2535, %div3A_2514 : i32
      %jit3A_2537 = arith.constant 32 : i32
      %eq3A_2538 = arith.constant 0 : i32
      %eq3A_2539 = arith.cmpi eq, %jit3A_2537, %eq3A_2538 : i32
      %jit3A_2540 = arith.constant 1 : i32
      %select_n3A_2541 = arith.select %eq3A_2539, %jit3A_2540, %jit3A_2537 : i32
      %rem3A_2542 = arith.remsi %add3A_2512, %select_n3A_2541 : i32
      %ne3A_2543 = arith.constant 0 : i32
      %ne3A_2544 = arith.cmpi ne, %rem3A_2542, %ne3A_2543 : i32
      %lt3A_2545 = arith.constant 0 : i32
      %lt3A_2546 = arith.cmpi slt, %rem3A_2542, %lt3A_2545 : i32
      %lt3A_2547 = arith.constant 0 : i32
      %lt3A_2548 = arith.cmpi slt, %select_n3A_2541, %lt3A_2547 : i32
      %ne3A_2549 = arith.xori %lt3A_2546, %lt3A_2548 : i1
      %and3A_2550 = arith.andi %ne3A_2549, %ne3A_2544 : i1
      %add3A_2551 = arith.addi %rem3A_2542, %select_n3A_2541 : i32
      %select_n3A_2552 = arith.select %and3A_2550, %add3A_2551, %rem3A_2542 : i32
      %mul3A_2553 = arith.constant 128 : i32
      %mul3A_2554 = arith.muli %select_n3A_2552, %mul3A_2553 : i32
      %dma_wait3A_2555 = arith.constant 3 : i32
      %dma_wait3A_2556 = arith.constant 0 : i32
      %dma_wait3A_2557 = tpu.memref_slice %arg5[%dma_wait3A_2555, %dma_wait3A_2556] : memref<4x128xi32, #tpu.memory_space<vmem>> -> memref<1x128xi32, #tpu.memory_space<vmem>>
      %dma_wait3A_2558 = tpu.memref_squeeze %dma_wait3A_2557 : memref<1x128xi32, #tpu.memory_space<vmem>> -> memref<128xi32, #tpu.memory_space<vmem>>
      %dma_wait3A_2559 = tpu.memref_slice %arg3[%select_n3A_2536, %mul3A_2554] : memref<200x4096xi32, #tpu.memory_space<hbm>> -> memref<1x128xi32, #tpu.memory_space<hbm>>
      %dma_wait3A_2560 = tpu.memref_squeeze %dma_wait3A_2559 : memref<1x128xi32, #tpu.memory_space<hbm>> -> memref<128xi32, #tpu.memory_space<hbm>>
      %dma_wait3A_2561 = arith.constant 0 : i32
      %dma_wait3A_2562 = tpu.memref_slice %arg5[%dma_wait3A_2555, %dma_wait3A_2561] : memref<4x128xi32, #tpu.memory_space<vmem>> -> memref<1x128xi32, #tpu.memory_space<vmem>>
      %dma_wait3A_2563 = tpu.memref_squeeze %dma_wait3A_2562 : memref<1x128xi32, #tpu.memory_space<vmem>> -> memref<128xi32, #tpu.memory_space<vmem>>
      %dma_wait3A_2564 = tpu.memref_slice %arg3[%select_n3A_2536, %mul3A_2554] : memref<200x4096xi32, #tpu.memory_space<hbm>> -> memref<1x128xi32, #tpu.memory_space<hbm>>
      %dma_wait3A_2565 = tpu.memref_squeeze %dma_wait3A_2564 : memref<1x128xi32, #tpu.memory_space<hbm>> -> memref<128xi32, #tpu.memory_space<hbm>>
      tpu.wait_dma2 semaphore(%arg11 : memref<!tpu.dma_semaphore, #tpu.memory_space<semaphore_mem>>) src(%dma_wait3A_2565 : memref<128xi32, #tpu.memory_space<hbm>>) dst(%dma_wait3A_2563 : memref<128xi32, #tpu.memory_space<vmem>>)
      %dma_start3A_2566 = arith.constant 3 : i32
      %dma_start3A_2567 = arith.constant 3 : i32
      %dma_start3A_2568 = arith.constant 0 : i32
      %dma_start3A_2569 = arith.constant 0 : i32
      %dma_start3A_2570 = tpu.memref_slice %arg6[%dma_start3A_2567, %dma_start3A_2568, %dma_start3A_2569] : memref<4x128x128xf32, #tpu.memory_space<vmem>> -> memref<1x128x128xf32, #tpu.memory_space<vmem>>
      %dma_start3A_2571 = tpu.memref_squeeze %dma_start3A_2570 : memref<1x128x128xf32, #tpu.memory_space<vmem>> -> memref<128x128xf32, #tpu.memory_space<vmem>>
      %dma_start3A_2572 = arith.constant 0 : i32
      %dma_start3A_2573 = tpu.memref_slice %arg5[%dma_start3A_2566, %dma_start3A_2572] : memref<4x128xi32, #tpu.memory_space<vmem>> -> memref<1x128xi32, #tpu.memory_space<vmem>>
      %dma_start3A_2574 = tpu.memref_squeeze %dma_start3A_2573 : memref<1x128xi32, #tpu.memory_space<vmem>> -> memref<128xi32, #tpu.memory_space<vmem>>
      %dma_start3A_2575 = arith.constant 0 : i32
      %dma_start3A_2576 = arith.constant 0 : i32
      %dma_start3A_2577 = tpu.memref_slice %arg2[%dma_start3A_2575, %dma_start3A_2576] : memref<1000000x128xf32, #tpu.memory_space<hbm>> -> memref<1000000x128xf32, #tpu.memory_space<hbm>>
      tpu.enqueue_indirect_dma source(%dma_start3A_2577 : memref<1000000x128xf32, #tpu.memory_space<hbm>>) target(%dma_start3A_2571 : memref<128x128xf32, #tpu.memory_space<vmem>>) offsets(%dma_start3A_2574 : memref<128xi32, #tpu.memory_space<vmem>>) semaphore(%arg15 : memref<!tpu.dma_semaphore, #tpu.memory_space<semaphore_mem>>)
      %add3A_2578 = arith.constant 2 : i32
      %add3A_2579 = arith.addi %add3A_2055, %add3A_2578 : i32
      %dma_wait3A_2580 = arith.constant 2 : i32
      %dma_wait3A_2581 = arith.constant 2 : i32
      %dma_wait3A_2582 = arith.constant 0 : i32
      %dma_wait3A_2583 = arith.constant 0 : i32
      %dma_wait3A_2584 = tpu.memref_slice %arg6[%dma_wait3A_2581, %dma_wait3A_2582, %dma_wait3A_2583] : memref<4x128x128xf32, #tpu.memory_space<vmem>> -> memref<1x128x128xf32, #tpu.memory_space<vmem>>
      %dma_wait3A_2585 = tpu.memref_squeeze %dma_wait3A_2584 : memref<1x128x128xf32, #tpu.memory_space<vmem>> -> memref<128x128xf32, #tpu.memory_space<vmem>>
      %dma_wait3A_2586 = arith.constant 0 : i32
      %dma_wait3A_2587 = tpu.memref_slice %arg5[%dma_wait3A_2580, %dma_wait3A_2586] : memref<4x128xi32, #tpu.memory_space<vmem>> -> memref<1x128xi32, #tpu.memory_space<vmem>>
      %dma_wait3A_2588 = tpu.memref_squeeze %dma_wait3A_2587 : memref<1x128xi32, #tpu.memory_space<vmem>> -> memref<128xi32, #tpu.memory_space<vmem>>
      %dma_wait3A_2589 = arith.constant 0 : i32
      %dma_wait3A_2590 = arith.constant 0 : i32
      %dma_wait3A_2591 = tpu.memref_slice %arg2[%dma_wait3A_2589, %dma_wait3A_2590] : memref<1000000x128xf32, #tpu.memory_space<hbm>> -> memref<1000000x128xf32, #tpu.memory_space<hbm>>
      tpu.wait_indirect_dma semaphore(%arg14 : memref<!tpu.dma_semaphore, #tpu.memory_space<semaphore_mem>>) src(%dma_wait3A_2591 : memref<1000000x128xf32, #tpu.memory_space<hbm>>) dst(%dma_wait3A_2585 : memref<128x128xf32, #tpu.memory_space<vmem>>)
      %sub3A_2592 = arith.constant 4 : i32
      %sub3A_2593 = arith.subi %add3A_2579, %sub3A_2592 : i32
      %add3A_2594 = arith.addi %mul3A_2, %sub3A_2593 : i32
      %jit3A_2595 = arith.constant 32 : i32
      %div3A_2596 = arith.divsi %add3A_2594, %jit3A_2595 : i32
      %sign3A_2597 = arith.constant 0 : i32
      %sign3A_2598 = arith.cmpi sgt, %add3A_2594, %sign3A_2597 : i32
      %sign3A_2599 = arith.extui %sign3A_2598 : i1 to i32
      %sign3A_2600 = arith.constant 0 : i32
      %sign3A_2601 = arith.cmpi slt, %add3A_2594, %sign3A_2600 : i32
      %sign3A_2602 = arith.extui %sign3A_2601 : i1 to i32
      %sign3A_2603 = arith.subi %sign3A_2599, %sign3A_2602 : i32
      %sign3A_2604 = arith.constant 0 : i32
      %sign3A_2605 = arith.cmpi sgt, %jit3A_2595, %sign3A_2604 : i32
      %sign3A_2606 = arith.extui %sign3A_2605 : i1 to i32
      %sign3A_2607 = arith.constant 0 : i32
      %sign3A_2608 = arith.cmpi slt, %jit3A_2595, %sign3A_2607 : i32
      %sign3A_2609 = arith.extui %sign3A_2608 : i1 to i32
      %sign3A_2610 = arith.subi %sign3A_2606, %sign3A_2609 : i32
      %ne3A_2611 = arith.cmpi ne, %sign3A_2603, %sign3A_2610 : i32
      %rem3A_2612 = arith.remsi %add3A_2594, %jit3A_2595 : i32
      %ne3A_2613 = arith.constant 0 : i32
      %ne3A_2614 = arith.cmpi ne, %rem3A_2612, %ne3A_2613 : i32
      %and3A_2615 = arith.andi %ne3A_2611, %ne3A_2614 : i1
      %sub3A_2616 = arith.constant 1 : i32
      %sub3A_2617 = arith.subi %div3A_2596, %sub3A_2616 : i32
      %select_n3A_2618 = arith.select %and3A_2615, %sub3A_2617, %div3A_2596 : i32
      %jit3A_2619 = arith.constant 32 : i32
      %eq3A_2620 = arith.constant 0 : i32
      %eq3A_2621 = arith.cmpi eq, %jit3A_2619, %eq3A_2620 : i32
      %jit3A_2622 = arith.constant 1 : i32
      %select_n3A_2623 = arith.select %eq3A_2621, %jit3A_2622, %jit3A_2619 : i32
      %rem3A_2624 = arith.remsi %add3A_2594, %select_n3A_2623 : i32
      %ne3A_2625 = arith.constant 0 : i32
      %ne3A_2626 = arith.cmpi ne, %rem3A_2624, %ne3A_2625 : i32
      %lt3A_2627 = arith.constant 0 : i32
      %lt3A_2628 = arith.cmpi slt, %rem3A_2624, %lt3A_2627 : i32
      %lt3A_2629 = arith.constant 0 : i32
      %lt3A_2630 = arith.cmpi slt, %select_n3A_2623, %lt3A_2629 : i32
      %ne3A_2631 = arith.xori %lt3A_2628, %lt3A_2630 : i1
      %and3A_2632 = arith.andi %ne3A_2631, %ne3A_2626 : i1
      %add3A_2633 = arith.addi %rem3A_2624, %select_n3A_2623 : i32
      %select_n3A_2634 = arith.select %and3A_2632, %add3A_2633, %rem3A_2624 : i32
      %mul3A_2635 = arith.constant 128 : i32
      %mul3A_2636 = arith.muli %select_n3A_2634, %mul3A_2635 : i32
      %dma_wait3A_2637 = arith.constant 2 : i32
      %dma_wait3A_2638 = arith.constant 0 : i32
      %dma_wait3A_2639 = arith.constant 0 : i32
      %dma_wait3A_2640 = tpu.memref_slice %arg7[%dma_wait3A_2637, %dma_wait3A_2638, %dma_wait3A_2639] : memref<4x64x128xf32, #tpu.memory_space<vmem>> -> memref<1x64x128xf32, #tpu.memory_space<vmem>>
      %dma_wait3A_2641 = tpu.memref_squeeze %dma_wait3A_2640 : memref<1x64x128xf32, #tpu.memory_space<vmem>> -> memref<64x128xf32, #tpu.memory_space<vmem>>
      %dma_wait3A_2642 = arith.constant 0 : i32
      %dma_wait3A_2643 = tpu.memref_slice %arg4[%select_n3A_2618, %dma_wait3A_2642, %mul3A_2636] : memref<200x64x4096xf32, #tpu.memory_space<hbm>> -> memref<1x64x128xf32, #tpu.memory_space<hbm>>
      %dma_wait3A_2644 = tpu.memref_squeeze %dma_wait3A_2643 : memref<1x64x128xf32, #tpu.memory_space<hbm>> -> memref<64x128xf32, #tpu.memory_space<hbm>>
      %dma_wait3A_2645 = arith.constant 0 : i32
      %dma_wait3A_2646 = tpu.memref_slice %arg4[%select_n3A_2618, %dma_wait3A_2645, %mul3A_2636] : memref<200x64x4096xf32, #tpu.memory_space<hbm>> -> memref<1x64x128xf32, #tpu.memory_space<hbm>>
      %dma_wait3A_2647 = tpu.memref_squeeze %dma_wait3A_2646 : memref<1x64x128xf32, #tpu.memory_space<hbm>> -> memref<64x128xf32, #tpu.memory_space<hbm>>
      %dma_wait3A_2648 = arith.constant 0 : i32
      %dma_wait3A_2649 = arith.constant 0 : i32
      %dma_wait3A_2650 = tpu.memref_slice %arg7[%dma_wait3A_2637, %dma_wait3A_2648, %dma_wait3A_2649] : memref<4x64x128xf32, #tpu.memory_space<vmem>> -> memref<1x64x128xf32, #tpu.memory_space<vmem>>
      %dma_wait3A_2651 = tpu.memref_squeeze %dma_wait3A_2650 : memref<1x64x128xf32, #tpu.memory_space<vmem>> -> memref<64x128xf32, #tpu.memory_space<vmem>>
      tpu.wait_dma2 semaphore(%arg18 : memref<!tpu.dma_semaphore, #tpu.memory_space<semaphore_mem>>) src(%dma_wait3A_2651 : memref<64x128xf32, #tpu.memory_space<vmem>>) dst(%dma_wait3A_2647 : memref<64x128xf32, #tpu.memory_space<hbm>>)
      %scan3A_2652 = arith.constant 0 : i32
      %scan3A_2653 = arith.constant 8 : i32
      %scan3A_2654 = arith.addi %scan3A_2652, %scan3A_2653 : i32
      %scan3A_2655 = arith.constant 1 : i32
      scf.for %scan3A_3100 = %scan3A_2652 to %scan3A_2654 step %scan3A_2655  : i32 {
        %mul3A_3101 = arith.constant 1 : i32
        %mul3A_3102 = arith.muli %scan3A_3100, %mul3A_3101 : i32
        %add3A_3103 = arith.constant 0 : i32
        %add3A_3104 = arith.addi %add3A_3103, %mul3A_3102 : i32
        %mul3A_3105 = arith.constant 16 : i32
        %mul3A_3106 = arith.muli %add3A_3104, %mul3A_3105 : i32
        %add3A_3107 = vector.broadcast %mul3A_3106 : i32 to vector<16xi32>
        %add3A_3108 = arith.addi %add3A_3107, %iota3A : vector<16xi32>
        %shift_left3A = arith.constant 7 : i32
        %shift_left3A_3109 = vector.broadcast %shift_left3A : i32 to vector<16xi32>
        %shift_left3A_3110 = arith.shli %add3A_3108, %shift_left3A_3109 : vector<16xi32>
        %broadcast_in_dim3A = arith.constant 0 : i32
        %broadcast_in_dim3A_3111 = vector.broadcast %broadcast_in_dim3A : i32 to vector<16xi32>
        %parallel_loop3A = arith.constant 0 : i32
        %parallel_loop3A_3112 = arith.constant 64 : i32
        %parallel_loop3A_3113 = arith.constant 1 : i32
        %parallel_loop3A_3114 = scf.for %parallel_loop3A_3115 = %parallel_loop3A to %parallel_loop3A_3112 step %parallel_loop3A_3113 iter_args(%parallel_loop3A_3116 = %shift_left3A_3110) -> (vector<16xi32>)  : i32 {
          %parallel_loop3A_3117 = arith.constant 2 : i32
          %parallel_loop3A_3118 = arith.constant 0 : i32
          %parallel_loop3A_3119 = arith.constant 0 : i32
          %parallel_loop3A_3120 = tpu.memref_slice %arg6[%parallel_loop3A_3117, %parallel_loop3A_3118, %parallel_loop3A_3119] : memref<4x128x128xf32, #tpu.memory_space<vmem>> -> memref<1x128x128xf32, #tpu.memory_space<vmem>>
          %parallel_loop3A_3121 = tpu.memref_squeeze %parallel_loop3A_3120 : memref<1x128x128xf32, #tpu.memory_space<vmem>> -> memref<128x128xf32, #tpu.memory_space<vmem>>
          %parallel_loop3A_3122 = tpu.vector_load_idx %parallel_loop3A_3121[%broadcast_in_dim3A_3111, %parallel_loop3A_3116] : memref<128x128xf32, #tpu.memory_space<vmem>>[vector<16xi32>, vector<16xi32>], vector<16xf32>,
          %parallel_loop3A_3123 = arith.constant 16 : i32
          %parallel_loop3A_3124 = arith.muli %add3A_3104, %parallel_loop3A_3123 : i32
          %parallel_loop3A_3125 = arith.constant 2 : i32
          %parallel_loop3A_3126 = arith.index_cast %parallel_loop3A_3125 : i32 to index
          %parallel_loop3A_3127 = arith.index_cast %parallel_loop3A_3115 : i32 to index
          %parallel_loop3A_3128 = arith.index_cast %parallel_loop3A_3124 : i32 to index
          %parallel_loop3A_3129 = tpu.vector_load %arg7[%parallel_loop3A_3126, %parallel_loop3A_3127, %parallel_loop3A_3128] {strides = array<i32>} : memref<4x64x128xf32, #tpu.memory_space<vmem>>, vector<16xf32>,
          tpu.vector_store %arg7[%parallel_loop3A_3126, %parallel_loop3A_3127, %parallel_loop3A_3128], %parallel_loop3A_3122 {strides = array<i32>} : memref<4x64x128xf32, #tpu.memory_space<vmem>>, vector<16xf32>,
          %parallel_loop3A_3130 = arith.constant 1 : i32
          %parallel_loop3A_3131 = vector.broadcast %parallel_loop3A_3130 : i32 to vector<16xi32>
          %parallel_loop3A_3132 = arith.addi %parallel_loop3A_3116, %parallel_loop3A_3131 : vector<16xi32>
          scf.yield %parallel_loop3A_3132 : vector<16xi32>
        } {sc.loop_unroll_factor = 16 : i64, sc.parallel_access}
      }
      %scan3A_2656 = arith.constant 8 : i32
      %add3A_2657 = arith.addi %mul3A_2, %add3A_2579 : i32
      %jit3A_2658 = arith.constant 32 : i32
      %div3A_2659 = arith.divsi %add3A_2657, %jit3A_2658 : i32
      %sign3A_2660 = arith.constant 0 : i32
      %sign3A_2661 = arith.cmpi sgt, %add3A_2657, %sign3A_2660 : i32
      %sign3A_2662 = arith.extui %sign3A_2661 : i1 to i32
      %sign3A_2663 = arith.constant 0 : i32
      %sign3A_2664 = arith.cmpi slt, %add3A_2657, %sign3A_2663 : i32
      %sign3A_2665 = arith.extui %sign3A_2664 : i1 to i32
      %sign3A_2666 = arith.subi %sign3A_2662, %sign3A_2665 : i32
      %sign3A_2667 = arith.constant 0 : i32
      %sign3A_2668 = arith.cmpi sgt, %jit3A_2658, %sign3A_2667 : i32
      %sign3A_2669 = arith.extui %sign3A_2668 : i1 to i32
      %sign3A_2670 = arith.constant 0 : i32
      %sign3A_2671 = arith.cmpi slt, %jit3A_2658, %sign3A_2670 : i32
      %sign3A_2672 = arith.extui %sign3A_2671 : i1 to i32
      %sign3A_2673 = arith.subi %sign3A_2669, %sign3A_2672 : i32
      %ne3A_2674 = arith.cmpi ne, %sign3A_2666, %sign3A_2673 : i32
      %rem3A_2675 = arith.remsi %add3A_2657, %jit3A_2658 : i32
      %ne3A_2676 = arith.constant 0 : i32
      %ne3A_2677 = arith.cmpi ne, %rem3A_2675, %ne3A_2676 : i32
      %and3A_2678 = arith.andi %ne3A_2674, %ne3A_2677 : i1
      %sub3A_2679 = arith.constant 1 : i32
      %sub3A_2680 = arith.subi %div3A_2659, %sub3A_2679 : i32
      %select_n3A_2681 = arith.select %and3A_2678, %sub3A_2680, %div3A_2659 : i32
      %jit3A_2682 = arith.constant 32 : i32
      %eq3A_2683 = arith.constant 0 : i32
      %eq3A_2684 = arith.cmpi eq, %jit3A_2682, %eq3A_2683 : i32
      %jit3A_2685 = arith.constant 1 : i32
      %select_n3A_2686 = arith.select %eq3A_2684, %jit3A_2685, %jit3A_2682 : i32
      %rem3A_2687 = arith.remsi %add3A_2657, %select_n3A_2686 : i32
      %ne3A_2688 = arith.constant 0 : i32
      %ne3A_2689 = arith.cmpi ne, %rem3A_2687, %ne3A_2688 : i32
      %lt3A_2690 = arith.constant 0 : i32
      %lt3A_2691 = arith.cmpi slt, %rem3A_2687, %lt3A_2690 : i32
      %lt3A_2692 = arith.constant 0 : i32
      %lt3A_2693 = arith.cmpi slt, %select_n3A_2686, %lt3A_2692 : i32
      %ne3A_2694 = arith.xori %lt3A_2691, %lt3A_2693 : i1
      %and3A_2695 = arith.andi %ne3A_2694, %ne3A_2689 : i1
      %add3A_2696 = arith.addi %rem3A_2687, %select_n3A_2686 : i32
      %select_n3A_2697 = arith.select %and3A_2695, %add3A_2696, %rem3A_2687 : i32
      %mul3A_2698 = arith.constant 128 : i32
      %mul3A_2699 = arith.muli %select_n3A_2697, %mul3A_2698 : i32
      %dma_start3A_2700 = arith.constant 2 : i32
      %dma_start3A_2701 = arith.constant 0 : i32
      %dma_start3A_2702 = arith.constant 0 : i32
      %dma_start3A_2703 = tpu.memref_slice %arg7[%dma_start3A_2700, %dma_start3A_2701, %dma_start3A_2702] : memref<4x64x128xf32, #tpu.memory_space<vmem>> -> memref<1x64x128xf32, #tpu.memory_space<vmem>>
      %dma_start3A_2704 = tpu.memref_squeeze %dma_start3A_2703 : memref<1x64x128xf32, #tpu.memory_space<vmem>> -> memref<64x128xf32, #tpu.memory_space<vmem>>
      %dma_start3A_2705 = arith.constant 0 : i32
      %dma_start3A_2706 = tpu.memref_slice %arg4[%select_n3A_2681, %dma_start3A_2705, %mul3A_2699] : memref<200x64x4096xf32, #tpu.memory_space<hbm>> -> memref<1x64x128xf32, #tpu.memory_space<hbm>>
      %dma_start3A_2707 = tpu.memref_squeeze %dma_start3A_2706 : memref<1x64x128xf32, #tpu.memory_space<hbm>> -> memref<64x128xf32, #tpu.memory_space<hbm>>
      %dma_start3A_2708 = arith.constant 0 : i32
      %dma_start3A_2709 = tpu.memref_slice %arg4[%select_n3A_2681, %dma_start3A_2708, %mul3A_2699] : memref<200x64x4096xf32, #tpu.memory_space<hbm>> -> memref<1x64x128xf32, #tpu.memory_space<hbm>>
      %dma_start3A_2710 = tpu.memref_squeeze %dma_start3A_2709 : memref<1x64x128xf32, #tpu.memory_space<hbm>> -> memref<64x128xf32, #tpu.memory_space<hbm>>
      %dma_start3A_2711 = arith.constant 0 : i32
      %dma_start3A_2712 = arith.constant 0 : i32
      %dma_start3A_2713 = tpu.memref_slice %arg7[%dma_start3A_2700, %dma_start3A_2711, %dma_start3A_2712] : memref<4x64x128xf32, #tpu.memory_space<vmem>> -> memref<1x64x128xf32, #tpu.memory_space<vmem>>
      %dma_start3A_2714 = tpu.memref_squeeze %dma_start3A_2713 : memref<1x64x128xf32, #tpu.memory_space<vmem>> -> memref<64x128xf32, #tpu.memory_space<vmem>>
      tpu.enqueue_dma source(%dma_start3A_2714 : memref<64x128xf32, #tpu.memory_space<vmem>>) target(%dma_start3A_2710 : memref<64x128xf32, #tpu.memory_space<hbm>>) target_semaphore(%arg18 : memref<!tpu.dma_semaphore, #tpu.memory_space<semaphore_mem>>)
      %add3A_2715 = arith.constant 4 : i32
      %add3A_2716 = arith.addi %add3A_2579, %add3A_2715 : i32
      %add3A_2717 = arith.addi %mul3A_2, %add3A_2716 : i32
      %jit3A_2718 = arith.constant 32 : i32
      %div3A_2719 = arith.divsi %add3A_2717, %jit3A_2718 : i32
      %sign3A_2720 = arith.constant 0 : i32
      %sign3A_2721 = arith.cmpi sgt, %add3A_2717, %sign3A_2720 : i32
      %sign3A_2722 = arith.extui %sign3A_2721 : i1 to i32
      %sign3A_2723 = arith.constant 0 : i32
      %sign3A_2724 = arith.cmpi slt, %add3A_2717, %sign3A_2723 : i32
      %sign3A_2725 = arith.extui %sign3A_2724 : i1 to i32
      %sign3A_2726 = arith.subi %sign3A_2722, %sign3A_2725 : i32
      %sign3A_2727 = arith.constant 0 : i32
      %sign3A_2728 = arith.cmpi sgt, %jit3A_2718, %sign3A_2727 : i32
      %sign3A_2729 = arith.extui %sign3A_2728 : i1 to i32
      %sign3A_2730 = arith.constant 0 : i32
      %sign3A_2731 = arith.cmpi slt, %jit3A_2718, %sign3A_2730 : i32
      %sign3A_2732 = arith.extui %sign3A_2731 : i1 to i32
      %sign3A_2733 = arith.subi %sign3A_2729, %sign3A_2732 : i32
      %ne3A_2734 = arith.cmpi ne, %sign3A_2726, %sign3A_2733 : i32
      %rem3A_2735 = arith.remsi %add3A_2717, %jit3A_2718 : i32
      %ne3A_2736 = arith.constant 0 : i32
      %ne3A_2737 = arith.cmpi ne, %rem3A_2735, %ne3A_2736 : i32
      %and3A_2738 = arith.andi %ne3A_2734, %ne3A_2737 : i1
      %sub3A_2739 = arith.constant 1 : i32
      %sub3A_2740 = arith.subi %div3A_2719, %sub3A_2739 : i32
      %select_n3A_2741 = arith.select %and3A_2738, %sub3A_2740, %div3A_2719 : i32
      %jit3A_2742 = arith.constant 32 : i32
      %eq3A_2743 = arith.constant 0 : i32
      %eq3A_2744 = arith.cmpi eq, %jit3A_2742, %eq3A_2743 : i32
      %jit3A_2745 = arith.constant 1 : i32
      %select_n3A_2746 = arith.select %eq3A_2744, %jit3A_2745, %jit3A_2742 : i32
      %rem3A_2747 = arith.remsi %add3A_2717, %select_n3A_2746 : i32
      %ne3A_2748 = arith.constant 0 : i32
      %ne3A_2749 = arith.cmpi ne, %rem3A_2747, %ne3A_2748 : i32
      %lt3A_2750 = arith.constant 0 : i32
      %lt3A_2751 = arith.cmpi slt, %rem3A_2747, %lt3A_2750 : i32
      %lt3A_2752 = arith.constant 0 : i32
      %lt3A_2753 = arith.cmpi slt, %select_n3A_2746, %lt3A_2752 : i32
      %ne3A_2754 = arith.xori %lt3A_2751, %lt3A_2753 : i1
      %and3A_2755 = arith.andi %ne3A_2754, %ne3A_2749 : i1
      %add3A_2756 = arith.addi %rem3A_2747, %select_n3A_2746 : i32
      %select_n3A_2757 = arith.select %and3A_2755, %add3A_2756, %rem3A_2747 : i32
      %mul3A_2758 = arith.constant 128 : i32
      %mul3A_2759 = arith.muli %select_n3A_2757, %mul3A_2758 : i32
      %dma_start3A_2760 = arith.constant 2 : i32
      %dma_start3A_2761 = arith.constant 0 : i32
      %dma_start3A_2762 = tpu.memref_slice %arg5[%dma_start3A_2760, %dma_start3A_2761] : memref<4x128xi32, #tpu.memory_space<vmem>> -> memref<1x128xi32, #tpu.memory_space<vmem>>
      %dma_start3A_2763 = tpu.memref_squeeze %dma_start3A_2762 : memref<1x128xi32, #tpu.memory_space<vmem>> -> memref<128xi32, #tpu.memory_space<vmem>>
      %dma_start3A_2764 = tpu.memref_slice %arg3[%select_n3A_2741, %mul3A_2759] : memref<200x4096xi32, #tpu.memory_space<hbm>> -> memref<1x128xi32, #tpu.memory_space<hbm>>
      %dma_start3A_2765 = tpu.memref_squeeze %dma_start3A_2764 : memref<1x128xi32, #tpu.memory_space<hbm>> -> memref<128xi32, #tpu.memory_space<hbm>>
      %dma_start3A_2766 = arith.constant 0 : i32
      %dma_start3A_2767 = tpu.memref_slice %arg5[%dma_start3A_2760, %dma_start3A_2766] : memref<4x128xi32, #tpu.memory_space<vmem>> -> memref<1x128xi32, #tpu.memory_space<vmem>>
      %dma_start3A_2768 = tpu.memref_squeeze %dma_start3A_2767 : memref<1x128xi32, #tpu.memory_space<vmem>> -> memref<128xi32, #tpu.memory_space<vmem>>
      %dma_start3A_2769 = tpu.memref_slice %arg3[%select_n3A_2741, %mul3A_2759] : memref<200x4096xi32, #tpu.memory_space<hbm>> -> memref<1x128xi32, #tpu.memory_space<hbm>>
      %dma_start3A_2770 = tpu.memref_squeeze %dma_start3A_2769 : memref<1x128xi32, #tpu.memory_space<hbm>> -> memref<128xi32, #tpu.memory_space<hbm>>
      tpu.enqueue_dma source(%dma_start3A_2770 : memref<128xi32, #tpu.memory_space<hbm>>) target(%dma_start3A_2768 : memref<128xi32, #tpu.memory_space<vmem>>) target_semaphore(%arg10 : memref<!tpu.dma_semaphore, #tpu.memory_space<semaphore_mem>>)
      %add3A_2771 = arith.constant 2 : i32
      %add3A_2772 = arith.addi %add3A_2579, %add3A_2771 : i32
      %add3A_2773 = arith.addi %mul3A_2, %add3A_2772 : i32
      %jit3A_2774 = arith.constant 32 : i32
      %div3A_2775 = arith.divsi %add3A_2773, %jit3A_2774 : i32
      %sign3A_2776 = arith.constant 0 : i32
      %sign3A_2777 = arith.cmpi sgt, %add3A_2773, %sign3A_2776 : i32
      %sign3A_2778 = arith.extui %sign3A_2777 : i1 to i32
      %sign3A_2779 = arith.constant 0 : i32
      %sign3A_2780 = arith.cmpi slt, %add3A_2773, %sign3A_2779 : i32
      %sign3A_2781 = arith.extui %sign3A_2780 : i1 to i32
      %sign3A_2782 = arith.subi %sign3A_2778, %sign3A_2781 : i32
      %sign3A_2783 = arith.constant 0 : i32
      %sign3A_2784 = arith.cmpi sgt, %jit3A_2774, %sign3A_2783 : i32
      %sign3A_2785 = arith.extui %sign3A_2784 : i1 to i32
      %sign3A_2786 = arith.constant 0 : i32
      %sign3A_2787 = arith.cmpi slt, %jit3A_2774, %sign3A_2786 : i32
      %sign3A_2788 = arith.extui %sign3A_2787 : i1 to i32
      %sign3A_2789 = arith.subi %sign3A_2785, %sign3A_2788 : i32
      %ne3A_2790 = arith.cmpi ne, %sign3A_2782, %sign3A_2789 : i32
      %rem3A_2791 = arith.remsi %add3A_2773, %jit3A_2774 : i32
      %ne3A_2792 = arith.constant 0 : i32
      %ne3A_2793 = arith.cmpi ne, %rem3A_2791, %ne3A_2792 : i32
      %and3A_2794 = arith.andi %ne3A_2790, %ne3A_2793 : i1
      %sub3A_2795 = arith.constant 1 : i32
      %sub3A_2796 = arith.subi %div3A_2775, %sub3A_2795 : i32
      %select_n3A_2797 = arith.select %and3A_2794, %sub3A_2796, %div3A_2775 : i32
      %jit3A_2798 = arith.constant 32 : i32
      %eq3A_2799 = arith.constant 0 : i32
      %eq3A_2800 = arith.cmpi eq, %jit3A_2798, %eq3A_2799 : i32
      %jit3A_2801 = arith.constant 1 : i32
      %select_n3A_2802 = arith.select %eq3A_2800, %jit3A_2801, %jit3A_2798 : i32
      %rem3A_2803 = arith.remsi %add3A_2773, %select_n3A_2802 : i32
      %ne3A_2804 = arith.constant 0 : i32
      %ne3A_2805 = arith.cmpi ne, %rem3A_2803, %ne3A_2804 : i32
      %lt3A_2806 = arith.constant 0 : i32
      %lt3A_2807 = arith.cmpi slt, %rem3A_2803, %lt3A_2806 : i32
      %lt3A_2808 = arith.constant 0 : i32
      %lt3A_2809 = arith.cmpi slt, %select_n3A_2802, %lt3A_2808 : i32
      %ne3A_2810 = arith.xori %lt3A_2807, %lt3A_2809 : i1
      %and3A_2811 = arith.andi %ne3A_2810, %ne3A_2805 : i1
      %add3A_2812 = arith.addi %rem3A_2803, %select_n3A_2802 : i32
      %select_n3A_2813 = arith.select %and3A_2811, %add3A_2812, %rem3A_2803 : i32
      %mul3A_2814 = arith.constant 128 : i32
      %mul3A_2815 = arith.muli %select_n3A_2813, %mul3A_2814 : i32
      %dma_wait3A_2816 = arith.constant 0 : i32
      %dma_wait3A_2817 = arith.constant 0 : i32
      %dma_wait3A_2818 = tpu.memref_slice %arg5[%dma_wait3A_2816, %dma_wait3A_2817] : memref<4x128xi32, #tpu.memory_space<vmem>> -> memref<1x128xi32, #tpu.memory_space<vmem>>
      %dma_wait3A_2819 = tpu.memref_squeeze %dma_wait3A_2818 : memref<1x128xi32, #tpu.memory_space<vmem>> -> memref<128xi32, #tpu.memory_space<vmem>>
      %dma_wait3A_2820 = tpu.memref_slice %arg3[%select_n3A_2797, %mul3A_2815] : memref<200x4096xi32, #tpu.memory_space<hbm>> -> memref<1x128xi32, #tpu.memory_space<hbm>>
      %dma_wait3A_2821 = tpu.memref_squeeze %dma_wait3A_2820 : memref<1x128xi32, #tpu.memory_space<hbm>> -> memref<128xi32, #tpu.memory_space<hbm>>
      %dma_wait3A_2822 = arith.constant 0 : i32
      %dma_wait3A_2823 = tpu.memref_slice %arg5[%dma_wait3A_2816, %dma_wait3A_2822] : memref<4x128xi32, #tpu.memory_space<vmem>> -> memref<1x128xi32, #tpu.memory_space<vmem>>
      %dma_wait3A_2824 = tpu.memref_squeeze %dma_wait3A_2823 : memref<1x128xi32, #tpu.memory_space<vmem>> -> memref<128xi32, #tpu.memory_space<vmem>>
      %dma_wait3A_2825 = tpu.memref_slice %arg3[%select_n3A_2797, %mul3A_2815] : memref<200x4096xi32, #tpu.memory_space<hbm>> -> memref<1x128xi32, #tpu.memory_space<hbm>>
      %dma_wait3A_2826 = tpu.memref_squeeze %dma_wait3A_2825 : memref<1x128xi32, #tpu.memory_space<hbm>> -> memref<128xi32, #tpu.memory_space<hbm>>
      tpu.wait_dma2 semaphore(%arg8 : memref<!tpu.dma_semaphore, #tpu.memory_space<semaphore_mem>>) src(%dma_wait3A_2826 : memref<128xi32, #tpu.memory_space<hbm>>) dst(%dma_wait3A_2824 : memref<128xi32, #tpu.memory_space<vmem>>)
      %dma_start3A_2827 = arith.constant 0 : i32
      %dma_start3A_2828 = arith.constant 0 : i32
      %dma_start3A_2829 = arith.constant 0 : i32
      %dma_start3A_2830 = arith.constant 0 : i32
      %dma_start3A_2831 = tpu.memref_slice %arg6[%dma_start3A_2828, %dma_start3A_2829, %dma_start3A_2830] : memref<4x128x128xf32, #tpu.memory_space<vmem>> -> memref<1x128x128xf32, #tpu.memory_space<vmem>>
      %dma_start3A_2832 = tpu.memref_squeeze %dma_start3A_2831 : memref<1x128x128xf32, #tpu.memory_space<vmem>> -> memref<128x128xf32, #tpu.memory_space<vmem>>
      %dma_start3A_2833 = arith.constant 0 : i32
      %dma_start3A_2834 = tpu.memref_slice %arg5[%dma_start3A_2827, %dma_start3A_2833] : memref<4x128xi32, #tpu.memory_space<vmem>> -> memref<1x128xi32, #tpu.memory_space<vmem>>
      %dma_start3A_2835 = tpu.memref_squeeze %dma_start3A_2834 : memref<1x128xi32, #tpu.memory_space<vmem>> -> memref<128xi32, #tpu.memory_space<vmem>>
      %dma_start3A_2836 = arith.constant 0 : i32
      %dma_start3A_2837 = arith.constant 0 : i32
      %dma_start3A_2838 = tpu.memref_slice %arg2[%dma_start3A_2836, %dma_start3A_2837] : memref<1000000x128xf32, #tpu.memory_space<hbm>> -> memref<1000000x128xf32, #tpu.memory_space<hbm>>
      tpu.enqueue_indirect_dma source(%dma_start3A_2838 : memref<1000000x128xf32, #tpu.memory_space<hbm>>) target(%dma_start3A_2832 : memref<128x128xf32, #tpu.memory_space<vmem>>) offsets(%dma_start3A_2835 : memref<128xi32, #tpu.memory_space<vmem>>) semaphore(%arg12 : memref<!tpu.dma_semaphore, #tpu.memory_space<semaphore_mem>>)
      %add3A_2839 = arith.constant 3 : i32
      %add3A_2840 = arith.addi %add3A_2055, %add3A_2839 : i32
      %dma_wait3A_2841 = arith.constant 3 : i32
      %dma_wait3A_2842 = arith.constant 3 : i32
      %dma_wait3A_2843 = arith.constant 0 : i32
      %dma_wait3A_2844 = arith.constant 0 : i32
      %dma_wait3A_2845 = tpu.memref_slice %arg6[%dma_wait3A_2842, %dma_wait3A_2843, %dma_wait3A_2844] : memref<4x128x128xf32, #tpu.memory_space<vmem>> -> memref<1x128x128xf32, #tpu.memory_space<vmem>>
      %dma_wait3A_2846 = tpu.memref_squeeze %dma_wait3A_2845 : memref<1x128x128xf32, #tpu.memory_space<vmem>> -> memref<128x128xf32, #tpu.memory_space<vmem>>
      %dma_wait3A_2847 = arith.constant 0 : i32
      %dma_wait3A_2848 = tpu.memref_slice %arg5[%dma_wait3A_2841, %dma_wait3A_2847] : memref<4x128xi32, #tpu.memory_space<vmem>> -> memref<1x128xi32, #tpu.memory_space<vmem>>
      %dma_wait3A_2849 = tpu.memref_squeeze %dma_wait3A_2848 : memref<1x128xi32, #tpu.memory_space<vmem>> -> memref<128xi32, #tpu.memory_space<vmem>>
      %dma_wait3A_2850 = arith.constant 0 : i32
      %dma_wait3A_2851 = arith.constant 0 : i32
      %dma_wait3A_2852 = tpu.memref_slice %arg2[%dma_wait3A_2850, %dma_wait3A_2851] : memref<1000000x128xf32, #tpu.memory_space<hbm>> -> memref<1000000x128xf32, #tpu.memory_space<hbm>>
      tpu.wait_indirect_dma semaphore(%arg15 : memref<!tpu.dma_semaphore, #tpu.memory_space<semaphore_mem>>) src(%dma_wait3A_2852 : memref<1000000x128xf32, #tpu.memory_space<hbm>>) dst(%dma_wait3A_2846 : memref<128x128xf32, #tpu.memory_space<vmem>>)
      %sub3A_2853 = arith.constant 4 : i32
      %sub3A_2854 = arith.subi %add3A_2840, %sub3A_2853 : i32
      %add3A_2855 = arith.addi %mul3A_2, %sub3A_2854 : i32
      %jit3A_2856 = arith.constant 32 : i32
      %div3A_2857 = arith.divsi %add3A_2855, %jit3A_2856 : i32
      %sign3A_2858 = arith.constant 0 : i32
      %sign3A_2859 = arith.cmpi sgt, %add3A_2855, %sign3A_2858 : i32
      %sign3A_2860 = arith.extui %sign3A_2859 : i1 to i32
      %sign3A_2861 = arith.constant 0 : i32
      %sign3A_2862 = arith.cmpi slt, %add3A_2855, %sign3A_2861 : i32
      %sign3A_2863 = arith.extui %sign3A_2862 : i1 to i32
      %sign3A_2864 = arith.subi %sign3A_2860, %sign3A_2863 : i32
      %sign3A_2865 = arith.constant 0 : i32
      %sign3A_2866 = arith.cmpi sgt, %jit3A_2856, %sign3A_2865 : i32
      %sign3A_2867 = arith.extui %sign3A_2866 : i1 to i32
      %sign3A_2868 = arith.constant 0 : i32
      %sign3A_2869 = arith.cmpi slt, %jit3A_2856, %sign3A_2868 : i32
      %sign3A_2870 = arith.extui %sign3A_2869 : i1 to i32
      %sign3A_2871 = arith.subi %sign3A_2867, %sign3A_2870 : i32
      %ne3A_2872 = arith.cmpi ne, %sign3A_2864, %sign3A_2871 : i32
      %rem3A_2873 = arith.remsi %add3A_2855, %jit3A_2856 : i32
      %ne3A_2874 = arith.constant 0 : i32
      %ne3A_2875 = arith.cmpi ne, %rem3A_2873, %ne3A_2874 : i32
      %and3A_2876 = arith.andi %ne3A_2872, %ne3A_2875 : i1
      %sub3A_2877 = arith.constant 1 : i32
      %sub3A_2878 = arith.subi %div3A_2857, %sub3A_2877 : i32
      %select_n3A_2879 = arith.select %and3A_2876, %sub3A_2878, %div3A_2857 : i32
      %jit3A_2880 = arith.constant 32 : i32
      %eq3A_2881 = arith.constant 0 : i32
      %eq3A_2882 = arith.cmpi eq, %jit3A_2880, %eq3A_2881 : i32
      %jit3A_2883 = arith.constant 1 : i32
      %select_n3A_2884 = arith.select %eq3A_2882, %jit3A_2883, %jit3A_2880 : i32
      %rem3A_2885 = arith.remsi %add3A_2855, %select_n3A_2884 : i32
      %ne3A_2886 = arith.constant 0 : i32
      %ne3A_2887 = arith.cmpi ne, %rem3A_2885, %ne3A_2886 : i32
      %lt3A_2888 = arith.constant 0 : i32
      %lt3A_2889 = arith.cmpi slt, %rem3A_2885, %lt3A_2888 : i32
      %lt3A_2890 = arith.constant 0 : i32
      %lt3A_2891 = arith.cmpi slt, %select_n3A_2884, %lt3A_2890 : i32
      %ne3A_2892 = arith.xori %lt3A_2889, %lt3A_2891 : i1
      %and3A_2893 = arith.andi %ne3A_2892, %ne3A_2887 : i1
      %add3A_2894 = arith.addi %rem3A_2885, %select_n3A_2884 : i32
      %select_n3A_2895 = arith.select %and3A_2893, %add3A_2894, %rem3A_2885 : i32
      %mul3A_2896 = arith.constant 128 : i32
      %mul3A_2897 = arith.muli %select_n3A_2895, %mul3A_2896 : i32
      %dma_wait3A_2898 = arith.constant 3 : i32
      %dma_wait3A_2899 = arith.constant 0 : i32
      %dma_wait3A_2900 = arith.constant 0 : i32
      %dma_wait3A_2901 = tpu.memref_slice %arg7[%dma_wait3A_2898, %dma_wait3A_2899, %dma_wait3A_2900] : memref<4x64x128xf32, #tpu.memory_space<vmem>> -> memref<1x64x128xf32, #tpu.memory_space<vmem>>
      %dma_wait3A_2902 = tpu.memref_squeeze %dma_wait3A_2901 : memref<1x64x128xf32, #tpu.memory_space<vmem>> -> memref<64x128xf32, #tpu.memory_space<vmem>>
      %dma_wait3A_2903 = arith.constant 0 : i32
      %dma_wait3A_2904 = tpu.memref_slice %arg4[%select_n3A_2879, %dma_wait3A_2903, %mul3A_2897] : memref<200x64x4096xf32, #tpu.memory_space<hbm>> -> memref<1x64x128xf32, #tpu.memory_space<hbm>>
      %dma_wait3A_2905 = tpu.memref_squeeze %dma_wait3A_2904 : memref<1x64x128xf32, #tpu.memory_space<hbm>> -> memref<64x128xf32, #tpu.memory_space<hbm>>
      %dma_wait3A_2906 = arith.constant 0 : i32
      %dma_wait3A_2907 = tpu.memref_slice %arg4[%select_n3A_2879, %dma_wait3A_2906, %mul3A_2897] : memref<200x64x4096xf32, #tpu.memory_space<hbm>> -> memref<1x64x128xf32, #tpu.memory_space<hbm>>
      %dma_wait3A_2908 = tpu.memref_squeeze %dma_wait3A_2907 : memref<1x64x128xf32, #tpu.memory_space<hbm>> -> memref<64x128xf32, #tpu.memory_space<hbm>>
      %dma_wait3A_2909 = arith.constant 0 : i32
      %dma_wait3A_2910 = arith.constant 0 : i32
      %dma_wait3A_2911 = tpu.memref_slice %arg7[%dma_wait3A_2898, %dma_wait3A_2909, %dma_wait3A_2910] : memref<4x64x128xf32, #tpu.memory_space<vmem>> -> memref<1x64x128xf32, #tpu.memory_space<vmem>>
      %dma_wait3A_2912 = tpu.memref_squeeze %dma_wait3A_2911 : memref<1x64x128xf32, #tpu.memory_space<vmem>> -> memref<64x128xf32, #tpu.memory_space<vmem>>
      tpu.wait_dma2 semaphore(%arg19 : memref<!tpu.dma_semaphore, #tpu.memory_space<semaphore_mem>>) src(%dma_wait3A_2912 : memref<64x128xf32, #tpu.memory_space<vmem>>) dst(%dma_wait3A_2908 : memref<64x128xf32, #tpu.memory_space<hbm>>)
      %scan3A_2913 = arith.constant 0 : i32
      %scan3A_2914 = arith.constant 8 : i32
      %scan3A_2915 = arith.addi %scan3A_2913, %scan3A_2914 : i32
      %scan3A_2916 = arith.constant 1 : i32
      scf.for %scan3A_3100 = %scan3A_2913 to %scan3A_2915 step %scan3A_2916  : i32 {
        %mul3A_3101 = arith.constant 1 : i32
        %mul3A_3102 = arith.muli %scan3A_3100, %mul3A_3101 : i32
        %add3A_3103 = arith.constant 0 : i32
        %add3A_3104 = arith.addi %add3A_3103, %mul3A_3102 : i32
        %mul3A_3105 = arith.constant 16 : i32
        %mul3A_3106 = arith.muli %add3A_3104, %mul3A_3105 : i32
        %add3A_3107 = vector.broadcast %mul3A_3106 : i32 to vector<16xi32>
        %add3A_3108 = arith.addi %add3A_3107, %iota3A : vector<16xi32>
        %shift_left3A = arith.constant 7 : i32
        %shift_left3A_3109 = vector.broadcast %shift_left3A : i32 to vector<16xi32>
        %shift_left3A_3110 = arith.shli %add3A_3108, %shift_left3A_3109 : vector<16xi32>
        %broadcast_in_dim3A = arith.constant 0 : i32
        %broadcast_in_dim3A_3111 = vector.broadcast %broadcast_in_dim3A : i32 to vector<16xi32>
        %parallel_loop3A = arith.constant 0 : i32
        %parallel_loop3A_3112 = arith.constant 64 : i32
        %parallel_loop3A_3113 = arith.constant 1 : i32
        %parallel_loop3A_3114 = scf.for %parallel_loop3A_3115 = %parallel_loop3A to %parallel_loop3A_3112 step %parallel_loop3A_3113 iter_args(%parallel_loop3A_3116 = %shift_left3A_3110) -> (vector<16xi32>)  : i32 {
          %parallel_loop3A_3117 = arith.constant 3 : i32
          %parallel_loop3A_3118 = arith.constant 0 : i32
          %parallel_loop3A_3119 = arith.constant 0 : i32
          %parallel_loop3A_3120 = tpu.memref_slice %arg6[%parallel_loop3A_3117, %parallel_loop3A_3118, %parallel_loop3A_3119] : memref<4x128x128xf32, #tpu.memory_space<vmem>> -> memref<1x128x128xf32, #tpu.memory_space<vmem>>
          %parallel_loop3A_3121 = tpu.memref_squeeze %parallel_loop3A_3120 : memref<1x128x128xf32, #tpu.memory_space<vmem>> -> memref<128x128xf32, #tpu.memory_space<vmem>>
          %parallel_loop3A_3122 = tpu.vector_load_idx %parallel_loop3A_3121[%broadcast_in_dim3A_3111, %parallel_loop3A_3116] : memref<128x128xf32, #tpu.memory_space<vmem>>[vector<16xi32>, vector<16xi32>], vector<16xf32>,
          %parallel_loop3A_3123 = arith.constant 16 : i32
          %parallel_loop3A_3124 = arith.muli %add3A_3104, %parallel_loop3A_3123 : i32
          %parallel_loop3A_3125 = arith.constant 3 : i32
          %parallel_loop3A_3126 = arith.index_cast %parallel_loop3A_3125 : i32 to index
          %parallel_loop3A_3127 = arith.index_cast %parallel_loop3A_3115 : i32 to index
          %parallel_loop3A_3128 = arith.index_cast %parallel_loop3A_3124 : i32 to index
          %parallel_loop3A_3129 = tpu.vector_load %arg7[%parallel_loop3A_3126, %parallel_loop3A_3127, %parallel_loop3A_3128] {strides = array<i32>} : memref<4x64x128xf32, #tpu.memory_space<vmem>>, vector<16xf32>,
          tpu.vector_store %arg7[%parallel_loop3A_3126, %parallel_loop3A_3127, %parallel_loop3A_3128], %parallel_loop3A_3122 {strides = array<i32>} : memref<4x64x128xf32, #tpu.memory_space<vmem>>, vector<16xf32>,
          %parallel_loop3A_3130 = arith.constant 1 : i32
          %parallel_loop3A_3131 = vector.broadcast %parallel_loop3A_3130 : i32 to vector<16xi32>
          %parallel_loop3A_3132 = arith.addi %parallel_loop3A_3116, %parallel_loop3A_3131 : vector<16xi32>
          scf.yield %parallel_loop3A_3132 : vector<16xi32>
        } {sc.loop_unroll_factor = 16 : i64, sc.parallel_access}
      }
      %scan3A_2917 = arith.constant 8 : i32
      %add3A_2918 = arith.addi %mul3A_2, %add3A_2840 : i32
      %jit3A_2919 = arith.constant 32 : i32
      %div3A_2920 = arith.divsi %add3A_2918, %jit3A_2919 : i32
      %sign3A_2921 = arith.constant 0 : i32
      %sign3A_2922 = arith.cmpi sgt, %add3A_2918, %sign3A_2921 : i32
      %sign3A_2923 = arith.extui %sign3A_2922 : i1 to i32
      %sign3A_2924 = arith.constant 0 : i32
      %sign3A_2925 = arith.cmpi slt, %add3A_2918, %sign3A_2924 : i32
      %sign3A_2926 = arith.extui %sign3A_2925 : i1 to i32
      %sign3A_2927 = arith.subi %sign3A_2923, %sign3A_2926 : i32
      %sign3A_2928 = arith.constant 0 : i32
      %sign3A_2929 = arith.cmpi sgt, %jit3A_2919, %sign3A_2928 : i32
      %sign3A_2930 = arith.extui %sign3A_2929 : i1 to i32
      %sign3A_2931 = arith.constant 0 : i32
      %sign3A_2932 = arith.cmpi slt, %jit3A_2919, %sign3A_2931 : i32
      %sign3A_2933 = arith.extui %sign3A_2932 : i1 to i32
      %sign3A_2934 = arith.subi %sign3A_2930, %sign3A_2933 : i32
      %ne3A_2935 = arith.cmpi ne, %sign3A_2927, %sign3A_2934 : i32
      %rem3A_2936 = arith.remsi %add3A_2918, %jit3A_2919 : i32
      %ne3A_2937 = arith.constant 0 : i32
      %ne3A_2938 = arith.cmpi ne, %rem3A_2936, %ne3A_2937 : i32
      %and3A_2939 = arith.andi %ne3A_2935, %ne3A_2938 : i1
      %sub3A_2940 = arith.constant 1 : i32
      %sub3A_2941 = arith.subi %div3A_2920, %sub3A_2940 : i32
      %select_n3A_2942 = arith.select %and3A_2939, %sub3A_2941, %div3A_2920 : i32
      %jit3A_2943 = arith.constant 32 : i32
      %eq3A_2944 = arith.constant 0 : i32
      %eq3A_2945 = arith.cmpi eq, %jit3A_2943, %eq3A_2944 : i32
      %jit3A_2946 = arith.constant 1 : i32
      %select_n3A_2947 = arith.select %eq3A_2945, %jit3A_2946, %jit3A_2943 : i32
      %rem3A_2948 = arith.remsi %add3A_2918, %select_n3A_2947 : i32
      %ne3A_2949 = arith.constant 0 : i32
      %ne3A_2950 = arith.cmpi ne, %rem3A_2948, %ne3A_2949 : i32
      %lt3A_2951 = arith.constant 0 : i32
      %lt3A_2952 = arith.cmpi slt, %rem3A_2948, %lt3A_2951 : i32
      %lt3A_2953 = arith.constant 0 : i32
      %lt3A_2954 = arith.cmpi slt, %select_n3A_2947, %lt3A_2953 : i32
      %ne3A_2955 = arith.xori %lt3A_2952, %lt3A_2954 : i1
      %and3A_2956 = arith.andi %ne3A_2955, %ne3A_2950 : i1
      %add3A_2957 = arith.addi %rem3A_2948, %select_n3A_2947 : i32
      %select_n3A_2958 = arith.select %and3A_2956, %add3A_2957, %rem3A_2948 : i32
      %mul3A_2959 = arith.constant 128 : i32
      %mul3A_2960 = arith.muli %select_n3A_2958, %mul3A_2959 : i32
      %dma_start3A_2961 = arith.constant 3 : i32
      %dma_start3A_2962 = arith.constant 0 : i32
      %dma_start3A_2963 = arith.constant 0 : i32
      %dma_start3A_2964 = tpu.memref_slice %arg7[%dma_start3A_2961, %dma_start3A_2962, %dma_start3A_2963] : memref<4x64x128xf32, #tpu.memory_space<vmem>> -> memref<1x64x128xf32, #tpu.memory_space<vmem>>
      %dma_start3A_2965 = tpu.memref_squeeze %dma_start3A_2964 : memref<1x64x128xf32, #tpu.memory_space<vmem>> -> memref<64x128xf32, #tpu.memory_space<vmem>>
      %dma_start3A_2966 = arith.constant 0 : i32
      %dma_start3A_2967 = tpu.memref_slice %arg4[%select_n3A_2942, %dma_start3A_2966, %mul3A_2960] : memref<200x64x4096xf32, #tpu.memory_space<hbm>> -> memref<1x64x128xf32, #tpu.memory_space<hbm>>
      %dma_start3A_2968 = tpu.memref_squeeze %dma_start3A_2967 : memref<1x64x128xf32, #tpu.memory_space<hbm>> -> memref<64x128xf32, #tpu.memory_space<hbm>>
      %dma_start3A_2969 = arith.constant 0 : i32
      %dma_start3A_2970 = tpu.memref_slice %arg4[%select_n3A_2942, %dma_start3A_2969, %mul3A_2960] : memref<200x64x4096xf32, #tpu.memory_space<hbm>> -> memref<1x64x128xf32, #tpu.memory_space<hbm>>
      %dma_start3A_2971 = tpu.memref_squeeze %dma_start3A_2970 : memref<1x64x128xf32, #tpu.memory_space<hbm>> -> memref<64x128xf32, #tpu.memory_space<hbm>>
      %dma_start3A_2972 = arith.constant 0 : i32
      %dma_start3A_2973 = arith.constant 0 : i32
      %dma_start3A_2974 = tpu.memref_slice %arg7[%dma_start3A_2961, %dma_start3A_2972, %dma_start3A_2973] : memref<4x64x128xf32, #tpu.memory_space<vmem>> -> memref<1x64x128xf32, #tpu.memory_space<vmem>>
      %dma_start3A_2975 = tpu.memref_squeeze %dma_start3A_2974 : memref<1x64x128xf32, #tpu.memory_space<vmem>> -> memref<64x128xf32, #tpu.memory_space<vmem>>
      tpu.enqueue_dma source(%dma_start3A_2975 : memref<64x128xf32, #tpu.memory_space<vmem>>) target(%dma_start3A_2971 : memref<64x128xf32, #tpu.memory_space<hbm>>) target_semaphore(%arg19 : memref<!tpu.dma_semaphore, #tpu.memory_space<semaphore_mem>>)
      %add3A_2976 = arith.constant 4 : i32
      %add3A_2977 = arith.addi %add3A_2840, %add3A_2976 : i32
      %add3A_2978 = arith.addi %mul3A_2, %add3A_2977 : i32
      %jit3A_2979 = arith.constant 32 : i32
      %div3A_2980 = arith.divsi %add3A_2978, %jit3A_2979 : i32
      %sign3A_2981 = arith.constant 0 : i32
      %sign3A_2982 = arith.cmpi sgt, %add3A_2978, %sign3A_2981 : i32
      %sign3A_2983 = arith.extui %sign3A_2982 : i1 to i32
      %sign3A_2984 = arith.constant 0 : i32
      %sign3A_2985 = arith.cmpi slt, %add3A_2978, %sign3A_2984 : i32
      %sign3A_2986 = arith.extui %sign3A_2985 : i1 to i32
      %sign3A_2987 = arith.subi %sign3A_2983, %sign3A_2986 : i32
      %sign3A_2988 = arith.constant 0 : i32
      %sign3A_2989 = arith.cmpi sgt, %jit3A_2979, %sign3A_2988 : i32
      %sign3A_2990 = arith.extui %sign3A_2989 : i1 to i32
      %sign3A_2991 = arith.constant 0 : i32
      %sign3A_2992 = arith.cmpi slt, %jit3A_2979, %sign3A_2991 : i32
      %sign3A_2993 = arith.extui %sign3A_2992 : i1 to i32
      %sign3A_2994 = arith.subi %sign3A_2990, %sign3A_2993 : i32
      %ne3A_2995 = arith.cmpi ne, %sign3A_2987, %sign3A_2994 : i32
      %rem3A_2996 = arith.remsi %add3A_2978, %jit3A_2979 : i32
      %ne3A_2997 = arith.constant 0 : i32
      %ne3A_2998 = arith.cmpi ne, %rem3A_2996, %ne3A_2997 : i32
      %and3A_2999 = arith.andi %ne3A_2995, %ne3A_2998 : i1
      %sub3A_3000 = arith.constant 1 : i32
      %sub3A_3001 = arith.subi %div3A_2980, %sub3A_3000 : i32
      %select_n3A_3002 = arith.select %and3A_2999, %sub3A_3001, %div3A_2980 : i32
      %jit3A_3003 = arith.constant 32 : i32
      %eq3A_3004 = arith.constant 0 : i32
      %eq3A_3005 = arith.cmpi eq, %jit3A_3003, %eq3A_3004 : i32
      %jit3A_3006 = arith.constant 1 : i32
      %select_n3A_3007 = arith.select %eq3A_3005, %jit3A_3006, %jit3A_3003 : i32
      %rem3A_3008 = arith.remsi %add3A_2978, %select_n3A_3007 : i32
      %ne3A_3009 = arith.constant 0 : i32
      %ne3A_3010 = arith.cmpi ne, %rem3A_3008, %ne3A_3009 : i32
      %lt3A_3011 = arith.constant 0 : i32
      %lt3A_3012 = arith.cmpi slt, %rem3A_3008, %lt3A_3011 : i32
      %lt3A_3013 = arith.constant 0 : i32
      %lt3A_3014 = arith.cmpi slt, %select_n3A_3007, %lt3A_3013 : i32
      %ne3A_3015 = arith.xori %lt3A_3012, %lt3A_3014 : i1
      %and3A_3016 = arith.andi %ne3A_3015, %ne3A_3010 : i1
      %add3A_3017 = arith.addi %rem3A_3008, %select_n3A_3007 : i32
      %select_n3A_3018 = arith.select %and3A_3016, %add3A_3017, %rem3A_3008 : i32
      %mul3A_3019 = arith.constant 128 : i32
      %mul3A_3020 = arith.muli %select_n3A_3018, %mul3A_3019 : i32
      %dma_start3A_3021 = arith.constant 3 : i32
      %dma_start3A_3022 = arith.constant 0 : i32
      %dma_start3A_3023 = tpu.memref_slice %arg5[%dma_start3A_3021, %dma_start3A_3022] : memref<4x128xi32, #tpu.memory_space<vmem>> -> memref<1x128xi32, #tpu.memory_space<vmem>>
      %dma_start3A_3024 = tpu.memref_squeeze %dma_start3A_3023 : memref<1x128xi32, #tpu.memory_space<vmem>> -> memref<128xi32, #tpu.memory_space<vmem>>
      %dma_start3A_3025 = tpu.memref_slice %arg3[%select_n3A_3002, %mul3A_3020] : memref<200x4096xi32, #tpu.memory_space<hbm>> -> memref<1x128xi32, #tpu.memory_space<hbm>>
      %dma_start3A_3026 = tpu.memref_squeeze %dma_start3A_3025 : memref<1x128xi32, #tpu.memory_space<hbm>> -> memref<128xi32, #tpu.memory_space<hbm>>
      %dma_start3A_3027 = arith.constant 0 : i32
      %dma_start3A_3028 = tpu.memref_slice %arg5[%dma_start3A_3021, %dma_start3A_3027] : memref<4x128xi32, #tpu.memory_space<vmem>> -> memref<1x128xi32, #tpu.memory_space<vmem>>
      %dma_start3A_3029 = tpu.memref_squeeze %dma_start3A_3028 : memref<1x128xi32, #tpu.memory_space<vmem>> -> memref<128xi32, #tpu.memory_space<vmem>>
      %dma_start3A_3030 = tpu.memref_slice %arg3[%select_n3A_3002, %mul3A_3020] : memref<200x4096xi32, #tpu.memory_space<hbm>> -> memref<1x128xi32, #tpu.memory_space<hbm>>
      %dma_start3A_3031 = tpu.memref_squeeze %dma_start3A_3030 : memref<1x128xi32, #tpu.memory_space<hbm>> -> memref<128xi32, #tpu.memory_space<hbm>>
      tpu.enqueue_dma source(%dma_start3A_3031 : memref<128xi32, #tpu.memory_space<hbm>>) target(%dma_start3A_3029 : memref<128xi32, #tpu.memory_space<vmem>>) target_semaphore(%arg11 : memref<!tpu.dma_semaphore, #tpu.memory_space<semaphore_mem>>)
      %add3A_3032 = arith.constant 2 : i32
      %add3A_3033 = arith.addi %add3A_2840, %add3A_3032 : i32
      %add3A_3034 = arith.addi %mul3A_2, %add3A_3033 : i32
      %jit3A_3035 = arith.constant 32 : i32
      %div3A_3036 = arith.divsi %add3A_3034, %jit3A_3035 : i32
      %sign3A_3037 = arith.constant 0 : i32
      %sign3A_3038 = arith.cmpi sgt, %add3A_3034, %sign3A_3037 : i32
      %sign3A_3039 = arith.extui %sign3A_3038 : i1 to i32
      %sign3A_3040 = arith.constant 0 : i32
      %sign3A_3041 = arith.cmpi slt, %add3A_3034, %sign3A_3040 : i32
      %sign3A_3042 = arith.extui %sign3A_3041 : i1 to i32
      %sign3A_3043 = arith.subi %sign3A_3039, %sign3A_3042 : i32
      %sign3A_3044 = arith.constant 0 : i32
      %sign3A_3045 = arith.cmpi sgt, %jit3A_3035, %sign3A_3044 : i32
      %sign3A_3046 = arith.extui %sign3A_3045 : i1 to i32
      %sign3A_3047 = arith.constant 0 : i32
      %sign3A_3048 = arith.cmpi slt, %jit3A_3035, %sign3A_3047 : i32
      %sign3A_3049 = arith.extui %sign3A_3048 : i1 to i32
      %sign3A_3050 = arith.subi %sign3A_3046, %sign3A_3049 : i32
      %ne3A_3051 = arith.cmpi ne, %sign3A_3043, %sign3A_3050 : i32
      %rem3A_3052 = arith.remsi %add3A_3034, %jit3A_3035 : i32
      %ne3A_3053 = arith.constant 0 : i32
      %ne3A_3054 = arith.cmpi ne, %rem3A_3052, %ne3A_3053 : i32
      %and3A_3055 = arith.andi %ne3A_3051, %ne3A_3054 : i1
      %sub3A_3056 = arith.constant 1 : i32
      %sub3A_3057 = arith.subi %div3A_3036, %sub3A_3056 : i32
      %select_n3A_3058 = arith.select %and3A_3055, %sub3A_3057, %div3A_3036 : i32
      %jit3A_3059 = arith.constant 32 : i32
      %eq3A_3060 = arith.constant 0 : i32
      %eq3A_3061 = arith.cmpi eq, %jit3A_3059, %eq3A_3060 : i32
      %jit3A_3062 = arith.constant 1 : i32
      %select_n3A_3063 = arith.select %eq3A_3061, %jit3A_3062, %jit3A_3059 : i32
      %rem3A_3064 = arith.remsi %add3A_3034, %select_n3A_3063 : i32
      %ne3A_3065 = arith.constant 0 : i32
      %ne3A_3066 = arith.cmpi ne, %rem3A_3064, %ne3A_3065 : i32
      %lt3A_3067 = arith.constant 0 : i32
      %lt3A_3068 = arith.cmpi slt, %rem3A_3064, %lt3A_3067 : i32
      %lt3A_3069 = arith.constant 0 : i32
      %lt3A_3070 = arith.cmpi slt, %select_n3A_3063, %lt3A_3069 : i32
      %ne3A_3071 = arith.xori %lt3A_3068, %lt3A_3070 : i1
      %and3A_3072 = arith.andi %ne3A_3071, %ne3A_3066 : i1
      %add3A_3073 = arith.addi %rem3A_3064, %select_n3A_3063 : i32
      %select_n3A_3074 = arith.select %and3A_3072, %add3A_3073, %rem3A_3064 : i32
      %mul3A_3075 = arith.constant 128 : i32
      %mul3A_3076 = arith.muli %select_n3A_3074, %mul3A_3075 : i32
      %dma_wait3A_3077 = arith.constant 1 : i32
      %dma_wait3A_3078 = arith.constant 0 : i32
      %dma_wait3A_3079 = tpu.memref_slice %arg5[%dma_wait3A_3077, %dma_wait3A_3078] : memref<4x128xi32, #tpu.memory_space<vmem>> -> memref<1x128xi32, #tpu.memory_space<vmem>>
      %dma_wait3A_3080 = tpu.memref_squeeze %dma_wait3A_3079 : memref<1x128xi32, #tpu.memory_space<vmem>> -> memref<128xi32, #tpu.memory_space<vmem>>
      %dma_wait3A_3081 = tpu.memref_slice %arg3[%select_n3A_3058, %mul3A_3076] : memref<200x4096xi32, #tpu.memory_space<hbm>> -> memref<1x128xi32, #tpu.memory_space<hbm>>
      %dma_wait3A_3082 = tpu.memref_squeeze %dma_wait3A_3081 : memref<1x128xi32, #tpu.memory_space<hbm>> -> memref<128xi32, #tpu.memory_space<hbm>>
      %dma_wait3A_3083 = arith.constant 0 : i32
      %dma_wait3A_3084 = tpu.memref_slice %arg5[%dma_wait3A_3077, %dma_wait3A_3083] : memref<4x128xi32, #tpu.memory_space<vmem>> -> memref<1x128xi32, #tpu.memory_space<vmem>>
      %dma_wait3A_3085 = tpu.memref_squeeze %dma_wait3A_3084 : memref<1x128xi32, #tpu.memory_space<vmem>> -> memref<128xi32, #tpu.memory_space<vmem>>
      %dma_wait3A_3086 = tpu.memref_slice %arg3[%select_n3A_3058, %mul3A_3076] : memref<200x4096xi32, #tpu.memory_space<hbm>> -> memref<1x128xi32, #tpu.memory_space<hbm>>
      %dma_wait3A_3087 = tpu.memref_squeeze %dma_wait3A_3086 : memref<1x128xi32, #tpu.memory_space<hbm>> -> memref<128xi32, #tpu.memory_space<hbm>>
      tpu.wait_dma2 semaphore(%arg9 : memref<!tpu.dma_semaphore, #tpu.memory_space<semaphore_mem>>) src(%dma_wait3A_3087 : memref<128xi32, #tpu.memory_space<hbm>>) dst(%dma_wait3A_3085 : memref<128xi32, #tpu.memory_space<vmem>>)
      %dma_start3A_3088 = arith.constant 1 : i32
      %dma_start3A_3089 = arith.constant 1 : i32
      %dma_start3A_3090 = arith.constant 0 : i32
      %dma_start3A_3091 = arith.constant 0 : i32
      %dma_start3A_3092 = tpu.memref_slice %arg6[%dma_start3A_3089, %dma_start3A_3090, %dma_start3A_3091] : memref<4x128x128xf32, #tpu.memory_space<vmem>> -> memref<1x128x128xf32, #tpu.memory_space<vmem>>
      %dma_start3A_3093 = tpu.memref_squeeze %dma_start3A_3092 : memref<1x128x128xf32, #tpu.memory_space<vmem>> -> memref<128x128xf32, #tpu.memory_space<vmem>>
      %dma_start3A_3094 = arith.constant 0 : i32
      %dma_start3A_3095 = tpu.memref_slice %arg5[%dma_start3A_3088, %dma_start3A_3094] : memref<4x128xi32, #tpu.memory_space<vmem>> -> memref<1x128xi32, #tpu.memory_space<vmem>>
      %dma_start3A_3096 = tpu.memref_squeeze %dma_start3A_3095 : memref<1x128xi32, #tpu.memory_space<vmem>> -> memref<128xi32, #tpu.memory_space<vmem>>
      %dma_start3A_3097 = arith.constant 0 : i32
      %dma_start3A_3098 = arith.constant 0 : i32
      %dma_start3A_3099 = tpu.memref_slice %arg2[%dma_start3A_3097, %dma_start3A_3098] : memref<1000000x128xf32, #tpu.memory_space<hbm>> -> memref<1000000x128xf32, #tpu.memory_space<hbm>>
      tpu.enqueue_indirect_dma source(%dma_start3A_3099 : memref<1000000x128xf32, #tpu.memory_space<hbm>>) target(%dma_start3A_3093 : memref<128x128xf32, #tpu.memory_space<vmem>>) offsets(%dma_start3A_3096 : memref<128xi32, #tpu.memory_space<vmem>>) semaphore(%arg13 : memref<!tpu.dma_semaphore, #tpu.memory_space<semaphore_mem>>)
    }
    %scan3A_1140 = arith.constant 48 : i32
    %dma_wait3A_1141 = arith.constant 0 : i32
    %dma_wait3A_1142 = arith.constant 0 : i32
    %dma_wait3A_1143 = arith.constant 0 : i32
    %dma_wait3A_1144 = arith.constant 0 : i32
    %dma_wait3A_1145 = tpu.memref_slice %arg6[%dma_wait3A_1142, %dma_wait3A_1143, %dma_wait3A_1144] : memref<4x128x128xf32, #tpu.memory_space<vmem>> -> memref<1x128x128xf32, #tpu.memory_space<vmem>>
    %dma_wait3A_1146 = tpu.memref_squeeze %dma_wait3A_1145 : memref<1x128x128xf32, #tpu.memory_space<vmem>> -> memref<128x128xf32, #tpu.memory_space<vmem>>
    %dma_wait3A_1147 = arith.constant 0 : i32
    %dma_wait3A_1148 = tpu.memref_slice %arg5[%dma_wait3A_1141, %dma_wait3A_1147] : memref<4x128xi32, #tpu.memory_space<vmem>> -> memref<1x128xi32, #tpu.memory_space<vmem>>
    %dma_wait3A_1149 = tpu.memref_squeeze %dma_wait3A_1148 : memref<1x128xi32, #tpu.memory_space<vmem>> -> memref<128xi32, #tpu.memory_space<vmem>>
    %dma_wait3A_1150 = arith.constant 0 : i32
    %dma_wait3A_1151 = arith.constant 0 : i32
    %dma_wait3A_1152 = tpu.memref_slice %arg2[%dma_wait3A_1150, %dma_wait3A_1151] : memref<1000000x128xf32, #tpu.memory_space<hbm>> -> memref<1000000x128xf32, #tpu.memory_space<hbm>>
    tpu.wait_indirect_dma semaphore(%arg12 : memref<!tpu.dma_semaphore, #tpu.memory_space<semaphore_mem>>) src(%dma_wait3A_1152 : memref<1000000x128xf32, #tpu.memory_space<hbm>>) dst(%dma_wait3A_1146 : memref<128x128xf32, #tpu.memory_space<vmem>>)
    %add3A_1153 = arith.constant 192 : i32
    %add3A_1154 = arith.addi %mul3A_2, %add3A_1153 : i32
    %jit3A_1155 = arith.constant 32 : i32
    %div3A_1156 = arith.divsi %add3A_1154, %jit3A_1155 : i32
    %sign3A_1157 = arith.constant 0 : i32
    %sign3A_1158 = arith.cmpi sgt, %add3A_1154, %sign3A_1157 : i32
    %sign3A_1159 = arith.extui %sign3A_1158 : i1 to i32
    %sign3A_1160 = arith.constant 0 : i32
    %sign3A_1161 = arith.cmpi slt, %add3A_1154, %sign3A_1160 : i32
    %sign3A_1162 = arith.extui %sign3A_1161 : i1 to i32
    %sign3A_1163 = arith.subi %sign3A_1159, %sign3A_1162 : i32
    %sign3A_1164 = arith.constant 0 : i32
    %sign3A_1165 = arith.cmpi sgt, %jit3A_1155, %sign3A_1164 : i32
    %sign3A_1166 = arith.extui %sign3A_1165 : i1 to i32
    %sign3A_1167 = arith.constant 0 : i32
    %sign3A_1168 = arith.cmpi slt, %jit3A_1155, %sign3A_1167 : i32
    %sign3A_1169 = arith.extui %sign3A_1168 : i1 to i32
    %sign3A_1170 = arith.subi %sign3A_1166, %sign3A_1169 : i32
    %ne3A_1171 = arith.cmpi ne, %sign3A_1163, %sign3A_1170 : i32
    %rem3A_1172 = arith.remsi %add3A_1154, %jit3A_1155 : i32
    %ne3A_1173 = arith.constant 0 : i32
    %ne3A_1174 = arith.cmpi ne, %rem3A_1172, %ne3A_1173 : i32
    %and3A_1175 = arith.andi %ne3A_1171, %ne3A_1174 : i1
    %sub3A_1176 = arith.constant 1 : i32
    %sub3A_1177 = arith.subi %div3A_1156, %sub3A_1176 : i32
    %select_n3A_1178 = arith.select %and3A_1175, %sub3A_1177, %div3A_1156 : i32
    %jit3A_1179 = arith.constant 32 : i32
    %eq3A_1180 = arith.constant 0 : i32
    %eq3A_1181 = arith.cmpi eq, %jit3A_1179, %eq3A_1180 : i32
    %jit3A_1182 = arith.constant 1 : i32
    %select_n3A_1183 = arith.select %eq3A_1181, %jit3A_1182, %jit3A_1179 : i32
    %rem3A_1184 = arith.remsi %add3A_1154, %select_n3A_1183 : i32
    %ne3A_1185 = arith.constant 0 : i32
    %ne3A_1186 = arith.cmpi ne, %rem3A_1184, %ne3A_1185 : i32
    %lt3A_1187 = arith.constant 0 : i32
    %lt3A_1188 = arith.cmpi slt, %rem3A_1184, %lt3A_1187 : i32
    %lt3A_1189 = arith.constant 0 : i32
    %lt3A_1190 = arith.cmpi slt, %select_n3A_1183, %lt3A_1189 : i32
    %ne3A_1191 = arith.xori %lt3A_1188, %lt3A_1190 : i1
    %and3A_1192 = arith.andi %ne3A_1191, %ne3A_1186 : i1
    %add3A_1193 = arith.addi %rem3A_1184, %select_n3A_1183 : i32
    %select_n3A_1194 = arith.select %and3A_1192, %add3A_1193, %rem3A_1184 : i32
    %mul3A_1195 = arith.constant 128 : i32
    %mul3A_1196 = arith.muli %select_n3A_1194, %mul3A_1195 : i32
    %dma_wait3A_1197 = arith.constant 0 : i32
    %dma_wait3A_1198 = arith.constant 0 : i32
    %dma_wait3A_1199 = arith.constant 0 : i32
    %dma_wait3A_1200 = tpu.memref_slice %arg7[%dma_wait3A_1197, %dma_wait3A_1198, %dma_wait3A_1199] : memref<4x64x128xf32, #tpu.memory_space<vmem>> -> memref<1x64x128xf32, #tpu.memory_space<vmem>>
    %dma_wait3A_1201 = tpu.memref_squeeze %dma_wait3A_1200 : memref<1x64x128xf32, #tpu.memory_space<vmem>> -> memref<64x128xf32, #tpu.memory_space<vmem>>
    %dma_wait3A_1202 = arith.constant 0 : i32
    %dma_wait3A_1203 = tpu.memref_slice %arg4[%select_n3A_1178, %dma_wait3A_1202, %mul3A_1196] : memref<200x64x4096xf32, #tpu.memory_space<hbm>> -> memref<1x64x128xf32, #tpu.memory_space<hbm>>
    %dma_wait3A_1204 = tpu.memref_squeeze %dma_wait3A_1203 : memref<1x64x128xf32, #tpu.memory_space<hbm>> -> memref<64x128xf32, #tpu.memory_space<hbm>>
    %dma_wait3A_1205 = arith.constant 0 : i32
    %dma_wait3A_1206 = tpu.memref_slice %arg4[%select_n3A_1178, %dma_wait3A_1205, %mul3A_1196] : memref<200x64x4096xf32, #tpu.memory_space<hbm>> -> memref<1x64x128xf32, #tpu.memory_space<hbm>>
    %dma_wait3A_1207 = tpu.memref_squeeze %dma_wait3A_1206 : memref<1x64x128xf32, #tpu.memory_space<hbm>> -> memref<64x128xf32, #tpu.memory_space<hbm>>
    %dma_wait3A_1208 = arith.constant 0 : i32
    %dma_wait3A_1209 = arith.constant 0 : i32
    %dma_wait3A_1210 = tpu.memref_slice %arg7[%dma_wait3A_1197, %dma_wait3A_1208, %dma_wait3A_1209] : memref<4x64x128xf32, #tpu.memory_space<vmem>> -> memref<1x64x128xf32, #tpu.memory_space<vmem>>
    %dma_wait3A_1211 = tpu.memref_squeeze %dma_wait3A_1210 : memref<1x64x128xf32, #tpu.memory_space<vmem>> -> memref<64x128xf32, #tpu.memory_space<vmem>>
    tpu.wait_dma2 semaphore(%arg16 : memref<!tpu.dma_semaphore, #tpu.memory_space<semaphore_mem>>) src(%dma_wait3A_1211 : memref<64x128xf32, #tpu.memory_space<vmem>>) dst(%dma_wait3A_1207 : memref<64x128xf32, #tpu.memory_space<hbm>>)
    %scan3A_1212 = arith.constant 0 : i32
    %scan3A_1213 = arith.constant 8 : i32
    %scan3A_1214 = arith.addi %scan3A_1212, %scan3A_1213 : i32
    %scan3A_1215 = arith.constant 1 : i32
    scf.for %scan3A_2051 = %scan3A_1212 to %scan3A_1214 step %scan3A_1215  : i32 {
      %mul3A_2052 = arith.constant 1 : i32
      %mul3A_2053 = arith.muli %scan3A_2051, %mul3A_2052 : i32
      %add3A_2054 = arith.constant 0 : i32
      %add3A_2055 = arith.addi %add3A_2054, %mul3A_2053 : i32
      %mul3A_2056 = arith.constant 16 : i32
      %mul3A_2057 = arith.muli %add3A_2055, %mul3A_2056 : i32
      %add3A_2058 = vector.broadcast %mul3A_2057 : i32 to vector<16xi32>
      %add3A_2059 = arith.addi %add3A_2058, %iota3A : vector<16xi32>
      %shift_left3A = arith.constant 7 : i32
      %shift_left3A_2060 = vector.broadcast %shift_left3A : i32 to vector<16xi32>
      %shift_left3A_2061 = arith.shli %add3A_2059, %shift_left3A_2060 : vector<16xi32>
      %broadcast_in_dim3A = arith.constant 0 : i32
      %broadcast_in_dim3A_2062 = vector.broadcast %broadcast_in_dim3A : i32 to vector<16xi32>
      %parallel_loop3A = arith.constant 0 : i32
      %parallel_loop3A_2063 = arith.constant 64 : i32
      %parallel_loop3A_2064 = arith.constant 1 : i32
      %parallel_loop3A_2065 = scf.for %parallel_loop3A_2066 = %parallel_loop3A to %parallel_loop3A_2063 step %parallel_loop3A_2064 iter_args(%parallel_loop3A_2067 = %shift_left3A_2061) -> (vector<16xi32>)  : i32 {
        %parallel_loop3A_2068 = arith.constant 0 : i32
        %parallel_loop3A_2069 = arith.constant 0 : i32
        %parallel_loop3A_2070 = arith.constant 0 : i32
        %parallel_loop3A_2071 = tpu.memref_slice %arg6[%parallel_loop3A_2068, %parallel_loop3A_2069, %parallel_loop3A_2070] : memref<4x128x128xf32, #tpu.memory_space<vmem>> -> memref<1x128x128xf32, #tpu.memory_space<vmem>>
        %parallel_loop3A_2072 = tpu.memref_squeeze %parallel_loop3A_2071 : memref<1x128x128xf32, #tpu.memory_space<vmem>> -> memref<128x128xf32, #tpu.memory_space<vmem>>
        %parallel_loop3A_2073 = tpu.vector_load_idx %parallel_loop3A_2072[%broadcast_in_dim3A_2062, %parallel_loop3A_2067] : memref<128x128xf32, #tpu.memory_space<vmem>>[vector<16xi32>, vector<16xi32>], vector<16xf32>,
        %parallel_loop3A_2074 = arith.constant 16 : i32
        %parallel_loop3A_2075 = arith.muli %add3A_2055, %parallel_loop3A_2074 : i32
        %parallel_loop3A_2076 = arith.constant 0 : i32
        %parallel_loop3A_2077 = arith.index_cast %parallel_loop3A_2076 : i32 to index
        %parallel_loop3A_2078 = arith.index_cast %parallel_loop3A_2066 : i32 to index
        %parallel_loop3A_2079 = arith.index_cast %parallel_loop3A_2075 : i32 to index
        %parallel_loop3A_2080 = tpu.vector_load %arg7[%parallel_loop3A_2077, %parallel_loop3A_2078, %parallel_loop3A_2079] {strides = array<i32>} : memref<4x64x128xf32, #tpu.memory_space<vmem>>, vector<16xf32>,
        tpu.vector_store %arg7[%parallel_loop3A_2077, %parallel_loop3A_2078, %parallel_loop3A_2079], %parallel_loop3A_2073 {strides = array<i32>} : memref<4x64x128xf32, #tpu.memory_space<vmem>>, vector<16xf32>,
        %parallel_loop3A_2081 = arith.constant 1 : i32
        %parallel_loop3A_2082 = vector.broadcast %parallel_loop3A_2081 : i32 to vector<16xi32>
        %parallel_loop3A_2083 = arith.addi %parallel_loop3A_2067, %parallel_loop3A_2082 : vector<16xi32>
        scf.yield %parallel_loop3A_2083 : vector<16xi32>
      } {sc.loop_unroll_factor = 16 : i64, sc.parallel_access}
    }
    %scan3A_1216 = arith.constant 8 : i32
    %add3A_1217 = arith.constant 196 : i32
    %add3A_1218 = arith.addi %mul3A_2, %add3A_1217 : i32
    %jit3A_1219 = arith.constant 32 : i32
    %div3A_1220 = arith.divsi %add3A_1218, %jit3A_1219 : i32
    %sign3A_1221 = arith.constant 0 : i32
    %sign3A_1222 = arith.cmpi sgt, %add3A_1218, %sign3A_1221 : i32
    %sign3A_1223 = arith.extui %sign3A_1222 : i1 to i32
    %sign3A_1224 = arith.constant 0 : i32
    %sign3A_1225 = arith.cmpi slt, %add3A_1218, %sign3A_1224 : i32
    %sign3A_1226 = arith.extui %sign3A_1225 : i1 to i32
    %sign3A_1227 = arith.subi %sign3A_1223, %sign3A_1226 : i32
    %sign3A_1228 = arith.constant 0 : i32
    %sign3A_1229 = arith.cmpi sgt, %jit3A_1219, %sign3A_1228 : i32
    %sign3A_1230 = arith.extui %sign3A_1229 : i1 to i32
    %sign3A_1231 = arith.constant 0 : i32
    %sign3A_1232 = arith.cmpi slt, %jit3A_1219, %sign3A_1231 : i32
    %sign3A_1233 = arith.extui %sign3A_1232 : i1 to i32
    %sign3A_1234 = arith.subi %sign3A_1230, %sign3A_1233 : i32
    %ne3A_1235 = arith.cmpi ne, %sign3A_1227, %sign3A_1234 : i32
    %rem3A_1236 = arith.remsi %add3A_1218, %jit3A_1219 : i32
    %ne3A_1237 = arith.constant 0 : i32
    %ne3A_1238 = arith.cmpi ne, %rem3A_1236, %ne3A_1237 : i32
    %and3A_1239 = arith.andi %ne3A_1235, %ne3A_1238 : i1
    %sub3A_1240 = arith.constant 1 : i32
    %sub3A_1241 = arith.subi %div3A_1220, %sub3A_1240 : i32
    %select_n3A_1242 = arith.select %and3A_1239, %sub3A_1241, %div3A_1220 : i32
    %jit3A_1243 = arith.constant 32 : i32
    %eq3A_1244 = arith.constant 0 : i32
    %eq3A_1245 = arith.cmpi eq, %jit3A_1243, %eq3A_1244 : i32
    %jit3A_1246 = arith.constant 1 : i32
    %select_n3A_1247 = arith.select %eq3A_1245, %jit3A_1246, %jit3A_1243 : i32
    %rem3A_1248 = arith.remsi %add3A_1218, %select_n3A_1247 : i32
    %ne3A_1249 = arith.constant 0 : i32
    %ne3A_1250 = arith.cmpi ne, %rem3A_1248, %ne3A_1249 : i32
    %lt3A_1251 = arith.constant 0 : i32
    %lt3A_1252 = arith.cmpi slt, %rem3A_1248, %lt3A_1251 : i32
    %lt3A_1253 = arith.constant 0 : i32
    %lt3A_1254 = arith.cmpi slt, %select_n3A_1247, %lt3A_1253 : i32
    %ne3A_1255 = arith.xori %lt3A_1252, %lt3A_1254 : i1
    %and3A_1256 = arith.andi %ne3A_1255, %ne3A_1250 : i1
    %add3A_1257 = arith.addi %rem3A_1248, %select_n3A_1247 : i32
    %select_n3A_1258 = arith.select %and3A_1256, %add3A_1257, %rem3A_1248 : i32
    %mul3A_1259 = arith.constant 128 : i32
    %mul3A_1260 = arith.muli %select_n3A_1258, %mul3A_1259 : i32
    %dma_start3A_1261 = arith.constant 0 : i32
    %dma_start3A_1262 = arith.constant 0 : i32
    %dma_start3A_1263 = arith.constant 0 : i32
    %dma_start3A_1264 = tpu.memref_slice %arg7[%dma_start3A_1261, %dma_start3A_1262, %dma_start3A_1263] : memref<4x64x128xf32, #tpu.memory_space<vmem>> -> memref<1x64x128xf32, #tpu.memory_space<vmem>>
    %dma_start3A_1265 = tpu.memref_squeeze %dma_start3A_1264 : memref<1x64x128xf32, #tpu.memory_space<vmem>> -> memref<64x128xf32, #tpu.memory_space<vmem>>
    %dma_start3A_1266 = arith.constant 0 : i32
    %dma_start3A_1267 = tpu.memref_slice %arg4[%select_n3A_1242, %dma_start3A_1266, %mul3A_1260] : memref<200x64x4096xf32, #tpu.memory_space<hbm>> -> memref<1x64x128xf32, #tpu.memory_space<hbm>>
    %dma_start3A_1268 = tpu.memref_squeeze %dma_start3A_1267 : memref<1x64x128xf32, #tpu.memory_space<hbm>> -> memref<64x128xf32, #tpu.memory_space<hbm>>
    %dma_start3A_1269 = arith.constant 0 : i32
    %dma_start3A_1270 = tpu.memref_slice %arg4[%select_n3A_1242, %dma_start3A_1269, %mul3A_1260] : memref<200x64x4096xf32, #tpu.memory_space<hbm>> -> memref<1x64x128xf32, #tpu.memory_space<hbm>>
    %dma_start3A_1271 = tpu.memref_squeeze %dma_start3A_1270 : memref<1x64x128xf32, #tpu.memory_space<hbm>> -> memref<64x128xf32, #tpu.memory_space<hbm>>
    %dma_start3A_1272 = arith.constant 0 : i32
    %dma_start3A_1273 = arith.constant 0 : i32
    %dma_start3A_1274 = tpu.memref_slice %arg7[%dma_start3A_1261, %dma_start3A_1272, %dma_start3A_1273] : memref<4x64x128xf32, #tpu.memory_space<vmem>> -> memref<1x64x128xf32, #tpu.memory_space<vmem>>
    %dma_start3A_1275 = tpu.memref_squeeze %dma_start3A_1274 : memref<1x64x128xf32, #tpu.memory_space<vmem>> -> memref<64x128xf32, #tpu.memory_space<vmem>>
    tpu.enqueue_dma source(%dma_start3A_1275 : memref<64x128xf32, #tpu.memory_space<vmem>>) target(%dma_start3A_1271 : memref<64x128xf32, #tpu.memory_space<hbm>>) target_semaphore(%arg16 : memref<!tpu.dma_semaphore, #tpu.memory_space<semaphore_mem>>)
    %add3A_1276 = arith.constant 198 : i32
    %add3A_1277 = arith.addi %mul3A_2, %add3A_1276 : i32
    %jit3A_1278 = arith.constant 32 : i32
    %div3A_1279 = arith.divsi %add3A_1277, %jit3A_1278 : i32
    %sign3A_1280 = arith.constant 0 : i32
    %sign3A_1281 = arith.cmpi sgt, %add3A_1277, %sign3A_1280 : i32
    %sign3A_1282 = arith.extui %sign3A_1281 : i1 to i32
    %sign3A_1283 = arith.constant 0 : i32
    %sign3A_1284 = arith.cmpi slt, %add3A_1277, %sign3A_1283 : i32
    %sign3A_1285 = arith.extui %sign3A_1284 : i1 to i32
    %sign3A_1286 = arith.subi %sign3A_1282, %sign3A_1285 : i32
    %sign3A_1287 = arith.constant 0 : i32
    %sign3A_1288 = arith.cmpi sgt, %jit3A_1278, %sign3A_1287 : i32
    %sign3A_1289 = arith.extui %sign3A_1288 : i1 to i32
    %sign3A_1290 = arith.constant 0 : i32
    %sign3A_1291 = arith.cmpi slt, %jit3A_1278, %sign3A_1290 : i32
    %sign3A_1292 = arith.extui %sign3A_1291 : i1 to i32
    %sign3A_1293 = arith.subi %sign3A_1289, %sign3A_1292 : i32
    %ne3A_1294 = arith.cmpi ne, %sign3A_1286, %sign3A_1293 : i32
    %rem3A_1295 = arith.remsi %add3A_1277, %jit3A_1278 : i32
    %ne3A_1296 = arith.constant 0 : i32
    %ne3A_1297 = arith.cmpi ne, %rem3A_1295, %ne3A_1296 : i32
    %and3A_1298 = arith.andi %ne3A_1294, %ne3A_1297 : i1
    %sub3A_1299 = arith.constant 1 : i32
    %sub3A_1300 = arith.subi %div3A_1279, %sub3A_1299 : i32
    %select_n3A_1301 = arith.select %and3A_1298, %sub3A_1300, %div3A_1279 : i32
    %jit3A_1302 = arith.constant 32 : i32
    %eq3A_1303 = arith.constant 0 : i32
    %eq3A_1304 = arith.cmpi eq, %jit3A_1302, %eq3A_1303 : i32
    %jit3A_1305 = arith.constant 1 : i32
    %select_n3A_1306 = arith.select %eq3A_1304, %jit3A_1305, %jit3A_1302 : i32
    %rem3A_1307 = arith.remsi %add3A_1277, %select_n3A_1306 : i32
    %ne3A_1308 = arith.constant 0 : i32
    %ne3A_1309 = arith.cmpi ne, %rem3A_1307, %ne3A_1308 : i32
    %lt3A_1310 = arith.constant 0 : i32
    %lt3A_1311 = arith.cmpi slt, %rem3A_1307, %lt3A_1310 : i32
    %lt3A_1312 = arith.constant 0 : i32
    %lt3A_1313 = arith.cmpi slt, %select_n3A_1306, %lt3A_1312 : i32
    %ne3A_1314 = arith.xori %lt3A_1311, %lt3A_1313 : i1
    %and3A_1315 = arith.andi %ne3A_1314, %ne3A_1309 : i1
    %add3A_1316 = arith.addi %rem3A_1307, %select_n3A_1306 : i32
    %select_n3A_1317 = arith.select %and3A_1315, %add3A_1316, %rem3A_1307 : i32
    %mul3A_1318 = arith.constant 128 : i32
    %mul3A_1319 = arith.muli %select_n3A_1317, %mul3A_1318 : i32
    %dma_wait3A_1320 = arith.constant 2 : i32
    %dma_wait3A_1321 = arith.constant 0 : i32
    %dma_wait3A_1322 = tpu.memref_slice %arg5[%dma_wait3A_1320, %dma_wait3A_1321] : memref<4x128xi32, #tpu.memory_space<vmem>> -> memref<1x128xi32, #tpu.memory_space<vmem>>
    %dma_wait3A_1323 = tpu.memref_squeeze %dma_wait3A_1322 : memref<1x128xi32, #tpu.memory_space<vmem>> -> memref<128xi32, #tpu.memory_space<vmem>>
    %dma_wait3A_1324 = tpu.memref_slice %arg3[%select_n3A_1301, %mul3A_1319] : memref<200x4096xi32, #tpu.memory_space<hbm>> -> memref<1x128xi32, #tpu.memory_space<hbm>>
    %dma_wait3A_1325 = tpu.memref_squeeze %dma_wait3A_1324 : memref<1x128xi32, #tpu.memory_space<hbm>> -> memref<128xi32, #tpu.memory_space<hbm>>
    %dma_wait3A_1326 = arith.constant 0 : i32
    %dma_wait3A_1327 = tpu.memref_slice %arg5[%dma_wait3A_1320, %dma_wait3A_1326] : memref<4x128xi32, #tpu.memory_space<vmem>> -> memref<1x128xi32, #tpu.memory_space<vmem>>
    %dma_wait3A_1328 = tpu.memref_squeeze %dma_wait3A_1327 : memref<1x128xi32, #tpu.memory_space<vmem>> -> memref<128xi32, #tpu.memory_space<vmem>>
    %dma_wait3A_1329 = tpu.memref_slice %arg3[%select_n3A_1301, %mul3A_1319] : memref<200x4096xi32, #tpu.memory_space<hbm>> -> memref<1x128xi32, #tpu.memory_space<hbm>>
    %dma_wait3A_1330 = tpu.memref_squeeze %dma_wait3A_1329 : memref<1x128xi32, #tpu.memory_space<hbm>> -> memref<128xi32, #tpu.memory_space<hbm>>
    tpu.wait_dma2 semaphore(%arg10 : memref<!tpu.dma_semaphore, #tpu.memory_space<semaphore_mem>>) src(%dma_wait3A_1330 : memref<128xi32, #tpu.memory_space<hbm>>) dst(%dma_wait3A_1328 : memref<128xi32, #tpu.memory_space<vmem>>)
    %dma_start3A_1331 = arith.constant 2 : i32
    %dma_start3A_1332 = arith.constant 2 : i32
    %dma_start3A_1333 = arith.constant 0 : i32
    %dma_start3A_1334 = arith.constant 0 : i32
    %dma_start3A_1335 = tpu.memref_slice %arg6[%dma_start3A_1332, %dma_start3A_1333, %dma_start3A_1334] : memref<4x128x128xf32, #tpu.memory_space<vmem>> -> memref<1x128x128xf32, #tpu.memory_space<vmem>>
    %dma_start3A_1336 = tpu.memref_squeeze %dma_start3A_1335 : memref<1x128x128xf32, #tpu.memory_space<vmem>> -> memref<128x128xf32, #tpu.memory_space<vmem>>
    %dma_start3A_1337 = arith.constant 0 : i32
    %dma_start3A_1338 = tpu.memref_slice %arg5[%dma_start3A_1331, %dma_start3A_1337] : memref<4x128xi32, #tpu.memory_space<vmem>> -> memref<1x128xi32, #tpu.memory_space<vmem>>
    %dma_start3A_1339 = tpu.memref_squeeze %dma_start3A_1338 : memref<1x128xi32, #tpu.memory_space<vmem>> -> memref<128xi32, #tpu.memory_space<vmem>>
    %dma_start3A_1340 = arith.constant 0 : i32
    %dma_start3A_1341 = arith.constant 0 : i32
    %dma_start3A_1342 = tpu.memref_slice %arg2[%dma_start3A_1340, %dma_start3A_1341] : memref<1000000x128xf32, #tpu.memory_space<hbm>> -> memref<1000000x128xf32, #tpu.memory_space<hbm>>
    tpu.enqueue_indirect_dma source(%dma_start3A_1342 : memref<1000000x128xf32, #tpu.memory_space<hbm>>) target(%dma_start3A_1336 : memref<128x128xf32, #tpu.memory_space<vmem>>) offsets(%dma_start3A_1339 : memref<128xi32, #tpu.memory_space<vmem>>) semaphore(%arg14 : memref<!tpu.dma_semaphore, #tpu.memory_space<semaphore_mem>>)
    %dma_wait3A_1343 = arith.constant 1 : i32
    %dma_wait3A_1344 = arith.constant 1 : i32
    %dma_wait3A_1345 = arith.constant 0 : i32
    %dma_wait3A_1346 = arith.constant 0 : i32
    %dma_wait3A_1347 = tpu.memref_slice %arg6[%dma_wait3A_1344, %dma_wait3A_1345, %dma_wait3A_1346] : memref<4x128x128xf32, #tpu.memory_space<vmem>> -> memref<1x128x128xf32, #tpu.memory_space<vmem>>
    %dma_wait3A_1348 = tpu.memref_squeeze %dma_wait3A_1347 : memref<1x128x128xf32, #tpu.memory_space<vmem>> -> memref<128x128xf32, #tpu.memory_space<vmem>>
    %dma_wait3A_1349 = arith.constant 0 : i32
    %dma_wait3A_1350 = tpu.memref_slice %arg5[%dma_wait3A_1343, %dma_wait3A_1349] : memref<4x128xi32, #tpu.memory_space<vmem>> -> memref<1x128xi32, #tpu.memory_space<vmem>>
    %dma_wait3A_1351 = tpu.memref_squeeze %dma_wait3A_1350 : memref<1x128xi32, #tpu.memory_space<vmem>> -> memref<128xi32, #tpu.memory_space<vmem>>
    %dma_wait3A_1352 = arith.constant 0 : i32
    %dma_wait3A_1353 = arith.constant 0 : i32
    %dma_wait3A_1354 = tpu.memref_slice %arg2[%dma_wait3A_1352, %dma_wait3A_1353] : memref<1000000x128xf32, #tpu.memory_space<hbm>> -> memref<1000000x128xf32, #tpu.memory_space<hbm>>
    tpu.wait_indirect_dma semaphore(%arg13 : memref<!tpu.dma_semaphore, #tpu.memory_space<semaphore_mem>>) src(%dma_wait3A_1354 : memref<1000000x128xf32, #tpu.memory_space<hbm>>) dst(%dma_wait3A_1348 : memref<128x128xf32, #tpu.memory_space<vmem>>)
    %add3A_1355 = arith.constant 193 : i32
    %add3A_1356 = arith.addi %mul3A_2, %add3A_1355 : i32
    %jit3A_1357 = arith.constant 32 : i32
    %div3A_1358 = arith.divsi %add3A_1356, %jit3A_1357 : i32
    %sign3A_1359 = arith.constant 0 : i32
    %sign3A_1360 = arith.cmpi sgt, %add3A_1356, %sign3A_1359 : i32
    %sign3A_1361 = arith.extui %sign3A_1360 : i1 to i32
    %sign3A_1362 = arith.constant 0 : i32
    %sign3A_1363 = arith.cmpi slt, %add3A_1356, %sign3A_1362 : i32
    %sign3A_1364 = arith.extui %sign3A_1363 : i1 to i32
    %sign3A_1365 = arith.subi %sign3A_1361, %sign3A_1364 : i32
    %sign3A_1366 = arith.constant 0 : i32
    %sign3A_1367 = arith.cmpi sgt, %jit3A_1357, %sign3A_1366 : i32
    %sign3A_1368 = arith.extui %sign3A_1367 : i1 to i32
    %sign3A_1369 = arith.constant 0 : i32
    %sign3A_1370 = arith.cmpi slt, %jit3A_1357, %sign3A_1369 : i32
    %sign3A_1371 = arith.extui %sign3A_1370 : i1 to i32
    %sign3A_1372 = arith.subi %sign3A_1368, %sign3A_1371 : i32
    %ne3A_1373 = arith.cmpi ne, %sign3A_1365, %sign3A_1372 : i32
    %rem3A_1374 = arith.remsi %add3A_1356, %jit3A_1357 : i32
    %ne3A_1375 = arith.constant 0 : i32
    %ne3A_1376 = arith.cmpi ne, %rem3A_1374, %ne3A_1375 : i32
    %and3A_1377 = arith.andi %ne3A_1373, %ne3A_1376 : i1
    %sub3A_1378 = arith.constant 1 : i32
    %sub3A_1379 = arith.subi %div3A_1358, %sub3A_1378 : i32
    %select_n3A_1380 = arith.select %and3A_1377, %sub3A_1379, %div3A_1358 : i32
    %jit3A_1381 = arith.constant 32 : i32
    %eq3A_1382 = arith.constant 0 : i32
    %eq3A_1383 = arith.cmpi eq, %jit3A_1381, %eq3A_1382 : i32
    %jit3A_1384 = arith.constant 1 : i32
    %select_n3A_1385 = arith.select %eq3A_1383, %jit3A_1384, %jit3A_1381 : i32
    %rem3A_1386 = arith.remsi %add3A_1356, %select_n3A_1385 : i32
    %ne3A_1387 = arith.constant 0 : i32
    %ne3A_1388 = arith.cmpi ne, %rem3A_1386, %ne3A_1387 : i32
    %lt3A_1389 = arith.constant 0 : i32
    %lt3A_1390 = arith.cmpi slt, %rem3A_1386, %lt3A_1389 : i32
    %lt3A_1391 = arith.constant 0 : i32
    %lt3A_1392 = arith.cmpi slt, %select_n3A_1385, %lt3A_1391 : i32
    %ne3A_1393 = arith.xori %lt3A_1390, %lt3A_1392 : i1
    %and3A_1394 = arith.andi %ne3A_1393, %ne3A_1388 : i1
    %add3A_1395 = arith.addi %rem3A_1386, %select_n3A_1385 : i32
    %select_n3A_1396 = arith.select %and3A_1394, %add3A_1395, %rem3A_1386 : i32
    %mul3A_1397 = arith.constant 128 : i32
    %mul3A_1398 = arith.muli %select_n3A_1396, %mul3A_1397 : i32
    %dma_wait3A_1399 = arith.constant 1 : i32
    %dma_wait3A_1400 = arith.constant 0 : i32
    %dma_wait3A_1401 = arith.constant 0 : i32
    %dma_wait3A_1402 = tpu.memref_slice %arg7[%dma_wait3A_1399, %dma_wait3A_1400, %dma_wait3A_1401] : memref<4x64x128xf32, #tpu.memory_space<vmem>> -> memref<1x64x128xf32, #tpu.memory_space<vmem>>
    %dma_wait3A_1403 = tpu.memref_squeeze %dma_wait3A_1402 : memref<1x64x128xf32, #tpu.memory_space<vmem>> -> memref<64x128xf32, #tpu.memory_space<vmem>>
    %dma_wait3A_1404 = arith.constant 0 : i32
    %dma_wait3A_1405 = tpu.memref_slice %arg4[%select_n3A_1380, %dma_wait3A_1404, %mul3A_1398] : memref<200x64x4096xf32, #tpu.memory_space<hbm>> -> memref<1x64x128xf32, #tpu.memory_space<hbm>>
    %dma_wait3A_1406 = tpu.memref_squeeze %dma_wait3A_1405 : memref<1x64x128xf32, #tpu.memory_space<hbm>> -> memref<64x128xf32, #tpu.memory_space<hbm>>
    %dma_wait3A_1407 = arith.constant 0 : i32
    %dma_wait3A_1408 = tpu.memref_slice %arg4[%select_n3A_1380, %dma_wait3A_1407, %mul3A_1398] : memref<200x64x4096xf32, #tpu.memory_space<hbm>> -> memref<1x64x128xf32, #tpu.memory_space<hbm>>
    %dma_wait3A_1409 = tpu.memref_squeeze %dma_wait3A_1408 : memref<1x64x128xf32, #tpu.memory_space<hbm>> -> memref<64x128xf32, #tpu.memory_space<hbm>>
    %dma_wait3A_1410 = arith.constant 0 : i32
    %dma_wait3A_1411 = arith.constant 0 : i32
    %dma_wait3A_1412 = tpu.memref_slice %arg7[%dma_wait3A_1399, %dma_wait3A_1410, %dma_wait3A_1411] : memref<4x64x128xf32, #tpu.memory_space<vmem>> -> memref<1x64x128xf32, #tpu.memory_space<vmem>>
    %dma_wait3A_1413 = tpu.memref_squeeze %dma_wait3A_1412 : memref<1x64x128xf32, #tpu.memory_space<vmem>> -> memref<64x128xf32, #tpu.memory_space<vmem>>
    tpu.wait_dma2 semaphore(%arg17 : memref<!tpu.dma_semaphore, #tpu.memory_space<semaphore_mem>>) src(%dma_wait3A_1413 : memref<64x128xf32, #tpu.memory_space<vmem>>) dst(%dma_wait3A_1409 : memref<64x128xf32, #tpu.memory_space<hbm>>)
    %scan3A_1414 = arith.constant 0 : i32
    %scan3A_1415 = arith.constant 8 : i32
    %scan3A_1416 = arith.addi %scan3A_1414, %scan3A_1415 : i32
    %scan3A_1417 = arith.constant 1 : i32
    scf.for %scan3A_2051 = %scan3A_1414 to %scan3A_1416 step %scan3A_1417  : i32 {
      %mul3A_2052 = arith.constant 1 : i32
      %mul3A_2053 = arith.muli %scan3A_2051, %mul3A_2052 : i32
      %add3A_2054 = arith.constant 0 : i32
      %add3A_2055 = arith.addi %add3A_2054, %mul3A_2053 : i32
      %mul3A_2056 = arith.constant 16 : i32
      %mul3A_2057 = arith.muli %add3A_2055, %mul3A_2056 : i32
      %add3A_2058 = vector.broadcast %mul3A_2057 : i32 to vector<16xi32>
      %add3A_2059 = arith.addi %add3A_2058, %iota3A : vector<16xi32>
      %shift_left3A = arith.constant 7 : i32
      %shift_left3A_2060 = vector.broadcast %shift_left3A : i32 to vector<16xi32>
      %shift_left3A_2061 = arith.shli %add3A_2059, %shift_left3A_2060 : vector<16xi32>
      %broadcast_in_dim3A = arith.constant 0 : i32
      %broadcast_in_dim3A_2062 = vector.broadcast %broadcast_in_dim3A : i32 to vector<16xi32>
      %parallel_loop3A = arith.constant 0 : i32
      %parallel_loop3A_2063 = arith.constant 64 : i32
      %parallel_loop3A_2064 = arith.constant 1 : i32
      %parallel_loop3A_2065 = scf.for %parallel_loop3A_2066 = %parallel_loop3A to %parallel_loop3A_2063 step %parallel_loop3A_2064 iter_args(%parallel_loop3A_2067 = %shift_left3A_2061) -> (vector<16xi32>)  : i32 {
        %parallel_loop3A_2068 = arith.constant 1 : i32
        %parallel_loop3A_2069 = arith.constant 0 : i32
        %parallel_loop3A_2070 = arith.constant 0 : i32
        %parallel_loop3A_2071 = tpu.memref_slice %arg6[%parallel_loop3A_2068, %parallel_loop3A_2069, %parallel_loop3A_2070] : memref<4x128x128xf32, #tpu.memory_space<vmem>> -> memref<1x128x128xf32, #tpu.memory_space<vmem>>
        %parallel_loop3A_2072 = tpu.memref_squeeze %parallel_loop3A_2071 : memref<1x128x128xf32, #tpu.memory_space<vmem>> -> memref<128x128xf32, #tpu.memory_space<vmem>>
        %parallel_loop3A_2073 = tpu.vector_load_idx %parallel_loop3A_2072[%broadcast_in_dim3A_2062, %parallel_loop3A_2067] : memref<128x128xf32, #tpu.memory_space<vmem>>[vector<16xi32>, vector<16xi32>], vector<16xf32>,
        %parallel_loop3A_2074 = arith.constant 16 : i32
        %parallel_loop3A_2075 = arith.muli %add3A_2055, %parallel_loop3A_2074 : i32
        %parallel_loop3A_2076 = arith.constant 1 : i32
        %parallel_loop3A_2077 = arith.index_cast %parallel_loop3A_2076 : i32 to index
        %parallel_loop3A_2078 = arith.index_cast %parallel_loop3A_2066 : i32 to index
        %parallel_loop3A_2079 = arith.index_cast %parallel_loop3A_2075 : i32 to index
        %parallel_loop3A_2080 = tpu.vector_load %arg7[%parallel_loop3A_2077, %parallel_loop3A_2078, %parallel_loop3A_2079] {strides = array<i32>} : memref<4x64x128xf32, #tpu.memory_space<vmem>>, vector<16xf32>,
        tpu.vector_store %arg7[%parallel_loop3A_2077, %parallel_loop3A_2078, %parallel_loop3A_2079], %parallel_loop3A_2073 {strides = array<i32>} : memref<4x64x128xf32, #tpu.memory_space<vmem>>, vector<16xf32>,
        %parallel_loop3A_2081 = arith.constant 1 : i32
        %parallel_loop3A_2082 = vector.broadcast %parallel_loop3A_2081 : i32 to vector<16xi32>
        %parallel_loop3A_2083 = arith.addi %parallel_loop3A_2067, %parallel_loop3A_2082 : vector<16xi32>
        scf.yield %parallel_loop3A_2083 : vector<16xi32>
      } {sc.loop_unroll_factor = 16 : i64, sc.parallel_access}
    }
    %scan3A_1418 = arith.constant 8 : i32
    %add3A_1419 = arith.constant 197 : i32
    %add3A_1420 = arith.addi %mul3A_2, %add3A_1419 : i32
    %jit3A_1421 = arith.constant 32 : i32
    %div3A_1422 = arith.divsi %add3A_1420, %jit3A_1421 : i32
    %sign3A_1423 = arith.constant 0 : i32
    %sign3A_1424 = arith.cmpi sgt, %add3A_1420, %sign3A_1423 : i32
    %sign3A_1425 = arith.extui %sign3A_1424 : i1 to i32
    %sign3A_1426 = arith.constant 0 : i32
    %sign3A_1427 = arith.cmpi slt, %add3A_1420, %sign3A_1426 : i32
    %sign3A_1428 = arith.extui %sign3A_1427 : i1 to i32
    %sign3A_1429 = arith.subi %sign3A_1425, %sign3A_1428 : i32
    %sign3A_1430 = arith.constant 0 : i32
    %sign3A_1431 = arith.cmpi sgt, %jit3A_1421, %sign3A_1430 : i32
    %sign3A_1432 = arith.extui %sign3A_1431 : i1 to i32
    %sign3A_1433 = arith.constant 0 : i32
    %sign3A_1434 = arith.cmpi slt, %jit3A_1421, %sign3A_1433 : i32
    %sign3A_1435 = arith.extui %sign3A_1434 : i1 to i32
    %sign3A_1436 = arith.subi %sign3A_1432, %sign3A_1435 : i32
    %ne3A_1437 = arith.cmpi ne, %sign3A_1429, %sign3A_1436 : i32
    %rem3A_1438 = arith.remsi %add3A_1420, %jit3A_1421 : i32
    %ne3A_1439 = arith.constant 0 : i32
    %ne3A_1440 = arith.cmpi ne, %rem3A_1438, %ne3A_1439 : i32
    %and3A_1441 = arith.andi %ne3A_1437, %ne3A_1440 : i1
    %sub3A_1442 = arith.constant 1 : i32
    %sub3A_1443 = arith.subi %div3A_1422, %sub3A_1442 : i32
    %select_n3A_1444 = arith.select %and3A_1441, %sub3A_1443, %div3A_1422 : i32
    %jit3A_1445 = arith.constant 32 : i32
    %eq3A_1446 = arith.constant 0 : i32
    %eq3A_1447 = arith.cmpi eq, %jit3A_1445, %eq3A_1446 : i32
    %jit3A_1448 = arith.constant 1 : i32
    %select_n3A_1449 = arith.select %eq3A_1447, %jit3A_1448, %jit3A_1445 : i32
    %rem3A_1450 = arith.remsi %add3A_1420, %select_n3A_1449 : i32
    %ne3A_1451 = arith.constant 0 : i32
    %ne3A_1452 = arith.cmpi ne, %rem3A_1450, %ne3A_1451 : i32
    %lt3A_1453 = arith.constant 0 : i32
    %lt3A_1454 = arith.cmpi slt, %rem3A_1450, %lt3A_1453 : i32
    %lt3A_1455 = arith.constant 0 : i32
    %lt3A_1456 = arith.cmpi slt, %select_n3A_1449, %lt3A_1455 : i32
    %ne3A_1457 = arith.xori %lt3A_1454, %lt3A_1456 : i1
    %and3A_1458 = arith.andi %ne3A_1457, %ne3A_1452 : i1
    %add3A_1459 = arith.addi %rem3A_1450, %select_n3A_1449 : i32
    %select_n3A_1460 = arith.select %and3A_1458, %add3A_1459, %rem3A_1450 : i32
    %mul3A_1461 = arith.constant 128 : i32
    %mul3A_1462 = arith.muli %select_n3A_1460, %mul3A_1461 : i32
    %dma_start3A_1463 = arith.constant 1 : i32
    %dma_start3A_1464 = arith.constant 0 : i32
    %dma_start3A_1465 = arith.constant 0 : i32
    %dma_start3A_1466 = tpu.memref_slice %arg7[%dma_start3A_1463, %dma_start3A_1464, %dma_start3A_1465] : memref<4x64x128xf32, #tpu.memory_space<vmem>> -> memref<1x64x128xf32, #tpu.memory_space<vmem>>
    %dma_start3A_1467 = tpu.memref_squeeze %dma_start3A_1466 : memref<1x64x128xf32, #tpu.memory_space<vmem>> -> memref<64x128xf32, #tpu.memory_space<vmem>>
    %dma_start3A_1468 = arith.constant 0 : i32
    %dma_start3A_1469 = tpu.memref_slice %arg4[%select_n3A_1444, %dma_start3A_1468, %mul3A_1462] : memref<200x64x4096xf32, #tpu.memory_space<hbm>> -> memref<1x64x128xf32, #tpu.memory_space<hbm>>
    %dma_start3A_1470 = tpu.memref_squeeze %dma_start3A_1469 : memref<1x64x128xf32, #tpu.memory_space<hbm>> -> memref<64x128xf32, #tpu.memory_space<hbm>>
    %dma_start3A_1471 = arith.constant 0 : i32
    %dma_start3A_1472 = tpu.memref_slice %arg4[%select_n3A_1444, %dma_start3A_1471, %mul3A_1462] : memref<200x64x4096xf32, #tpu.memory_space<hbm>> -> memref<1x64x128xf32, #tpu.memory_space<hbm>>
    %dma_start3A_1473 = tpu.memref_squeeze %dma_start3A_1472 : memref<1x64x128xf32, #tpu.memory_space<hbm>> -> memref<64x128xf32, #tpu.memory_space<hbm>>
    %dma_start3A_1474 = arith.constant 0 : i32
    %dma_start3A_1475 = arith.constant 0 : i32
    %dma_start3A_1476 = tpu.memref_slice %arg7[%dma_start3A_1463, %dma_start3A_1474, %dma_start3A_1475] : memref<4x64x128xf32, #tpu.memory_space<vmem>> -> memref<1x64x128xf32, #tpu.memory_space<vmem>>
    %dma_start3A_1477 = tpu.memref_squeeze %dma_start3A_1476 : memref<1x64x128xf32, #tpu.memory_space<vmem>> -> memref<64x128xf32, #tpu.memory_space<vmem>>
    tpu.enqueue_dma source(%dma_start3A_1477 : memref<64x128xf32, #tpu.memory_space<vmem>>) target(%dma_start3A_1473 : memref<64x128xf32, #tpu.memory_space<hbm>>) target_semaphore(%arg17 : memref<!tpu.dma_semaphore, #tpu.memory_space<semaphore_mem>>)
    %add3A_1478 = arith.constant 199 : i32
    %add3A_1479 = arith.addi %mul3A_2, %add3A_1478 : i32
    %jit3A_1480 = arith.constant 32 : i32
    %div3A_1481 = arith.divsi %add3A_1479, %jit3A_1480 : i32
    %sign3A_1482 = arith.constant 0 : i32
    %sign3A_1483 = arith.cmpi sgt, %add3A_1479, %sign3A_1482 : i32
    %sign3A_1484 = arith.extui %sign3A_1483 : i1 to i32
    %sign3A_1485 = arith.constant 0 : i32
    %sign3A_1486 = arith.cmpi slt, %add3A_1479, %sign3A_1485 : i32
    %sign3A_1487 = arith.extui %sign3A_1486 : i1 to i32
    %sign3A_1488 = arith.subi %sign3A_1484, %sign3A_1487 : i32
    %sign3A_1489 = arith.constant 0 : i32
    %sign3A_1490 = arith.cmpi sgt, %jit3A_1480, %sign3A_1489 : i32
    %sign3A_1491 = arith.extui %sign3A_1490 : i1 to i32
    %sign3A_1492 = arith.constant 0 : i32
    %sign3A_1493 = arith.cmpi slt, %jit3A_1480, %sign3A_1492 : i32
    %sign3A_1494 = arith.extui %sign3A_1493 : i1 to i32
    %sign3A_1495 = arith.subi %sign3A_1491, %sign3A_1494 : i32
    %ne3A_1496 = arith.cmpi ne, %sign3A_1488, %sign3A_1495 : i32
    %rem3A_1497 = arith.remsi %add3A_1479, %jit3A_1480 : i32
    %ne3A_1498 = arith.constant 0 : i32
    %ne3A_1499 = arith.cmpi ne, %rem3A_1497, %ne3A_1498 : i32
    %and3A_1500 = arith.andi %ne3A_1496, %ne3A_1499 : i1
    %sub3A_1501 = arith.constant 1 : i32
    %sub3A_1502 = arith.subi %div3A_1481, %sub3A_1501 : i32
    %select_n3A_1503 = arith.select %and3A_1500, %sub3A_1502, %div3A_1481 : i32
    %jit3A_1504 = arith.constant 32 : i32
    %eq3A_1505 = arith.constant 0 : i32
    %eq3A_1506 = arith.cmpi eq, %jit3A_1504, %eq3A_1505 : i32
    %jit3A_1507 = arith.constant 1 : i32
    %select_n3A_1508 = arith.select %eq3A_1506, %jit3A_1507, %jit3A_1504 : i32
    %rem3A_1509 = arith.remsi %add3A_1479, %select_n3A_1508 : i32
    %ne3A_1510 = arith.constant 0 : i32
    %ne3A_1511 = arith.cmpi ne, %rem3A_1509, %ne3A_1510 : i32
    %lt3A_1512 = arith.constant 0 : i32
    %lt3A_1513 = arith.cmpi slt, %rem3A_1509, %lt3A_1512 : i32
    %lt3A_1514 = arith.constant 0 : i32
    %lt3A_1515 = arith.cmpi slt, %select_n3A_1508, %lt3A_1514 : i32
    %ne3A_1516 = arith.xori %lt3A_1513, %lt3A_1515 : i1
    %and3A_1517 = arith.andi %ne3A_1516, %ne3A_1511 : i1
    %add3A_1518 = arith.addi %rem3A_1509, %select_n3A_1508 : i32
    %select_n3A_1519 = arith.select %and3A_1517, %add3A_1518, %rem3A_1509 : i32
    %mul3A_1520 = arith.constant 128 : i32
    %mul3A_1521 = arith.muli %select_n3A_1519, %mul3A_1520 : i32
    %dma_wait3A_1522 = arith.constant 3 : i32
    %dma_wait3A_1523 = arith.constant 0 : i32
    %dma_wait3A_1524 = tpu.memref_slice %arg5[%dma_wait3A_1522, %dma_wait3A_1523] : memref<4x128xi32, #tpu.memory_space<vmem>> -> memref<1x128xi32, #tpu.memory_space<vmem>>
    %dma_wait3A_1525 = tpu.memref_squeeze %dma_wait3A_1524 : memref<1x128xi32, #tpu.memory_space<vmem>> -> memref<128xi32, #tpu.memory_space<vmem>>
    %dma_wait3A_1526 = tpu.memref_slice %arg3[%select_n3A_1503, %mul3A_1521] : memref<200x4096xi32, #tpu.memory_space<hbm>> -> memref<1x128xi32, #tpu.memory_space<hbm>>
    %dma_wait3A_1527 = tpu.memref_squeeze %dma_wait3A_1526 : memref<1x128xi32, #tpu.memory_space<hbm>> -> memref<128xi32, #tpu.memory_space<hbm>>
    %dma_wait3A_1528 = arith.constant 0 : i32
    %dma_wait3A_1529 = tpu.memref_slice %arg5[%dma_wait3A_1522, %dma_wait3A_1528] : memref<4x128xi32, #tpu.memory_space<vmem>> -> memref<1x128xi32, #tpu.memory_space<vmem>>
    %dma_wait3A_1530 = tpu.memref_squeeze %dma_wait3A_1529 : memref<1x128xi32, #tpu.memory_space<vmem>> -> memref<128xi32, #tpu.memory_space<vmem>>
    %dma_wait3A_1531 = tpu.memref_slice %arg3[%select_n3A_1503, %mul3A_1521] : memref<200x4096xi32, #tpu.memory_space<hbm>> -> memref<1x128xi32, #tpu.memory_space<hbm>>
    %dma_wait3A_1532 = tpu.memref_squeeze %dma_wait3A_1531 : memref<1x128xi32, #tpu.memory_space<hbm>> -> memref<128xi32, #tpu.memory_space<hbm>>
    tpu.wait_dma2 semaphore(%arg11 : memref<!tpu.dma_semaphore, #tpu.memory_space<semaphore_mem>>) src(%dma_wait3A_1532 : memref<128xi32, #tpu.memory_space<hbm>>) dst(%dma_wait3A_1530 : memref<128xi32, #tpu.memory_space<vmem>>)
    %dma_start3A_1533 = arith.constant 3 : i32
    %dma_start3A_1534 = arith.constant 3 : i32
    %dma_start3A_1535 = arith.constant 0 : i32
    %dma_start3A_1536 = arith.constant 0 : i32
    %dma_start3A_1537 = tpu.memref_slice %arg6[%dma_start3A_1534, %dma_start3A_1535, %dma_start3A_1536] : memref<4x128x128xf32, #tpu.memory_space<vmem>> -> memref<1x128x128xf32, #tpu.memory_space<vmem>>
    %dma_start3A_1538 = tpu.memref_squeeze %dma_start3A_1537 : memref<1x128x128xf32, #tpu.memory_space<vmem>> -> memref<128x128xf32, #tpu.memory_space<vmem>>
    %dma_start3A_1539 = arith.constant 0 : i32
    %dma_start3A_1540 = tpu.memref_slice %arg5[%dma_start3A_1533, %dma_start3A_1539] : memref<4x128xi32, #tpu.memory_space<vmem>> -> memref<1x128xi32, #tpu.memory_space<vmem>>
    %dma_start3A_1541 = tpu.memref_squeeze %dma_start3A_1540 : memref<1x128xi32, #tpu.memory_space<vmem>> -> memref<128xi32, #tpu.memory_space<vmem>>
    %dma_start3A_1542 = arith.constant 0 : i32
    %dma_start3A_1543 = arith.constant 0 : i32
    %dma_start3A_1544 = tpu.memref_slice %arg2[%dma_start3A_1542, %dma_start3A_1543] : memref<1000000x128xf32, #tpu.memory_space<hbm>> -> memref<1000000x128xf32, #tpu.memory_space<hbm>>
    tpu.enqueue_indirect_dma source(%dma_start3A_1544 : memref<1000000x128xf32, #tpu.memory_space<hbm>>) target(%dma_start3A_1538 : memref<128x128xf32, #tpu.memory_space<vmem>>) offsets(%dma_start3A_1541 : memref<128xi32, #tpu.memory_space<vmem>>) semaphore(%arg15 : memref<!tpu.dma_semaphore, #tpu.memory_space<semaphore_mem>>)
    %dma_wait3A_1545 = arith.constant 2 : i32
    %dma_wait3A_1546 = arith.constant 2 : i32
    %dma_wait3A_1547 = arith.constant 0 : i32
    %dma_wait3A_1548 = arith.constant 0 : i32
    %dma_wait3A_1549 = tpu.memref_slice %arg6[%dma_wait3A_1546, %dma_wait3A_1547, %dma_wait3A_1548] : memref<4x128x128xf32, #tpu.memory_space<vmem>> -> memref<1x128x128xf32, #tpu.memory_space<vmem>>
    %dma_wait3A_1550 = tpu.memref_squeeze %dma_wait3A_1549 : memref<1x128x128xf32, #tpu.memory_space<vmem>> -> memref<128x128xf32, #tpu.memory_space<vmem>>
    %dma_wait3A_1551 = arith.constant 0 : i32
    %dma_wait3A_1552 = tpu.memref_slice %arg5[%dma_wait3A_1545, %dma_wait3A_1551] : memref<4x128xi32, #tpu.memory_space<vmem>> -> memref<1x128xi32, #tpu.memory_space<vmem>>
    %dma_wait3A_1553 = tpu.memref_squeeze %dma_wait3A_1552 : memref<1x128xi32, #tpu.memory_space<vmem>> -> memref<128xi32, #tpu.memory_space<vmem>>
    %dma_wait3A_1554 = arith.constant 0 : i32
    %dma_wait3A_1555 = arith.constant 0 : i32
    %dma_wait3A_1556 = tpu.memref_slice %arg2[%dma_wait3A_1554, %dma_wait3A_1555] : memref<1000000x128xf32, #tpu.memory_space<hbm>> -> memref<1000000x128xf32, #tpu.memory_space<hbm>>
    tpu.wait_indirect_dma semaphore(%arg14 : memref<!tpu.dma_semaphore, #tpu.memory_space<semaphore_mem>>) src(%dma_wait3A_1556 : memref<1000000x128xf32, #tpu.memory_space<hbm>>) dst(%dma_wait3A_1550 : memref<128x128xf32, #tpu.memory_space<vmem>>)
    %add3A_1557 = arith.constant 194 : i32
    %add3A_1558 = arith.addi %mul3A_2, %add3A_1557 : i32
    %jit3A_1559 = arith.constant 32 : i32
    %div3A_1560 = arith.divsi %add3A_1558, %jit3A_1559 : i32
    %sign3A_1561 = arith.constant 0 : i32
    %sign3A_1562 = arith.cmpi sgt, %add3A_1558, %sign3A_1561 : i32
    %sign3A_1563 = arith.extui %sign3A_1562 : i1 to i32
    %sign3A_1564 = arith.constant 0 : i32
    %sign3A_1565 = arith.cmpi slt, %add3A_1558, %sign3A_1564 : i32
    %sign3A_1566 = arith.extui %sign3A_1565 : i1 to i32
    %sign3A_1567 = arith.subi %sign3A_1563, %sign3A_1566 : i32
    %sign3A_1568 = arith.constant 0 : i32
    %sign3A_1569 = arith.cmpi sgt, %jit3A_1559, %sign3A_1568 : i32
    %sign3A_1570 = arith.extui %sign3A_1569 : i1 to i32
    %sign3A_1571 = arith.constant 0 : i32
    %sign3A_1572 = arith.cmpi slt, %jit3A_1559, %sign3A_1571 : i32
    %sign3A_1573 = arith.extui %sign3A_1572 : i1 to i32
    %sign3A_1574 = arith.subi %sign3A_1570, %sign3A_1573 : i32
    %ne3A_1575 = arith.cmpi ne, %sign3A_1567, %sign3A_1574 : i32
    %rem3A_1576 = arith.remsi %add3A_1558, %jit3A_1559 : i32
    %ne3A_1577 = arith.constant 0 : i32
    %ne3A_1578 = arith.cmpi ne, %rem3A_1576, %ne3A_1577 : i32
    %and3A_1579 = arith.andi %ne3A_1575, %ne3A_1578 : i1
    %sub3A_1580 = arith.constant 1 : i32
    %sub3A_1581 = arith.subi %div3A_1560, %sub3A_1580 : i32
    %select_n3A_1582 = arith.select %and3A_1579, %sub3A_1581, %div3A_1560 : i32
    %jit3A_1583 = arith.constant 32 : i32
    %eq3A_1584 = arith.constant 0 : i32
    %eq3A_1585 = arith.cmpi eq, %jit3A_1583, %eq3A_1584 : i32
    %jit3A_1586 = arith.constant 1 : i32
    %select_n3A_1587 = arith.select %eq3A_1585, %jit3A_1586, %jit3A_1583 : i32
    %rem3A_1588 = arith.remsi %add3A_1558, %select_n3A_1587 : i32
    %ne3A_1589 = arith.constant 0 : i32
    %ne3A_1590 = arith.cmpi ne, %rem3A_1588, %ne3A_1589 : i32
    %lt3A_1591 = arith.constant 0 : i32
    %lt3A_1592 = arith.cmpi slt, %rem3A_1588, %lt3A_1591 : i32
    %lt3A_1593 = arith.constant 0 : i32
    %lt3A_1594 = arith.cmpi slt, %select_n3A_1587, %lt3A_1593 : i32
    %ne3A_1595 = arith.xori %lt3A_1592, %lt3A_1594 : i1
    %and3A_1596 = arith.andi %ne3A_1595, %ne3A_1590 : i1
    %add3A_1597 = arith.addi %rem3A_1588, %select_n3A_1587 : i32
    %select_n3A_1598 = arith.select %and3A_1596, %add3A_1597, %rem3A_1588 : i32
    %mul3A_1599 = arith.constant 128 : i32
    %mul3A_1600 = arith.muli %select_n3A_1598, %mul3A_1599 : i32
    %dma_wait3A_1601 = arith.constant 2 : i32
    %dma_wait3A_1602 = arith.constant 0 : i32
    %dma_wait3A_1603 = arith.constant 0 : i32
    %dma_wait3A_1604 = tpu.memref_slice %arg7[%dma_wait3A_1601, %dma_wait3A_1602, %dma_wait3A_1603] : memref<4x64x128xf32, #tpu.memory_space<vmem>> -> memref<1x64x128xf32, #tpu.memory_space<vmem>>
    %dma_wait3A_1605 = tpu.memref_squeeze %dma_wait3A_1604 : memref<1x64x128xf32, #tpu.memory_space<vmem>> -> memref<64x128xf32, #tpu.memory_space<vmem>>
    %dma_wait3A_1606 = arith.constant 0 : i32
    %dma_wait3A_1607 = tpu.memref_slice %arg4[%select_n3A_1582, %dma_wait3A_1606, %mul3A_1600] : memref<200x64x4096xf32, #tpu.memory_space<hbm>> -> memref<1x64x128xf32, #tpu.memory_space<hbm>>
    %dma_wait3A_1608 = tpu.memref_squeeze %dma_wait3A_1607 : memref<1x64x128xf32, #tpu.memory_space<hbm>> -> memref<64x128xf32, #tpu.memory_space<hbm>>
    %dma_wait3A_1609 = arith.constant 0 : i32
    %dma_wait3A_1610 = tpu.memref_slice %arg4[%select_n3A_1582, %dma_wait3A_1609, %mul3A_1600] : memref<200x64x4096xf32, #tpu.memory_space<hbm>> -> memref<1x64x128xf32, #tpu.memory_space<hbm>>
    %dma_wait3A_1611 = tpu.memref_squeeze %dma_wait3A_1610 : memref<1x64x128xf32, #tpu.memory_space<hbm>> -> memref<64x128xf32, #tpu.memory_space<hbm>>
    %dma_wait3A_1612 = arith.constant 0 : i32
    %dma_wait3A_1613 = arith.constant 0 : i32
    %dma_wait3A_1614 = tpu.memref_slice %arg7[%dma_wait3A_1601, %dma_wait3A_1612, %dma_wait3A_1613] : memref<4x64x128xf32, #tpu.memory_space<vmem>> -> memref<1x64x128xf32, #tpu.memory_space<vmem>>
    %dma_wait3A_1615 = tpu.memref_squeeze %dma_wait3A_1614 : memref<1x64x128xf32, #tpu.memory_space<vmem>> -> memref<64x128xf32, #tpu.memory_space<vmem>>
    tpu.wait_dma2 semaphore(%arg18 : memref<!tpu.dma_semaphore, #tpu.memory_space<semaphore_mem>>) src(%dma_wait3A_1615 : memref<64x128xf32, #tpu.memory_space<vmem>>) dst(%dma_wait3A_1611 : memref<64x128xf32, #tpu.memory_space<hbm>>)
    %scan3A_1616 = arith.constant 0 : i32
    %scan3A_1617 = arith.constant 8 : i32
    %scan3A_1618 = arith.addi %scan3A_1616, %scan3A_1617 : i32
    %scan3A_1619 = arith.constant 1 : i32
    scf.for %scan3A_2051 = %scan3A_1616 to %scan3A_1618 step %scan3A_1619  : i32 {
      %mul3A_2052 = arith.constant 1 : i32
      %mul3A_2053 = arith.muli %scan3A_2051, %mul3A_2052 : i32
      %add3A_2054 = arith.constant 0 : i32
      %add3A_2055 = arith.addi %add3A_2054, %mul3A_2053 : i32
      %mul3A_2056 = arith.constant 16 : i32
      %mul3A_2057 = arith.muli %add3A_2055, %mul3A_2056 : i32
      %add3A_2058 = vector.broadcast %mul3A_2057 : i32 to vector<16xi32>
      %add3A_2059 = arith.addi %add3A_2058, %iota3A : vector<16xi32>
      %shift_left3A = arith.constant 7 : i32
      %shift_left3A_2060 = vector.broadcast %shift_left3A : i32 to vector<16xi32>
      %shift_left3A_2061 = arith.shli %add3A_2059, %shift_left3A_2060 : vector<16xi32>
      %broadcast_in_dim3A = arith.constant 0 : i32
      %broadcast_in_dim3A_2062 = vector.broadcast %broadcast_in_dim3A : i32 to vector<16xi32>
      %parallel_loop3A = arith.constant 0 : i32
      %parallel_loop3A_2063 = arith.constant 64 : i32
      %parallel_loop3A_2064 = arith.constant 1 : i32
      %parallel_loop3A_2065 = scf.for %parallel_loop3A_2066 = %parallel_loop3A to %parallel_loop3A_2063 step %parallel_loop3A_2064 iter_args(%parallel_loop3A_2067 = %shift_left3A_2061) -> (vector<16xi32>)  : i32 {
        %parallel_loop3A_2068 = arith.constant 2 : i32
        %parallel_loop3A_2069 = arith.constant 0 : i32
        %parallel_loop3A_2070 = arith.constant 0 : i32
        %parallel_loop3A_2071 = tpu.memref_slice %arg6[%parallel_loop3A_2068, %parallel_loop3A_2069, %parallel_loop3A_2070] : memref<4x128x128xf32, #tpu.memory_space<vmem>> -> memref<1x128x128xf32, #tpu.memory_space<vmem>>
        %parallel_loop3A_2072 = tpu.memref_squeeze %parallel_loop3A_2071 : memref<1x128x128xf32, #tpu.memory_space<vmem>> -> memref<128x128xf32, #tpu.memory_space<vmem>>
        %parallel_loop3A_2073 = tpu.vector_load_idx %parallel_loop3A_2072[%broadcast_in_dim3A_2062, %parallel_loop3A_2067] : memref<128x128xf32, #tpu.memory_space<vmem>>[vector<16xi32>, vector<16xi32>], vector<16xf32>,
        %parallel_loop3A_2074 = arith.constant 16 : i32
        %parallel_loop3A_2075 = arith.muli %add3A_2055, %parallel_loop3A_2074 : i32
        %parallel_loop3A_2076 = arith.constant 2 : i32
        %parallel_loop3A_2077 = arith.index_cast %parallel_loop3A_2076 : i32 to index
        %parallel_loop3A_2078 = arith.index_cast %parallel_loop3A_2066 : i32 to index
        %parallel_loop3A_2079 = arith.index_cast %parallel_loop3A_2075 : i32 to index
        %parallel_loop3A_2080 = tpu.vector_load %arg7[%parallel_loop3A_2077, %parallel_loop3A_2078, %parallel_loop3A_2079] {strides = array<i32>} : memref<4x64x128xf32, #tpu.memory_space<vmem>>, vector<16xf32>,
        tpu.vector_store %arg7[%parallel_loop3A_2077, %parallel_loop3A_2078, %parallel_loop3A_2079], %parallel_loop3A_2073 {strides = array<i32>} : memref<4x64x128xf32, #tpu.memory_space<vmem>>, vector<16xf32>,
        %parallel_loop3A_2081 = arith.constant 1 : i32
        %parallel_loop3A_2082 = vector.broadcast %parallel_loop3A_2081 : i32 to vector<16xi32>
        %parallel_loop3A_2083 = arith.addi %parallel_loop3A_2067, %parallel_loop3A_2082 : vector<16xi32>
        scf.yield %parallel_loop3A_2083 : vector<16xi32>
      } {sc.loop_unroll_factor = 16 : i64, sc.parallel_access}
    }
    %scan3A_1620 = arith.constant 8 : i32
    %add3A_1621 = arith.constant 198 : i32
    %add3A_1622 = arith.addi %mul3A_2, %add3A_1621 : i32
    %jit3A_1623 = arith.constant 32 : i32
    %div3A_1624 = arith.divsi %add3A_1622, %jit3A_1623 : i32
    %sign3A_1625 = arith.constant 0 : i32
    %sign3A_1626 = arith.cmpi sgt, %add3A_1622, %sign3A_1625 : i32
    %sign3A_1627 = arith.extui %sign3A_1626 : i1 to i32
    %sign3A_1628 = arith.constant 0 : i32
    %sign3A_1629 = arith.cmpi slt, %add3A_1622, %sign3A_1628 : i32
    %sign3A_1630 = arith.extui %sign3A_1629 : i1 to i32
    %sign3A_1631 = arith.subi %sign3A_1627, %sign3A_1630 : i32
    %sign3A_1632 = arith.constant 0 : i32
    %sign3A_1633 = arith.cmpi sgt, %jit3A_1623, %sign3A_1632 : i32
    %sign3A_1634 = arith.extui %sign3A_1633 : i1 to i32
    %sign3A_1635 = arith.constant 0 : i32
    %sign3A_1636 = arith.cmpi slt, %jit3A_1623, %sign3A_1635 : i32
    %sign3A_1637 = arith.extui %sign3A_1636 : i1 to i32
    %sign3A_1638 = arith.subi %sign3A_1634, %sign3A_1637 : i32
    %ne3A_1639 = arith.cmpi ne, %sign3A_1631, %sign3A_1638 : i32
    %rem3A_1640 = arith.remsi %add3A_1622, %jit3A_1623 : i32
    %ne3A_1641 = arith.constant 0 : i32
    %ne3A_1642 = arith.cmpi ne, %rem3A_1640, %ne3A_1641 : i32
    %and3A_1643 = arith.andi %ne3A_1639, %ne3A_1642 : i1
    %sub3A_1644 = arith.constant 1 : i32
    %sub3A_1645 = arith.subi %div3A_1624, %sub3A_1644 : i32
    %select_n3A_1646 = arith.select %and3A_1643, %sub3A_1645, %div3A_1624 : i32
    %jit3A_1647 = arith.constant 32 : i32
    %eq3A_1648 = arith.constant 0 : i32
    %eq3A_1649 = arith.cmpi eq, %jit3A_1647, %eq3A_1648 : i32
    %jit3A_1650 = arith.constant 1 : i32
    %select_n3A_1651 = arith.select %eq3A_1649, %jit3A_1650, %jit3A_1647 : i32
    %rem3A_1652 = arith.remsi %add3A_1622, %select_n3A_1651 : i32
    %ne3A_1653 = arith.constant 0 : i32
    %ne3A_1654 = arith.cmpi ne, %rem3A_1652, %ne3A_1653 : i32
    %lt3A_1655 = arith.constant 0 : i32
    %lt3A_1656 = arith.cmpi slt, %rem3A_1652, %lt3A_1655 : i32
    %lt3A_1657 = arith.constant 0 : i32
    %lt3A_1658 = arith.cmpi slt, %select_n3A_1651, %lt3A_1657 : i32
    %ne3A_1659 = arith.xori %lt3A_1656, %lt3A_1658 : i1
    %and3A_1660 = arith.andi %ne3A_1659, %ne3A_1654 : i1
    %add3A_1661 = arith.addi %rem3A_1652, %select_n3A_1651 : i32
    %select_n3A_1662 = arith.select %and3A_1660, %add3A_1661, %rem3A_1652 : i32
    %mul3A_1663 = arith.constant 128 : i32
    %mul3A_1664 = arith.muli %select_n3A_1662, %mul3A_1663 : i32
    %dma_start3A_1665 = arith.constant 2 : i32
    %dma_start3A_1666 = arith.constant 0 : i32
    %dma_start3A_1667 = arith.constant 0 : i32
    %dma_start3A_1668 = tpu.memref_slice %arg7[%dma_start3A_1665, %dma_start3A_1666, %dma_start3A_1667] : memref<4x64x128xf32, #tpu.memory_space<vmem>> -> memref<1x64x128xf32, #tpu.memory_space<vmem>>
    %dma_start3A_1669 = tpu.memref_squeeze %dma_start3A_1668 : memref<1x64x128xf32, #tpu.memory_space<vmem>> -> memref<64x128xf32, #tpu.memory_space<vmem>>
    %dma_start3A_1670 = arith.constant 0 : i32
    %dma_start3A_1671 = tpu.memref_slice %arg4[%select_n3A_1646, %dma_start3A_1670, %mul3A_1664] : memref<200x64x4096xf32, #tpu.memory_space<hbm>> -> memref<1x64x128xf32, #tpu.memory_space<hbm>>
    %dma_start3A_1672 = tpu.memref_squeeze %dma_start3A_1671 : memref<1x64x128xf32, #tpu.memory_space<hbm>> -> memref<64x128xf32, #tpu.memory_space<hbm>>
    %dma_start3A_1673 = arith.constant 0 : i32
    %dma_start3A_1674 = tpu.memref_slice %arg4[%select_n3A_1646, %dma_start3A_1673, %mul3A_1664] : memref<200x64x4096xf32, #tpu.memory_space<hbm>> -> memref<1x64x128xf32, #tpu.memory_space<hbm>>
    %dma_start3A_1675 = tpu.memref_squeeze %dma_start3A_1674 : memref<1x64x128xf32, #tpu.memory_space<hbm>> -> memref<64x128xf32, #tpu.memory_space<hbm>>
    %dma_start3A_1676 = arith.constant 0 : i32
    %dma_start3A_1677 = arith.constant 0 : i32
    %dma_start3A_1678 = tpu.memref_slice %arg7[%dma_start3A_1665, %dma_start3A_1676, %dma_start3A_1677] : memref<4x64x128xf32, #tpu.memory_space<vmem>> -> memref<1x64x128xf32, #tpu.memory_space<vmem>>
    %dma_start3A_1679 = tpu.memref_squeeze %dma_start3A_1678 : memref<1x64x128xf32, #tpu.memory_space<vmem>> -> memref<64x128xf32, #tpu.memory_space<vmem>>
    tpu.enqueue_dma source(%dma_start3A_1679 : memref<64x128xf32, #tpu.memory_space<vmem>>) target(%dma_start3A_1675 : memref<64x128xf32, #tpu.memory_space<hbm>>) target_semaphore(%arg18 : memref<!tpu.dma_semaphore, #tpu.memory_space<semaphore_mem>>)
    %dma_wait3A_1680 = arith.constant 3 : i32
    %dma_wait3A_1681 = arith.constant 3 : i32
    %dma_wait3A_1682 = arith.constant 0 : i32
    %dma_wait3A_1683 = arith.constant 0 : i32
    %dma_wait3A_1684 = tpu.memref_slice %arg6[%dma_wait3A_1681, %dma_wait3A_1682, %dma_wait3A_1683] : memref<4x128x128xf32, #tpu.memory_space<vmem>> -> memref<1x128x128xf32, #tpu.memory_space<vmem>>
    %dma_wait3A_1685 = tpu.memref_squeeze %dma_wait3A_1684 : memref<1x128x128xf32, #tpu.memory_space<vmem>> -> memref<128x128xf32, #tpu.memory_space<vmem>>
    %dma_wait3A_1686 = arith.constant 0 : i32
    %dma_wait3A_1687 = tpu.memref_slice %arg5[%dma_wait3A_1680, %dma_wait3A_1686] : memref<4x128xi32, #tpu.memory_space<vmem>> -> memref<1x128xi32, #tpu.memory_space<vmem>>
    %dma_wait3A_1688 = tpu.memref_squeeze %dma_wait3A_1687 : memref<1x128xi32, #tpu.memory_space<vmem>> -> memref<128xi32, #tpu.memory_space<vmem>>
    %dma_wait3A_1689 = arith.constant 0 : i32
    %dma_wait3A_1690 = arith.constant 0 : i32
    %dma_wait3A_1691 = tpu.memref_slice %arg2[%dma_wait3A_1689, %dma_wait3A_1690] : memref<1000000x128xf32, #tpu.memory_space<hbm>> -> memref<1000000x128xf32, #tpu.memory_space<hbm>>
    tpu.wait_indirect_dma semaphore(%arg15 : memref<!tpu.dma_semaphore, #tpu.memory_space<semaphore_mem>>) src(%dma_wait3A_1691 : memref<1000000x128xf32, #tpu.memory_space<hbm>>) dst(%dma_wait3A_1685 : memref<128x128xf32, #tpu.memory_space<vmem>>)
    %add3A_1692 = arith.constant 195 : i32
    %add3A_1693 = arith.addi %mul3A_2, %add3A_1692 : i32
    %jit3A_1694 = arith.constant 32 : i32
    %div3A_1695 = arith.divsi %add3A_1693, %jit3A_1694 : i32
    %sign3A_1696 = arith.constant 0 : i32
    %sign3A_1697 = arith.cmpi sgt, %add3A_1693, %sign3A_1696 : i32
    %sign3A_1698 = arith.extui %sign3A_1697 : i1 to i32
    %sign3A_1699 = arith.constant 0 : i32
    %sign3A_1700 = arith.cmpi slt, %add3A_1693, %sign3A_1699 : i32
    %sign3A_1701 = arith.extui %sign3A_1700 : i1 to i32
    %sign3A_1702 = arith.subi %sign3A_1698, %sign3A_1701 : i32
    %sign3A_1703 = arith.constant 0 : i32
    %sign3A_1704 = arith.cmpi sgt, %jit3A_1694, %sign3A_1703 : i32
    %sign3A_1705 = arith.extui %sign3A_1704 : i1 to i32
    %sign3A_1706 = arith.constant 0 : i32
    %sign3A_1707 = arith.cmpi slt, %jit3A_1694, %sign3A_1706 : i32
    %sign3A_1708 = arith.extui %sign3A_1707 : i1 to i32
    %sign3A_1709 = arith.subi %sign3A_1705, %sign3A_1708 : i32
    %ne3A_1710 = arith.cmpi ne, %sign3A_1702, %sign3A_1709 : i32
    %rem3A_1711 = arith.remsi %add3A_1693, %jit3A_1694 : i32
    %ne3A_1712 = arith.constant 0 : i32
    %ne3A_1713 = arith.cmpi ne, %rem3A_1711, %ne3A_1712 : i32
    %and3A_1714 = arith.andi %ne3A_1710, %ne3A_1713 : i1
    %sub3A_1715 = arith.constant 1 : i32
    %sub3A_1716 = arith.subi %div3A_1695, %sub3A_1715 : i32
    %select_n3A_1717 = arith.select %and3A_1714, %sub3A_1716, %div3A_1695 : i32
    %jit3A_1718 = arith.constant 32 : i32
    %eq3A_1719 = arith.constant 0 : i32
    %eq3A_1720 = arith.cmpi eq, %jit3A_1718, %eq3A_1719 : i32
    %jit3A_1721 = arith.constant 1 : i32
    %select_n3A_1722 = arith.select %eq3A_1720, %jit3A_1721, %jit3A_1718 : i32
    %rem3A_1723 = arith.remsi %add3A_1693, %select_n3A_1722 : i32
    %ne3A_1724 = arith.constant 0 : i32
    %ne3A_1725 = arith.cmpi ne, %rem3A_1723, %ne3A_1724 : i32
    %lt3A_1726 = arith.constant 0 : i32
    %lt3A_1727 = arith.cmpi slt, %rem3A_1723, %lt3A_1726 : i32
    %lt3A_1728 = arith.constant 0 : i32
    %lt3A_1729 = arith.cmpi slt, %select_n3A_1722, %lt3A_1728 : i32
    %ne3A_1730 = arith.xori %lt3A_1727, %lt3A_1729 : i1
    %and3A_1731 = arith.andi %ne3A_1730, %ne3A_1725 : i1
    %add3A_1732 = arith.addi %rem3A_1723, %select_n3A_1722 : i32
    %select_n3A_1733 = arith.select %and3A_1731, %add3A_1732, %rem3A_1723 : i32
    %mul3A_1734 = arith.constant 128 : i32
    %mul3A_1735 = arith.muli %select_n3A_1733, %mul3A_1734 : i32
    %dma_wait3A_1736 = arith.constant 3 : i32
    %dma_wait3A_1737 = arith.constant 0 : i32
    %dma_wait3A_1738 = arith.constant 0 : i32
    %dma_wait3A_1739 = tpu.memref_slice %arg7[%dma_wait3A_1736, %dma_wait3A_1737, %dma_wait3A_1738] : memref<4x64x128xf32, #tpu.memory_space<vmem>> -> memref<1x64x128xf32, #tpu.memory_space<vmem>>
    %dma_wait3A_1740 = tpu.memref_squeeze %dma_wait3A_1739 : memref<1x64x128xf32, #tpu.memory_space<vmem>> -> memref<64x128xf32, #tpu.memory_space<vmem>>
    %dma_wait3A_1741 = arith.constant 0 : i32
    %dma_wait3A_1742 = tpu.memref_slice %arg4[%select_n3A_1717, %dma_wait3A_1741, %mul3A_1735] : memref<200x64x4096xf32, #tpu.memory_space<hbm>> -> memref<1x64x128xf32, #tpu.memory_space<hbm>>
    %dma_wait3A_1743 = tpu.memref_squeeze %dma_wait3A_1742 : memref<1x64x128xf32, #tpu.memory_space<hbm>> -> memref<64x128xf32, #tpu.memory_space<hbm>>
    %dma_wait3A_1744 = arith.constant 0 : i32
    %dma_wait3A_1745 = tpu.memref_slice %arg4[%select_n3A_1717, %dma_wait3A_1744, %mul3A_1735] : memref<200x64x4096xf32, #tpu.memory_space<hbm>> -> memref<1x64x128xf32, #tpu.memory_space<hbm>>
    %dma_wait3A_1746 = tpu.memref_squeeze %dma_wait3A_1745 : memref<1x64x128xf32, #tpu.memory_space<hbm>> -> memref<64x128xf32, #tpu.memory_space<hbm>>
    %dma_wait3A_1747 = arith.constant 0 : i32
    %dma_wait3A_1748 = arith.constant 0 : i32
    %dma_wait3A_1749 = tpu.memref_slice %arg7[%dma_wait3A_1736, %dma_wait3A_1747, %dma_wait3A_1748] : memref<4x64x128xf32, #tpu.memory_space<vmem>> -> memref<1x64x128xf32, #tpu.memory_space<vmem>>
    %dma_wait3A_1750 = tpu.memref_squeeze %dma_wait3A_1749 : memref<1x64x128xf32, #tpu.memory_space<vmem>> -> memref<64x128xf32, #tpu.memory_space<vmem>>
    tpu.wait_dma2 semaphore(%arg19 : memref<!tpu.dma_semaphore, #tpu.memory_space<semaphore_mem>>) src(%dma_wait3A_1750 : memref<64x128xf32, #tpu.memory_space<vmem>>) dst(%dma_wait3A_1746 : memref<64x128xf32, #tpu.memory_space<hbm>>)
    %scan3A_1751 = arith.constant 0 : i32
    %scan3A_1752 = arith.constant 8 : i32
    %scan3A_1753 = arith.addi %scan3A_1751, %scan3A_1752 : i32
    %scan3A_1754 = arith.constant 1 : i32
    scf.for %scan3A_2051 = %scan3A_1751 to %scan3A_1753 step %scan3A_1754  : i32 {
      %mul3A_2052 = arith.constant 1 : i32
      %mul3A_2053 = arith.muli %scan3A_2051, %mul3A_2052 : i32
      %add3A_2054 = arith.constant 0 : i32
      %add3A_2055 = arith.addi %add3A_2054, %mul3A_2053 : i32
      %mul3A_2056 = arith.constant 16 : i32
      %mul3A_2057 = arith.muli %add3A_2055, %mul3A_2056 : i32
      %add3A_2058 = vector.broadcast %mul3A_2057 : i32 to vector<16xi32>
      %add3A_2059 = arith.addi %add3A_2058, %iota3A : vector<16xi32>
      %shift_left3A = arith.constant 7 : i32
      %shift_left3A_2060 = vector.broadcast %shift_left3A : i32 to vector<16xi32>
      %shift_left3A_2061 = arith.shli %add3A_2059, %shift_left3A_2060 : vector<16xi32>
      %broadcast_in_dim3A = arith.constant 0 : i32
      %broadcast_in_dim3A_2062 = vector.broadcast %broadcast_in_dim3A : i32 to vector<16xi32>
      %parallel_loop3A = arith.constant 0 : i32
      %parallel_loop3A_2063 = arith.constant 64 : i32
      %parallel_loop3A_2064 = arith.constant 1 : i32
      %parallel_loop3A_2065 = scf.for %parallel_loop3A_2066 = %parallel_loop3A to %parallel_loop3A_2063 step %parallel_loop3A_2064 iter_args(%parallel_loop3A_2067 = %shift_left3A_2061) -> (vector<16xi32>)  : i32 {
        %parallel_loop3A_2068 = arith.constant 3 : i32
        %parallel_loop3A_2069 = arith.constant 0 : i32
        %parallel_loop3A_2070 = arith.constant 0 : i32
        %parallel_loop3A_2071 = tpu.memref_slice %arg6[%parallel_loop3A_2068, %parallel_loop3A_2069, %parallel_loop3A_2070] : memref<4x128x128xf32, #tpu.memory_space<vmem>> -> memref<1x128x128xf32, #tpu.memory_space<vmem>>
        %parallel_loop3A_2072 = tpu.memref_squeeze %parallel_loop3A_2071 : memref<1x128x128xf32, #tpu.memory_space<vmem>> -> memref<128x128xf32, #tpu.memory_space<vmem>>
        %parallel_loop3A_2073 = tpu.vector_load_idx %parallel_loop3A_2072[%broadcast_in_dim3A_2062, %parallel_loop3A_2067] : memref<128x128xf32, #tpu.memory_space<vmem>>[vector<16xi32>, vector<16xi32>], vector<16xf32>,
        %parallel_loop3A_2074 = arith.constant 16 : i32
        %parallel_loop3A_2075 = arith.muli %add3A_2055, %parallel_loop3A_2074 : i32
        %parallel_loop3A_2076 = arith.constant 3 : i32
        %parallel_loop3A_2077 = arith.index_cast %parallel_loop3A_2076 : i32 to index
        %parallel_loop3A_2078 = arith.index_cast %parallel_loop3A_2066 : i32 to index
        %parallel_loop3A_2079 = arith.index_cast %parallel_loop3A_2075 : i32 to index
        %parallel_loop3A_2080 = tpu.vector_load %arg7[%parallel_loop3A_2077, %parallel_loop3A_2078, %parallel_loop3A_2079] {strides = array<i32>} : memref<4x64x128xf32, #tpu.memory_space<vmem>>, vector<16xf32>,
        tpu.vector_store %arg7[%parallel_loop3A_2077, %parallel_loop3A_2078, %parallel_loop3A_2079], %parallel_loop3A_2073 {strides = array<i32>} : memref<4x64x128xf32, #tpu.memory_space<vmem>>, vector<16xf32>,
        %parallel_loop3A_2081 = arith.constant 1 : i32
        %parallel_loop3A_2082 = vector.broadcast %parallel_loop3A_2081 : i32 to vector<16xi32>
        %parallel_loop3A_2083 = arith.addi %parallel_loop3A_2067, %parallel_loop3A_2082 : vector<16xi32>
        scf.yield %parallel_loop3A_2083 : vector<16xi32>
      } {sc.loop_unroll_factor = 16 : i64, sc.parallel_access}
    }
    %scan3A_1755 = arith.constant 8 : i32
    %add3A_1756 = arith.constant 199 : i32
    %add3A_1757 = arith.addi %mul3A_2, %add3A_1756 : i32
    %jit3A_1758 = arith.constant 32 : i32
    %div3A_1759 = arith.divsi %add3A_1757, %jit3A_1758 : i32
    %sign3A_1760 = arith.constant 0 : i32
    %sign3A_1761 = arith.cmpi sgt, %add3A_1757, %sign3A_1760 : i32
    %sign3A_1762 = arith.extui %sign3A_1761 : i1 to i32
    %sign3A_1763 = arith.constant 0 : i32
    %sign3A_1764 = arith.cmpi slt, %add3A_1757, %sign3A_1763 : i32
    %sign3A_1765 = arith.extui %sign3A_1764 : i1 to i32
    %sign3A_1766 = arith.subi %sign3A_1762, %sign3A_1765 : i32
    %sign3A_1767 = arith.constant 0 : i32
    %sign3A_1768 = arith.cmpi sgt, %jit3A_1758, %sign3A_1767 : i32
    %sign3A_1769 = arith.extui %sign3A_1768 : i1 to i32
    %sign3A_1770 = arith.constant 0 : i32
    %sign3A_1771 = arith.cmpi slt, %jit3A_1758, %sign3A_1770 : i32
    %sign3A_1772 = arith.extui %sign3A_1771 : i1 to i32
    %sign3A_1773 = arith.subi %sign3A_1769, %sign3A_1772 : i32
    %ne3A_1774 = arith.cmpi ne, %sign3A_1766, %sign3A_1773 : i32
    %rem3A_1775 = arith.remsi %add3A_1757, %jit3A_1758 : i32
    %ne3A_1776 = arith.constant 0 : i32
    %ne3A_1777 = arith.cmpi ne, %rem3A_1775, %ne3A_1776 : i32
    %and3A_1778 = arith.andi %ne3A_1774, %ne3A_1777 : i1
    %sub3A_1779 = arith.constant 1 : i32
    %sub3A_1780 = arith.subi %div3A_1759, %sub3A_1779 : i32
    %select_n3A_1781 = arith.select %and3A_1778, %sub3A_1780, %div3A_1759 : i32
    %jit3A_1782 = arith.constant 32 : i32
    %eq3A_1783 = arith.constant 0 : i32
    %eq3A_1784 = arith.cmpi eq, %jit3A_1782, %eq3A_1783 : i32
    %jit3A_1785 = arith.constant 1 : i32
    %select_n3A_1786 = arith.select %eq3A_1784, %jit3A_1785, %jit3A_1782 : i32
    %rem3A_1787 = arith.remsi %add3A_1757, %select_n3A_1786 : i32
    %ne3A_1788 = arith.constant 0 : i32
    %ne3A_1789 = arith.cmpi ne, %rem3A_1787, %ne3A_1788 : i32
    %lt3A_1790 = arith.constant 0 : i32
    %lt3A_1791 = arith.cmpi slt, %rem3A_1787, %lt3A_1790 : i32
    %lt3A_1792 = arith.constant 0 : i32
    %lt3A_1793 = arith.cmpi slt, %select_n3A_1786, %lt3A_1792 : i32
    %ne3A_1794 = arith.xori %lt3A_1791, %lt3A_1793 : i1
    %and3A_1795 = arith.andi %ne3A_1794, %ne3A_1789 : i1
    %add3A_1796 = arith.addi %rem3A_1787, %select_n3A_1786 : i32
    %select_n3A_1797 = arith.select %and3A_1795, %add3A_1796, %rem3A_1787 : i32
    %mul3A_1798 = arith.constant 128 : i32
    %mul3A_1799 = arith.muli %select_n3A_1797, %mul3A_1798 : i32
    %dma_start3A_1800 = arith.constant 3 : i32
    %dma_start3A_1801 = arith.constant 0 : i32
    %dma_start3A_1802 = arith.constant 0 : i32
    %dma_start3A_1803 = tpu.memref_slice %arg7[%dma_start3A_1800, %dma_start3A_1801, %dma_start3A_1802] : memref<4x64x128xf32, #tpu.memory_space<vmem>> -> memref<1x64x128xf32, #tpu.memory_space<vmem>>
    %dma_start3A_1804 = tpu.memref_squeeze %dma_start3A_1803 : memref<1x64x128xf32, #tpu.memory_space<vmem>> -> memref<64x128xf32, #tpu.memory_space<vmem>>
    %dma_start3A_1805 = arith.constant 0 : i32
    %dma_start3A_1806 = tpu.memref_slice %arg4[%select_n3A_1781, %dma_start3A_1805, %mul3A_1799] : memref<200x64x4096xf32, #tpu.memory_space<hbm>> -> memref<1x64x128xf32, #tpu.memory_space<hbm>>
    %dma_start3A_1807 = tpu.memref_squeeze %dma_start3A_1806 : memref<1x64x128xf32, #tpu.memory_space<hbm>> -> memref<64x128xf32, #tpu.memory_space<hbm>>
    %dma_start3A_1808 = arith.constant 0 : i32
    %dma_start3A_1809 = tpu.memref_slice %arg4[%select_n3A_1781, %dma_start3A_1808, %mul3A_1799] : memref<200x64x4096xf32, #tpu.memory_space<hbm>> -> memref<1x64x128xf32, #tpu.memory_space<hbm>>
    %dma_start3A_1810 = tpu.memref_squeeze %dma_start3A_1809 : memref<1x64x128xf32, #tpu.memory_space<hbm>> -> memref<64x128xf32, #tpu.memory_space<hbm>>
    %dma_start3A_1811 = arith.constant 0 : i32
    %dma_start3A_1812 = arith.constant 0 : i32
    %dma_start3A_1813 = tpu.memref_slice %arg7[%dma_start3A_1800, %dma_start3A_1811, %dma_start3A_1812] : memref<4x64x128xf32, #tpu.memory_space<vmem>> -> memref<1x64x128xf32, #tpu.memory_space<vmem>>
    %dma_start3A_1814 = tpu.memref_squeeze %dma_start3A_1813 : memref<1x64x128xf32, #tpu.memory_space<vmem>> -> memref<64x128xf32, #tpu.memory_space<vmem>>
    tpu.enqueue_dma source(%dma_start3A_1814 : memref<64x128xf32, #tpu.memory_space<vmem>>) target(%dma_start3A_1810 : memref<64x128xf32, #tpu.memory_space<hbm>>) target_semaphore(%arg19 : memref<!tpu.dma_semaphore, #tpu.memory_space<semaphore_mem>>)
    %add3A_1815 = arith.constant 196 : i32
    %add3A_1816 = arith.addi %mul3A_2, %add3A_1815 : i32
    %jit3A_1817 = arith.constant 32 : i32
    %div3A_1818 = arith.divsi %add3A_1816, %jit3A_1817 : i32
    %sign3A_1819 = arith.constant 0 : i32
    %sign3A_1820 = arith.cmpi sgt, %add3A_1816, %sign3A_1819 : i32
    %sign3A_1821 = arith.extui %sign3A_1820 : i1 to i32
    %sign3A_1822 = arith.constant 0 : i32
    %sign3A_1823 = arith.cmpi slt, %add3A_1816, %sign3A_1822 : i32
    %sign3A_1824 = arith.extui %sign3A_1823 : i1 to i32
    %sign3A_1825 = arith.subi %sign3A_1821, %sign3A_1824 : i32
    %sign3A_1826 = arith.constant 0 : i32
    %sign3A_1827 = arith.cmpi sgt, %jit3A_1817, %sign3A_1826 : i32
    %sign3A_1828 = arith.extui %sign3A_1827 : i1 to i32
    %sign3A_1829 = arith.constant 0 : i32
    %sign3A_1830 = arith.cmpi slt, %jit3A_1817, %sign3A_1829 : i32
    %sign3A_1831 = arith.extui %sign3A_1830 : i1 to i32
    %sign3A_1832 = arith.subi %sign3A_1828, %sign3A_1831 : i32
    %ne3A_1833 = arith.cmpi ne, %sign3A_1825, %sign3A_1832 : i32
    %rem3A_1834 = arith.remsi %add3A_1816, %jit3A_1817 : i32
    %ne3A_1835 = arith.constant 0 : i32
    %ne3A_1836 = arith.cmpi ne, %rem3A_1834, %ne3A_1835 : i32
    %and3A_1837 = arith.andi %ne3A_1833, %ne3A_1836 : i1
    %sub3A_1838 = arith.constant 1 : i32
    %sub3A_1839 = arith.subi %div3A_1818, %sub3A_1838 : i32
    %select_n3A_1840 = arith.select %and3A_1837, %sub3A_1839, %div3A_1818 : i32
    %jit3A_1841 = arith.constant 32 : i32
    %eq3A_1842 = arith.constant 0 : i32
    %eq3A_1843 = arith.cmpi eq, %jit3A_1841, %eq3A_1842 : i32
    %jit3A_1844 = arith.constant 1 : i32
    %select_n3A_1845 = arith.select %eq3A_1843, %jit3A_1844, %jit3A_1841 : i32
    %rem3A_1846 = arith.remsi %add3A_1816, %select_n3A_1845 : i32
    %ne3A_1847 = arith.constant 0 : i32
    %ne3A_1848 = arith.cmpi ne, %rem3A_1846, %ne3A_1847 : i32
    %lt3A_1849 = arith.constant 0 : i32
    %lt3A_1850 = arith.cmpi slt, %rem3A_1846, %lt3A_1849 : i32
    %lt3A_1851 = arith.constant 0 : i32
    %lt3A_1852 = arith.cmpi slt, %select_n3A_1845, %lt3A_1851 : i32
    %ne3A_1853 = arith.xori %lt3A_1850, %lt3A_1852 : i1
    %and3A_1854 = arith.andi %ne3A_1853, %ne3A_1848 : i1
    %add3A_1855 = arith.addi %rem3A_1846, %select_n3A_1845 : i32
    %select_n3A_1856 = arith.select %and3A_1854, %add3A_1855, %rem3A_1846 : i32
    %mul3A_1857 = arith.constant 128 : i32
    %mul3A_1858 = arith.muli %select_n3A_1856, %mul3A_1857 : i32
    %dma_wait3A_1859 = arith.constant 0 : i32
    %dma_wait3A_1860 = arith.constant 0 : i32
    %dma_wait3A_1861 = arith.constant 0 : i32
    %dma_wait3A_1862 = tpu.memref_slice %arg7[%dma_wait3A_1859, %dma_wait3A_1860, %dma_wait3A_1861] : memref<4x64x128xf32, #tpu.memory_space<vmem>> -> memref<1x64x128xf32, #tpu.memory_space<vmem>>
    %dma_wait3A_1863 = tpu.memref_squeeze %dma_wait3A_1862 : memref<1x64x128xf32, #tpu.memory_space<vmem>> -> memref<64x128xf32, #tpu.memory_space<vmem>>
    %dma_wait3A_1864 = arith.constant 0 : i32
    %dma_wait3A_1865 = tpu.memref_slice %arg4[%select_n3A_1840, %dma_wait3A_1864, %mul3A_1858] : memref<200x64x4096xf32, #tpu.memory_space<hbm>> -> memref<1x64x128xf32, #tpu.memory_space<hbm>>
    %dma_wait3A_1866 = tpu.memref_squeeze %dma_wait3A_1865 : memref<1x64x128xf32, #tpu.memory_space<hbm>> -> memref<64x128xf32, #tpu.memory_space<hbm>>
    %dma_wait3A_1867 = arith.constant 0 : i32
    %dma_wait3A_1868 = tpu.memref_slice %arg4[%select_n3A_1840, %dma_wait3A_1867, %mul3A_1858] : memref<200x64x4096xf32, #tpu.memory_space<hbm>> -> memref<1x64x128xf32, #tpu.memory_space<hbm>>
    %dma_wait3A_1869 = tpu.memref_squeeze %dma_wait3A_1868 : memref<1x64x128xf32, #tpu.memory_space<hbm>> -> memref<64x128xf32, #tpu.memory_space<hbm>>
    %dma_wait3A_1870 = arith.constant 0 : i32
    %dma_wait3A_1871 = arith.constant 0 : i32
    %dma_wait3A_1872 = tpu.memref_slice %arg7[%dma_wait3A_1859, %dma_wait3A_1870, %dma_wait3A_1871] : memref<4x64x128xf32, #tpu.memory_space<vmem>> -> memref<1x64x128xf32, #tpu.memory_space<vmem>>
    %dma_wait3A_1873 = tpu.memref_squeeze %dma_wait3A_1872 : memref<1x64x128xf32, #tpu.memory_space<vmem>> -> memref<64x128xf32, #tpu.memory_space<vmem>>
    tpu.wait_dma2 semaphore(%arg16 : memref<!tpu.dma_semaphore, #tpu.memory_space<semaphore_mem>>) src(%dma_wait3A_1873 : memref<64x128xf32, #tpu.memory_space<vmem>>) dst(%dma_wait3A_1869 : memref<64x128xf32, #tpu.memory_space<hbm>>)
    %add3A_1874 = arith.constant 197 : i32
    %add3A_1875 = arith.addi %mul3A_2, %add3A_1874 : i32
    %jit3A_1876 = arith.constant 32 : i32
    %div3A_1877 = arith.divsi %add3A_1875, %jit3A_1876 : i32
    %sign3A_1878 = arith.constant 0 : i32
    %sign3A_1879 = arith.cmpi sgt, %add3A_1875, %sign3A_1878 : i32
    %sign3A_1880 = arith.extui %sign3A_1879 : i1 to i32
    %sign3A_1881 = arith.constant 0 : i32
    %sign3A_1882 = arith.cmpi slt, %add3A_1875, %sign3A_1881 : i32
    %sign3A_1883 = arith.extui %sign3A_1882 : i1 to i32
    %sign3A_1884 = arith.subi %sign3A_1880, %sign3A_1883 : i32
    %sign3A_1885 = arith.constant 0 : i32
    %sign3A_1886 = arith.cmpi sgt, %jit3A_1876, %sign3A_1885 : i32
    %sign3A_1887 = arith.extui %sign3A_1886 : i1 to i32
    %sign3A_1888 = arith.constant 0 : i32
    %sign3A_1889 = arith.cmpi slt, %jit3A_1876, %sign3A_1888 : i32
    %sign3A_1890 = arith.extui %sign3A_1889 : i1 to i32
    %sign3A_1891 = arith.subi %sign3A_1887, %sign3A_1890 : i32
    %ne3A_1892 = arith.cmpi ne, %sign3A_1884, %sign3A_1891 : i32
    %rem3A_1893 = arith.remsi %add3A_1875, %jit3A_1876 : i32
    %ne3A_1894 = arith.constant 0 : i32
    %ne3A_1895 = arith.cmpi ne, %rem3A_1893, %ne3A_1894 : i32
    %and3A_1896 = arith.andi %ne3A_1892, %ne3A_1895 : i1
    %sub3A_1897 = arith.constant 1 : i32
    %sub3A_1898 = arith.subi %div3A_1877, %sub3A_1897 : i32
    %select_n3A_1899 = arith.select %and3A_1896, %sub3A_1898, %div3A_1877 : i32
    %jit3A_1900 = arith.constant 32 : i32
    %eq3A_1901 = arith.constant 0 : i32
    %eq3A_1902 = arith.cmpi eq, %jit3A_1900, %eq3A_1901 : i32
    %jit3A_1903 = arith.constant 1 : i32
    %select_n3A_1904 = arith.select %eq3A_1902, %jit3A_1903, %jit3A_1900 : i32
    %rem3A_1905 = arith.remsi %add3A_1875, %select_n3A_1904 : i32
    %ne3A_1906 = arith.constant 0 : i32
    %ne3A_1907 = arith.cmpi ne, %rem3A_1905, %ne3A_1906 : i32
    %lt3A_1908 = arith.constant 0 : i32
    %lt3A_1909 = arith.cmpi slt, %rem3A_1905, %lt3A_1908 : i32
    %lt3A_1910 = arith.constant 0 : i32
    %lt3A_1911 = arith.cmpi slt, %select_n3A_1904, %lt3A_1910 : i32
    %ne3A_1912 = arith.xori %lt3A_1909, %lt3A_1911 : i1
    %and3A_1913 = arith.andi %ne3A_1912, %ne3A_1907 : i1
    %add3A_1914 = arith.addi %rem3A_1905, %select_n3A_1904 : i32
    %select_n3A_1915 = arith.select %and3A_1913, %add3A_1914, %rem3A_1905 : i32
    %mul3A_1916 = arith.constant 128 : i32
    %mul3A_1917 = arith.muli %select_n3A_1915, %mul3A_1916 : i32
    %dma_wait3A_1918 = arith.constant 1 : i32
    %dma_wait3A_1919 = arith.constant 0 : i32
    %dma_wait3A_1920 = arith.constant 0 : i32
    %dma_wait3A_1921 = tpu.memref_slice %arg7[%dma_wait3A_1918, %dma_wait3A_1919, %dma_wait3A_1920] : memref<4x64x128xf32, #tpu.memory_space<vmem>> -> memref<1x64x128xf32, #tpu.memory_space<vmem>>
    %dma_wait3A_1922 = tpu.memref_squeeze %dma_wait3A_1921 : memref<1x64x128xf32, #tpu.memory_space<vmem>> -> memref<64x128xf32, #tpu.memory_space<vmem>>
    %dma_wait3A_1923 = arith.constant 0 : i32
    %dma_wait3A_1924 = tpu.memref_slice %arg4[%select_n3A_1899, %dma_wait3A_1923, %mul3A_1917] : memref<200x64x4096xf32, #tpu.memory_space<hbm>> -> memref<1x64x128xf32, #tpu.memory_space<hbm>>
    %dma_wait3A_1925 = tpu.memref_squeeze %dma_wait3A_1924 : memref<1x64x128xf32, #tpu.memory_space<hbm>> -> memref<64x128xf32, #tpu.memory_space<hbm>>
    %dma_wait3A_1926 = arith.constant 0 : i32
    %dma_wait3A_1927 = tpu.memref_slice %arg4[%select_n3A_1899, %dma_wait3A_1926, %mul3A_1917] : memref<200x64x4096xf32, #tpu.memory_space<hbm>> -> memref<1x64x128xf32, #tpu.memory_space<hbm>>
    %dma_wait3A_1928 = tpu.memref_squeeze %dma_wait3A_1927 : memref<1x64x128xf32, #tpu.memory_space<hbm>> -> memref<64x128xf32, #tpu.memory_space<hbm>>
    %dma_wait3A_1929 = arith.constant 0 : i32
    %dma_wait3A_1930 = arith.constant 0 : i32
    %dma_wait3A_1931 = tpu.memref_slice %arg7[%dma_wait3A_1918, %dma_wait3A_1929, %dma_wait3A_1930] : memref<4x64x128xf32, #tpu.memory_space<vmem>> -> memref<1x64x128xf32, #tpu.memory_space<vmem>>
    %dma_wait3A_1932 = tpu.memref_squeeze %dma_wait3A_1931 : memref<1x64x128xf32, #tpu.memory_space<vmem>> -> memref<64x128xf32, #tpu.memory_space<vmem>>
    tpu.wait_dma2 semaphore(%arg17 : memref<!tpu.dma_semaphore, #tpu.memory_space<semaphore_mem>>) src(%dma_wait3A_1932 : memref<64x128xf32, #tpu.memory_space<vmem>>) dst(%dma_wait3A_1928 : memref<64x128xf32, #tpu.memory_space<hbm>>)
    %add3A_1933 = arith.constant 198 : i32
    %add3A_1934 = arith.addi %mul3A_2, %add3A_1933 : i32
    %jit3A_1935 = arith.constant 32 : i32
    %div3A_1936 = arith.divsi %add3A_1934, %jit3A_1935 : i32
    %sign3A_1937 = arith.constant 0 : i32
    %sign3A_1938 = arith.cmpi sgt, %add3A_1934, %sign3A_1937 : i32
    %sign3A_1939 = arith.extui %sign3A_1938 : i1 to i32
    %sign3A_1940 = arith.constant 0 : i32
    %sign3A_1941 = arith.cmpi slt, %add3A_1934, %sign3A_1940 : i32
    %sign3A_1942 = arith.extui %sign3A_1941 : i1 to i32
    %sign3A_1943 = arith.subi %sign3A_1939, %sign3A_1942 : i32
    %sign3A_1944 = arith.constant 0 : i32
    %sign3A_1945 = arith.cmpi sgt, %jit3A_1935, %sign3A_1944 : i32
    %sign3A_1946 = arith.extui %sign3A_1945 : i1 to i32
    %sign3A_1947 = arith.constant 0 : i32
    %sign3A_1948 = arith.cmpi slt, %jit3A_1935, %sign3A_1947 : i32
    %sign3A_1949 = arith.extui %sign3A_1948 : i1 to i32
    %sign3A_1950 = arith.subi %sign3A_1946, %sign3A_1949 : i32
    %ne3A_1951 = arith.cmpi ne, %sign3A_1943, %sign3A_1950 : i32
    %rem3A_1952 = arith.remsi %add3A_1934, %jit3A_1935 : i32
    %ne3A_1953 = arith.constant 0 : i32
    %ne3A_1954 = arith.cmpi ne, %rem3A_1952, %ne3A_1953 : i32
    %and3A_1955 = arith.andi %ne3A_1951, %ne3A_1954 : i1
    %sub3A_1956 = arith.constant 1 : i32
    %sub3A_1957 = arith.subi %div3A_1936, %sub3A_1956 : i32
    %select_n3A_1958 = arith.select %and3A_1955, %sub3A_1957, %div3A_1936 : i32
    %jit3A_1959 = arith.constant 32 : i32
    %eq3A_1960 = arith.constant 0 : i32
    %eq3A_1961 = arith.cmpi eq, %jit3A_1959, %eq3A_1960 : i32
    %jit3A_1962 = arith.constant 1 : i32
    %select_n3A_1963 = arith.select %eq3A_1961, %jit3A_1962, %jit3A_1959 : i32
    %rem3A_1964 = arith.remsi %add3A_1934, %select_n3A_1963 : i32
    %ne3A_1965 = arith.constant 0 : i32
    %ne3A_1966 = arith.cmpi ne, %rem3A_1964, %ne3A_1965 : i32
    %lt3A_1967 = arith.constant 0 : i32
    %lt3A_1968 = arith.cmpi slt, %rem3A_1964, %lt3A_1967 : i32
    %lt3A_1969 = arith.constant 0 : i32
    %lt3A_1970 = arith.cmpi slt, %select_n3A_1963, %lt3A_1969 : i32
    %ne3A_1971 = arith.xori %lt3A_1968, %lt3A_1970 : i1
    %and3A_1972 = arith.andi %ne3A_1971, %ne3A_1966 : i1
    %add3A_1973 = arith.addi %rem3A_1964, %select_n3A_1963 : i32
    %select_n3A_1974 = arith.select %and3A_1972, %add3A_1973, %rem3A_1964 : i32
    %mul3A_1975 = arith.constant 128 : i32
    %mul3A_1976 = arith.muli %select_n3A_1974, %mul3A_1975 : i32
    %dma_wait3A_1977 = arith.constant 2 : i32
    %dma_wait3A_1978 = arith.constant 0 : i32
    %dma_wait3A_1979 = arith.constant 0 : i32
    %dma_wait3A_1980 = tpu.memref_slice %arg7[%dma_wait3A_1977, %dma_wait3A_1978, %dma_wait3A_1979] : memref<4x64x128xf32, #tpu.memory_space<vmem>> -> memref<1x64x128xf32, #tpu.memory_space<vmem>>
    %dma_wait3A_1981 = tpu.memref_squeeze %dma_wait3A_1980 : memref<1x64x128xf32, #tpu.memory_space<vmem>> -> memref<64x128xf32, #tpu.memory_space<vmem>>
    %dma_wait3A_1982 = arith.constant 0 : i32
    %dma_wait3A_1983 = tpu.memref_slice %arg4[%select_n3A_1958, %dma_wait3A_1982, %mul3A_1976] : memref<200x64x4096xf32, #tpu.memory_space<hbm>> -> memref<1x64x128xf32, #tpu.memory_space<hbm>>
    %dma_wait3A_1984 = tpu.memref_squeeze %dma_wait3A_1983 : memref<1x64x128xf32, #tpu.memory_space<hbm>> -> memref<64x128xf32, #tpu.memory_space<hbm>>
    %dma_wait3A_1985 = arith.constant 0 : i32
    %dma_wait3A_1986 = tpu.memref_slice %arg4[%select_n3A_1958, %dma_wait3A_1985, %mul3A_1976] : memref<200x64x4096xf32, #tpu.memory_space<hbm>> -> memref<1x64x128xf32, #tpu.memory_space<hbm>>
    %dma_wait3A_1987 = tpu.memref_squeeze %dma_wait3A_1986 : memref<1x64x128xf32, #tpu.memory_space<hbm>> -> memref<64x128xf32, #tpu.memory_space<hbm>>
    %dma_wait3A_1988 = arith.constant 0 : i32
    %dma_wait3A_1989 = arith.constant 0 : i32
    %dma_wait3A_1990 = tpu.memref_slice %arg7[%dma_wait3A_1977, %dma_wait3A_1988, %dma_wait3A_1989] : memref<4x64x128xf32, #tpu.memory_space<vmem>> -> memref<1x64x128xf32, #tpu.memory_space<vmem>>
    %dma_wait3A_1991 = tpu.memref_squeeze %dma_wait3A_1990 : memref<1x64x128xf32, #tpu.memory_space<vmem>> -> memref<64x128xf32, #tpu.memory_space<vmem>>
    tpu.wait_dma2 semaphore(%arg18 : memref<!tpu.dma_semaphore, #tpu.memory_space<semaphore_mem>>) src(%dma_wait3A_1991 : memref<64x128xf32, #tpu.memory_space<vmem>>) dst(%dma_wait3A_1987 : memref<64x128xf32, #tpu.memory_space<hbm>>)
    %add3A_1992 = arith.constant 199 : i32
    %add3A_1993 = arith.addi %mul3A_2, %add3A_1992 : i32
    %jit3A_1994 = arith.constant 32 : i32
    %div3A_1995 = arith.divsi %add3A_1993, %jit3A_1994 : i32
    %sign3A_1996 = arith.constant 0 : i32
    %sign3A_1997 = arith.cmpi sgt, %add3A_1993, %sign3A_1996 : i32
    %sign3A_1998 = arith.extui %sign3A_1997 : i1 to i32
    %sign3A_1999 = arith.constant 0 : i32
    %sign3A_2000 = arith.cmpi slt, %add3A_1993, %sign3A_1999 : i32
    %sign3A_2001 = arith.extui %sign3A_2000 : i1 to i32
    %sign3A_2002 = arith.subi %sign3A_1998, %sign3A_2001 : i32
    %sign3A_2003 = arith.constant 0 : i32
    %sign3A_2004 = arith.cmpi sgt, %jit3A_1994, %sign3A_2003 : i32
    %sign3A_2005 = arith.extui %sign3A_2004 : i1 to i32
    %sign3A_2006 = arith.constant 0 : i32
    %sign3A_2007 = arith.cmpi slt, %jit3A_1994, %sign3A_2006 : i32
    %sign3A_2008 = arith.extui %sign3A_2007 : i1 to i32
    %sign3A_2009 = arith.subi %sign3A_2005, %sign3A_2008 : i32
    %ne3A_2010 = arith.cmpi ne, %sign3A_2002, %sign3A_2009 : i32
    %rem3A_2011 = arith.remsi %add3A_1993, %jit3A_1994 : i32
    %ne3A_2012 = arith.constant 0 : i32
    %ne3A_2013 = arith.cmpi ne, %rem3A_2011, %ne3A_2012 : i32
    %and3A_2014 = arith.andi %ne3A_2010, %ne3A_2013 : i1
    %sub3A_2015 = arith.constant 1 : i32
    %sub3A_2016 = arith.subi %div3A_1995, %sub3A_2015 : i32
    %select_n3A_2017 = arith.select %and3A_2014, %sub3A_2016, %div3A_1995 : i32
    %jit3A_2018 = arith.constant 32 : i32
    %eq3A_2019 = arith.constant 0 : i32
    %eq3A_2020 = arith.cmpi eq, %jit3A_2018, %eq3A_2019 : i32
    %jit3A_2021 = arith.constant 1 : i32
    %select_n3A_2022 = arith.select %eq3A_2020, %jit3A_2021, %jit3A_2018 : i32
    %rem3A_2023 = arith.remsi %add3A_1993, %select_n3A_2022 : i32
    %ne3A_2024 = arith.constant 0 : i32
    %ne3A_2025 = arith.cmpi ne, %rem3A_2023, %ne3A_2024 : i32
    %lt3A_2026 = arith.constant 0 : i32
    %lt3A_2027 = arith.cmpi slt, %rem3A_2023, %lt3A_2026 : i32
    %lt3A_2028 = arith.constant 0 : i32
    %lt3A_2029 = arith.cmpi slt, %select_n3A_2022, %lt3A_2028 : i32
    %ne3A_2030 = arith.xori %lt3A_2027, %lt3A_2029 : i1
    %and3A_2031 = arith.andi %ne3A_2030, %ne3A_2025 : i1
    %add3A_2032 = arith.addi %rem3A_2023, %select_n3A_2022 : i32
    %select_n3A_2033 = arith.select %and3A_2031, %add3A_2032, %rem3A_2023 : i32
    %mul3A_2034 = arith.constant 128 : i32
    %mul3A_2035 = arith.muli %select_n3A_2033, %mul3A_2034 : i32
    %dma_wait3A_2036 = arith.constant 3 : i32
    %dma_wait3A_2037 = arith.constant 0 : i32
    %dma_wait3A_2038 = arith.constant 0 : i32
    %dma_wait3A_2039 = tpu.memref_slice %arg7[%dma_wait3A_2036, %dma_wait3A_2037, %dma_wait3A_2038] : memref<4x64x128xf32, #tpu.memory_space<vmem>> -> memref<1x64x128xf32, #tpu.memory_space<vmem>>
    %dma_wait3A_2040 = tpu.memref_squeeze %dma_wait3A_2039 : memref<1x64x128xf32, #tpu.memory_space<vmem>> -> memref<64x128xf32, #tpu.memory_space<vmem>>
    %dma_wait3A_2041 = arith.constant 0 : i32
    %dma_wait3A_2042 = tpu.memref_slice %arg4[%select_n3A_2017, %dma_wait3A_2041, %mul3A_2035] : memref<200x64x4096xf32, #tpu.memory_space<hbm>> -> memref<1x64x128xf32, #tpu.memory_space<hbm>>
    %dma_wait3A_2043 = tpu.memref_squeeze %dma_wait3A_2042 : memref<1x64x128xf32, #tpu.memory_space<hbm>> -> memref<64x128xf32, #tpu.memory_space<hbm>>
    %dma_wait3A_2044 = arith.constant 0 : i32
    %dma_wait3A_2045 = tpu.memref_slice %arg4[%select_n3A_2017, %dma_wait3A_2044, %mul3A_2035] : memref<200x64x4096xf32, #tpu.memory_space<hbm>> -> memref<1x64x128xf32, #tpu.memory_space<hbm>>
    %dma_wait3A_2046 = tpu.memref_squeeze %dma_wait3A_2045 : memref<1x64x128xf32, #tpu.memory_space<hbm>> -> memref<64x128xf32, #tpu.memory_space<hbm>>
    %dma_wait3A_2047 = arith.constant 0 : i32
    %dma_wait3A_2048 = arith.constant 0 : i32
    %dma_wait3A_2049 = tpu.memref_slice %arg7[%dma_wait3A_2036, %dma_wait3A_2047, %dma_wait3A_2048] : memref<4x64x128xf32, #tpu.memory_space<vmem>> -> memref<1x64x128xf32, #tpu.memory_space<vmem>>
    %dma_wait3A_2050 = tpu.memref_squeeze %dma_wait3A_2049 : memref<1x64x128xf32, #tpu.memory_space<vmem>> -> memref<64x128xf32, #tpu.memory_space<vmem>>
    tpu.wait_dma2 semaphore(%arg19 : memref<!tpu.dma_semaphore, #tpu.memory_space<semaphore_mem>>) src(%dma_wait3A_2050 : memref<64x128xf32, #tpu.memory_space<vmem>>) dst(%dma_wait3A_2046 : memref<64x128xf32, #tpu.memory_space<hbm>>)
    return
  }
}

</mosaic_0001>

<sc_bundles>
// kernel: kernel.3.cloned.1.call-start
scs
__scs_entry_jumppad:
0x0: {  	(pc) =	sbr.rel $0x88, $3  }
0x1: {  	(tag) =	ssettag $0x0;
	lr =	simm.s32 $0x1  }
0x2: {  	[smem:$0x3F9F] =	sst lr;
	_ =	strace $0xD0000000  }
0x3: {  	_ = 	snop  }
0x4: {  	_ = 	snop  }
0x5: {  	_ = 	snop  }
0x6: {  	_ = 	snop  }
0x7: {  	_ = 	snop  }
__scs_overlays_trampoline_lowered:
0x8: {  	[smem:$0x3FAE] =	sst s0  }
0x9: {  	[smem:$0x3FAF] =	sst s1  }
0xa: {  	[smem:$0x3FB0] =	sst s2  }
0xb: {  	[smem:$0x3FB1] =	sst s3  }
0xc: {  	[smem:$0x3FB2] =	sst s4  }
0xd: {  	[smem:$0x3FB3] =	sst s5  }
0xe: {  	[smem:$0x3FB4] =	sst s6  }
0xf: {  	[smem:$0x3FB5] =	sst s7  }
0x10: {  	[smem:$0x3FB6] =	sst s8  }
0x11: {  	[smem:$0x3FB7] =	sst s9;
	s0 =	simm.s32 @!p0 $0x0  }
0x12: {  	s1 =	sld [smem:$0x3F9D];
	s0 =	simm.s32 @p0 $0x1  }
0x13: {  	[smem:$0x3FB8] =	sst s0;
	s0 =	simm.s32 @!p1 $0x0  }
0x14: {  	s2 =	sld [smem:$0x3F9C];
	s0 =	simm.s32 @p1 $0x1  }
0x15: {  	[smem:$0x3FB9] =	sst s0;
	s0 =	simm.s32 @!p2 $0x0  }
0x16: {  	s3 =	sld [smem:$0x3FDB];
	s0 =	simm.s32 @p2 $0x1  }
0x17: {  	s4 =	simm.s32 $0x1BF5;
	[smem:$0x3FBB] =	sst s0  }
0x18: {  	s0 =	sld [smem:$0x3F9E];
	_ =	swait.ge [sflag:s4], $0x0  }
0x19: {  	s7 =	sld [smem:$0x3F9F]  }
0x1a: {  	s8 =	sadd.s32 $0xFFFFE003, lr  }
0x1b: {  	s9 =	sadd.s32 $0xFFFFFEF7, lr;
	s5 =	simm.s32 $0xFFFFFFFF;
	p2 =	slt.u32 s8, $0xFFFFF086  }
0x1c: {  	p1 =	slt.u32 s9, $0xF7A;
	s5 =	simm.s32 @!p2 $0x0  }
0x1d: {  	s5 =	simm.s32 @p1 $0x1;
	p0 =	seq.s32 s7, s2  }
0x1e: {  	s7 =	smul.u32 @!p0 $0xF7A, s2;
	p2 =	seq.s32 @!p0 s5, $0x0  }
0x1f: {  	s9 =	smul.u32 $0xF7A, s1;
	s8 =	simm.s32 @!p0 $0x1BF5;
	p2 =	por !p2, p0  }
0x20: {  	[sflag:s8] =	ssyncset.s32 @!p0 $0xFFFFF086;
	s6 =	sadd.s32 @!p0 s3, s7;
	s7 =	simm.s32 @!p0 $0x108  }
0x21: {  	s3 =	sadd.s32 s3, s9;
	s6 =	sadd.s32 @!p0 $0x88, s6;
	s7 =	simm.s32 @p2 $0x1082  }
0x22: {  	[simem:s7], [sflag:s8] =	dma.local @!p0 [hbm:s6], $0xF7A  }
0x23: {  	s9 =	sor.u32 $0xD0000000, s2;
	s6 =	simm.s32 $0x108;
	_ =	swait.ge @!p0 [sflag:s8], $0x0  }
0x24: {  	s3 =	sadd.s32 $0x88, s3;
	s6 =	simm.s32 @!p1 $0x1082;
	[sflag:s4] =	ssyncset.s32 $0xFFFFF086  }
0x25: {  	[simem:s6], [sflag:s4] =	dma.local [hbm:s3], $0xF7A  }
0x26: {  	[smem:$0x3F9F] =	sst s1;
	(tag) =	ssettag s2;
	_ =	strace s9  }
0x27: {  	s1 =	sld [smem:$0x3FAF]  }
0x28: {  	s2 =	sld [smem:$0x3FB0]  }
0x29: {  	s4 =	sld [smem:$0x3FB2]  }
0x2a: {  	p0 =	seq.s32 s5, $0x0;
	s5 =	sld [smem:$0x3FB3]  }
0x2b: {  	s6 =	sld [smem:$0x3FB4]  }
0x2c: {  	s7 =	sld [smem:$0x3FB5]  }
0x2d: {  	s3 =	simm.s32 $0x108;
	s8 =	sld [smem:$0x3FB6]  }
0x2e: {  	s3 =	simm.s32 @!p0 $0x1082;
	s9 =	sld [smem:$0x3FB7]  }
0x2f: {  	lr =	sadd.s32 s0, s3;
	s0 =	sld [smem:$0x3FAE]  }
0x30: {  	s3 =	sld [smem:$0x3FB1]  }
0x31: {  	[smem:$0x3FBA] =	sst s10  }
0x32: {  	s10 =	sld [smem:$0x3FB8];
	_ =	sdelay $0x3  }
0x33: {  	p0 =	seq.s32 s10, $0x1;
	s10 =	sld [smem:$0x3FBA];
	_ =	sdelay $0x3  }
0x34: {  	[smem:$0x3FBA] =	sst s10  }
0x35: {  	s10 =	sld [smem:$0x3FB9];
	_ =	sdelay $0x3  }
0x36: {  	p1 =	seq.s32 s10, $0x1;
	s10 =	sld [smem:$0x3FBA];
	_ =	sdelay $0x3  }
0x37: {  	[smem:$0x3FBA] =	sst s10  }
0x38: {  	s10 =	sld [smem:$0x3FBB]  }
0x39: {  	_ = 	snop;
	(pc) =	sbr.ind lr, $3  }
0x3a: {  	_ = 	snop  }
0x3b: {  	_ = 	snop  }
0x3c: {  	p2 =	seq.s32 s10, $0x1;
	s10 =	sld [smem:$0x3FBA]  }
0x3d: {  	_ =	shalt  }
0x3e: {  	_ =	shalt  }
0x3f: {  	_ =	shalt  }
0x40: {  	_ =	shalt  }
0x41: {  	_ =	shalt  }
0x42: {  	_ =	shalt  }
0x43: {  	_ =	shalt  }
0x44: {  	_ =	shalt  }
0x45: {  	_ =	shalt  }
0x46: {  	_ =	shalt  }
0x47: {  	_ =	shalt  }
0x48: {  	_ =	shalt  }
0x49: {  	_ =	shalt  }
0x4a: {  	_ =	shalt  }
0x4b: {  	_ =	shalt  }
0x4c: {  	_ =	shalt  }
0x4d: {  	_ =	shalt  }
0x4e: {  	_ =	shalt  }
0x4f: {  	_ =	shalt  }
0x50: {  	_ =	shalt  }
0x51: {  	_ =	shalt  }
0x52: {  	_ =	shalt  }
0x53: {  	_ =	shalt  }
0x54: {  	_ =	shalt  }
0x55: {  	_ =	shalt  }
0x56: {  	_ =	shalt  }
0x57: {  	_ =	shalt  }
0x58: {  	_ =	shalt  }
0x59: {  	_ =	shalt  }
0x5a: {  	_ =	shalt  }
0x5b: {  	_ =	shalt  }
0x5c: {  	_ =	shalt  }
0x5d: {  	_ =	shalt  }
0x5e: {  	_ =	shalt  }
0x5f: {  	_ =	shalt  }
0x60: {  	_ =	shalt  }
0x61: {  	_ =	shalt  }
0x62: {  	_ =	shalt  }
0x63: {  	_ =	shalt  }
0x64: {  	_ =	shalt  }
0x65: {  	_ =	shalt  }
0x66: {  	_ =	shalt  }
0x67: {  	_ =	shalt  }
0x68: {  	_ =	shalt  }
0x69: {  	_ =	shalt  }
0x6a: {  	_ =	shalt  }
0x6b: {  	_ =	shalt  }
0x6c: {  	_ =	shalt  }
0x6d: {  	_ =	shalt  }
0x6e: {  	_ =	shalt  }
0x6f: {  	_ =	shalt  }
0x70: {  	_ =	shalt  }
0x71: {  	_ =	shalt  }
0x72: {  	_ =	shalt  }
0x73: {  	_ =	shalt  }
0x74: {  	_ =	shalt  }
0x75: {  	_ =	shalt  }
0x76: {  	_ =	shalt  }
0x77: {  	_ =	shalt  }
0x78: {  	_ =	shalt  }
0x79: {  	_ =	shalt  }
0x7a: {  	_ =	shalt  }
0x7b: {  	_ =	shalt  }
0x7c: {  	_ =	shalt  }
0x7d: {  	_ =	shalt  }
0x7e: {  	_ =	shalt  }
0x7f: {  	_ =	shalt  }
0x80: {  	_ =	shalt  }
0x81: {  	_ =	shalt  }
0x82: {  	_ =	shalt  }
0x83: {  	_ =	shalt  }
0x84: {  	_ =	shalt  }
0x85: {  	_ =	shalt  }
0x86: {  	_ =	shalt  }
0x87: {  	_ =	shalt  }
.Lfunc_end0:
.L_simem_size_0:
called_computation_lowered:
.L_overlay_start_0:
0x88: {  	s2 =	sld [smem:$0x3FD9]  }
0x89: {  	s3 =	sld [smem:$0x3FFE];
	_ =	sdelay $0x1  }
0x8a: {  	s1 =	srdreg.scid  }
0x8b: {  	s0 =	sand.u32 $0x1, s1  }
0x8c: {  	s17 =	sshll.u32 s0, $0xA;
	s2 =	sadd.s32 s3, s2  }
0x8d: {  	s2 =	sadd.s32 s2, s17  }
0x8e: {  	[smem:$0x3FC6] =	sst s2  }
0x8f: {  	_ = 	snop  }
0x90: {  	s2 =	sld [smem:$0x3FC9]  }
0x91: {  	s18 =	sld [smem:$0x3FD0];
	(tm) =	ssettm $0x1  }
0x92: {  	s4 =	sld [smem:$0x3FFB];
	_ =	sdelay $0x3  }
0x93: {  	_ =	strace s4  }
0x94: {  	s4 =	sld [smem:$0x3FFC];
	_ =	sdelay $0x3  }
0x95: {  	_ =	strace s4  }
0x96: {  	s4 =	sld [smem:$0x3FFD];
	_ =	sdelay $0x3  }
0x97: {  	_ =	strace s4  }
0x98: {  	_ =	strace $0x8FFFFFFF  }
0x99: {  	s19 =	sld [smem:$0x3FDB];
	_ =	sdelay $0x1  }
0x9a: {  	s5 =	simm.s32 $_scs_section_size  }
0x9b: {  	s6 =	simm.s32 $_size__tile_overlayer_lowered;
	s7 =	simm.s32 $_tile_overlayer_lowered  }
0x9c: {  	s22 =	simm.s32 $0x1BFF;
	s21 =	sshll.u32 s7, $0x1;
	s4 =	sadd.s32 s5, s19  }
0x9d: {  	s8 =	simm.s32 $0x0;
	s20 =	sshll.u32 s6, $0x1;
	s6 =	sadd.s32 s21, s4  }
0x9e: {  	[timem:s8], [sflag:s22] =	dma.local [hbm:s6], s20  }
0x9f: {  	_ =	swait.ge [sflag:s22], s20  }
0xa0: {  	s5 =	ssub.s32 $0x0, s20;
	[sflag:s22] =	ssyncset.done $0x0  }
0xa1: {  	[sflag:s22] =	ssyncadd.s32 s5;
	_ =	sdelay $0x1  }
0xa2: {  	s23 =	simm.s32 $0x1B8B  }
0xa3: {  	_ =	swait.ge [sflag:s23], $0x1  }
0xa4: {  	[sflag:s23] =	ssyncset.done $0x0  }
0xa5: {  	s25 =	simm.s32 $0x1B8E;
	s24 =	sld [smem:$0x3FFE];
	[sflag:s23] =	ssyncadd.s32 $0xFFFFFFFF  }
0xa6: {  	s26 =	simm.s32 $execute0_lowered;
	[smem:$0x3FD2] =	sst s25  }
0xa7: {  	s6 =	sshll.u32 s26, $0x1;
	_ =	strace $0x80000046;
	[dreg:$0x1] =	wrdreg $0xFFFFFFFF  }
0xa8: {  	s28 =	simm.s32 $_size_execute0_lowered;
	s4 =	sadd.s32 s4, s6;
	[dreg:$0x0] =	wrdreg $0x0  }
0xa9: {  	s6 =	sshll.u32 s28, $0x1;
	[dreg:$0x2] =	wrdreg s4  }
0xaa: {  	[dreg:$0x3] =	wrdreg s6  }
0xab: {  	[dreg:$0x4] =	wrdreg $0xC0  }
0xac: {  	_ =	task [dreg:s8], $0x5FFFF  }
0xad: {  	[dreg:$0x1] =	wrdreg $0xFFFFFFFF  }
0xae: {  	[dreg:$0x0] =	wrdreg $0x60  }
0xaf: {  	[dreg:$0x2] =	wrdreg s24  }
0xb0: {  	[dreg:$0x3] =	wrdreg s2  }
0xb1: {  	[dreg:$0x4] =	wrdreg s18  }
0xb2: {  	[dreg:$0x5] =	wrdreg $0x9  }
0xb3: {  	_ =	task.clear_ibuf [dreg:s8], $0x6FFFF;
	_ =	strace $0x90000046  }
0xb4: {  	s29 =	simm.s32 $0x9;
	_ =	strace $0x80000048  }
0xb5: {  	_ =	swait.ge [sflag:s29], $0x1  }
0xb6: {  	[sflag:s29] =	ssyncadd.s32 $0xFFFFFFFF  }
0xb7: {  	_ =	strace $0x90000048  }
0xb8: {  	_ =	sfence  }
0xb9: {  	s30 =	sld [smem:$0x0];
	_ =	sdelay $0x2  }
0xba: {  	s31 =	sshll.u32 s1, $0xD;
	s1 =	sshrl.u32 s1, $0x2  }
0xbb: {  	s3 =	sand.u32 $0x4000, s31;
	s1 =	sadd.s32 s1, s30  }
0xbc: {  	s0 =	sor.u32 s3, s0;
	s1 =	sshll.u32 s1, $0x11  }
0xbd: {  	s0 =	sor.u32 s1, s0  }
0xbe: {  	s0 =	sadd.s32 $0x8F2B, s0  }
0xbf: {  	[sflag:s0] =	ssyncadd.remote.s32 $0x1  }
0xc0: {  	_ =	sfence.sel $0xFFFF  }
0xc1: {  	[dreg:$0x0] =	wrdreg $0xFFFFFFFF;
	(pc) =	sbr.abs _section_cstart, $3  }
0xc2: {  	[dreg:$0x1] =	wrdreg $0xFFFFFFFF  }
0xc3: {  	_ =	task.clear_ibuf [dreg:s8], $0x2FFFF;
	_ =	strace $0x9FFFFFFF  }
0xc4: {  	(tm) =	ssettm $0x7FFFFFFF  }
0xc5: {  	_ =	shalt  }
tec
execute0_lowered:
.L_overlay_start_1:
0x0: {  	(tag) =	ssettag $0x1  }
0x1: {  	s0 =	srdreg.scid  }
0x2: {  	s2 =	stileid.u32;
	s1 =	rddreg [dreg:$0x0]  }
0x3: {  	s3 =	rddreg [dreg:$0x2];
	s6 =	simm.s32 $0x0;
	s29 =	simm.s32 $0x4  }
0x4: {  	s30 =	simm.s32 $0xC200;
	s31 =	simm.s32 $0x7;
	s28 =	simm.s32 $0xA  }
0x5: {  	s4 =	sand.u32 $0x1, s0;
	s24 =	sshll.u32 s2, $0x1;
	[smem:$0x7FF] =	sst s6  }
0x6: {  	s2 =	rddreg [dreg:$0x1];
	s5 =	sor.u32 s4, s24;
	_ =	strace $0x80000047  }
0x7: {  	s4 =	ssub.s32 $0x2, s4;
	s0 =	smul.u32 $0xC8, s5;
	s8 =	sshll.u32 s5, $0xD  }
0x8: {  	s5 =	sadd.s32 $0xF42800, s1;
	s9 =	sshrl.u32 s4, $0x1;
	s26 =	sand.u32 $0x6000, s8  }
0x9: {  	s4 =	ssub.s32 s4, s9;
	s25 =	sshll.u32 s0, $0x7;
	s7 =	sshll.u32 s0, $0x2  }
0xa: {  	s8 =	sor.u32 $0x400, s26;
	s13 =	sor.u32 $0x800, s26;
	s22 =	sor.u32 $0x4, s0  }
0xb: {  	s14 =	sshll.u32 s0, $0xD;
	s23 =	sadd.s32 $0x8, s0;
	[dreg:$0xc] =	wrdreg s22  }
0xc: {  	s24 =	sor.u32 $0x6, s0;
	s6 =	sor.u32 s7, s25;
	[dreg:$0xd] =	wrdreg s23  }
0xd: {  	s9 =	sand.u32 $0x3FC0000, s14;
	[dreg:$0xe] =	wrdreg s24;
	s25 =	sadd.s32 $0xC4, s0  }
0xe: {  	s6 =	sand.u32 $0xF8380, s6;
	s1 =	sor.u32 s26, s9;
	s16 =	sor.u32 s8, s9  }
0xf: {  	s17 =	sor.u32 s13, s9;
	s10 =	sor.u32 s26, s6;
	s15 =	sor.u32 s13, s6  }
0x10: {  	s1 =	sshrl.u32 s1, $0x3;
	s19 =	sshrl.u32 s17, $0x3;
	s13 =	sadd.s32 $0xC7, s0  }
0x11: {  	s7 =	sshrl.u32 s10, $0x3;
	s10 =	sor.u32 s8, s6;
	s1 =	sadd.s32 s3, s1  }
0x12: {  	s8 =	sadd.s32 $0xC5, s0;
	s12 =	sadd.s32 s2, s7;
	s11 =	sshrl.u32 s10, $0x3  }
0x13: {  	s10 =	sshrl.u32 s15, $0x3;
	[dreg:$0x8] =	wrdreg s1;
	s1 =	sshrl.u32 s16, $0x3  }
0x14: {  	s15 =	sshll.u32 s13, $0x7;
	s7 =	sadd.s32 s2, s11;
	[dreg:$0x4] =	wrdreg s12  }
0x15: {  	s11 =	sor.u32 $0xC00, s26;
	s10 =	sadd.s32 s2, s10;
	[dreg:$0x5] =	wrdreg s7  }
0x16: {  	s1 =	sadd.s32 s3, s1;
	s26 =	sor.u32 $0x5, s0;
	[dreg:$0x6] =	wrdreg s10  }
0x17: {  	s22 =	sadd.s32 $0x200, s12;
	s23 =	sadd.s32 $0x280, s12;
	[dreg:$0x9] =	wrdreg s1  }
0x18: {  	s24 =	sadd.s32 $0x300, s12;
	s6 =	sor.u32 s11, s6;
	[dreg:$0xf] =	wrdreg s26  }
0x19: {  	s18 =	sor.u32 s11, s9;
	s1 =	sadd.s32 s3, s19;
	[dreg:$0x18] =	wrdreg s22  }
0x1a: {  	s7 =	sshll.u32 s25, $0xA;
	s9 =	sshll.u32 s8, $0x7;
	[dreg:$0x19] =	wrdreg s23  }
0x1b: {  	s10 =	sadd.s32 $0xC6, s0;
	s19 =	sor.u32 $0x7, s0;
	[dreg:$0x1a] =	wrdreg s24  }
0x1c: {  	s26 =	sadd.s32 $0x380, s12;
	s12 =	simm.s32 $0x5;
	s22 =	simm.s32 $0x8200  }
0x1d: {  	s6 =	sshrl.u32 s6, $0x3;
	s20 =	sshrl.u32 s18, $0x3;
	[dreg:$0xa] =	wrdreg s1  }
0x1e: {  	s1 =	sshll.u32 s25, $0x7;
	s14 =	sshll.u32 s10, $0xA;
	[dreg:$0x15] =	wrdreg s19  }
0x1f: {  	s18 =	sadd.s32 $0x9, s0;
	s25 =	sadd.s32 $0xB, s0;
	[dreg:$0x1b] =	wrdreg s26  }
0x20: {  	s26 =	simm.s32 $0x6;
	s19 =	simm.s32 $0x8;
	s6 =	sadd.s32 s2, s6  }
0x21: {  	s21 =	sadd.s32 s3, s20;
	s1 =	sand.u32 $0xE00, s1;
	[dreg:$0x13] =	wrdreg s18  }
0x22: {  	s20 =	sadd.s32 $0xA, s0;
	s0 =	simm.s32 $0x1;
	[dreg:$0x7] =	wrdreg s6  }
0x23: {  	s18 =	simm.s32 $0x8000;
	[dreg:$0xb] =	wrdreg s21;
	s6 =	sand.u32 $0xFF8000, s7  }
0x24: {  	s7 =	sshll.u32 s8, $0xA;
	s8 =	sand.u32 $0xE80, s9;
	s1 =	sadd.s32 s3, s1  }
0x25: {  	[dreg:$0x16] =	wrdreg s20;
	s21 =	smax.u32 s4, $0x1;
	s9 =	simm.s32 $0x2  }
0x26: {  	s20 =	simm.s32 $0x3;
	s4 =	simm.s32 $0xB;
	s7 =	sand.u32 $0xFF8000, s7  }
0x27: {  	s8 =	sadd.s32 s3, s8;
	s1 =	sadd.s32 s6, s1;
	[dreg:$0x17] =	wrdreg s21  }
0x28: {  	s6 =	sshll.u32 s13, $0xA;
	s13 =	simm.s32 $0x400;
	[dreg:$0x10] =	wrdreg s1  }
0x29: {  	s11 =	sadd.s32 s7, s8;
	s1 =	sshll.u32 s10, $0x7;
	s7 =	sand.u32 $0xFF8000, s14  }
0x2a: {  	s8 =	sand.u32 $0xF80, s15;
	s16 =	sand.u32 $0xFF8000, s6;
	s10 =	simm.s32 $0x4200  }
0x2b: {  	s6 =	simm.s32 $0x9;
	s14 =	simm.s32 $0xC;
	s1 =	sand.u32 $0xF00, s1  }
0x2c: {  	[dreg:$0x11] =	wrdreg s11;
	s17 =	sadd.s32 s3, s8;
	s1 =	sadd.s32 s3, s1  }
0x2d: {  	s8 =	simm.s32 $0x100;
	s11 =	simm.s32 $0x180;
	s1 =	sadd.s32 s7, s1  }
0x2e: {  	v0 =	vlaneseq.u32;
	s7 =	simm.s32 $0x200;
	[dreg:$0x12] =	wrdreg s1;
	s1 =	sadd.s32 s16, s17  }
0x2f: {  	v0 =	vmul.u32 $0x80, v0;
	s16 =	simm.s32 $0x0;
	[dreg:$0x14] =	wrdreg s1;
	s1 =	simm.s32 $0x80  }
.LBB2_1:
0x30: {  	[dreg:$0x1c] =	wrdreg s16  }
0x31: {  	s15 =	simm.s32 $0x0;
	s17 =	rddreg [dreg:$0x4]  }
0x32: {  	[tilespmem:s15], [sflag:$0x1] =	stream.linear.gather [hbm4b:s17+s15], $0x80, $0x38;
	[tilespmem:$0x18200] =	vst v63  }
0x33: {  	s21 =	rddreg [dreg:$0x5]  }
0x34: {  	[tilespmem:s1], [sflag:$0x2] =	stream.linear.gather [hbm4b:s21+s15], $0x80, $0x38;
	[tilespmem:$0x18200] =	vst v63  }
0x35: {  	_ =	swait.ge [sflag:s0], $0x80  }
0x36: {  	[sflag:s0] =	ssyncset.done $0x0  }
0x37: {  	[sflag:s0] =	ssyncadd.s32 $0xFFFFFF80  }
0x38: {  	[tilespmem:s7], [sflag:$0x5] =	stream.indirect.gather [hbm4b:s5+s1], $0x80, s15, s1, $0xb8;
	[tilespmem:$0x18200] =	vst v63  }
0x39: {  	s23 =	rddreg [dreg:$0x6]  }
0x3a: {  	[tilespmem:s8], [sflag:$0x3] =	stream.linear.gather [hbm4b:s23+s15], $0x80, $0x38;
	[tilespmem:$0x18200] =	vst v63  }
0x3b: {  	_ =	swait.ge [sflag:s9], $0x80  }
0x3c: {  	[sflag:s9] =	ssyncset.done $0x0  }
0x3d: {  	[sflag:s9] =	ssyncadd.s32 $0xFFFFFF80  }
0x3e: {  	[tilespmem:s10], [sflag:$0x6] =	stream.indirect.gather [hbm4b:s5+s1], $0x80, s1, s1, $0xb8;
	[tilespmem:$0x18200] =	vst v63  }
0x3f: {  	s24 =	rddreg [dreg:$0x7]  }
0x40: {  	[tilespmem:s11], [sflag:$0x4] =	stream.linear.gather [hbm4b:s24+s15], $0x80, $0x38;
	[tilespmem:$0x18200] =	vst v63  }
0x41: {  	_ =	swait.ge [sflag:s12], $0x4000  }
0x42: {  	[sflag:s12] =	ssyncset.done $0x0  }
0x43: {  	s16 =	simm.s32 $0x0;
	s15 =	simm.s32 $0x10600;
	[sflag:s12] =	ssyncadd.s32 $0xFFFFC000  }
.LBB2_2:
0x44: {  	s17 =	sshll.u32 s16, $0x4  }
0x45: {  	v1 =	vmov s17  }
0x46: {  	v1 =	vshll.u32 v1, $0x7  }
0x47: {  	v4 =	vor.u32 v0, v1  }
0x48: {  	v2 =	vor.u32 $0xF, v4  }
0x49: {  	v3 =	vor.u32 $0x1, v4  }
0x4a: {  	v5 =	vor.u32 $0x2, v4  }
0x4b: {  	v6 =	vor.u32 $0x3, v4  }
0x4c: {  	v7 =	vor.u32 $0x4, v4;
	v1 =	vld.idx.msk [tilespmem:v4+s7+$0x0], $0xffff  }
0x4d: {  	v8 =	vor.u32 $0x5, v4;
	v2 =	vld.idx.msk [tilespmem:v2+s7+$0x0], $0xffff  }
0x4e: {  	v9 =	vor.u32 $0x6, v4;
	v3 =	vld.idx.msk [tilespmem:v3+s7+$0x0], $0xffff  }
0x4f: {  	v10 =	vor.u32 $0x7, v4;
	v5 =	vld.idx.msk [tilespmem:v5+s7+$0x0], $0xffff  }
0x50: {  	v13 =	vor.u32 $0x8, v4;
	v14 =	vld.idx.msk [tilespmem:v6+s7+$0x0], $0xffff  }
0x51: {  	v15 =	vor.u32 $0x9, v4;
	v16 =	vld.idx.msk [tilespmem:v7+s7+$0x0], $0xffff  }
0x52: {  	v17 =	vor.u32 $0xA, v4;
	v12 =	vld.idx.msk [tilespmem:v8+s7+$0x0], $0xffff  }
0x53: {  	v11 =	vld.idx.msk [tilespmem:v9+s7+$0x0], $0xffff;
	v6 =	vor.u32 $0xB, v4;
	[tilespmem:s15+$0x380] =	vst v2  }
0x54: {  	v10 =	vld.idx.msk [tilespmem:v10+s7+$0x0], $0xffff;
	[tilespmem:s15+$0xFFFFFD00] =	vst v5;
	v5 =	vor.u32 $0xC, v4  }
0x55: {  	v8 =	vld.idx.msk [tilespmem:v13+s7+$0x0], $0xffff;
	[tilespmem:s15+$0xFFFFFC80] =	vst v3;
	v3 =	vor.u32 $0xD, v4  }
0x56: {  	v7 =	vld.idx.msk [tilespmem:v15+s7+$0x0], $0xffff;
	[tilespmem:s15+$0xFFFFFD80] =	vst v14;
	v2 =	vor.u32 $0xE, v4  }
0x57: {  	s21 =	simm.s32 $0x0;
	s17 =	smov.u32 s15;
	v9 =	vld.idx.msk [tilespmem:v17+s7+$0x0], $0xffff;
	[tilespmem:s15+$0xFFFFFE00] =	vst v16;
	v4 =	vadd.s32 $0x10, v4  }
.LBB2_3:
0x58: {  	v13 =	vor.u32 $0x1, v4;
	v14 =	vor.u32 $0x2, v4;
	v15 =	vor.u32 $0xF, v4;
	s21 =	sadd.s32 $0x10, s21;
	[tilespmem:s17+$0xFFFFFE80] =	vst v12;
	v12 =	vld.idx.msk [tilespmem:v6+s7+$0x0], $0xffff  }
0x59: {  	v16 =	vor.u32 $0x3, v4;
	v17 =	vor.u32 $0x4, v4;
	v18 =	vor.u32 $0x5, v4;
	p0 =	slt.u32 s21, $0x30;
	[tilespmem:s17+$0xFFFFFF00] =	vst v11;
	v11 =	vld.idx.msk [tilespmem:v5+s7+$0x0], $0xffff  }
0x5a: {  	v19 =	vor.u32 $0x6, v4;
	v20 =	vor.u32 $0x7, v4;
	v21 =	vor.u32 $0x8, v4;
	[tilespmem:s17+$0xFFFFFF80] =	vst v10;
	v10 =	vld.idx.msk [tilespmem:v3+s7+$0x0], $0xffff  }
0x5b: {  	v22 =	vor.u32 $0x9, v4;
	v23 =	vor.u32 $0xA, v4;
	v6 =	vor.u32 $0xB, v4;
	[tilespmem:s17+$0x0] =	vst v8;
	v8 =	vld.idx.msk [tilespmem:v2+s7+$0x0], $0xffff  }
0x5c: {  	v5 =	vor.u32 $0xC, v4;
	v3 =	vor.u32 $0xD, v4;
	v2 =	vor.u32 $0xE, v4;
	v24 =	vld.idx.msk [tilespmem:v4+s7+$0x0], $0xffff;
	[tilespmem:s17+$0x80] =	vst v7  }
0x5d: {  	v7 =	vld.idx.msk [tilespmem:v15+s7+$0x0], $0xffff;
	[tilespmem:s17+$0x100] =	vst v9  }
0x5e: {  	v9 =	vld.idx.msk [tilespmem:v13+s7+$0x0], $0xffff;
	[tilespmem:s17+$0x180] =	vst v12  }
0x5f: {  	v13 =	vld.idx.msk [tilespmem:v14+s7+$0x0], $0xffff;
	[tilespmem:s17+$0x200] =	vst v11  }
0x60: {  	v14 =	vld.idx.msk [tilespmem:v16+s7+$0x0], $0xffff;
	[tilespmem:s17+$0x280] =	vst v10  }
0x61: {  	v15 =	vld.idx.msk [tilespmem:v17+s7+$0x0], $0xffff;
	[tilespmem:s17+$0x300] =	vst v8  }
0x62: {  	v12 =	vld.idx.msk [tilespmem:v18+s7+$0x0], $0xffff;
	[tilespmem:s17+$0xFFFFFC00] =	vst v1;
	s17 =	sadd.s32 $0x800, s17;
	v1 =	vmov v24  }
.Ltmp0:
0x63: {  	v11 =	vld.idx.msk [tilespmem:v19+s7+$0x0], $0xffff;
	[tilespmem:s17+$0x380] =	vst v7;
	(pc) =	sbr.rel @p0 .LBB2_3-.Ltmp0, $4  }
0x64: {  	[tilespmem:s17+$0xFFFFFC80] =	vst v9;
	v10 =	vld.idx.msk [tilespmem:v20+s7+$0x0], $0xffff  }
0x65: {  	[tilespmem:s17+$0xFFFFFD00] =	vst v13;
	v8 =	vld.idx.msk [tilespmem:v21+s7+$0x0], $0xffff  }
0x66: {  	[tilespmem:s17+$0xFFFFFD80] =	vst v14;
	v7 =	vld.idx.msk [tilespmem:v22+s7+$0x0], $0xffff  }
0x67: {  	v4 =	vadd.s32 $0x10, v4;
	[tilespmem:s17+$0xFFFFFE00] =	vst v15;
	v9 =	vld.idx.msk [tilespmem:v23+s7+$0x0], $0xffff  }
0x68: {  	_ =	sdelay $0x1  }
0x69: {  	[tilespmem:s17+$0xFFFFFE80] =	vst v12  }
0x6a: {  	[tilespmem:s17+$0xFFFFFF00] =	vst v11  }
0x6b: {  	v4 =	vld.idx.msk [tilespmem:v6+s7+$0x0], $0xffff;
	[tilespmem:s17+$0xFFFFFC00] =	vst v1  }
0x6c: {  	v5 =	vld.idx.msk [tilespmem:v5+s7+$0x0], $0xffff;
	[tilespmem:s17+$0xFFFFFF80] =	vst v10  }
0x6d: {  	v3 =	vld.idx.msk [tilespmem:v3+s7+$0x0], $0xffff;
	s16 =	sadd.s32 $0x1, s16;
	[tilespmem:s17+$0x0] =	vst v8  }
0x6e: {  	v2 =	vld.idx.msk [tilespmem:v2+s7+$0x0], $0xffff;
	p0 =	sne.s32 s16, $0x8;
	[tilespmem:s17+$0x80] =	vst v7  }
.Ltmp1:
0x6f: {  	[tilespmem:s17+$0x100] =	vst v9;
	(pc) =	sbr.rel @p0 .LBB2_2-.Ltmp1, $4  }
0x70: {  	[tilespmem:s17+$0x180] =	vst v4  }
0x71: {  	[tilespmem:s17+$0x200] =	vst v5  }
0x72: {  	[tilespmem:s17+$0x280] =	vst v3  }
0x73: {  	s15 =	sadd.s32 $0x10, s15;
	[tilespmem:s17+$0x300] =	vst v2  }
0x74: {  	s15 =	rddreg [dreg:$0x8];
	s16 =	simm.s32 $0x10200  }
0x75: {  	[hbm4b:s15+s13] =	stream.strided.scatter [tilespmem:s16], [sflag:$0x9], $0x2000, s18, s13, $0x38;
	[tilespmem:$0x18200] =	vst v63  }
0x76: {  	s24 =	rddreg [dreg:$0x18];
	s15 =	simm.s32 $0x0  }
0x77: {  	[tilespmem:s15], [sflag:$0x1] =	stream.linear.gather [hbm4b:s24+s15], $0x80, $0x38;
	[tilespmem:$0x18200] =	vst v63  }
0x78: {  	_ =	swait.ge [sflag:s20], $0x80  }
0x79: {  	[sflag:s20] =	ssyncset.done $0x0  }
0x7a: {  	[sflag:s20] =	ssyncadd.s32 $0xFFFFFF80  }
0x7b: {  	[tilespmem:s22], [sflag:$0x7] =	stream.indirect.gather [hbm4b:s5+s1], $0x80, s8, s1, $0xb8;
	[tilespmem:$0x18200] =	vst v63  }
0x7c: {  	_ =	swait.ge [sflag:s26], $0x4000  }
0x7d: {  	[sflag:s26] =	ssyncset.done $0x0  }
0x7e: {  	s16 =	simm.s32 $0x12980;
	[sflag:s26] =	ssyncadd.s32 $0xFFFFC000  }
.LBB2_6:
0x7f: {  	s17 =	sshll.u32 s15, $0x4  }
0x80: {  	v1 =	vmov s17  }
0x81: {  	v1 =	vshll.u32 v1, $0x7  }
0x82: {  	v4 =	vor.u32 v0, v1  }
0x83: {  	v2 =	vor.u32 $0xF, v4  }
0x84: {  	v3 =	vor.u32 $0x1, v4  }
0x85: {  	v5 =	vor.u32 $0x2, v4  }
0x86: {  	v6 =	vor.u32 $0x3, v4  }
0x87: {  	v7 =	vor.u32 $0x4, v4;
	v1 =	vld.idx.msk [tilespmem:v4+s10+$0x0], $0xffff  }
0x88: {  	v8 =	vor.u32 $0x5, v4;
	v2 =	vld.idx.msk [tilespmem:v2+s10+$0x0], $0xffff  }
0x89: {  	v9 =	vor.u32 $0x6, v4;
	v3 =	vld.idx.msk [tilespmem:v3+s10+$0x0], $0xffff  }
0x8a: {  	v10 =	vor.u32 $0x7, v4;
	v5 =	vld.idx.msk [tilespmem:v5+s10+$0x0], $0xffff  }
0x8b: {  	v13 =	vor.u32 $0x8, v4;
	v14 =	vld.idx.msk [tilespmem:v6+s10+$0x0], $0xffff  }
0x8c: {  	v15 =	vor.u32 $0x9, v4;
	v16 =	vld.idx.msk [tilespmem:v7+s10+$0x0], $0xffff  }
0x8d: {  	v17 =	vor.u32 $0xA, v4;
	v12 =	vld.idx.msk [tilespmem:v8+s10+$0x0], $0xffff  }
0x8e: {  	v11 =	vld.idx.msk [tilespmem:v9+s10+$0x0], $0xffff;
	v6 =	vor.u32 $0xB, v4;
	[tilespmem:s16+$0x0] =	vst v2  }
0x8f: {  	v10 =	vld.idx.msk [tilespmem:v10+s10+$0x0], $0xffff;
	[tilespmem:s16+$0xFFFFF980] =	vst v5;
	v5 =	vor.u32 $0xC, v4  }
0x90: {  	v8 =	vld.idx.msk [tilespmem:v13+s10+$0x0], $0xffff;
	[tilespmem:s16+$0xFFFFF900] =	vst v3;
	v3 =	vor.u32 $0xD, v4  }
0x91: {  	v7 =	vld.idx.msk [tilespmem:v15+s10+$0x0], $0xffff;
	[tilespmem:s16+$0xFFFFFA00] =	vst v14;
	v2 =	vor.u32 $0xE, v4  }
0x92: {  	s21 =	simm.s32 $0x0;
	s17 =	smov.u32 s16;
	v9 =	vld.idx.msk [tilespmem:v17+s10+$0x0], $0xffff;
	[tilespmem:s16+$0xFFFFFA80] =	vst v16;
	v4 =	vadd.s32 $0x10, v4  }
.LBB2_7:
0x93: {  	v13 =	vor.u32 $0x1, v4;
	v14 =	vor.u32 $0x2, v4;
	v15 =	vor.u32 $0xF, v4;
	s21 =	sadd.s32 $0x10, s21;
	[tilespmem:s17+$0xFFFFFB00] =	vst v12;
	v12 =	vld.idx.msk [tilespmem:v6+s10+$0x0], $0xffff  }
0x94: {  	v16 =	vor.u32 $0x3, v4;
	v17 =	vor.u32 $0x4, v4;
	v18 =	vor.u32 $0x5, v4;
	p0 =	slt.u32 s21, $0x30;
	[tilespmem:s17+$0xFFFFFB80] =	vst v11;
	v11 =	vld.idx.msk [tilespmem:v5+s10+$0x0], $0xffff  }
0x95: {  	v19 =	vor.u32 $0x6, v4;
	v20 =	vor.u32 $0x7, v4;
	v21 =	vor.u32 $0x8, v4;
	[tilespmem:s17+$0xFFFFFC00] =	vst v10;
	v10 =	vld.idx.msk [tilespmem:v3+s10+$0x0], $0xffff  }
0x96: {  	v22 =	vor.u32 $0x9, v4;
	v23 =	vor.u32 $0xA, v4;
	v6 =	vor.u32 $0xB, v4;
	[tilespmem:s17+$0xFFFFFC80] =	vst v8;
	v8 =	vld.idx.msk [tilespmem:v2+s10+$0x0], $0xffff  }
0x97: {  	v5 =	vor.u32 $0xC, v4;
	v3 =	vor.u32 $0xD, v4;
	v2 =	vor.u32 $0xE, v4;
	v24 =	vld.idx.msk [tilespmem:v4+s10+$0x0], $0xffff;
	[tilespmem:s17+$0xFFFFFD00] =	vst v7  }
0x98: {  	v7 =	vld.idx.msk [tilespmem:v15+s10+$0x0], $0xffff;
	[tilespmem:s17+$0xFFFFFD80] =	vst v9  }
0x99: {  	v9 =	vld.idx.msk [tilespmem:v13+s10+$0x0], $0xffff;
	[tilespmem:s17+$0xFFFFFE00] =	vst v12  }
0x9a: {  	v13 =	vld.idx.msk [tilespmem:v14+s10+$0x0], $0xffff;
	[tilespmem:s17+$0xFFFFFE80] =	vst v11  }
0x9b: {  	v14 =	vld.idx.msk [tilespmem:v16+s10+$0x0], $0xffff;
	[tilespmem:s17+$0xFFFFFF00] =	vst v10  }
0x9c: {  	v15 =	vld.idx.msk [tilespmem:v17+s10+$0x0], $0xffff;
	[tilespmem:s17+$0xFFFFFF80] =	vst v8  }
0x9d: {  	v12 =	vld.idx.msk [tilespmem:v18+s10+$0x0], $0xffff;
	[tilespmem:s17+$0xFFFFF880] =	vst v1;
	s17 =	sadd.s32 $0x800, s17;
	v1 =	vmov v24  }
.Ltmp2:
0x9e: {  	v11 =	vld.idx.msk [tilespmem:v19+s10+$0x0], $0xffff;
	[tilespmem:s17+$0x0] =	vst v7;
	(pc) =	sbr.rel @p0 .LBB2_7-.Ltmp2, $4  }
0x9f: {  	[tilespmem:s17+$0xFFFFF900] =	vst v9;
	v10 =	vld.idx.msk [tilespmem:v20+s10+$0x0], $0xffff  }
0xa0: {  	[tilespmem:s17+$0xFFFFF980] =	vst v13;
	v8 =	vld.idx.msk [tilespmem:v21+s10+$0x0], $0xffff  }
0xa1: {  	[tilespmem:s17+$0xFFFFFA00] =	vst v14;
	v7 =	vld.idx.msk [tilespmem:v22+s10+$0x0], $0xffff  }
0xa2: {  	v4 =	vadd.s32 $0x10, v4;
	[tilespmem:s17+$0xFFFFFA80] =	vst v15;
	v9 =	vld.idx.msk [tilespmem:v23+s10+$0x0], $0xffff  }
0xa3: {  	_ =	sdelay $0x1  }
0xa4: {  	[tilespmem:s17+$0xFFFFFB00] =	vst v12  }
0xa5: {  	[tilespmem:s17+$0xFFFFFB80] =	vst v11  }
0xa6: {  	v4 =	vld.idx.msk [tilespmem:v6+s10+$0x0], $0xffff;
	[tilespmem:s17+$0xFFFFF880] =	vst v1  }
0xa7: {  	v5 =	vld.idx.msk [tilespmem:v5+s10+$0x0], $0xffff;
	[tilespmem:s17+$0xFFFFFC00] =	vst v10  }
0xa8: {  	v3 =	vld.idx.msk [tilespmem:v3+s10+$0x0], $0xffff;
	s15 =	sadd.s32 $0x1, s15;
	[tilespmem:s17+$0xFFFFFC80] =	vst v8  }
0xa9: {  	v2 =	vld.idx.msk [tilespmem:v2+s10+$0x0], $0xffff;
	p0 =	sne.s32 s15, $0x8;
	[tilespmem:s17+$0xFFFFFD00] =	vst v7  }
.Ltmp3:
0xaa: {  	[tilespmem:s17+$0xFFFFFD80] =	vst v9;
	(pc) =	sbr.rel @p0 .LBB2_6-.Ltmp3, $4  }
0xab: {  	[tilespmem:s17+$0xFFFFFE00] =	vst v4  }
0xac: {  	[tilespmem:s17+$0xFFFFFE80] =	vst v5  }
0xad: {  	[tilespmem:s17+$0xFFFFFF00] =	vst v3  }
0xae: {  	s16 =	sadd.s32 $0x10, s16;
	[tilespmem:s17+$0xFFFFFF80] =	vst v2  }
0xaf: {  	s15 =	rddreg [dreg:$0x9];
	s16 =	simm.s32 $0x12200  }
0xb0: {  	[hbm4b:s15+s13] =	stream.strided.scatter [tilespmem:s16], [sflag:$0xA], $0x2000, s18, s13, $0x38;
	[tilespmem:$0x18200] =	vst v63  }
0xb1: {  	s24 =	rddreg [dreg:$0x19];
	s15 =	simm.s32 $0x0  }
0xb2: {  	[tilespmem:s1], [sflag:$0x2] =	stream.linear.gather [hbm4b:s24+s15], $0x80, $0x38;
	[tilespmem:$0x18200] =	vst v63  }
0xb3: {  	_ =	swait.ge [sflag:s29], $0x80  }
0xb4: {  	[sflag:s29] =	ssyncset.done $0x0  }
0xb5: {  	[sflag:s29] =	ssyncadd.s32 $0xFFFFFF80  }
0xb6: {  	[tilespmem:s30], [sflag:$0x8] =	stream.indirect.gather [hbm4b:s5+s1], $0x80, s11, s1, $0xb8;
	[tilespmem:$0x18200] =	vst v63  }
0xb7: {  	_ =	swait.ge [sflag:s31], $0x4000  }
0xb8: {  	[sflag:s31] =	ssyncset.done $0x0  }
0xb9: {  	s16 =	simm.s32 $0x14980;
	[sflag:s31] =	ssyncadd.s32 $0xFFFFC000  }
.LBB2_10:
0xba: {  	s17 =	sshll.u32 s15, $0x4  }
0xbb: {  	v1 =	vmov s17  }
0xbc: {  	v1 =	vshll.u32 v1, $0x7  }
0xbd: {  	v4 =	vor.u32 v0, v1  }
0xbe: {  	v2 =	vor.u32 $0xF, v4  }
0xbf: {  	v3 =	vor.u32 $0x1, v4  }
0xc0: {  	v5 =	vor.u32 $0x2, v4  }
0xc1: {  	v6 =	vor.u32 $0x3, v4  }
0xc2: {  	v7 =	vor.u32 $0x4, v4;
	v1 =	vld.idx.msk [tilespmem:v4+s22+$0x0], $0xffff  }
0xc3: {  	v8 =	vor.u32 $0x5, v4;
	v2 =	vld.idx.msk [tilespmem:v2+s22+$0x0], $0xffff  }
0xc4: {  	v9 =	vor.u32 $0x6, v4;
	v3 =	vld.idx.msk [tilespmem:v3+s22+$0x0], $0xffff  }
0xc5: {  	v10 =	vor.u32 $0x7, v4;
	v5 =	vld.idx.msk [tilespmem:v5+s22+$0x0], $0xffff  }
0xc6: {  	v13 =	vor.u32 $0x8, v4;
	v14 =	vld.idx.msk [tilespmem:v6+s22+$0x0], $0xffff  }
0xc7: {  	v15 =	vor.u32 $0x9, v4;
	v16 =	vld.idx.msk [tilespmem:v7+s22+$0x0], $0xffff  }
0xc8: {  	v17 =	vor.u32 $0xA, v4;
	v12 =	vld.idx.msk [tilespmem:v8+s22+$0x0], $0xffff  }
0xc9: {  	v11 =	vld.idx.msk [tilespmem:v9+s22+$0x0], $0xffff;
	v6 =	vor.u32 $0xB, v4;
	[tilespmem:s16+$0x0] =	vst v2  }
0xca: {  	v10 =	vld.idx.msk [tilespmem:v10+s22+$0x0], $0xffff;
	[tilespmem:s16+$0xFFFFF980] =	vst v5;
	v5 =	vor.u32 $0xC, v4  }
0xcb: {  	v8 =	vld.idx.msk [tilespmem:v13+s22+$0x0], $0xffff;
	[tilespmem:s16+$0xFFFFF900] =	vst v3;
	v3 =	vor.u32 $0xD, v4  }
0xcc: {  	v7 =	vld.idx.msk [tilespmem:v15+s22+$0x0], $0xffff;
	[tilespmem:s16+$0xFFFFFA00] =	vst v14;
	v2 =	vor.u32 $0xE, v4  }
0xcd: {  	s21 =	simm.s32 $0x0;
	s17 =	smov.u32 s16;
	v9 =	vld.idx.msk [tilespmem:v17+s22+$0x0], $0xffff;
	[tilespmem:s16+$0xFFFFFA80] =	vst v16;
	v4 =	vadd.s32 $0x10, v4  }
.LBB2_11:
0xce: {  	v13 =	vor.u32 $0x1, v4;
	v14 =	vor.u32 $0x2, v4;
	v15 =	vor.u32 $0xF, v4;
	s21 =	sadd.s32 $0x10, s21;
	[tilespmem:s17+$0xFFFFFB00] =	vst v12;
	v12 =	vld.idx.msk [tilespmem:v6+s22+$0x0], $0xffff  }
0xcf: {  	v16 =	vor.u32 $0x3, v4;
	v17 =	vor.u32 $0x4, v4;
	v18 =	vor.u32 $0x5, v4;
	p0 =	slt.u32 s21, $0x30;
	[tilespmem:s17+$0xFFFFFB80] =	vst v11;
	v11 =	vld.idx.msk [tilespmem:v5+s22+$0x0], $0xffff  }
0xd0: {  	v19 =	vor.u32 $0x6, v4;
	v20 =	vor.u32 $0x7, v4;
	v21 =	vor.u32 $0x8, v4;
	[tilespmem:s17+$0xFFFFFC00] =	vst v10;
	v10 =	vld.idx.msk [tilespmem:v3+s22+$0x0], $0xffff  }
0xd1: {  	v22 =	vor.u32 $0x9, v4;
	v23 =	vor.u32 $0xA, v4;
	v6 =	vor.u32 $0xB, v4;
	[tilespmem:s17+$0xFFFFFC80] =	vst v8;
	v8 =	vld.idx.msk [tilespmem:v2+s22+$0x0], $0xffff  }
0xd2: {  	v5 =	vor.u32 $0xC, v4;
	v3 =	vor.u32 $0xD, v4;
	v2 =	vor.u32 $0xE, v4;
	v24 =	vld.idx.msk [tilespmem:v4+s22+$0x0], $0xffff;
	[tilespmem:s17+$0xFFFFFD00] =	vst v7  }
0xd3: {  	v7 =	vld.idx.msk [tilespmem:v15+s22+$0x0], $0xffff;
	[tilespmem:s17+$0xFFFFFD80] =	vst v9  }
0xd4: {  	v9 =	vld.idx.msk [tilespmem:v13+s22+$0x0], $0xffff;
	[tilespmem:s17+$0xFFFFFE00] =	vst v12  }
0xd5: {  	v13 =	vld.idx.msk [tilespmem:v14+s22+$0x0], $0xffff;
	[tilespmem:s17+$0xFFFFFE80] =	vst v11  }
0xd6: {  	v14 =	vld.idx.msk [tilespmem:v16+s22+$0x0], $0xffff;
	[tilespmem:s17+$0xFFFFFF00] =	vst v10  }
0xd7: {  	v15 =	vld.idx.msk [tilespmem:v17+s22+$0x0], $0xffff;
	[tilespmem:s17+$0xFFFFFF80] =	vst v8  }
0xd8: {  	v12 =	vld.idx.msk [tilespmem:v18+s22+$0x0], $0xffff;
	[tilespmem:s17+$0xFFFFF880] =	vst v1;
	s17 =	sadd.s32 $0x800, s17;
	v1 =	vmov v24  }
.Ltmp4:
0xd9: {  	v11 =	vld.idx.msk [tilespmem:v19+s22+$0x0], $0xffff;
	[tilespmem:s17+$0x0] =	vst v7;
	(pc) =	sbr.rel @p0 .LBB2_11-.Ltmp4, $4  }
0xda: {  	[tilespmem:s17+$0xFFFFF900] =	vst v9;
	v10 =	vld.idx.msk [tilespmem:v20+s22+$0x0], $0xffff  }
0xdb: {  	[tilespmem:s17+$0xFFFFF980] =	vst v13;
	v8 =	vld.idx.msk [tilespmem:v21+s22+$0x0], $0xffff  }
0xdc: {  	[tilespmem:s17+$0xFFFFFA00] =	vst v14;
	v7 =	vld.idx.msk [tilespmem:v22+s22+$0x0], $0xffff  }
0xdd: {  	v4 =	vadd.s32 $0x10, v4;
	[tilespmem:s17+$0xFFFFFA80] =	vst v15;
	v9 =	vld.idx.msk [tilespmem:v23+s22+$0x0], $0xffff  }
0xde: {  	_ =	sdelay $0x1  }
0xdf: {  	[tilespmem:s17+$0xFFFFFB00] =	vst v12  }
0xe0: {  	[tilespmem:s17+$0xFFFFFB80] =	vst v11  }
0xe1: {  	v4 =	vld.idx.msk [tilespmem:v6+s22+$0x0], $0xffff;
	[tilespmem:s17+$0xFFFFF880] =	vst v1  }
0xe2: {  	v5 =	vld.idx.msk [tilespmem:v5+s22+$0x0], $0xffff;
	[tilespmem:s17+$0xFFFFFC00] =	vst v10  }
0xe3: {  	v3 =	vld.idx.msk [tilespmem:v3+s22+$0x0], $0xffff;
	s15 =	sadd.s32 $0x1, s15;
	[tilespmem:s17+$0xFFFFFC80] =	vst v8  }
0xe4: {  	v2 =	vld.idx.msk [tilespmem:v2+s22+$0x0], $0xffff;
	p0 =	sne.s32 s15, $0x8;
	[tilespmem:s17+$0xFFFFFD00] =	vst v7  }
.Ltmp5:
0xe5: {  	[tilespmem:s17+$0xFFFFFD80] =	vst v9;
	(pc) =	sbr.rel @p0 .LBB2_10-.Ltmp5, $4  }
0xe6: {  	[tilespmem:s17+$0xFFFFFE00] =	vst v4  }
0xe7: {  	[tilespmem:s17+$0xFFFFFE80] =	vst v5  }
0xe8: {  	[tilespmem:s17+$0xFFFFFF00] =	vst v3  }
0xe9: {  	s16 =	sadd.s32 $0x10, s16;
	[tilespmem:s17+$0xFFFFFF80] =	vst v2  }
0xea: {  	s15 =	rddreg [dreg:$0xa];
	s16 =	simm.s32 $0x14200  }
0xeb: {  	[hbm4b:s15+s13] =	stream.strided.scatter [tilespmem:s16], [sflag:$0xB], $0x2000, s18, s13, $0x38;
	[tilespmem:$0x18200] =	vst v63  }
0xec: {  	s24 =	rddreg [dreg:$0x1a];
	s15 =	simm.s32 $0x0  }
0xed: {  	[tilespmem:s8], [sflag:$0x3] =	stream.linear.gather [hbm4b:s24+s15], $0x80, $0x38;
	[tilespmem:$0x18200] =	vst v63  }
0xee: {  	_ =	swait.ge [sflag:s0], $0x80  }
0xef: {  	[sflag:s0] =	ssyncset.done $0x0  }
0xf0: {  	[sflag:s0] =	ssyncadd.s32 $0xFFFFFF80  }
0xf1: {  	[tilespmem:s7], [sflag:$0x5] =	stream.indirect.gather [hbm4b:s5+s1], $0x80, s15, s1, $0xb8;
	[tilespmem:$0x18200] =	vst v63  }
0xf2: {  	_ =	swait.ge [sflag:s19], $0x4000  }
0xf3: {  	[sflag:s19] =	ssyncset.done $0x0  }
0xf4: {  	s16 =	simm.s32 $0x16980;
	[sflag:s19] =	ssyncadd.s32 $0xFFFFC000  }
.LBB2_14:
0xf5: {  	s17 =	sshll.u32 s15, $0x4  }
0xf6: {  	v1 =	vmov s17  }
0xf7: {  	v1 =	vshll.u32 v1, $0x7  }
0xf8: {  	v4 =	vor.u32 v0, v1  }
0xf9: {  	v2 =	vor.u32 $0xF, v4  }
0xfa: {  	v3 =	vor.u32 $0x1, v4  }
0xfb: {  	v5 =	vor.u32 $0x2, v4  }
0xfc: {  	v6 =	vor.u32 $0x3, v4  }
0xfd: {  	v7 =	vor.u32 $0x4, v4;
	v1 =	vld.idx.msk [tilespmem:v4+s30+$0x0], $0xffff  }
0xfe: {  	v8 =	vor.u32 $0x5, v4;
	v2 =	vld.idx.msk [tilespmem:v2+s30+$0x0], $0xffff  }
0xff: {  	v9 =	vor.u32 $0x6, v4;
	v3 =	vld.idx.msk [tilespmem:v3+s30+$0x0], $0xffff  }
0x100: {  	v10 =	vor.u32 $0x7, v4;
	v5 =	vld.idx.msk [tilespmem:v5+s30+$0x0], $0xffff  }
0x101: {  	v13 =	vor.u32 $0x8, v4;
	v14 =	vld.idx.msk [tilespmem:v6+s30+$0x0], $0xffff  }
0x102: {  	v15 =	vor.u32 $0x9, v4;
	v16 =	vld.idx.msk [tilespmem:v7+s30+$0x0], $0xffff  }
0x103: {  	v17 =	vor.u32 $0xA, v4;
	v12 =	vld.idx.msk [tilespmem:v8+s30+$0x0], $0xffff  }
0x104: {  	v11 =	vld.idx.msk [tilespmem:v9+s30+$0x0], $0xffff;
	v6 =	vor.u32 $0xB, v4;
	[tilespmem:s16+$0x0] =	vst v2  }
0x105: {  	v10 =	vld.idx.msk [tilespmem:v10+s30+$0x0], $0xffff;
	[tilespmem:s16+$0xFFFFF980] =	vst v5;
	v5 =	vor.u32 $0xC, v4  }
0x106: {  	v8 =	vld.idx.msk [tilespmem:v13+s30+$0x0], $0xffff;
	[tilespmem:s16+$0xFFFFF900] =	vst v3;
	v3 =	vor.u32 $0xD, v4  }
0x107: {  	v7 =	vld.idx.msk [tilespmem:v15+s30+$0x0], $0xffff;
	[tilespmem:s16+$0xFFFFFA00] =	vst v14;
	v2 =	vor.u32 $0xE, v4  }
0x108: {  	s21 =	simm.s32 $0x0;
	s17 =	smov.u32 s16;
	v9 =	vld.idx.msk [tilespmem:v17+s30+$0x0], $0xffff;
	[tilespmem:s16+$0xFFFFFA80] =	vst v16;
	v4 =	vadd.s32 $0x10, v4  }
.LBB2_15:
0x109: {  	v13 =	vor.u32 $0x1, v4;
	v14 =	vor.u32 $0x2, v4;
	v15 =	vor.u32 $0xF, v4;
	s21 =	sadd.s32 $0x10, s21;
	[tilespmem:s17+$0xFFFFFB00] =	vst v12;
	v12 =	vld.idx.msk [tilespmem:v6+s30+$0x0], $0xffff  }
0x10a: {  	v16 =	vor.u32 $0x3, v4;
	v17 =	vor.u32 $0x4, v4;
	v18 =	vor.u32 $0x5, v4;
	p0 =	slt.u32 s21, $0x30;
	[tilespmem:s17+$0xFFFFFB80] =	vst v11;
	v11 =	vld.idx.msk [tilespmem:v5+s30+$0x0], $0xffff  }
0x10b: {  	v19 =	vor.u32 $0x6, v4;
	v20 =	vor.u32 $0x7, v4;
	v21 =	vor.u32 $0x8, v4;
	[tilespmem:s17+$0xFFFFFC00] =	vst v10;
	v10 =	vld.idx.msk [tilespmem:v3+s30+$0x0], $0xffff  }
0x10c: {  	v22 =	vor.u32 $0x9, v4;
	v23 =	vor.u32 $0xA, v4;
	v6 =	vor.u32 $0xB, v4;
	[tilespmem:s17+$0xFFFFFC80] =	vst v8;
	v8 =	vld.idx.msk [tilespmem:v2+s30+$0x0], $0xffff  }
0x10d: {  	v5 =	vor.u32 $0xC, v4;
	v3 =	vor.u32 $0xD, v4;
	v2 =	vor.u32 $0xE, v4;
	v24 =	vld.idx.msk [tilespmem:v4+s30+$0x0], $0xffff;
	[tilespmem:s17+$0xFFFFFD00] =	vst v7  }
0x10e: {  	v7 =	vld.idx.msk [tilespmem:v15+s30+$0x0], $0xffff;
	[tilespmem:s17+$0xFFFFFD80] =	vst v9  }
0x10f: {  	v9 =	vld.idx.msk [tilespmem:v13+s30+$0x0], $0xffff;
	[tilespmem:s17+$0xFFFFFE00] =	vst v12  }
0x110: {  	v13 =	vld.idx.msk [tilespmem:v14+s30+$0x0], $0xffff;
	[tilespmem:s17+$0xFFFFFE80] =	vst v11  }
0x111: {  	v14 =	vld.idx.msk [tilespmem:v16+s30+$0x0], $0xffff;
	[tilespmem:s17+$0xFFFFFF00] =	vst v10  }
0x112: {  	v15 =	vld.idx.msk [tilespmem:v17+s30+$0x0], $0xffff;
	[tilespmem:s17+$0xFFFFFF80] =	vst v8  }
0x113: {  	v12 =	vld.idx.msk [tilespmem:v18+s30+$0x0], $0xffff;
	[tilespmem:s17+$0xFFFFF880] =	vst v1;
	s17 =	sadd.s32 $0x800, s17;
	v1 =	vmov v24  }
.Ltmp6:
0x114: {  	v11 =	vld.idx.msk [tilespmem:v19+s30+$0x0], $0xffff;
	[tilespmem:s17+$0x0] =	vst v7;
	(pc) =	sbr.rel @p0 .LBB2_15-.Ltmp6, $4  }
0x115: {  	[tilespmem:s17+$0xFFFFF900] =	vst v9;
	v10 =	vld.idx.msk [tilespmem:v20+s30+$0x0], $0xffff  }
0x116: {  	[tilespmem:s17+$0xFFFFF980] =	vst v13;
	v8 =	vld.idx.msk [tilespmem:v21+s30+$0x0], $0xffff  }
0x117: {  	[tilespmem:s17+$0xFFFFFA00] =	vst v14;
	v7 =	vld.idx.msk [tilespmem:v22+s30+$0x0], $0xffff  }
0x118: {  	v4 =	vadd.s32 $0x10, v4;
	[tilespmem:s17+$0xFFFFFA80] =	vst v15;
	v9 =	vld.idx.msk [tilespmem:v23+s30+$0x0], $0xffff  }
0x119: {  	_ =	sdelay $0x1  }
0x11a: {  	[tilespmem:s17+$0xFFFFFB00] =	vst v12  }
0x11b: {  	[tilespmem:s17+$0xFFFFFB80] =	vst v11  }
0x11c: {  	v4 =	vld.idx.msk [tilespmem:v6+s30+$0x0], $0xffff;
	[tilespmem:s17+$0xFFFFF880] =	vst v1  }
0x11d: {  	v5 =	vld.idx.msk [tilespmem:v5+s30+$0x0], $0xffff;
	[tilespmem:s17+$0xFFFFFC00] =	vst v10  }
0x11e: {  	v3 =	vld.idx.msk [tilespmem:v3+s30+$0x0], $0xffff;
	s15 =	sadd.s32 $0x1, s15;
	[tilespmem:s17+$0xFFFFFC80] =	vst v8  }
0x11f: {  	v2 =	vld.idx.msk [tilespmem:v2+s30+$0x0], $0xffff;
	p0 =	sne.s32 s15, $0x8;
	[tilespmem:s17+$0xFFFFFD00] =	vst v7  }
.Ltmp7:
0x120: {  	[tilespmem:s17+$0xFFFFFD80] =	vst v9;
	(pc) =	sbr.rel @p0 .LBB2_14-.Ltmp7, $4  }
0x121: {  	[tilespmem:s17+$0xFFFFFE00] =	vst v4  }
0x122: {  	[tilespmem:s17+$0xFFFFFE80] =	vst v5  }
0x123: {  	[tilespmem:s17+$0xFFFFFF00] =	vst v3  }
0x124: {  	s16 =	sadd.s32 $0x10, s16;
	[tilespmem:s17+$0xFFFFFF80] =	vst v2  }
0x125: {  	s15 =	rddreg [dreg:$0xb];
	s16 =	simm.s32 $0x16200  }
0x126: {  	[hbm4b:s15+s13] =	stream.strided.scatter [tilespmem:s16], [sflag:$0xC], $0x2000, s18, s13, $0x38;
	[tilespmem:$0x18200] =	vst v63  }
0x127: {  	s24 =	rddreg [dreg:$0x1b];
	s15 =	simm.s32 $0x0  }
0x128: {  	[tilespmem:s11], [sflag:$0x4] =	stream.linear.gather [hbm4b:s24+s15], $0x80, $0x38;
	[tilespmem:$0x18200] =	vst v63  }
0x129: {  	_ =	swait.ge [sflag:s9], $0x80  }
0x12a: {  	[sflag:s9] =	ssyncset.done $0x0  }
0x12b: {  	[sflag:s9] =	ssyncadd.s32 $0xFFFFFF80  }
0x12c: {  	[tilespmem:s10], [sflag:$0x6] =	stream.indirect.gather [hbm4b:s5+s1], $0x80, s1, s1, $0xb8;
	[tilespmem:$0x18200] =	vst v63  }
.LBB2_18:
0x12d: {  	_ =	swait.ge [sflag:s12], $0x4000  }
0x12e: {  	[sflag:s12] =	ssyncset.done $0x0  }
0x12f: {  	[sflag:s12] =	ssyncadd.s32 $0xFFFFC000  }
0x130: {  	_ =	swait.ge [sflag:s6], $0x2000  }
0x131: {  	[sflag:s6] =	ssyncset.done $0x0  }
0x132: {  	s16 =	simm.s32 $0x10600;
	s17 =	simm.s32 $0x0;
	[sflag:s6] =	ssyncadd.s32 $0xFFFFE000  }
.LBB2_19:
0x133: {  	s21 =	sshll.u32 s17, $0x4  }
0x134: {  	v1 =	vmov s21  }
0x135: {  	v1 =	vshll.u32 v1, $0x7  }
0x136: {  	v4 =	vor.u32 v0, v1  }
0x137: {  	v2 =	vor.u32 $0xF, v4  }
0x138: {  	v3 =	vor.u32 $0x1, v4  }
0x139: {  	v5 =	vor.u32 $0x2, v4  }
0x13a: {  	v6 =	vor.u32 $0x3, v4  }
0x13b: {  	v7 =	vor.u32 $0x4, v4;
	v1 =	vld.idx.msk [tilespmem:v4+s7+$0x0], $0xffff  }
0x13c: {  	v8 =	vor.u32 $0x5, v4;
	v2 =	vld.idx.msk [tilespmem:v2+s7+$0x0], $0xffff  }
0x13d: {  	v9 =	vor.u32 $0x6, v4;
	v3 =	vld.idx.msk [tilespmem:v3+s7+$0x0], $0xffff  }
0x13e: {  	v10 =	vor.u32 $0x7, v4;
	v5 =	vld.idx.msk [tilespmem:v5+s7+$0x0], $0xffff  }
0x13f: {  	v13 =	vor.u32 $0x8, v4;
	v14 =	vld.idx.msk [tilespmem:v6+s7+$0x0], $0xffff  }
0x140: {  	v15 =	vor.u32 $0x9, v4;
	v16 =	vld.idx.msk [tilespmem:v7+s7+$0x0], $0xffff  }
0x141: {  	v17 =	vor.u32 $0xA, v4;
	v12 =	vld.idx.msk [tilespmem:v8+s7+$0x0], $0xffff  }
0x142: {  	v11 =	vld.idx.msk [tilespmem:v9+s7+$0x0], $0xffff;
	v6 =	vor.u32 $0xB, v4;
	[tilespmem:s16+$0x380] =	vst v2  }
0x143: {  	v10 =	vld.idx.msk [tilespmem:v10+s7+$0x0], $0xffff;
	[tilespmem:s16+$0xFFFFFD00] =	vst v5;
	v5 =	vor.u32 $0xC, v4  }
0x144: {  	v8 =	vld.idx.msk [tilespmem:v13+s7+$0x0], $0xffff;
	[tilespmem:s16+$0xFFFFFC80] =	vst v3;
	v3 =	vor.u32 $0xD, v4  }
0x145: {  	v7 =	vld.idx.msk [tilespmem:v15+s7+$0x0], $0xffff;
	[tilespmem:s16+$0xFFFFFD80] =	vst v14;
	v2 =	vor.u32 $0xE, v4  }
0x146: {  	s23 =	simm.s32 $0x0;
	s21 =	smov.u32 s16;
	v9 =	vld.idx.msk [tilespmem:v17+s7+$0x0], $0xffff;
	[tilespmem:s16+$0xFFFFFE00] =	vst v16;
	v4 =	vadd.s32 $0x10, v4  }
.LBB2_20:
0x147: {  	v13 =	vor.u32 $0x1, v4;
	v14 =	vor.u32 $0x2, v4;
	v15 =	vor.u32 $0xF, v4;
	s23 =	sadd.s32 $0x10, s23;
	[tilespmem:s21+$0xFFFFFE80] =	vst v12;
	v12 =	vld.idx.msk [tilespmem:v6+s7+$0x0], $0xffff  }
0x148: {  	v16 =	vor.u32 $0x3, v4;
	v17 =	vor.u32 $0x4, v4;
	v18 =	vor.u32 $0x5, v4;
	p0 =	slt.u32 s23, $0x30;
	[tilespmem:s21+$0xFFFFFF00] =	vst v11;
	v11 =	vld.idx.msk [tilespmem:v5+s7+$0x0], $0xffff  }
0x149: {  	v19 =	vor.u32 $0x6, v4;
	v20 =	vor.u32 $0x7, v4;
	v21 =	vor.u32 $0x8, v4;
	[tilespmem:s21+$0xFFFFFF80] =	vst v10;
	v10 =	vld.idx.msk [tilespmem:v3+s7+$0x0], $0xffff  }
0x14a: {  	v22 =	vor.u32 $0x9, v4;
	v23 =	vor.u32 $0xA, v4;
	v6 =	vor.u32 $0xB, v4;
	[tilespmem:s21+$0x0] =	vst v8;
	v8 =	vld.idx.msk [tilespmem:v2+s7+$0x0], $0xffff  }
0x14b: {  	v5 =	vor.u32 $0xC, v4;
	v3 =	vor.u32 $0xD, v4;
	v2 =	vor.u32 $0xE, v4;
	v24 =	vld.idx.msk [tilespmem:v4+s7+$0x0], $0xffff;
	[tilespmem:s21+$0x80] =	vst v7  }
0x14c: {  	v7 =	vld.idx.msk [tilespmem:v15+s7+$0x0], $0xffff;
	[tilespmem:s21+$0x100] =	vst v9  }
0x14d: {  	v9 =	vld.idx.msk [tilespmem:v13+s7+$0x0], $0xffff;
	[tilespmem:s21+$0x180] =	vst v12  }
0x14e: {  	v13 =	vld.idx.msk [tilespmem:v14+s7+$0x0], $0xffff;
	[tilespmem:s21+$0x200] =	vst v11  }
0x14f: {  	v14 =	vld.idx.msk [tilespmem:v16+s7+$0x0], $0xffff;
	[tilespmem:s21+$0x280] =	vst v10  }
0x150: {  	v15 =	vld.idx.msk [tilespmem:v17+s7+$0x0], $0xffff;
	[tilespmem:s21+$0x300] =	vst v8  }
0x151: {  	v12 =	vld.idx.msk [tilespmem:v18+s7+$0x0], $0xffff;
	[tilespmem:s21+$0xFFFFFC00] =	vst v1;
	s21 =	sadd.s32 $0x800, s21;
	v1 =	vmov v24  }
.Ltmp8:
0x152: {  	v11 =	vld.idx.msk [tilespmem:v19+s7+$0x0], $0xffff;
	[tilespmem:s21+$0x380] =	vst v7;
	(pc) =	sbr.rel @p0 .LBB2_20-.Ltmp8, $4  }
0x153: {  	[tilespmem:s21+$0xFFFFFC80] =	vst v9;
	v10 =	vld.idx.msk [tilespmem:v20+s7+$0x0], $0xffff  }
0x154: {  	[tilespmem:s21+$0xFFFFFD00] =	vst v13;
	v8 =	vld.idx.msk [tilespmem:v21+s7+$0x0], $0xffff  }
0x155: {  	[tilespmem:s21+$0xFFFFFD80] =	vst v14;
	v7 =	vld.idx.msk [tilespmem:v22+s7+$0x0], $0xffff  }
0x156: {  	v4 =	vadd.s32 $0x10, v4;
	[tilespmem:s21+$0xFFFFFE00] =	vst v15;
	v9 =	vld.idx.msk [tilespmem:v23+s7+$0x0], $0xffff  }
0x157: {  	_ =	sdelay $0x1  }
0x158: {  	[tilespmem:s21+$0xFFFFFE80] =	vst v12  }
0x159: {  	[tilespmem:s21+$0xFFFFFF00] =	vst v11  }
0x15a: {  	v4 =	vld.idx.msk [tilespmem:v6+s7+$0x0], $0xffff;
	[tilespmem:s21+$0xFFFFFC00] =	vst v1  }
0x15b: {  	v5 =	vld.idx.msk [tilespmem:v5+s7+$0x0], $0xffff;
	[tilespmem:s21+$0xFFFFFF80] =	vst v10  }
0x15c: {  	v3 =	vld.idx.msk [tilespmem:v3+s7+$0x0], $0xffff;
	s17 =	sadd.s32 $0x1, s17;
	[tilespmem:s21+$0x0] =	vst v8  }
0x15d: {  	v2 =	vld.idx.msk [tilespmem:v2+s7+$0x0], $0xffff;
	p0 =	sne.s32 s17, $0x8;
	[tilespmem:s21+$0x80] =	vst v7  }
.Ltmp9:
0x15e: {  	[tilespmem:s21+$0x100] =	vst v9;
	(pc) =	sbr.rel @p0 .LBB2_19-.Ltmp9, $4  }
0x15f: {  	[tilespmem:s21+$0x180] =	vst v4  }
0x160: {  	[tilespmem:s21+$0x200] =	vst v5  }
0x161: {  	[tilespmem:s21+$0x280] =	vst v3  }
0x162: {  	s16 =	sadd.s32 $0x10, s16;
	[tilespmem:s21+$0x300] =	vst v2  }
0x163: {  	s16 =	sshll.u32 s15, $0x2;
	s17 =	rddreg [dreg:$0xc]  }
0x164: {  	s17 =	sadd.s32 s16, s17  }
0x165: {  	s21 =	sshll.u32 s17, $0x7  }
0x166: {  	s17 =	sshll.u32 s17, $0xA;
	s21 =	sand.u32 $0xE00, s21  }
0x167: {  	s17 =	sand.u32 $0xFFF8000, s17;
	s21 =	sadd.s32 s3, s21  }
0x168: {  	s24 =	simm.s32 $0x10200;
	s23 =	rddreg [dreg:$0xd];
	s17 =	sadd.s32 s17, s21  }
0x169: {  	[hbm4b:s17+s13] =	stream.strided.scatter [tilespmem:s24], [sflag:$0x9], $0x2000, s18, s13, $0x38;
	[tilespmem:$0x18200] =	vst v63  }
0x16a: {  	s17 =	sadd.s32 s16, s23  }
0x16b: {  	s24 =	sshll.u32 s17, $0x4;
	s23 =	sshll.u32 s17, $0x7;
	s17 =	sshrl.u32 s17, $0x1  }
0x16c: {  	s21 =	sand.u32 $0xFFFF000, s24;
	s23 =	sand.u32 $0xE00, s23;
	s17 =	sand.u32 $0x70, s17  }
0x16d: {  	s21 =	sor.u32 s21, s23;
	s17 =	sadd.s32 s2, s17  }
0x16e: {  	s21 =	sadd.s32 s21, s17;
	s17 =	simm.s32 $0x0  }
0x16f: {  	[tilespmem:s17], [sflag:$0x1] =	stream.linear.gather [hbm4b:s21+s17], $0x80, $0x38;
	[tilespmem:$0x18200] =	vst v63  }
0x170: {  	_ =	swait.ge [sflag:s20], $0x80  }
0x171: {  	[sflag:s20] =	ssyncset.done $0x0  }
0x172: {  	[sflag:s20] =	ssyncadd.s32 $0xFFFFFF80  }
0x173: {  	[tilespmem:s22], [sflag:$0x7] =	stream.indirect.gather [hbm4b:s5+s1], $0x80, s8, s1, $0xb8;
	[tilespmem:$0x18200] =	vst v63  }
0x174: {  	_ =	swait.ge [sflag:s26], $0x4000  }
0x175: {  	[sflag:s26] =	ssyncset.done $0x0  }
0x176: {  	[sflag:s26] =	ssyncadd.s32 $0xFFFFC000  }
0x177: {  	_ =	swait.ge [sflag:s28], $0x2000  }
0x178: {  	[sflag:s28] =	ssyncset.done $0x0  }
0x179: {  	s23 =	simm.s32 $0x12980;
	[sflag:s28] =	ssyncadd.s32 $0xFFFFE000  }
.LBB2_23:
0x17a: {  	s21 =	sshll.u32 s17, $0x4  }
0x17b: {  	v1 =	vmov s21  }
0x17c: {  	v1 =	vshll.u32 v1, $0x7  }
0x17d: {  	v4 =	vor.u32 v0, v1  }
0x17e: {  	v2 =	vor.u32 $0xF, v4  }
0x17f: {  	v3 =	vor.u32 $0x1, v4  }
0x180: {  	v5 =	vor.u32 $0x2, v4  }
0x181: {  	v6 =	vor.u32 $0x3, v4  }
0x182: {  	v7 =	vor.u32 $0x4, v4;
	v1 =	vld.idx.msk [tilespmem:v4+s10+$0x0], $0xffff  }
0x183: {  	v8 =	vor.u32 $0x5, v4;
	v2 =	vld.idx.msk [tilespmem:v2+s10+$0x0], $0xffff  }
0x184: {  	v9 =	vor.u32 $0x6, v4;
	v3 =	vld.idx.msk [tilespmem:v3+s10+$0x0], $0xffff  }
0x185: {  	v10 =	vor.u32 $0x7, v4;
	v5 =	vld.idx.msk [tilespmem:v5+s10+$0x0], $0xffff  }
0x186: {  	v13 =	vor.u32 $0x8, v4;
	v14 =	vld.idx.msk [tilespmem:v6+s10+$0x0], $0xffff  }
0x187: {  	v15 =	vor.u32 $0x9, v4;
	v16 =	vld.idx.msk [tilespmem:v7+s10+$0x0], $0xffff  }
0x188: {  	v17 =	vor.u32 $0xA, v4;
	v12 =	vld.idx.msk [tilespmem:v8+s10+$0x0], $0xffff  }
0x189: {  	v11 =	vld.idx.msk [tilespmem:v9+s10+$0x0], $0xffff;
	v6 =	vor.u32 $0xB, v4;
	[tilespmem:s23+$0x0] =	vst v2  }
0x18a: {  	v10 =	vld.idx.msk [tilespmem:v10+s10+$0x0], $0xffff;
	[tilespmem:s23+$0xFFFFF980] =	vst v5;
	v5 =	vor.u32 $0xC, v4  }
0x18b: {  	v8 =	vld.idx.msk [tilespmem:v13+s10+$0x0], $0xffff;
	[tilespmem:s23+$0xFFFFF900] =	vst v3;
	v3 =	vor.u32 $0xD, v4  }
0x18c: {  	v7 =	vld.idx.msk [tilespmem:v15+s10+$0x0], $0xffff;
	[tilespmem:s23+$0xFFFFFA00] =	vst v14;
	v2 =	vor.u32 $0xE, v4  }
0x18d: {  	s24 =	simm.s32 $0x0;
	s21 =	smov.u32 s23;
	v9 =	vld.idx.msk [tilespmem:v17+s10+$0x0], $0xffff;
	[tilespmem:s23+$0xFFFFFA80] =	vst v16;
	v4 =	vadd.s32 $0x10, v4  }
.LBB2_24:
0x18e: {  	v13 =	vor.u32 $0x1, v4;
	v14 =	vor.u32 $0x2, v4;
	v15 =	vor.u32 $0xF, v4;
	s24 =	sadd.s32 $0x10, s24;
	[tilespmem:s21+$0xFFFFFB00] =	vst v12;
	v12 =	vld.idx.msk [tilespmem:v6+s10+$0x0], $0xffff  }
0x18f: {  	v16 =	vor.u32 $0x3, v4;
	v17 =	vor.u32 $0x4, v4;
	v18 =	vor.u32 $0x5, v4;
	p0 =	slt.u32 s24, $0x30;
	[tilespmem:s21+$0xFFFFFB80] =	vst v11;
	v11 =	vld.idx.msk [tilespmem:v5+s10+$0x0], $0xffff  }
0x190: {  	v19 =	vor.u32 $0x6, v4;
	v20 =	vor.u32 $0x7, v4;
	v21 =	vor.u32 $0x8, v4;
	[tilespmem:s21+$0xFFFFFC00] =	vst v10;
	v10 =	vld.idx.msk [tilespmem:v3+s10+$0x0], $0xffff  }
0x191: {  	v22 =	vor.u32 $0x9, v4;
	v23 =	vor.u32 $0xA, v4;
	v6 =	vor.u32 $0xB, v4;
	[tilespmem:s21+$0xFFFFFC80] =	vst v8;
	v8 =	vld.idx.msk [tilespmem:v2+s10+$0x0], $0xffff  }
0x192: {  	v5 =	vor.u32 $0xC, v4;
	v3 =	vor.u32 $0xD, v4;
	v2 =	vor.u32 $0xE, v4;
	v24 =	vld.idx.msk [tilespmem:v4+s10+$0x0], $0xffff;
	[tilespmem:s21+$0xFFFFFD00] =	vst v7  }
0x193: {  	v7 =	vld.idx.msk [tilespmem:v15+s10+$0x0], $0xffff;
	[tilespmem:s21+$0xFFFFFD80] =	vst v9  }
0x194: {  	v9 =	vld.idx.msk [tilespmem:v13+s10+$0x0], $0xffff;
	[tilespmem:s21+$0xFFFFFE00] =	vst v12  }
0x195: {  	v13 =	vld.idx.msk [tilespmem:v14+s10+$0x0], $0xffff;
	[tilespmem:s21+$0xFFFFFE80] =	vst v11  }
0x196: {  	v14 =	vld.idx.msk [tilespmem:v16+s10+$0x0], $0xffff;
	[tilespmem:s21+$0xFFFFFF00] =	vst v10  }
0x197: {  	v15 =	vld.idx.msk [tilespmem:v17+s10+$0x0], $0xffff;
	[tilespmem:s21+$0xFFFFFF80] =	vst v8  }
0x198: {  	v12 =	vld.idx.msk [tilespmem:v18+s10+$0x0], $0xffff;
	[tilespmem:s21+$0xFFFFF880] =	vst v1;
	s21 =	sadd.s32 $0x800, s21;
	v1 =	vmov v24  }
.Ltmp10:
0x199: {  	v11 =	vld.idx.msk [tilespmem:v19+s10+$0x0], $0xffff;
	[tilespmem:s21+$0x0] =	vst v7;
	(pc) =	sbr.rel @p0 .LBB2_24-.Ltmp10, $4  }
0x19a: {  	[tilespmem:s21+$0xFFFFF900] =	vst v9;
	v10 =	vld.idx.msk [tilespmem:v20+s10+$0x0], $0xffff  }
0x19b: {  	[tilespmem:s21+$0xFFFFF980] =	vst v13;
	v8 =	vld.idx.msk [tilespmem:v21+s10+$0x0], $0xffff  }
0x19c: {  	[tilespmem:s21+$0xFFFFFA00] =	vst v14;
	v7 =	vld.idx.msk [tilespmem:v22+s10+$0x0], $0xffff  }
0x19d: {  	v4 =	vadd.s32 $0x10, v4;
	[tilespmem:s21+$0xFFFFFA80] =	vst v15;
	v9 =	vld.idx.msk [tilespmem:v23+s10+$0x0], $0xffff  }
0x19e: {  	_ =	sdelay $0x1  }
0x19f: {  	[tilespmem:s21+$0xFFFFFB00] =	vst v12  }
0x1a0: {  	[tilespmem:s21+$0xFFFFFB80] =	vst v11  }
0x1a1: {  	v4 =	vld.idx.msk [tilespmem:v6+s10+$0x0], $0xffff;
	[tilespmem:s21+$0xFFFFF880] =	vst v1  }
0x1a2: {  	v5 =	vld.idx.msk [tilespmem:v5+s10+$0x0], $0xffff;
	[tilespmem:s21+$0xFFFFFC00] =	vst v10  }
0x1a3: {  	v3 =	vld.idx.msk [tilespmem:v3+s10+$0x0], $0xffff;
	s17 =	sadd.s32 $0x1, s17;
	[tilespmem:s21+$0xFFFFFC80] =	vst v8  }
0x1a4: {  	v2 =	vld.idx.msk [tilespmem:v2+s10+$0x0], $0xffff;
	p0 =	sne.s32 s17, $0x8;
	[tilespmem:s21+$0xFFFFFD00] =	vst v7  }
.Ltmp11:
0x1a5: {  	[tilespmem:s21+$0xFFFFFD80] =	vst v9;
	(pc) =	sbr.rel @p0 .LBB2_23-.Ltmp11, $4  }
0x1a6: {  	[tilespmem:s21+$0xFFFFFE00] =	vst v4  }
0x1a7: {  	[tilespmem:s21+$0xFFFFFE80] =	vst v5  }
0x1a8: {  	[tilespmem:s21+$0xFFFFFF00] =	vst v3  }
0x1a9: {  	s23 =	sadd.s32 $0x10, s23;
	[tilespmem:s21+$0xFFFFFF80] =	vst v2  }
0x1aa: {  	s17 =	rddreg [dreg:$0xf]  }
0x1ab: {  	s17 =	sadd.s32 s16, s17  }
0x1ac: {  	s21 =	sshll.u32 s17, $0x7  }
0x1ad: {  	s17 =	sshll.u32 s17, $0xA;
	s21 =	sand.u32 $0xE80, s21  }
0x1ae: {  	s17 =	sand.u32 $0xFFF8000, s17;
	s21 =	sadd.s32 s3, s21  }
0x1af: {  	s24 =	simm.s32 $0x12200;
	s23 =	rddreg [dreg:$0x13];
	s17 =	sadd.s32 s17, s21  }
0x1b0: {  	[hbm4b:s17+s13] =	stream.strided.scatter [tilespmem:s24], [sflag:$0xA], $0x2000, s18, s13, $0x38;
	[tilespmem:$0x18200] =	vst v63  }
0x1b1: {  	s17 =	sadd.s32 s16, s23  }
0x1b2: {  	s24 =	sshll.u32 s17, $0x4;
	s23 =	sshll.u32 s17, $0x7;
	s17 =	sshrl.u32 s17, $0x1  }
0x1b3: {  	s21 =	sand.u32 $0xFFFF000, s24;
	s23 =	sand.u32 $0xE80, s23;
	s17 =	sand.u32 $0x70, s17  }
0x1b4: {  	s21 =	sor.u32 s21, s23;
	s17 =	sadd.s32 s2, s17  }
0x1b5: {  	s21 =	sadd.s32 s21, s17;
	s17 =	simm.s32 $0x0  }
0x1b6: {  	[tilespmem:s1], [sflag:$0x2] =	stream.linear.gather [hbm4b:s21+s17], $0x80, $0x38;
	[tilespmem:$0x18200] =	vst v63  }
0x1b7: {  	_ =	swait.ge [sflag:s29], $0x80  }
0x1b8: {  	[sflag:s29] =	ssyncset.done $0x0  }
0x1b9: {  	[sflag:s29] =	ssyncadd.s32 $0xFFFFFF80  }
0x1ba: {  	[tilespmem:s30], [sflag:$0x8] =	stream.indirect.gather [hbm4b:s5+s1], $0x80, s11, s1, $0xb8;
	[tilespmem:$0x18200] =	vst v63  }
0x1bb: {  	_ =	swait.ge [sflag:s31], $0x4000  }
0x1bc: {  	[sflag:s31] =	ssyncset.done $0x0  }
0x1bd: {  	[sflag:s31] =	ssyncadd.s32 $0xFFFFC000  }
0x1be: {  	_ =	swait.ge [sflag:s4], $0x2000  }
0x1bf: {  	[sflag:s4] =	ssyncset.done $0x0  }
0x1c0: {  	s21 =	simm.s32 $0x14980;
	[sflag:s4] =	ssyncadd.s32 $0xFFFFE000  }
.LBB2_27:
0x1c1: {  	s23 =	sshll.u32 s17, $0x4  }
0x1c2: {  	v1 =	vmov s23  }
0x1c3: {  	v1 =	vshll.u32 v1, $0x7  }
0x1c4: {  	v4 =	vor.u32 v0, v1  }
0x1c5: {  	v2 =	vor.u32 $0xF, v4  }
0x1c6: {  	v3 =	vor.u32 $0x1, v4  }
0x1c7: {  	v5 =	vor.u32 $0x2, v4  }
0x1c8: {  	v6 =	vor.u32 $0x3, v4  }
0x1c9: {  	v7 =	vor.u32 $0x4, v4;
	v1 =	vld.idx.msk [tilespmem:v4+s22+$0x0], $0xffff  }
0x1ca: {  	v8 =	vor.u32 $0x5, v4;
	v2 =	vld.idx.msk [tilespmem:v2+s22+$0x0], $0xffff  }
0x1cb: {  	v9 =	vor.u32 $0x6, v4;
	v3 =	vld.idx.msk [tilespmem:v3+s22+$0x0], $0xffff  }
0x1cc: {  	v10 =	vor.u32 $0x7, v4;
	v5 =	vld.idx.msk [tilespmem:v5+s22+$0x0], $0xffff  }
0x1cd: {  	v13 =	vor.u32 $0x8, v4;
	v14 =	vld.idx.msk [tilespmem:v6+s22+$0x0], $0xffff  }
0x1ce: {  	v15 =	vor.u32 $0x9, v4;
	v16 =	vld.idx.msk [tilespmem:v7+s22+$0x0], $0xffff  }
0x1cf: {  	v17 =	vor.u32 $0xA, v4;
	v12 =	vld.idx.msk [tilespmem:v8+s22+$0x0], $0xffff  }
0x1d0: {  	v11 =	vld.idx.msk [tilespmem:v9+s22+$0x0], $0xffff;
	v6 =	vor.u32 $0xB, v4;
	[tilespmem:s21+$0x0] =	vst v2  }
0x1d1: {  	v10 =	vld.idx.msk [tilespmem:v10+s22+$0x0], $0xffff;
	[tilespmem:s21+$0xFFFFF980] =	vst v5;
	v5 =	vor.u32 $0xC, v4  }
0x1d2: {  	v8 =	vld.idx.msk [tilespmem:v13+s22+$0x0], $0xffff;
	[tilespmem:s21+$0xFFFFF900] =	vst v3;
	v3 =	vor.u32 $0xD, v4  }
0x1d3: {  	v7 =	vld.idx.msk [tilespmem:v15+s22+$0x0], $0xffff;
	[tilespmem:s21+$0xFFFFFA00] =	vst v14;
	v2 =	vor.u32 $0xE, v4  }
0x1d4: {  	s24 =	simm.s32 $0x0;
	s23 =	smov.u32 s21;
	v9 =	vld.idx.msk [tilespmem:v17+s22+$0x0], $0xffff;
	[tilespmem:s21+$0xFFFFFA80] =	vst v16;
	v4 =	vadd.s32 $0x10, v4  }
.LBB2_28:
0x1d5: {  	v13 =	vor.u32 $0x1, v4;
	v14 =	vor.u32 $0x2, v4;
	v15 =	vor.u32 $0xF, v4;
	s24 =	sadd.s32 $0x10, s24;
	[tilespmem:s23+$0xFFFFFB00] =	vst v12;
	v12 =	vld.idx.msk [tilespmem:v6+s22+$0x0], $0xffff  }
0x1d6: {  	v16 =	vor.u32 $0x3, v4;
	v17 =	vor.u32 $0x4, v4;
	v18 =	vor.u32 $0x5, v4;
	p0 =	slt.u32 s24, $0x30;
	[tilespmem:s23+$0xFFFFFB80] =	vst v11;
	v11 =	vld.idx.msk [tilespmem:v5+s22+$0x0], $0xffff  }
0x1d7: {  	v19 =	vor.u32 $0x6, v4;
	v20 =	vor.u32 $0x7, v4;
	v21 =	vor.u32 $0x8, v4;
	[tilespmem:s23+$0xFFFFFC00] =	vst v10;
	v10 =	vld.idx.msk [tilespmem:v3+s22+$0x0], $0xffff  }
0x1d8: {  	v22 =	vor.u32 $0x9, v4;
	v23 =	vor.u32 $0xA, v4;
	v6 =	vor.u32 $0xB, v4;
	[tilespmem:s23+$0xFFFFFC80] =	vst v8;
	v8 =	vld.idx.msk [tilespmem:v2+s22+$0x0], $0xffff  }
0x1d9: {  	v5 =	vor.u32 $0xC, v4;
	v3 =	vor.u32 $0xD, v4;
	v2 =	vor.u32 $0xE, v4;
	v24 =	vld.idx.msk [tilespmem:v4+s22+$0x0], $0xffff;
	[tilespmem:s23+$0xFFFFFD00] =	vst v7  }
0x1da: {  	v7 =	vld.idx.msk [tilespmem:v15+s22+$0x0], $0xffff;
	[tilespmem:s23+$0xFFFFFD80] =	vst v9  }
0x1db: {  	v9 =	vld.idx.msk [tilespmem:v13+s22+$0x0], $0xffff;
	[tilespmem:s23+$0xFFFFFE00] =	vst v12  }
0x1dc: {  	v13 =	vld.idx.msk [tilespmem:v14+s22+$0x0], $0xffff;
	[tilespmem:s23+$0xFFFFFE80] =	vst v11  }
0x1dd: {  	v14 =	vld.idx.msk [tilespmem:v16+s22+$0x0], $0xffff;
	[tilespmem:s23+$0xFFFFFF00] =	vst v10  }
0x1de: {  	v15 =	vld.idx.msk [tilespmem:v17+s22+$0x0], $0xffff;
	[tilespmem:s23+$0xFFFFFF80] =	vst v8  }
0x1df: {  	v12 =	vld.idx.msk [tilespmem:v18+s22+$0x0], $0xffff;
	[tilespmem:s23+$0xFFFFF880] =	vst v1;
	s23 =	sadd.s32 $0x800, s23;
	v1 =	vmov v24  }
.Ltmp12:
0x1e0: {  	v11 =	vld.idx.msk [tilespmem:v19+s22+$0x0], $0xffff;
	[tilespmem:s23+$0x0] =	vst v7;
	(pc) =	sbr.rel @p0 .LBB2_28-.Ltmp12, $4  }
0x1e1: {  	[tilespmem:s23+$0xFFFFF900] =	vst v9;
	v10 =	vld.idx.msk [tilespmem:v20+s22+$0x0], $0xffff  }
0x1e2: {  	[tilespmem:s23+$0xFFFFF980] =	vst v13;
	v8 =	vld.idx.msk [tilespmem:v21+s22+$0x0], $0xffff  }
0x1e3: {  	[tilespmem:s23+$0xFFFFFA00] =	vst v14;
	v7 =	vld.idx.msk [tilespmem:v22+s22+$0x0], $0xffff  }
0x1e4: {  	v4 =	vadd.s32 $0x10, v4;
	[tilespmem:s23+$0xFFFFFA80] =	vst v15;
	v9 =	vld.idx.msk [tilespmem:v23+s22+$0x0], $0xffff  }
0x1e5: {  	_ =	sdelay $0x1  }
0x1e6: {  	[tilespmem:s23+$0xFFFFFB00] =	vst v12  }
0x1e7: {  	[tilespmem:s23+$0xFFFFFB80] =	vst v11  }
0x1e8: {  	v4 =	vld.idx.msk [tilespmem:v6+s22+$0x0], $0xffff;
	[tilespmem:s23+$0xFFFFF880] =	vst v1  }
0x1e9: {  	v5 =	vld.idx.msk [tilespmem:v5+s22+$0x0], $0xffff;
	[tilespmem:s23+$0xFFFFFC00] =	vst v10  }
0x1ea: {  	v3 =	vld.idx.msk [tilespmem:v3+s22+$0x0], $0xffff;
	s17 =	sadd.s32 $0x1, s17;
	[tilespmem:s23+$0xFFFFFC80] =	vst v8  }
0x1eb: {  	v2 =	vld.idx.msk [tilespmem:v2+s22+$0x0], $0xffff;
	p0 =	sne.s32 s17, $0x8;
	[tilespmem:s23+$0xFFFFFD00] =	vst v7  }
.Ltmp13:
0x1ec: {  	[tilespmem:s23+$0xFFFFFD80] =	vst v9;
	(pc) =	sbr.rel @p0 .LBB2_27-.Ltmp13, $4  }
0x1ed: {  	[tilespmem:s23+$0xFFFFFE00] =	vst v4  }
0x1ee: {  	[tilespmem:s23+$0xFFFFFE80] =	vst v5  }
0x1ef: {  	[tilespmem:s23+$0xFFFFFF00] =	vst v3  }
0x1f0: {  	s21 =	sadd.s32 $0x10, s21;
	[tilespmem:s23+$0xFFFFFF80] =	vst v2  }
0x1f1: {  	s17 =	rddreg [dreg:$0xe]  }
0x1f2: {  	s17 =	sadd.s32 s16, s17  }
0x1f3: {  	s21 =	sshll.u32 s17, $0x7  }
0x1f4: {  	s17 =	sshll.u32 s17, $0xA;
	s21 =	sand.u32 $0xF00, s21  }
0x1f5: {  	s17 =	sand.u32 $0xFFF8000, s17;
	s21 =	sadd.s32 s3, s21  }
0x1f6: {  	s24 =	simm.s32 $0x14200;
	s23 =	rddreg [dreg:$0x16];
	s17 =	sadd.s32 s17, s21  }
0x1f7: {  	[hbm4b:s17+s13] =	stream.strided.scatter [tilespmem:s24], [sflag:$0xB], $0x2000, s18, s13, $0x38;
	[tilespmem:$0x18200] =	vst v63  }
0x1f8: {  	s17 =	sadd.s32 s16, s23  }
0x1f9: {  	s24 =	sshll.u32 s17, $0x4;
	s23 =	sshll.u32 s17, $0x7;
	s17 =	sshrl.u32 s17, $0x1  }
0x1fa: {  	s21 =	sand.u32 $0xFFFF000, s24;
	s23 =	sand.u32 $0xF00, s23;
	s17 =	sand.u32 $0x70, s17  }
0x1fb: {  	s21 =	sor.u32 s21, s23;
	s17 =	sadd.s32 s2, s17  }
0x1fc: {  	s21 =	sadd.s32 s21, s17;
	s17 =	simm.s32 $0x0  }
0x1fd: {  	[tilespmem:s8], [sflag:$0x3] =	stream.linear.gather [hbm4b:s21+s17], $0x80, $0x38;
	[tilespmem:$0x18200] =	vst v63  }
0x1fe: {  	_ =	swait.ge [sflag:s0], $0x80  }
0x1ff: {  	[sflag:s0] =	ssyncset.done $0x0  }
0x200: {  	[sflag:s0] =	ssyncadd.s32 $0xFFFFFF80  }
0x201: {  	[tilespmem:s7], [sflag:$0x5] =	stream.indirect.gather [hbm4b:s5+s1], $0x80, s17, s1, $0xb8;
	[tilespmem:$0x18200] =	vst v63  }
0x202: {  	_ =	swait.ge [sflag:s19], $0x4000  }
0x203: {  	[sflag:s19] =	ssyncset.done $0x0  }
0x204: {  	[sflag:s19] =	ssyncadd.s32 $0xFFFFC000  }
0x205: {  	_ =	swait.ge [sflag:s14], $0x2000  }
0x206: {  	[sflag:s14] =	ssyncset.done $0x0  }
0x207: {  	s21 =	simm.s32 $0x16980;
	[sflag:s14] =	ssyncadd.s32 $0xFFFFE000  }
.LBB2_31:
0x208: {  	s23 =	sshll.u32 s17, $0x4  }
0x209: {  	v1 =	vmov s23  }
0x20a: {  	v1 =	vshll.u32 v1, $0x7  }
0x20b: {  	v4 =	vor.u32 v0, v1  }
0x20c: {  	v2 =	vor.u32 $0xF, v4  }
0x20d: {  	v3 =	vor.u32 $0x1, v4  }
0x20e: {  	v5 =	vor.u32 $0x2, v4  }
0x20f: {  	v6 =	vor.u32 $0x3, v4  }
0x210: {  	v7 =	vor.u32 $0x4, v4;
	v1 =	vld.idx.msk [tilespmem:v4+s30+$0x0], $0xffff  }
0x211: {  	v8 =	vor.u32 $0x5, v4;
	v2 =	vld.idx.msk [tilespmem:v2+s30+$0x0], $0xffff  }
0x212: {  	v9 =	vor.u32 $0x6, v4;
	v3 =	vld.idx.msk [tilespmem:v3+s30+$0x0], $0xffff  }
0x213: {  	v10 =	vor.u32 $0x7, v4;
	v5 =	vld.idx.msk [tilespmem:v5+s30+$0x0], $0xffff  }
0x214: {  	v13 =	vor.u32 $0x8, v4;
	v14 =	vld.idx.msk [tilespmem:v6+s30+$0x0], $0xffff  }
0x215: {  	v15 =	vor.u32 $0x9, v4;
	v16 =	vld.idx.msk [tilespmem:v7+s30+$0x0], $0xffff  }
0x216: {  	v17 =	vor.u32 $0xA, v4;
	v12 =	vld.idx.msk [tilespmem:v8+s30+$0x0], $0xffff  }
0x217: {  	v11 =	vld.idx.msk [tilespmem:v9+s30+$0x0], $0xffff;
	v6 =	vor.u32 $0xB, v4;
	[tilespmem:s21+$0x0] =	vst v2  }
0x218: {  	v10 =	vld.idx.msk [tilespmem:v10+s30+$0x0], $0xffff;
	[tilespmem:s21+$0xFFFFF980] =	vst v5;
	v5 =	vor.u32 $0xC, v4  }
0x219: {  	v8 =	vld.idx.msk [tilespmem:v13+s30+$0x0], $0xffff;
	[tilespmem:s21+$0xFFFFF900] =	vst v3;
	v3 =	vor.u32 $0xD, v4  }
0x21a: {  	v7 =	vld.idx.msk [tilespmem:v15+s30+$0x0], $0xffff;
	[tilespmem:s21+$0xFFFFFA00] =	vst v14;
	v2 =	vor.u32 $0xE, v4  }
0x21b: {  	s24 =	simm.s32 $0x0;
	s23 =	smov.u32 s21;
	v9 =	vld.idx.msk [tilespmem:v17+s30+$0x0], $0xffff;
	[tilespmem:s21+$0xFFFFFA80] =	vst v16;
	v4 =	vadd.s32 $0x10, v4  }
.LBB2_32:
0x21c: {  	v13 =	vor.u32 $0x1, v4;
	v14 =	vor.u32 $0x2, v4;
	v15 =	vor.u32 $0xF, v4;
	s24 =	sadd.s32 $0x10, s24;
	[tilespmem:s23+$0xFFFFFB00] =	vst v12;
	v12 =	vld.idx.msk [tilespmem:v6+s30+$0x0], $0xffff  }
0x21d: {  	v16 =	vor.u32 $0x3, v4;
	v17 =	vor.u32 $0x4, v4;
	v18 =	vor.u32 $0x5, v4;
	p0 =	slt.u32 s24, $0x30;
	[tilespmem:s23+$0xFFFFFB80] =	vst v11;
	v11 =	vld.idx.msk [tilespmem:v5+s30+$0x0], $0xffff  }
0x21e: {  	v19 =	vor.u32 $0x6, v4;
	v20 =	vor.u32 $0x7, v4;
	v21 =	vor.u32 $0x8, v4;
	[tilespmem:s23+$0xFFFFFC00] =	vst v10;
	v10 =	vld.idx.msk [tilespmem:v3+s30+$0x0], $0xffff  }
0x21f: {  	v22 =	vor.u32 $0x9, v4;
	v23 =	vor.u32 $0xA, v4;
	v6 =	vor.u32 $0xB, v4;
	[tilespmem:s23+$0xFFFFFC80] =	vst v8;
	v8 =	vld.idx.msk [tilespmem:v2+s30+$0x0], $0xffff  }
0x220: {  	v5 =	vor.u32 $0xC, v4;
	v3 =	vor.u32 $0xD, v4;
	v2 =	vor.u32 $0xE, v4;
	v24 =	vld.idx.msk [tilespmem:v4+s30+$0x0], $0xffff;
	[tilespmem:s23+$0xFFFFFD00] =	vst v7  }
0x221: {  	v7 =	vld.idx.msk [tilespmem:v15+s30+$0x0], $0xffff;
	[tilespmem:s23+$0xFFFFFD80] =	vst v9  }
0x222: {  	v9 =	vld.idx.msk [tilespmem:v13+s30+$0x0], $0xffff;
	[tilespmem:s23+$0xFFFFFE00] =	vst v12  }
0x223: {  	v13 =	vld.idx.msk [tilespmem:v14+s30+$0x0], $0xffff;
	[tilespmem:s23+$0xFFFFFE80] =	vst v11  }
0x224: {  	v14 =	vld.idx.msk [tilespmem:v16+s30+$0x0], $0xffff;
	[tilespmem:s23+$0xFFFFFF00] =	vst v10  }
0x225: {  	v15 =	vld.idx.msk [tilespmem:v17+s30+$0x0], $0xffff;
	[tilespmem:s23+$0xFFFFFF80] =	vst v8  }
0x226: {  	v12 =	vld.idx.msk [tilespmem:v18+s30+$0x0], $0xffff;
	[tilespmem:s23+$0xFFFFF880] =	vst v1;
	s23 =	sadd.s32 $0x800, s23;
	v1 =	vmov v24  }
.Ltmp14:
0x227: {  	v11 =	vld.idx.msk [tilespmem:v19+s30+$0x0], $0xffff;
	[tilespmem:s23+$0x0] =	vst v7;
	(pc) =	sbr.rel @p0 .LBB2_32-.Ltmp14, $4  }
0x228: {  	[tilespmem:s23+$0xFFFFF900] =	vst v9;
	v10 =	vld.idx.msk [tilespmem:v20+s30+$0x0], $0xffff  }
0x229: {  	[tilespmem:s23+$0xFFFFF980] =	vst v13;
	v8 =	vld.idx.msk [tilespmem:v21+s30+$0x0], $0xffff  }
0x22a: {  	[tilespmem:s23+$0xFFFFFA00] =	vst v14;
	v7 =	vld.idx.msk [tilespmem:v22+s30+$0x0], $0xffff  }
0x22b: {  	v4 =	vadd.s32 $0x10, v4;
	[tilespmem:s23+$0xFFFFFA80] =	vst v15;
	v9 =	vld.idx.msk [tilespmem:v23+s30+$0x0], $0xffff  }
0x22c: {  	_ =	sdelay $0x1  }
0x22d: {  	[tilespmem:s23+$0xFFFFFB00] =	vst v12  }
0x22e: {  	[tilespmem:s23+$0xFFFFFB80] =	vst v11  }
0x22f: {  	v4 =	vld.idx.msk [tilespmem:v6+s30+$0x0], $0xffff;
	[tilespmem:s23+$0xFFFFF880] =	vst v1  }
0x230: {  	v5 =	vld.idx.msk [tilespmem:v5+s30+$0x0], $0xffff;
	[tilespmem:s23+$0xFFFFFC00] =	vst v10  }
0x231: {  	v3 =	vld.idx.msk [tilespmem:v3+s30+$0x0], $0xffff;
	s17 =	sadd.s32 $0x1, s17;
	[tilespmem:s23+$0xFFFFFC80] =	vst v8  }
0x232: {  	v2 =	vld.idx.msk [tilespmem:v2+s30+$0x0], $0xffff;
	p0 =	sne.s32 s17, $0x8;
	[tilespmem:s23+$0xFFFFFD00] =	vst v7  }
.Ltmp15:
0x233: {  	[tilespmem:s23+$0xFFFFFD80] =	vst v9;
	(pc) =	sbr.rel @p0 .LBB2_31-.Ltmp15, $4  }
0x234: {  	[tilespmem:s23+$0xFFFFFE00] =	vst v4  }
0x235: {  	[tilespmem:s23+$0xFFFFFE80] =	vst v5  }
0x236: {  	[tilespmem:s23+$0xFFFFFF00] =	vst v3  }
0x237: {  	s21 =	sadd.s32 $0x10, s21;
	[tilespmem:s23+$0xFFFFFF80] =	vst v2  }
0x238: {  	s17 =	rddreg [dreg:$0x15]  }
0x239: {  	s17 =	sadd.s32 s16, s17  }
0x23a: {  	s21 =	sshll.u32 s17, $0x7  }
0x23b: {  	s17 =	sshll.u32 s17, $0xA;
	s21 =	sand.u32 $0xF80, s21  }
0x23c: {  	s17 =	sand.u32 $0xFFF8000, s17;
	s21 =	sadd.s32 s3, s21  }
0x23d: {  	s24 =	simm.s32 $0x16200;
	s17 =	sadd.s32 s17, s21  }
0x23e: {  	[hbm4b:s17+s13] =	stream.strided.scatter [tilespmem:s24], [sflag:$0xC], $0x2000, s18, s13, $0x38;
	[tilespmem:$0x18200] =	vst v63  }
0x23f: {  	s17 =	sadd.s32 s16, s25  }
0x240: {  	s21 =	sshll.u32 s17, $0x4;
	s23 =	sshll.u32 s17, $0x7;
	s16 =	sshrl.u32 s17, $0x1  }
0x241: {  	s17 =	sand.u32 $0xFFFF000, s21;
	s21 =	sand.u32 $0xF80, s23;
	s16 =	sand.u32 $0x70, s16  }
0x242: {  	s15 =	sadd.s32 $0x1, s15;
	s17 =	sor.u32 s17, s21;
	s16 =	sadd.s32 s2, s16  }
0x243: {  	p0 =	sne.s32 s15, $0x30;
	s24 =	simm.s32 $0x0;
	s16 =	sadd.s32 s17, s16  }
0x244: {  	[tilespmem:s11], [sflag:$0x4] =	stream.linear.gather [hbm4b:s16+s24], $0x80, $0x38;
	[tilespmem:$0x18200] =	vst v63  }
.Ltmp16:
0x245: {  	_ = 	snop;
	(pc) =	sbr.rel @p0 .LBB2_18-.Ltmp16, $4  }
0x246: {  	_ =	swait.ge [sflag:s9], $0x80  }
0x247: {  	[sflag:s9] =	ssyncset.done $0x0  }
0x248: {  	[sflag:s9] =	ssyncadd.s32 $0xFFFFFF80  }
0x249: {  	[tilespmem:s10], [sflag:$0x6] =	stream.indirect.gather [hbm4b:s5+s1], $0x80, s1, s1, $0xb8;
	[tilespmem:$0x18200] =	vst v63  }
0x24a: {  	_ =	swait.ge [sflag:s12], $0x4000  }
0x24b: {  	[sflag:s12] =	ssyncset.done $0x0  }
0x24c: {  	[sflag:s12] =	ssyncadd.s32 $0xFFFFC000  }
0x24d: {  	_ =	swait.ge [sflag:s6], $0x2000  }
0x24e: {  	[sflag:s6] =	ssyncset.done $0x0  }
0x24f: {  	s15 =	simm.s32 $0x0;
	s16 =	simm.s32 $0x10600;
	[sflag:s6] =	ssyncadd.s32 $0xFFFFE000  }
.LBB2_36:
0x250: {  	s17 =	sshll.u32 s15, $0x4  }
0x251: {  	v1 =	vmov s17  }
0x252: {  	v1 =	vshll.u32 v1, $0x7  }
0x253: {  	v4 =	vor.u32 v0, v1  }
0x254: {  	v2 =	vor.u32 $0xF, v4  }
0x255: {  	v3 =	vor.u32 $0x1, v4  }
0x256: {  	v5 =	vor.u32 $0x2, v4  }
0x257: {  	v6 =	vor.u32 $0x3, v4  }
0x258: {  	v7 =	vor.u32 $0x4, v4;
	v1 =	vld.idx.msk [tilespmem:v4+s7+$0x0], $0xffff  }
0x259: {  	v8 =	vor.u32 $0x5, v4;
	v2 =	vld.idx.msk [tilespmem:v2+s7+$0x0], $0xffff  }
0x25a: {  	v9 =	vor.u32 $0x6, v4;
	v3 =	vld.idx.msk [tilespmem:v3+s7+$0x0], $0xffff  }
0x25b: {  	v10 =	vor.u32 $0x7, v4;
	v5 =	vld.idx.msk [tilespmem:v5+s7+$0x0], $0xffff  }
0x25c: {  	v13 =	vor.u32 $0x8, v4;
	v14 =	vld.idx.msk [tilespmem:v6+s7+$0x0], $0xffff  }
0x25d: {  	v15 =	vor.u32 $0x9, v4;
	v16 =	vld.idx.msk [tilespmem:v7+s7+$0x0], $0xffff  }
0x25e: {  	v17 =	vor.u32 $0xA, v4;
	v12 =	vld.idx.msk [tilespmem:v8+s7+$0x0], $0xffff  }
0x25f: {  	v11 =	vld.idx.msk [tilespmem:v9+s7+$0x0], $0xffff;
	v6 =	vor.u32 $0xB, v4;
	[tilespmem:s16+$0x380] =	vst v2  }
0x260: {  	v10 =	vld.idx.msk [tilespmem:v10+s7+$0x0], $0xffff;
	[tilespmem:s16+$0xFFFFFD00] =	vst v5;
	v5 =	vor.u32 $0xC, v4  }
0x261: {  	v8 =	vld.idx.msk [tilespmem:v13+s7+$0x0], $0xffff;
	[tilespmem:s16+$0xFFFFFC80] =	vst v3;
	v3 =	vor.u32 $0xD, v4  }
0x262: {  	v7 =	vld.idx.msk [tilespmem:v15+s7+$0x0], $0xffff;
	[tilespmem:s16+$0xFFFFFD80] =	vst v14;
	v2 =	vor.u32 $0xE, v4  }
0x263: {  	s21 =	simm.s32 $0x0;
	s17 =	smov.u32 s16;
	v9 =	vld.idx.msk [tilespmem:v17+s7+$0x0], $0xffff;
	[tilespmem:s16+$0xFFFFFE00] =	vst v16;
	v4 =	vadd.s32 $0x10, v4  }
.LBB2_37:
0x264: {  	v13 =	vor.u32 $0x1, v4;
	v14 =	vor.u32 $0x2, v4;
	v15 =	vor.u32 $0xF, v4;
	s21 =	sadd.s32 $0x10, s21;
	[tilespmem:s17+$0xFFFFFE80] =	vst v12;
	v12 =	vld.idx.msk [tilespmem:v6+s7+$0x0], $0xffff  }
0x265: {  	v16 =	vor.u32 $0x3, v4;
	v17 =	vor.u32 $0x4, v4;
	v18 =	vor.u32 $0x5, v4;
	p0 =	slt.u32 s21, $0x30;
	[tilespmem:s17+$0xFFFFFF00] =	vst v11;
	v11 =	vld.idx.msk [tilespmem:v5+s7+$0x0], $0xffff  }
0x266: {  	v19 =	vor.u32 $0x6, v4;
	v20 =	vor.u32 $0x7, v4;
	v21 =	vor.u32 $0x8, v4;
	[tilespmem:s17+$0xFFFFFF80] =	vst v10;
	v10 =	vld.idx.msk [tilespmem:v3+s7+$0x0], $0xffff  }
0x267: {  	v22 =	vor.u32 $0x9, v4;
	v23 =	vor.u32 $0xA, v4;
	v6 =	vor.u32 $0xB, v4;
	[tilespmem:s17+$0x0] =	vst v8;
	v8 =	vld.idx.msk [tilespmem:v2+s7+$0x0], $0xffff  }
0x268: {  	v5 =	vor.u32 $0xC, v4;
	v3 =	vor.u32 $0xD, v4;
	v2 =	vor.u32 $0xE, v4;
	v24 =	vld.idx.msk [tilespmem:v4+s7+$0x0], $0xffff;
	[tilespmem:s17+$0x80] =	vst v7  }
0x269: {  	v7 =	vld.idx.msk [tilespmem:v15+s7+$0x0], $0xffff;
	[tilespmem:s17+$0x100] =	vst v9  }
0x26a: {  	v9 =	vld.idx.msk [tilespmem:v13+s7+$0x0], $0xffff;
	[tilespmem:s17+$0x180] =	vst v12  }
0x26b: {  	v13 =	vld.idx.msk [tilespmem:v14+s7+$0x0], $0xffff;
	[tilespmem:s17+$0x200] =	vst v11  }
0x26c: {  	v14 =	vld.idx.msk [tilespmem:v16+s7+$0x0], $0xffff;
	[tilespmem:s17+$0x280] =	vst v10  }
0x26d: {  	v15 =	vld.idx.msk [tilespmem:v17+s7+$0x0], $0xffff;
	[tilespmem:s17+$0x300] =	vst v8  }
0x26e: {  	v12 =	vld.idx.msk [tilespmem:v18+s7+$0x0], $0xffff;
	[tilespmem:s17+$0xFFFFFC00] =	vst v1;
	s17 =	sadd.s32 $0x800, s17;
	v1 =	vmov v24  }
.Ltmp17:
0x26f: {  	v11 =	vld.idx.msk [tilespmem:v19+s7+$0x0], $0xffff;
	[tilespmem:s17+$0x380] =	vst v7;
	(pc) =	sbr.rel @p0 .LBB2_37-.Ltmp17, $4  }
0x270: {  	[tilespmem:s17+$0xFFFFFC80] =	vst v9;
	v10 =	vld.idx.msk [tilespmem:v20+s7+$0x0], $0xffff  }
0x271: {  	[tilespmem:s17+$0xFFFFFD00] =	vst v13;
	v8 =	vld.idx.msk [tilespmem:v21+s7+$0x0], $0xffff  }
0x272: {  	[tilespmem:s17+$0xFFFFFD80] =	vst v14;
	v7 =	vld.idx.msk [tilespmem:v22+s7+$0x0], $0xffff  }
0x273: {  	v4 =	vadd.s32 $0x10, v4;
	[tilespmem:s17+$0xFFFFFE00] =	vst v15;
	v9 =	vld.idx.msk [tilespmem:v23+s7+$0x0], $0xffff  }
0x274: {  	_ =	sdelay $0x1  }
0x275: {  	[tilespmem:s17+$0xFFFFFE80] =	vst v12  }
0x276: {  	[tilespmem:s17+$0xFFFFFF00] =	vst v11  }
0x277: {  	v4 =	vld.idx.msk [tilespmem:v6+s7+$0x0], $0xffff;
	[tilespmem:s17+$0xFFFFFC00] =	vst v1  }
0x278: {  	v5 =	vld.idx.msk [tilespmem:v5+s7+$0x0], $0xffff;
	[tilespmem:s17+$0xFFFFFF80] =	vst v10  }
0x279: {  	v3 =	vld.idx.msk [tilespmem:v3+s7+$0x0], $0xffff;
	s15 =	sadd.s32 $0x1, s15;
	[tilespmem:s17+$0x0] =	vst v8  }
0x27a: {  	v2 =	vld.idx.msk [tilespmem:v2+s7+$0x0], $0xffff;
	p0 =	sne.s32 s15, $0x8;
	[tilespmem:s17+$0x80] =	vst v7  }
.Ltmp18:
0x27b: {  	[tilespmem:s17+$0x100] =	vst v9;
	(pc) =	sbr.rel @p0 .LBB2_36-.Ltmp18, $4  }
0x27c: {  	[tilespmem:s17+$0x180] =	vst v4  }
0x27d: {  	[tilespmem:s17+$0x200] =	vst v5  }
0x27e: {  	[tilespmem:s17+$0x280] =	vst v3  }
0x27f: {  	s16 =	sadd.s32 $0x10, s16;
	[tilespmem:s17+$0x300] =	vst v2  }
0x280: {  	s15 =	rddreg [dreg:$0x10];
	s16 =	simm.s32 $0x10200  }
0x281: {  	[hbm4b:s15+s13] =	stream.strided.scatter [tilespmem:s16], [sflag:$0x9], $0x2000, s18, s13, $0x38;
	[tilespmem:$0x18200] =	vst v63  }
0x282: {  	_ =	swait.ge [sflag:s20], $0x80  }
0x283: {  	[sflag:s20] =	ssyncset.done $0x0  }
0x284: {  	[sflag:s20] =	ssyncadd.s32 $0xFFFFFF80  }
0x285: {  	[tilespmem:s22], [sflag:$0x7] =	stream.indirect.gather [hbm4b:s5+s1], $0x80, s8, s1, $0xb8;
	[tilespmem:$0x18200] =	vst v63  }
0x286: {  	_ =	swait.ge [sflag:s26], $0x4000  }
0x287: {  	[sflag:s26] =	ssyncset.done $0x0  }
0x288: {  	[sflag:s26] =	ssyncadd.s32 $0xFFFFC000  }
0x289: {  	_ =	swait.ge [sflag:s28], $0x2000  }
0x28a: {  	[sflag:s28] =	ssyncset.done $0x0  }
0x28b: {  	s15 =	simm.s32 $0x0;
	s16 =	simm.s32 $0x12980;
	[sflag:s28] =	ssyncadd.s32 $0xFFFFE000  }
.LBB2_40:
0x28c: {  	s17 =	sshll.u32 s15, $0x4  }
0x28d: {  	v1 =	vmov s17  }
0x28e: {  	v1 =	vshll.u32 v1, $0x7  }
0x28f: {  	v4 =	vor.u32 v0, v1  }
0x290: {  	v2 =	vor.u32 $0xF, v4  }
0x291: {  	v3 =	vor.u32 $0x1, v4  }
0x292: {  	v5 =	vor.u32 $0x2, v4  }
0x293: {  	v6 =	vor.u32 $0x3, v4  }
0x294: {  	v7 =	vor.u32 $0x4, v4;
	v1 =	vld.idx.msk [tilespmem:v4+s10+$0x0], $0xffff  }
0x295: {  	v8 =	vor.u32 $0x5, v4;
	v2 =	vld.idx.msk [tilespmem:v2+s10+$0x0], $0xffff  }
0x296: {  	v9 =	vor.u32 $0x6, v4;
	v3 =	vld.idx.msk [tilespmem:v3+s10+$0x0], $0xffff  }
0x297: {  	v10 =	vor.u32 $0x7, v4;
	v5 =	vld.idx.msk [tilespmem:v5+s10+$0x0], $0xffff  }
0x298: {  	v13 =	vor.u32 $0x8, v4;
	v14 =	vld.idx.msk [tilespmem:v6+s10+$0x0], $0xffff  }
0x299: {  	v15 =	vor.u32 $0x9, v4;
	v16 =	vld.idx.msk [tilespmem:v7+s10+$0x0], $0xffff  }
0x29a: {  	v17 =	vor.u32 $0xA, v4;
	v12 =	vld.idx.msk [tilespmem:v8+s10+$0x0], $0xffff  }
0x29b: {  	v11 =	vld.idx.msk [tilespmem:v9+s10+$0x0], $0xffff;
	v6 =	vor.u32 $0xB, v4;
	[tilespmem:s16+$0x0] =	vst v2  }
0x29c: {  	v10 =	vld.idx.msk [tilespmem:v10+s10+$0x0], $0xffff;
	[tilespmem:s16+$0xFFFFF980] =	vst v5;
	v5 =	vor.u32 $0xC, v4  }
0x29d: {  	v8 =	vld.idx.msk [tilespmem:v13+s10+$0x0], $0xffff;
	[tilespmem:s16+$0xFFFFF900] =	vst v3;
	v3 =	vor.u32 $0xD, v4  }
0x29e: {  	v7 =	vld.idx.msk [tilespmem:v15+s10+$0x0], $0xffff;
	[tilespmem:s16+$0xFFFFFA00] =	vst v14;
	v2 =	vor.u32 $0xE, v4  }
0x29f: {  	s21 =	simm.s32 $0x0;
	s17 =	smov.u32 s16;
	v9 =	vld.idx.msk [tilespmem:v17+s10+$0x0], $0xffff;
	[tilespmem:s16+$0xFFFFFA80] =	vst v16;
	v4 =	vadd.s32 $0x10, v4  }
.LBB2_41:
0x2a0: {  	v13 =	vor.u32 $0x1, v4;
	v14 =	vor.u32 $0x2, v4;
	v15 =	vor.u32 $0xF, v4;
	s21 =	sadd.s32 $0x10, s21;
	[tilespmem:s17+$0xFFFFFB00] =	vst v12;
	v12 =	vld.idx.msk [tilespmem:v6+s10+$0x0], $0xffff  }
0x2a1: {  	v16 =	vor.u32 $0x3, v4;
	v17 =	vor.u32 $0x4, v4;
	v18 =	vor.u32 $0x5, v4;
	p0 =	slt.u32 s21, $0x30;
	[tilespmem:s17+$0xFFFFFB80] =	vst v11;
	v11 =	vld.idx.msk [tilespmem:v5+s10+$0x0], $0xffff  }
0x2a2: {  	v19 =	vor.u32 $0x6, v4;
	v20 =	vor.u32 $0x7, v4;
	v21 =	vor.u32 $0x8, v4;
	[tilespmem:s17+$0xFFFFFC00] =	vst v10;
	v10 =	vld.idx.msk [tilespmem:v3+s10+$0x0], $0xffff  }
0x2a3: {  	v22 =	vor.u32 $0x9, v4;
	v23 =	vor.u32 $0xA, v4;
	v6 =	vor.u32 $0xB, v4;
	[tilespmem:s17+$0xFFFFFC80] =	vst v8;
	v8 =	vld.idx.msk [tilespmem:v2+s10+$0x0], $0xffff  }
0x2a4: {  	v5 =	vor.u32 $0xC, v4;
	v3 =	vor.u32 $0xD, v4;
	v2 =	vor.u32 $0xE, v4;
	v24 =	vld.idx.msk [tilespmem:v4+s10+$0x0], $0xffff;
	[tilespmem:s17+$0xFFFFFD00] =	vst v7  }
0x2a5: {  	v7 =	vld.idx.msk [tilespmem:v15+s10+$0x0], $0xffff;
	[tilespmem:s17+$0xFFFFFD80] =	vst v9  }
0x2a6: {  	v9 =	vld.idx.msk [tilespmem:v13+s10+$0x0], $0xffff;
	[tilespmem:s17+$0xFFFFFE00] =	vst v12  }
0x2a7: {  	v13 =	vld.idx.msk [tilespmem:v14+s10+$0x0], $0xffff;
	[tilespmem:s17+$0xFFFFFE80] =	vst v11  }
0x2a8: {  	v14 =	vld.idx.msk [tilespmem:v16+s10+$0x0], $0xffff;
	[tilespmem:s17+$0xFFFFFF00] =	vst v10  }
0x2a9: {  	v15 =	vld.idx.msk [tilespmem:v17+s10+$0x0], $0xffff;
	[tilespmem:s17+$0xFFFFFF80] =	vst v8  }
0x2aa: {  	v12 =	vld.idx.msk [tilespmem:v18+s10+$0x0], $0xffff;
	[tilespmem:s17+$0xFFFFF880] =	vst v1;
	s17 =	sadd.s32 $0x800, s17;
	v1 =	vmov v24  }
.Ltmp19:
0x2ab: {  	v11 =	vld.idx.msk [tilespmem:v19+s10+$0x0], $0xffff;
	[tilespmem:s17+$0x0] =	vst v7;
	(pc) =	sbr.rel @p0 .LBB2_41-.Ltmp19, $4  }
0x2ac: {  	[tilespmem:s17+$0xFFFFF900] =	vst v9;
	v10 =	vld.idx.msk [tilespmem:v20+s10+$0x0], $0xffff  }
0x2ad: {  	[tilespmem:s17+$0xFFFFF980] =	vst v13;
	v8 =	vld.idx.msk [tilespmem:v21+s10+$0x0], $0xffff  }
0x2ae: {  	[tilespmem:s17+$0xFFFFFA00] =	vst v14;
	v7 =	vld.idx.msk [tilespmem:v22+s10+$0x0], $0xffff  }
0x2af: {  	v4 =	vadd.s32 $0x10, v4;
	[tilespmem:s17+$0xFFFFFA80] =	vst v15;
	v9 =	vld.idx.msk [tilespmem:v23+s10+$0x0], $0xffff  }
0x2b0: {  	_ =	sdelay $0x1  }
0x2b1: {  	[tilespmem:s17+$0xFFFFFB00] =	vst v12  }
0x2b2: {  	[tilespmem:s17+$0xFFFFFB80] =	vst v11  }
0x2b3: {  	v4 =	vld.idx.msk [tilespmem:v6+s10+$0x0], $0xffff;
	[tilespmem:s17+$0xFFFFF880] =	vst v1  }
0x2b4: {  	v5 =	vld.idx.msk [tilespmem:v5+s10+$0x0], $0xffff;
	[tilespmem:s17+$0xFFFFFC00] =	vst v10  }
0x2b5: {  	v3 =	vld.idx.msk [tilespmem:v3+s10+$0x0], $0xffff;
	s15 =	sadd.s32 $0x1, s15;
	[tilespmem:s17+$0xFFFFFC80] =	vst v8  }
0x2b6: {  	v2 =	vld.idx.msk [tilespmem:v2+s10+$0x0], $0xffff;
	p0 =	sne.s32 s15, $0x8;
	[tilespmem:s17+$0xFFFFFD00] =	vst v7  }
.Ltmp20:
0x2b7: {  	[tilespmem:s17+$0xFFFFFD80] =	vst v9;
	(pc) =	sbr.rel @p0 .LBB2_40-.Ltmp20, $4  }
0x2b8: {  	[tilespmem:s17+$0xFFFFFE00] =	vst v4  }
0x2b9: {  	[tilespmem:s17+$0xFFFFFE80] =	vst v5  }
0x2ba: {  	[tilespmem:s17+$0xFFFFFF00] =	vst v3  }
0x2bb: {  	s16 =	sadd.s32 $0x10, s16;
	[tilespmem:s17+$0xFFFFFF80] =	vst v2  }
0x2bc: {  	s15 =	rddreg [dreg:$0x11];
	s16 =	simm.s32 $0x12200  }
0x2bd: {  	[hbm4b:s15+s13] =	stream.strided.scatter [tilespmem:s16], [sflag:$0xA], $0x2000, s18, s13, $0x38;
	[tilespmem:$0x18200] =	vst v63  }
0x2be: {  	_ =	swait.ge [sflag:s29], $0x80  }
0x2bf: {  	[sflag:s29] =	ssyncset.done $0x0  }
0x2c0: {  	[sflag:s29] =	ssyncadd.s32 $0xFFFFFF80  }
0x2c1: {  	[tilespmem:s30], [sflag:$0x8] =	stream.indirect.gather [hbm4b:s5+s1], $0x80, s11, s1, $0xb8;
	[tilespmem:$0x18200] =	vst v63  }
0x2c2: {  	_ =	swait.ge [sflag:s31], $0x4000  }
0x2c3: {  	[sflag:s31] =	ssyncset.done $0x0  }
0x2c4: {  	[sflag:s31] =	ssyncadd.s32 $0xFFFFC000  }
0x2c5: {  	_ =	swait.ge [sflag:s4], $0x2000  }
0x2c6: {  	[sflag:s4] =	ssyncset.done $0x0  }
0x2c7: {  	s15 =	simm.s32 $0x0;
	s16 =	simm.s32 $0x14980;
	[sflag:s4] =	ssyncadd.s32 $0xFFFFE000  }
.LBB2_44:
0x2c8: {  	s17 =	sshll.u32 s15, $0x4  }
0x2c9: {  	v1 =	vmov s17  }
0x2ca: {  	v1 =	vshll.u32 v1, $0x7  }
0x2cb: {  	v4 =	vor.u32 v0, v1  }
0x2cc: {  	v2 =	vor.u32 $0xF, v4  }
0x2cd: {  	v3 =	vor.u32 $0x1, v4  }
0x2ce: {  	v5 =	vor.u32 $0x2, v4  }
0x2cf: {  	v6 =	vor.u32 $0x3, v4  }
0x2d0: {  	v7 =	vor.u32 $0x4, v4;
	v1 =	vld.idx.msk [tilespmem:v4+s22+$0x0], $0xffff  }
0x2d1: {  	v8 =	vor.u32 $0x5, v4;
	v2 =	vld.idx.msk [tilespmem:v2+s22+$0x0], $0xffff  }
0x2d2: {  	v9 =	vor.u32 $0x6, v4;
	v3 =	vld.idx.msk [tilespmem:v3+s22+$0x0], $0xffff  }
0x2d3: {  	v10 =	vor.u32 $0x7, v4;
	v5 =	vld.idx.msk [tilespmem:v5+s22+$0x0], $0xffff  }
0x2d4: {  	v13 =	vor.u32 $0x8, v4;
	v14 =	vld.idx.msk [tilespmem:v6+s22+$0x0], $0xffff  }
0x2d5: {  	v15 =	vor.u32 $0x9, v4;
	v16 =	vld.idx.msk [tilespmem:v7+s22+$0x0], $0xffff  }
0x2d6: {  	v17 =	vor.u32 $0xA, v4;
	v12 =	vld.idx.msk [tilespmem:v8+s22+$0x0], $0xffff  }
0x2d7: {  	v11 =	vld.idx.msk [tilespmem:v9+s22+$0x0], $0xffff;
	v6 =	vor.u32 $0xB, v4;
	[tilespmem:s16+$0x0] =	vst v2  }
0x2d8: {  	v10 =	vld.idx.msk [tilespmem:v10+s22+$0x0], $0xffff;
	[tilespmem:s16+$0xFFFFF980] =	vst v5;
	v5 =	vor.u32 $0xC, v4  }
0x2d9: {  	v8 =	vld.idx.msk [tilespmem:v13+s22+$0x0], $0xffff;
	[tilespmem:s16+$0xFFFFF900] =	vst v3;
	v3 =	vor.u32 $0xD, v4  }
0x2da: {  	v7 =	vld.idx.msk [tilespmem:v15+s22+$0x0], $0xffff;
	[tilespmem:s16+$0xFFFFFA00] =	vst v14;
	v2 =	vor.u32 $0xE, v4  }
0x2db: {  	s21 =	simm.s32 $0x0;
	s17 =	smov.u32 s16;
	v9 =	vld.idx.msk [tilespmem:v17+s22+$0x0], $0xffff;
	[tilespmem:s16+$0xFFFFFA80] =	vst v16;
	v4 =	vadd.s32 $0x10, v4  }
.LBB2_45:
0x2dc: {  	v13 =	vor.u32 $0x1, v4;
	v14 =	vor.u32 $0x2, v4;
	v15 =	vor.u32 $0xF, v4;
	s21 =	sadd.s32 $0x10, s21;
	[tilespmem:s17+$0xFFFFFB00] =	vst v12;
	v12 =	vld.idx.msk [tilespmem:v6+s22+$0x0], $0xffff  }
0x2dd: {  	v16 =	vor.u32 $0x3, v4;
	v17 =	vor.u32 $0x4, v4;
	v18 =	vor.u32 $0x5, v4;
	p0 =	slt.u32 s21, $0x30;
	[tilespmem:s17+$0xFFFFFB80] =	vst v11;
	v11 =	vld.idx.msk [tilespmem:v5+s22+$0x0], $0xffff  }
0x2de: {  	v19 =	vor.u32 $0x6, v4;
	v20 =	vor.u32 $0x7, v4;
	v21 =	vor.u32 $0x8, v4;
	[tilespmem:s17+$0xFFFFFC00] =	vst v10;
	v10 =	vld.idx.msk [tilespmem:v3+s22+$0x0], $0xffff  }
0x2df: {  	v22 =	vor.u32 $0x9, v4;
	v23 =	vor.u32 $0xA, v4;
	v6 =	vor.u32 $0xB, v4;
	[tilespmem:s17+$0xFFFFFC80] =	vst v8;
	v8 =	vld.idx.msk [tilespmem:v2+s22+$0x0], $0xffff  }
0x2e0: {  	v5 =	vor.u32 $0xC, v4;
	v3 =	vor.u32 $0xD, v4;
	v2 =	vor.u32 $0xE, v4;
	v24 =	vld.idx.msk [tilespmem:v4+s22+$0x0], $0xffff;
	[tilespmem:s17+$0xFFFFFD00] =	vst v7  }
0x2e1: {  	v7 =	vld.idx.msk [tilespmem:v15+s22+$0x0], $0xffff;
	[tilespmem:s17+$0xFFFFFD80] =	vst v9  }
0x2e2: {  	v9 =	vld.idx.msk [tilespmem:v13+s22+$0x0], $0xffff;
	[tilespmem:s17+$0xFFFFFE00] =	vst v12  }
0x2e3: {  	v13 =	vld.idx.msk [tilespmem:v14+s22+$0x0], $0xffff;
	[tilespmem:s17+$0xFFFFFE80] =	vst v11  }
0x2e4: {  	v14 =	vld.idx.msk [tilespmem:v16+s22+$0x0], $0xffff;
	[tilespmem:s17+$0xFFFFFF00] =	vst v10  }
0x2e5: {  	v15 =	vld.idx.msk [tilespmem:v17+s22+$0x0], $0xffff;
	[tilespmem:s17+$0xFFFFFF80] =	vst v8  }
0x2e6: {  	v12 =	vld.idx.msk [tilespmem:v18+s22+$0x0], $0xffff;
	[tilespmem:s17+$0xFFFFF880] =	vst v1;
	s17 =	sadd.s32 $0x800, s17;
	v1 =	vmov v24  }
.Ltmp21:
0x2e7: {  	v11 =	vld.idx.msk [tilespmem:v19+s22+$0x0], $0xffff;
	[tilespmem:s17+$0x0] =	vst v7;
	(pc) =	sbr.rel @p0 .LBB2_45-.Ltmp21, $4  }
0x2e8: {  	[tilespmem:s17+$0xFFFFF900] =	vst v9;
	v10 =	vld.idx.msk [tilespmem:v20+s22+$0x0], $0xffff  }
0x2e9: {  	[tilespmem:s17+$0xFFFFF980] =	vst v13;
	v8 =	vld.idx.msk [tilespmem:v21+s22+$0x0], $0xffff  }
0x2ea: {  	[tilespmem:s17+$0xFFFFFA00] =	vst v14;
	v7 =	vld.idx.msk [tilespmem:v22+s22+$0x0], $0xffff  }
0x2eb: {  	v4 =	vadd.s32 $0x10, v4;
	[tilespmem:s17+$0xFFFFFA80] =	vst v15;
	v9 =	vld.idx.msk [tilespmem:v23+s22+$0x0], $0xffff  }
0x2ec: {  	_ =	sdelay $0x1  }
0x2ed: {  	[tilespmem:s17+$0xFFFFFB00] =	vst v12  }
0x2ee: {  	[tilespmem:s17+$0xFFFFFB80] =	vst v11  }
0x2ef: {  	v4 =	vld.idx.msk [tilespmem:v6+s22+$0x0], $0xffff;
	[tilespmem:s17+$0xFFFFF880] =	vst v1  }
0x2f0: {  	v5 =	vld.idx.msk [tilespmem:v5+s22+$0x0], $0xffff;
	[tilespmem:s17+$0xFFFFFC00] =	vst v10  }
0x2f1: {  	v3 =	vld.idx.msk [tilespmem:v3+s22+$0x0], $0xffff;
	s15 =	sadd.s32 $0x1, s15;
	[tilespmem:s17+$0xFFFFFC80] =	vst v8  }
0x2f2: {  	v2 =	vld.idx.msk [tilespmem:v2+s22+$0x0], $0xffff;
	p0 =	sne.s32 s15, $0x8;
	[tilespmem:s17+$0xFFFFFD00] =	vst v7  }
.Ltmp22:
0x2f3: {  	[tilespmem:s17+$0xFFFFFD80] =	vst v9;
	(pc) =	sbr.rel @p0 .LBB2_44-.Ltmp22, $4  }
0x2f4: {  	[tilespmem:s17+$0xFFFFFE00] =	vst v4  }
0x2f5: {  	[tilespmem:s17+$0xFFFFFE80] =	vst v5  }
0x2f6: {  	[tilespmem:s17+$0xFFFFFF00] =	vst v3  }
0x2f7: {  	s16 =	sadd.s32 $0x10, s16;
	[tilespmem:s17+$0xFFFFFF80] =	vst v2  }
0x2f8: {  	s15 =	rddreg [dreg:$0x12];
	s16 =	simm.s32 $0x14200  }
0x2f9: {  	[hbm4b:s15+s13] =	stream.strided.scatter [tilespmem:s16], [sflag:$0xB], $0x2000, s18, s13, $0x38;
	[tilespmem:$0x18200] =	vst v63  }
0x2fa: {  	_ =	swait.ge [sflag:s19], $0x4000  }
0x2fb: {  	[sflag:s19] =	ssyncset.done $0x0  }
0x2fc: {  	[sflag:s19] =	ssyncadd.s32 $0xFFFFC000  }
0x2fd: {  	_ =	swait.ge [sflag:s14], $0x2000  }
0x2fe: {  	[sflag:s14] =	ssyncset.done $0x0  }
0x2ff: {  	s15 =	simm.s32 $0x0;
	s16 =	simm.s32 $0x16980;
	[sflag:s14] =	ssyncadd.s32 $0xFFFFE000  }
.LBB2_48:
0x300: {  	s17 =	sshll.u32 s15, $0x4  }
0x301: {  	v1 =	vmov s17  }
0x302: {  	v1 =	vshll.u32 v1, $0x7  }
0x303: {  	v4 =	vor.u32 v0, v1  }
0x304: {  	v2 =	vor.u32 $0xF, v4  }
0x305: {  	v3 =	vor.u32 $0x1, v4  }
0x306: {  	v5 =	vor.u32 $0x2, v4  }
0x307: {  	v6 =	vor.u32 $0x3, v4  }
0x308: {  	v7 =	vor.u32 $0x4, v4;
	v1 =	vld.idx.msk [tilespmem:v4+s30+$0x0], $0xffff  }
0x309: {  	v8 =	vor.u32 $0x5, v4;
	v2 =	vld.idx.msk [tilespmem:v2+s30+$0x0], $0xffff  }
0x30a: {  	v9 =	vor.u32 $0x6, v4;
	v3 =	vld.idx.msk [tilespmem:v3+s30+$0x0], $0xffff  }
0x30b: {  	v10 =	vor.u32 $0x7, v4;
	v5 =	vld.idx.msk [tilespmem:v5+s30+$0x0], $0xffff  }
0x30c: {  	v13 =	vor.u32 $0x8, v4;
	v14 =	vld.idx.msk [tilespmem:v6+s30+$0x0], $0xffff  }
0x30d: {  	v15 =	vor.u32 $0x9, v4;
	v16 =	vld.idx.msk [tilespmem:v7+s30+$0x0], $0xffff  }
0x30e: {  	v17 =	vor.u32 $0xA, v4;
	v12 =	vld.idx.msk [tilespmem:v8+s30+$0x0], $0xffff  }
0x30f: {  	v11 =	vld.idx.msk [tilespmem:v9+s30+$0x0], $0xffff;
	v6 =	vor.u32 $0xB, v4;
	[tilespmem:s16+$0x0] =	vst v2  }
0x310: {  	v10 =	vld.idx.msk [tilespmem:v10+s30+$0x0], $0xffff;
	[tilespmem:s16+$0xFFFFF980] =	vst v5;
	v5 =	vor.u32 $0xC, v4  }
0x311: {  	v8 =	vld.idx.msk [tilespmem:v13+s30+$0x0], $0xffff;
	[tilespmem:s16+$0xFFFFF900] =	vst v3;
	v3 =	vor.u32 $0xD, v4  }
0x312: {  	v7 =	vld.idx.msk [tilespmem:v15+s30+$0x0], $0xffff;
	[tilespmem:s16+$0xFFFFFA00] =	vst v14;
	v2 =	vor.u32 $0xE, v4  }
0x313: {  	s21 =	simm.s32 $0x0;
	s17 =	smov.u32 s16;
	v9 =	vld.idx.msk [tilespmem:v17+s30+$0x0], $0xffff;
	[tilespmem:s16+$0xFFFFFA80] =	vst v16;
	v4 =	vadd.s32 $0x10, v4  }
.LBB2_49:
0x314: {  	v13 =	vor.u32 $0x1, v4;
	v14 =	vor.u32 $0x2, v4;
	v15 =	vor.u32 $0xF, v4;
	s21 =	sadd.s32 $0x10, s21;
	[tilespmem:s17+$0xFFFFFB00] =	vst v12;
	v12 =	vld.idx.msk [tilespmem:v6+s30+$0x0], $0xffff  }
0x315: {  	v16 =	vor.u32 $0x3, v4;
	v17 =	vor.u32 $0x4, v4;
	v18 =	vor.u32 $0x5, v4;
	p0 =	slt.u32 s21, $0x30;
	[tilespmem:s17+$0xFFFFFB80] =	vst v11;
	v11 =	vld.idx.msk [tilespmem:v5+s30+$0x0], $0xffff  }
0x316: {  	v19 =	vor.u32 $0x6, v4;
	v20 =	vor.u32 $0x7, v4;
	v21 =	vor.u32 $0x8, v4;
	[tilespmem:s17+$0xFFFFFC00] =	vst v10;
	v10 =	vld.idx.msk [tilespmem:v3+s30+$0x0], $0xffff  }
0x317: {  	v22 =	vor.u32 $0x9, v4;
	v23 =	vor.u32 $0xA, v4;
	v6 =	vor.u32 $0xB, v4;
	[tilespmem:s17+$0xFFFFFC80] =	vst v8;
	v8 =	vld.idx.msk [tilespmem:v2+s30+$0x0], $0xffff  }
0x318: {  	v5 =	vor.u32 $0xC, v4;
	v3 =	vor.u32 $0xD, v4;
	v2 =	vor.u32 $0xE, v4;
	v24 =	vld.idx.msk [tilespmem:v4+s30+$0x0], $0xffff;
	[tilespmem:s17+$0xFFFFFD00] =	vst v7  }
0x319: {  	v7 =	vld.idx.msk [tilespmem:v15+s30+$0x0], $0xffff;
	[tilespmem:s17+$0xFFFFFD80] =	vst v9  }
0x31a: {  	v9 =	vld.idx.msk [tilespmem:v13+s30+$0x0], $0xffff;
	[tilespmem:s17+$0xFFFFFE00] =	vst v12  }
0x31b: {  	v13 =	vld.idx.msk [tilespmem:v14+s30+$0x0], $0xffff;
	[tilespmem:s17+$0xFFFFFE80] =	vst v11  }
0x31c: {  	v14 =	vld.idx.msk [tilespmem:v16+s30+$0x0], $0xffff;
	[tilespmem:s17+$0xFFFFFF00] =	vst v10  }
0x31d: {  	v15 =	vld.idx.msk [tilespmem:v17+s30+$0x0], $0xffff;
	[tilespmem:s17+$0xFFFFFF80] =	vst v8  }
0x31e: {  	v12 =	vld.idx.msk [tilespmem:v18+s30+$0x0], $0xffff;
	[tilespmem:s17+$0xFFFFF880] =	vst v1;
	s17 =	sadd.s32 $0x800, s17;
	v1 =	vmov v24  }
.Ltmp23:
0x31f: {  	v11 =	vld.idx.msk [tilespmem:v19+s30+$0x0], $0xffff;
	[tilespmem:s17+$0x0] =	vst v7;
	(pc) =	sbr.rel @p0 .LBB2_49-.Ltmp23, $4  }
0x320: {  	[tilespmem:s17+$0xFFFFF900] =	vst v9;
	v10 =	vld.idx.msk [tilespmem:v20+s30+$0x0], $0xffff  }
0x321: {  	[tilespmem:s17+$0xFFFFF980] =	vst v13;
	v8 =	vld.idx.msk [tilespmem:v21+s30+$0x0], $0xffff  }
0x322: {  	[tilespmem:s17+$0xFFFFFA00] =	vst v14;
	v7 =	vld.idx.msk [tilespmem:v22+s30+$0x0], $0xffff  }
0x323: {  	v4 =	vadd.s32 $0x10, v4;
	[tilespmem:s17+$0xFFFFFA80] =	vst v15;
	v9 =	vld.idx.msk [tilespmem:v23+s30+$0x0], $0xffff  }
0x324: {  	_ =	sdelay $0x1  }
0x325: {  	[tilespmem:s17+$0xFFFFFB00] =	vst v12  }
0x326: {  	[tilespmem:s17+$0xFFFFFB80] =	vst v11  }
0x327: {  	v4 =	vld.idx.msk [tilespmem:v6+s30+$0x0], $0xffff;
	[tilespmem:s17+$0xFFFFF880] =	vst v1  }
0x328: {  	v5 =	vld.idx.msk [tilespmem:v5+s30+$0x0], $0xffff;
	[tilespmem:s17+$0xFFFFFC00] =	vst v10  }
0x329: {  	v3 =	vld.idx.msk [tilespmem:v3+s30+$0x0], $0xffff;
	s15 =	sadd.s32 $0x1, s15;
	[tilespmem:s17+$0xFFFFFC80] =	vst v8  }
0x32a: {  	v2 =	vld.idx.msk [tilespmem:v2+s30+$0x0], $0xffff;
	p0 =	sne.s32 s15, $0x8;
	[tilespmem:s17+$0xFFFFFD00] =	vst v7  }
.Ltmp24:
0x32b: {  	[tilespmem:s17+$0xFFFFFD80] =	vst v9;
	(pc) =	sbr.rel @p0 .LBB2_48-.Ltmp24, $4  }
0x32c: {  	[tilespmem:s17+$0xFFFFFE00] =	vst v4  }
0x32d: {  	[tilespmem:s17+$0xFFFFFE80] =	vst v5  }
0x32e: {  	[tilespmem:s17+$0xFFFFFF00] =	vst v3  }
0x32f: {  	s16 =	sadd.s32 $0x10, s16;
	[tilespmem:s17+$0xFFFFFF80] =	vst v2  }
0x330: {  	s15 =	rddreg [dreg:$0x14];
	s16 =	simm.s32 $0x16200  }
0x331: {  	[hbm4b:s15+s13] =	stream.strided.scatter [tilespmem:s16], [sflag:$0xC], $0x2000, s18, s13, $0x38;
	[tilespmem:$0x18200] =	vst v63  }
0x332: {  	_ =	swait.ge [sflag:s6], $0x2000  }
0x333: {  	[sflag:s6] =	ssyncset.done $0x0  }
0x334: {  	[sflag:s6] =	ssyncadd.s32 $0xFFFFE000  }
0x335: {  	_ =	swait.ge [sflag:s28], $0x2000  }
0x336: {  	[sflag:s28] =	ssyncset.done $0x0  }
0x337: {  	[sflag:s28] =	ssyncadd.s32 $0xFFFFE000  }
0x338: {  	_ =	swait.ge [sflag:s4], $0x2000  }
0x339: {  	[sflag:s4] =	ssyncset.done $0x0  }
0x33a: {  	[sflag:s4] =	ssyncadd.s32 $0xFFFFE000  }
0x33b: {  	_ =	swait.ge [sflag:s14], $0x2000  }
0x33c: {  	s23 =	rddreg [dreg:$0x1c]  }
0x33d: {  	s24 =	rddreg [dreg:$0x17];
	s16 =	sadd.s32 $0x1, s23  }
0x33e: {  	p0 =	sne.s32 s16, s24  }
.Ltmp25:
0x33f: {  	_ = 	snop;
	(pc) =	sbr.rel @p0 .LBB2_1-.Ltmp25, $3  }
0x340: {  	_ =	sdelay $0x1  }
0x341: {  	[sflag:s14] =	ssyncset.done $0x0  }
0x342: {  	[sflag:s14] =	ssyncadd.s32 $0xFFFFE000  }
0x343: {  	_ =	sfence.sel $0x180000  }
0x344: {  	[bflag:$0x0] =	sbarrier.arrive $0xFFFF  }
0x345: {  	_ =	strace $0x90000047  }
0x346: {  	s0 =	stileid.u32;
	[bflag:$0x2] =	sbarrier.arrive $0xFFFF  }
0x347: {  	p0 =	sne.s32 s0, $0x0;
	s0 =	rddreg [dreg:$0x3]  }
0x348: {  	s0 =	sadd.s32 @!p0 $0x100000, s0  }
0x349: {  	[sflag:s0] =	ssyncadd.tile.s32 @!p0 $0x1;
	_ =	shalt  }
.Lfunc_end2:
_tile_overlayer_lowered:
.L_overlay_start_2:
0x34a: {  	(tag) =	ssettag $0x2  }
0x34b: {  	s0 =	rddreg [dreg:$0x0];
	s2 =	stileid.u32  }
0x34c: {  	s1 =	rddreg [dreg:$0x1];
	p0 =	sne.s32 s2, $0x0  }
0x34d: {  	s3 =	rddreg [dreg:$0x2];
	[bflag:$0x3] =	sbarrier.arrive $0xFFFF;
	s2 =	simm.s32 @!p0 $0x1C0D  }
0x34e: {  	[timem:s3], [sflag:s2] =	dma.local @!p0 [hbm:s0], s1  }
0x34f: {  	s0 =	simm.s32 @!p0 $0xD  }
0x350: {  	_ =	swait.ge @!p0 [sflag:s0], s1  }
0x351: {  	s1 =	ssub.s32 @!p0 $0x0, s1;
	[sflag:s0] =	ssyncset.done @!p0 $0x0  }
0x352: {  	[sflag:s0] =	ssyncadd.s32 @!p0 s1  }
0x353: {  	[bflag:$0x3] =	sbarrier.arrive $0xFFFF  }
0x354: {  	_ =	shalt  }

</sc_bundles>
